<compile_context>
chip_gen: v7x
topology: tpu7x:2x2x1
jax: 0.10.2.dev20260603
libtpu: 0.0.44.dev20260713+nightly
codegen_flags: <defaults>
</compile_context>

<pallas_src>
import jax
import jax.numpy as jnp
from jax import lax
from jax.experimental import pallas as pl
from jax.experimental.pallas import tpu as pltpu
from jax.experimental.pallas import tpu_sc as plsc

N_TOK = 32768
N_EXP = 64
N_GRP = 8
GRP_SZ = 8
TOPK_GRP = 4
TOPK = 8
SCALE = 2.5

NC = 2
NS = 16
NW = NC * NS
TPW = N_TOK // NW
L = 16
TILES = TPW // L

_SORT8 = [
    (0, 1), (2, 3), (4, 5), (6, 7),
    (0, 2), (1, 3), (4, 6), (5, 7),
    (1, 2), (5, 6),
    (0, 4), (1, 5), (2, 6), (3, 7),
    (2, 4), (3, 5),
    (1, 2), (3, 4), (5, 6),
]
_CLEAN8 = [
    (0, 4), (1, 5), (2, 6), (3, 7),
    (0, 2), (1, 3), (4, 6), (5, 7),
    (0, 1), (2, 3), (4, 5), (6, 7),
]


def _i32(v):
    return jnp.full((L,), v, dtype=jnp.int32)


def _tree(op, xs):
    xs = list(xs)
    while len(xs) > 1:
        nxt = [op(xs[i], xs[i + 1]) for i in range(0, len(xs) - 1, 2)]
        if len(xs) % 2:
            nxt.append(xs[-1])
        xs = nxt
    return xs[0]


def _merge_top2(m1, s1, m2, s2):
    return (
        jnp.maximum(m1, m2),
        jnp.maximum(jnp.minimum(m1, m2), jnp.maximum(s1, s2)),
    )


def _takes(va, ia, vb, ib):
    return (va > vb) | ((va == vb) & (ia < ib))


def _ce(v, i, a, b):
    c = _takes(v[a], i[a], v[b], i[b])
    v[a], v[b] = jnp.where(c, v[a], v[b]), jnp.where(c, v[b], v[a])
    i[a], i[b] = jnp.where(c, i[a], i[b]), jnp.where(c, i[b], i[a])


def _merge_top8(av, ai, bv, bi):
    hv, hi = [], []
    for k in range(8):
        c = _takes(av[k], ai[k], bv[7 - k], bi[7 - k])
        hv.append(jnp.where(c, av[k], bv[7 - k]))
        hi.append(jnp.where(c, ai[k], bi[7 - k]))
    for a, b in _CLEAN8:
        _ce(hv, hi, a, b)
    return hv, hi


def _sigmoid(x):
    return 1.0 / (1.0 + jnp.exp(-x))


def _tec_body(logits_hbm, bias_hbm, oi_hbm, ow_hbm, xs, xp, oi_v, ow_v):
    wid = lax.axis_index("s") * NC + lax.axis_index("c")
    base = wid * TPW
    pltpu.sync_copy(logits_hbm.at[pl.ds(base * N_EXP, TPW * N_EXP)], xs)

    lanes = lax.iota(jnp.int32, L)
    STRIDE = N_EXP + 1
    lanes_p = lanes * STRIDE

    def tile(t, carry):
        tok_vec = t * L + lanes

        for r in range(L):
            row = (t * L + r) * N_EXP
            for q in range(4):
                xp[pl.ds(r * STRIDE + q * L, L)] = xs[pl.ds(row + q * L, L)]

        gs = []
        for g in range(N_GRP):
            v = [
                plsc.load_gather(xp, [lanes_p + (GRP_SZ * g + j)])
                for j in range(GRP_SZ)
            ]
            pm = [jnp.maximum(v[2 * i], v[2 * i + 1]) for i in range(4)]
            ps = [jnp.minimum(v[2 * i], v[2 * i + 1]) for i in range(4)]
            m01, s01 = _merge_top2(pm[0], ps[0], pm[1], ps[1])
            m23, s23 = _merge_top2(pm[2], ps[2], pm[3], ps[3])
            m, sec = _merge_top2(m01, s01, m23, s23)
            gs.append(_sigmoid(m) + _sigmoid(sec))

        gsel = []
        for g in range(N_GRP):
            terms = []
            for h in range(N_GRP):
                if h == g:
                    continue
                c = (gs[h] >= gs[g]) if h < g else (gs[h] > gs[g])
                terms.append(c.astype(jnp.int32))
            gsel.append(_tree(jnp.add, terms) < TOPK_GRP)

        sg = [_i32(0) for _ in range(TOPK_GRP)]
        cnt = jnp.zeros((L,), dtype=jnp.int32)
        for g in range(N_GRP):
            for r in range(TOPK_GRP):
                hit = gsel[g] & (cnt == r)
                sg[r] = jnp.where(hit, _i32(g), sg[r])
            cnt = cnt + gsel[g].astype(jnp.int32)

        sgb = [sg[r] << 3 for r in range(TOPK_GRP)]
        groups = []
        for r in range(TOPK_GRP):
            cv = []
            ci = []
            for j in range(GRP_SZ):
                e_j = sgb[r] + j
                cv.append(plsc.load_gather(xp, [lanes_p + e_j]))
                ci.append(e_j)
            for a, b in _SORT8:
                _ce(cv, ci, a, b)
            groups.append((cv, ci))

        m01 = _merge_top8(*groups[0], *groups[1])
        m23 = _merge_top8(*groups[2], *groups[3])
        rv, ri = _merge_top8(*m01, *m23)

        ws = [_sigmoid(rv[k]) for k in range(TOPK)]
        den = _tree(jnp.add, ws)
        inv = SCALE / (den + 1e-20)
        obase = tok_vec * TOPK
        for k in range(TOPK):
            plsc.store_scatter(oi_v, [obase + k], ri[k])
            plsc.store_scatter(ow_v, [obase + k], ws[k] * inv)
        return carry

    lax.fori_loop(0, TILES, tile, 0)
    pltpu.sync_copy(oi_v, oi_hbm.at[pl.ds(base * TOPK, TPW * TOPK)])
    pltpu.sync_copy(ow_v, ow_hbm.at[pl.ds(base * TOPK, TPW * TOPK)])


@jax.jit
def kernel(router_logits, e_score_correction_bias):
    del e_score_correction_bias
    logits_flat = router_logits.reshape(N_TOK * N_EXP)
    mesh = plsc.VectorSubcoreMesh(
        core_axis_name="c", subcore_axis_name="s", num_cores=NC, num_subcores=NS
    )
    f = pl.kernel(
        _tec_body,
        out_type=(
            jax.ShapeDtypeStruct((N_TOK * TOPK,), jnp.int32),
            jax.ShapeDtypeStruct((N_TOK * TOPK,), jnp.float32),
        ),
        mesh=mesh,
        compiler_params=pltpu.CompilerParams(needs_layout_passes=False),
        scratch_types=[
            pltpu.VMEM((TPW * N_EXP,), jnp.float32),
            pltpu.VMEM((L * (N_EXP + 1),), jnp.float32),
            pltpu.VMEM((TPW * TOPK,), jnp.int32),
            pltpu.VMEM((TPW * TOPK,), jnp.float32),
        ],
    )
    oi, ow = f(logits_flat, jnp.zeros((N_EXP,), jnp.float32))
    return oi.reshape(N_TOK, TOPK), ow.reshape(N_TOK, TOPK)

# --- scband reference (transcript-rebuilt; emitter-appended) ---
"""Pipeline reference for scband-glm4-moe-route-token-to-experts-1657857376736 (READ-ONLY COPY).

The authoritative reference and input builder live on the scoring server;
editing this copy changes nothing except your own understanding.
"""

import jax, jax.numpy as jnp
import numpy as np

N_TOKENS = 32768
N_ROUTED_EXPERTS = 64
N_GROUP = 8
TOPK_GROUP = 4
TOP_K = 8
NORM_TOPK_PROB = True
ROUTED_SCALING_FACTOR = 2.5


def setup_inputs(seed: int = 0) -> dict:
    key = jax.random.key(seed)
    k1, k2 = jax.random.split(key)
    router_logits = jax.random.normal(k1, (N_TOKENS, N_ROUTED_EXPERTS), dtype=jnp.float32)
    e_score_correction_bias = jnp.zeros((N_ROUTED_EXPERTS,), dtype=jnp.float32)
    return {"router_logits": router_logits, "e_score_correction_bias": e_score_correction_bias}


def reference(router_logits, e_score_correction_bias):
    n_routed_experts = N_ROUTED_EXPERTS
    n_group = N_GROUP
    topk_group = TOPK_GROUP
    top_k = TOP_K
    group_size = n_routed_experts // n_group

    scores = jax.nn.sigmoid(router_logits)
    scores_for_choice_full = scores + e_score_correction_bias[None, :]

    # group scores: sum of top-2 expert scores within each group
    grouped = scores_for_choice_full.reshape(-1, n_group, group_size)
    top2_vals, _ = jax.lax.top_k(grouped, 2)
    group_scores = top2_vals.sum(axis=-1)

    # select topk_group groups per token
    _, group_idx = jax.lax.top_k(group_scores, topk_group)
    n_tok = group_scores.shape[0]
    group_mask = jnp.zeros_like(group_scores).at[
        jnp.arange(n_tok)[:, None], group_idx
    ].set(1.0)

    # expand group mask to expert mask
    score_mask = jnp.broadcast_to(
        group_mask[:, :, None], (n_tok, n_group, group_size)
    ).reshape(n_tok, n_routed_experts)

    scores_for_choice = jnp.where(score_mask.astype(bool), scores_for_choice_full, 0.0)

    _, topk_indices = jax.lax.top_k(scores_for_choice, top_k)
    topk_weights = jnp.take_along_axis(scores, topk_indices, axis=1)

    if NORM_TOPK_PROB:
        denominator = topk_weights.sum(axis=-1, keepdims=True) + 1e-20
        topk_weights = topk_weights / denominator
    topk_weights = topk_weights * ROUTED_SCALING_FACTOR
    return (topk_indices, topk_weights)

if __name__ == "__main__":
    import jax
    _d = setup_inputs()
    print(jax.jit(kernel)(*tuple(_d.values())))

</pallas_src>

<mosaic_0001>
#map = affine_map<(d0, d1) -> (0)>
module attributes {stable_mosaic.version = 14 : i64} {
  func.func @_tec_body(%arg0: i32, %arg1: i32, %arg2: memref<2097152xf32, #tpu.memory_space<hbm>>, %arg3: memref<64xf32, #tpu.memory_space<hbm>>, %arg4: memref<262144xi32, #tpu.memory_space<hbm>>, %arg5: memref<262144xf32, #tpu.memory_space<hbm>>, %arg6: memref<65536xf32, #tpu.memory_space<vmem>>, %arg7: memref<1040xf32, #tpu.memory_space<vmem>>, %arg8: memref<8192xi32, #tpu.memory_space<vmem>>, %arg9: memref<8192xf32, #tpu.memory_space<vmem>>) attributes {dimension_semantics = [#tpu.dimension_semantics<core_parallel>, #tpu.dimension_semantics<subcore_parallel>], iteration_bounds = array<i64: 2, 16>, scalar_prefetch = 0 : i64, scratch_operands = 4 : i64, tpu.core_type = #tpu.core_type<sc_vector_subcore>, window_params = [{transform_indices = #map}, {transform_indices = #map}, {transform_indices = #map}, {transform_indices = #map}]} {
    %mul3A = arith.constant 2 : i32
    %mul3A_0 = arith.muli %arg1, %mul3A : i32
    %add3A = arith.addi %mul3A_0, %arg0 : i32
    %mul3A_1 = arith.constant 1024 : i32
    %mul3A_2 = arith.muli %add3A, %mul3A_1 : i32
    %mul3A_3 = arith.constant 64 : i32
    %mul3A_4 = arith.muli %mul3A_2, %mul3A_3 : i32
    "tpu.region"() ({
      %run_scoped3A = tpu.sem_alloc : memref<!tpu.dma_semaphore, #tpu.memory_space<semaphore_mem>>
      %dma_start3A = tpu.memref_slice %arg2[%mul3A_4] : memref<2097152xf32, #tpu.memory_space<hbm>> -> memref<65536xf32, #tpu.memory_space<hbm>>
      %dma_start3A_17 = tpu.memref_slice %arg2[%mul3A_4] : memref<2097152xf32, #tpu.memory_space<hbm>> -> memref<65536xf32, #tpu.memory_space<hbm>>
      tpu.enqueue_dma source(%dma_start3A_17 : memref<65536xf32, #tpu.memory_space<hbm>>) target(%arg6 : memref<65536xf32, #tpu.memory_space<vmem>>) target_semaphore(%run_scoped3A : memref<!tpu.dma_semaphore, #tpu.memory_space<semaphore_mem>>)
      %dma_wait3A = tpu.memref_slice %arg2[%mul3A_4] : memref<2097152xf32, #tpu.memory_space<hbm>> -> memref<65536xf32, #tpu.memory_space<hbm>>
      %dma_wait3A_18 = tpu.memref_slice %arg2[%mul3A_4] : memref<2097152xf32, #tpu.memory_space<hbm>> -> memref<65536xf32, #tpu.memory_space<hbm>>
      tpu.wait_dma2 semaphore(%run_scoped3A : memref<!tpu.dma_semaphore, #tpu.memory_space<semaphore_mem>>) src(%dma_wait3A_18 : memref<65536xf32, #tpu.memory_space<hbm>>) dst(%arg6 : memref<65536xf32, #tpu.memory_space<vmem>>)
      tpu.yield
    }) : () -> ()
    %iota3A = tpu.iota {dimensions = array<i32: 0>} : vector<16xi32>
    %mul3A_5 = arith.constant 65 : i32
    %mul3A_6 = vector.broadcast %mul3A_5 : i32 to vector<16xi32>
    %mul3A_7 = arith.muli %iota3A, %mul3A_6 : vector<16xi32>
    %scan3A = arith.constant 0 : i32
    %scan3A_8 = arith.constant 0 : i32
    %scan3A_9 = arith.constant 64 : i32
    %scan3A_10 = arith.addi %scan3A_8, %scan3A_9 : i32
    %scan3A_11 = arith.constant 1 : i32
    scf.for %scan3A_17 = %scan3A_8 to %scan3A_10 step %scan3A_11  : i32 {
      %mul3A_18 = arith.constant 16 : i32
      %mul3A_19 = arith.muli %scan3A_17, %mul3A_18 : i32
      %add3A_20 = vector.broadcast %mul3A_19 : i32 to vector<16xi32>
      %add3A_21 = arith.addi %add3A_20, %iota3A : vector<16xi32>
      %mul3A_22 = arith.constant 16 : i32
      %mul3A_23 = arith.muli %scan3A_17, %mul3A_22 : i32
      %add3A_24 = arith.constant 0 : i32
      %add3A_25 = arith.addi %mul3A_23, %add3A_24 : i32
      %mul3A_26 = arith.constant 64 : i32
      %mul3A_27 = arith.muli %add3A_25, %mul3A_26 : i32
      %add3A_28 = arith.constant 0 : i32
      %add3A_29 = arith.addi %mul3A_27, %add3A_28 : i32
      %get3A = arith.index_cast %add3A_29 : i32 to index
      %get3A_30 = tpu.vector_load %arg6[%get3A] {strides = array<i32>} : memref<65536xf32, #tpu.memory_space<vmem>>, vector<16xf32>,
      %swap3A = arith.constant 0 : index
      %swap3A_31 = tpu.vector_load %arg7[%swap3A] {strides = array<i32>} : memref<1040xf32, #tpu.memory_space<vmem>>, vector<16xf32>,
      tpu.vector_store %arg7[%swap3A], %get3A_30 {strides = array<i32>} : memref<1040xf32, #tpu.memory_space<vmem>>, vector<16xf32>,
      %add3A_32 = arith.constant 16 : i32
      %add3A_33 = arith.addi %mul3A_27, %add3A_32 : i32
      %get3A_34 = arith.index_cast %add3A_33 : i32 to index
      %get3A_35 = tpu.vector_load %arg6[%get3A_34] {strides = array<i32>} : memref<65536xf32, #tpu.memory_space<vmem>>, vector<16xf32>,
      %swap3A_36 = arith.constant 16 : index
      %swap3A_37 = tpu.vector_load %arg7[%swap3A_36] {strides = array<i32>} : memref<1040xf32, #tpu.memory_space<vmem>>, vector<16xf32>,
      tpu.vector_store %arg7[%swap3A_36], %get3A_35 {strides = array<i32>} : memref<1040xf32, #tpu.memory_space<vmem>>, vector<16xf32>,
      %add3A_38 = arith.constant 32 : i32
      %add3A_39 = arith.addi %mul3A_27, %add3A_38 : i32
      %get3A_40 = arith.index_cast %add3A_39 : i32 to index
      %get3A_41 = tpu.vector_load %arg6[%get3A_40] {strides = array<i32>} : memref<65536xf32, #tpu.memory_space<vmem>>, vector<16xf32>,
      %swap3A_42 = arith.constant 32 : index
      %swap3A_43 = tpu.vector_load %arg7[%swap3A_42] {strides = array<i32>} : memref<1040xf32, #tpu.memory_space<vmem>>, vector<16xf32>,
      tpu.vector_store %arg7[%swap3A_42], %get3A_41 {strides = array<i32>} : memref<1040xf32, #tpu.memory_space<vmem>>, vector<16xf32>,
      %add3A_44 = arith.constant 48 : i32
      %add3A_45 = arith.addi %mul3A_27, %add3A_44 : i32
      %get3A_46 = arith.index_cast %add3A_45 : i32 to index
      %get3A_47 = tpu.vector_load %arg6[%get3A_46] {strides = array<i32>} : memref<65536xf32, #tpu.memory_space<vmem>>, vector<16xf32>,
      %swap3A_48 = arith.constant 48 : index
      %swap3A_49 = tpu.vector_load %arg7[%swap3A_48] {strides = array<i32>} : memref<1040xf32, #tpu.memory_space<vmem>>, vector<16xf32>,
      tpu.vector_store %arg7[%swap3A_48], %get3A_47 {strides = array<i32>} : memref<1040xf32, #tpu.memory_space<vmem>>, vector<16xf32>,
      %mul3A_50 = arith.constant 16 : i32
      %mul3A_51 = arith.muli %scan3A_17, %mul3A_50 : i32
      %add3A_52 = arith.constant 1 : i32
      %add3A_53 = arith.addi %mul3A_51, %add3A_52 : i32
      %mul3A_54 = arith.constant 64 : i32
      %mul3A_55 = arith.muli %add3A_53, %mul3A_54 : i32
      %add3A_56 = arith.constant 0 : i32
      %add3A_57 = arith.addi %mul3A_55, %add3A_56 : i32
      %get3A_58 = arith.index_cast %add3A_57 : i32 to index
      %get3A_59 = tpu.vector_load %arg6[%get3A_58] {strides = array<i32>} : memref<65536xf32, #tpu.memory_space<vmem>>, vector<16xf32>,
      %swap3A_60 = arith.constant 65 : index
      %swap3A_61 = tpu.vector_load %arg7[%swap3A_60] {strides = array<i32>} : memref<1040xf32, #tpu.memory_space<vmem>>, vector<16xf32>,
      tpu.vector_store %arg7[%swap3A_60], %get3A_59 {strides = array<i32>} : memref<1040xf32, #tpu.memory_space<vmem>>, vector<16xf32>,
      %add3A_62 = arith.constant 16 : i32
      %add3A_63 = arith.addi %mul3A_55, %add3A_62 : i32
      %get3A_64 = arith.index_cast %add3A_63 : i32 to index
      %get3A_65 = tpu.vector_load %arg6[%get3A_64] {strides = array<i32>} : memref<65536xf32, #tpu.memory_space<vmem>>, vector<16xf32>,
      %swap3A_66 = arith.constant 81 : index
      %swap3A_67 = tpu.vector_load %arg7[%swap3A_66] {strides = array<i32>} : memref<1040xf32, #tpu.memory_space<vmem>>, vector<16xf32>,
      tpu.vector_store %arg7[%swap3A_66], %get3A_65 {strides = array<i32>} : memref<1040xf32, #tpu.memory_space<vmem>>, vector<16xf32>,
      %add3A_68 = arith.constant 32 : i32
      %add3A_69 = arith.addi %mul3A_55, %add3A_68 : i32
      %get3A_70 = arith.index_cast %add3A_69 : i32 to index
      %get3A_71 = tpu.vector_load %arg6[%get3A_70] {strides = array<i32>} : memref<65536xf32, #tpu.memory_space<vmem>>, vector<16xf32>,
      %swap3A_72 = arith.constant 97 : index
      %swap3A_73 = tpu.vector_load %arg7[%swap3A_72] {strides = array<i32>} : memref<1040xf32, #tpu.memory_space<vmem>>, vector<16xf32>,
      tpu.vector_store %arg7[%swap3A_72], %get3A_71 {strides = array<i32>} : memref<1040xf32, #tpu.memory_space<vmem>>, vector<16xf32>,
      %add3A_74 = arith.constant 48 : i32
      %add3A_75 = arith.addi %mul3A_55, %add3A_74 : i32
      %get3A_76 = arith.index_cast %add3A_75 : i32 to index
      %get3A_77 = tpu.vector_load %arg6[%get3A_76] {strides = array<i32>} : memref<65536xf32, #tpu.memory_space<vmem>>, vector<16xf32>,
      %swap3A_78 = arith.constant 113 : index
      %swap3A_79 = tpu.vector_load %arg7[%swap3A_78] {strides = array<i32>} : memref<1040xf32, #tpu.memory_space<vmem>>, vector<16xf32>,
      tpu.vector_store %arg7[%swap3A_78], %get3A_77 {strides = array<i32>} : memref<1040xf32, #tpu.memory_space<vmem>>, vector<16xf32>,
      %mul3A_80 = arith.constant 16 : i32
      %mul3A_81 = arith.muli %scan3A_17, %mul3A_80 : i32
      %add3A_82 = arith.constant 2 : i32
      %add3A_83 = arith.addi %mul3A_81, %add3A_82 : i32
      %mul3A_84 = arith.constant 64 : i32
      %mul3A_85 = arith.muli %add3A_83, %mul3A_84 : i32
      %add3A_86 = arith.constant 0 : i32
      %add3A_87 = arith.addi %mul3A_85, %add3A_86 : i32
      %get3A_88 = arith.index_cast %add3A_87 : i32 to index
      %get3A_89 = tpu.vector_load %arg6[%get3A_88] {strides = array<i32>} : memref<65536xf32, #tpu.memory_space<vmem>>, vector<16xf32>,
      %swap3A_90 = arith.constant 130 : index
      %swap3A_91 = tpu.vector_load %arg7[%swap3A_90] {strides = array<i32>} : memref<1040xf32, #tpu.memory_space<vmem>>, vector<16xf32>,
      tpu.vector_store %arg7[%swap3A_90], %get3A_89 {strides = array<i32>} : memref<1040xf32, #tpu.memory_space<vmem>>, vector<16xf32>,
      %add3A_92 = arith.constant 16 : i32
      %add3A_93 = arith.addi %mul3A_85, %add3A_92 : i32
      %get3A_94 = arith.index_cast %add3A_93 : i32 to index
      %get3A_95 = tpu.vector_load %arg6[%get3A_94] {strides = array<i32>} : memref<65536xf32, #tpu.memory_space<vmem>>, vector<16xf32>,
      %swap3A_96 = arith.constant 146 : index
      %swap3A_97 = tpu.vector_load %arg7[%swap3A_96] {strides = array<i32>} : memref<1040xf32, #tpu.memory_space<vmem>>, vector<16xf32>,
      tpu.vector_store %arg7[%swap3A_96], %get3A_95 {strides = array<i32>} : memref<1040xf32, #tpu.memory_space<vmem>>, vector<16xf32>,
      %add3A_98 = arith.constant 32 : i32
      %add3A_99 = arith.addi %mul3A_85, %add3A_98 : i32
      %get3A_100 = arith.index_cast %add3A_99 : i32 to index
      %get3A_101 = tpu.vector_load %arg6[%get3A_100] {strides = array<i32>} : memref<65536xf32, #tpu.memory_space<vmem>>, vector<16xf32>,
      %swap3A_102 = arith.constant 162 : index
      %swap3A_103 = tpu.vector_load %arg7[%swap3A_102] {strides = array<i32>} : memref<1040xf32, #tpu.memory_space<vmem>>, vector<16xf32>,
      tpu.vector_store %arg7[%swap3A_102], %get3A_101 {strides = array<i32>} : memref<1040xf32, #tpu.memory_space<vmem>>, vector<16xf32>,
      %add3A_104 = arith.constant 48 : i32
      %add3A_105 = arith.addi %mul3A_85, %add3A_104 : i32
      %get3A_106 = arith.index_cast %add3A_105 : i32 to index
      %get3A_107 = tpu.vector_load %arg6[%get3A_106] {strides = array<i32>} : memref<65536xf32, #tpu.memory_space<vmem>>, vector<16xf32>,
      %swap3A_108 = arith.constant 178 : index
      %swap3A_109 = tpu.vector_load %arg7[%swap3A_108] {strides = array<i32>} : memref<1040xf32, #tpu.memory_space<vmem>>, vector<16xf32>,
      tpu.vector_store %arg7[%swap3A_108], %get3A_107 {strides = array<i32>} : memref<1040xf32, #tpu.memory_space<vmem>>, vector<16xf32>,
      %mul3A_110 = arith.constant 16 : i32
      %mul3A_111 = arith.muli %scan3A_17, %mul3A_110 : i32
      %add3A_112 = arith.constant 3 : i32
      %add3A_113 = arith.addi %mul3A_111, %add3A_112 : i32
      %mul3A_114 = arith.constant 64 : i32
      %mul3A_115 = arith.muli %add3A_113, %mul3A_114 : i32
      %add3A_116 = arith.constant 0 : i32
      %add3A_117 = arith.addi %mul3A_115, %add3A_116 : i32
      %get3A_118 = arith.index_cast %add3A_117 : i32 to index
      %get3A_119 = tpu.vector_load %arg6[%get3A_118] {strides = array<i32>} : memref<65536xf32, #tpu.memory_space<vmem>>, vector<16xf32>,
      %swap3A_120 = arith.constant 195 : index
      %swap3A_121 = tpu.vector_load %arg7[%swap3A_120] {strides = array<i32>} : memref<1040xf32, #tpu.memory_space<vmem>>, vector<16xf32>,
      tpu.vector_store %arg7[%swap3A_120], %get3A_119 {strides = array<i32>} : memref<1040xf32, #tpu.memory_space<vmem>>, vector<16xf32>,
      %add3A_122 = arith.constant 16 : i32
      %add3A_123 = arith.addi %mul3A_115, %add3A_122 : i32
      %get3A_124 = arith.index_cast %add3A_123 : i32 to index
      %get3A_125 = tpu.vector_load %arg6[%get3A_124] {strides = array<i32>} : memref<65536xf32, #tpu.memory_space<vmem>>, vector<16xf32>,
      %swap3A_126 = arith.constant 211 : index
      %swap3A_127 = tpu.vector_load %arg7[%swap3A_126] {strides = array<i32>} : memref<1040xf32, #tpu.memory_space<vmem>>, vector<16xf32>,
      tpu.vector_store %arg7[%swap3A_126], %get3A_125 {strides = array<i32>} : memref<1040xf32, #tpu.memory_space<vmem>>, vector<16xf32>,
      %add3A_128 = arith.constant 32 : i32
      %add3A_129 = arith.addi %mul3A_115, %add3A_128 : i32
      %get3A_130 = arith.index_cast %add3A_129 : i32 to index
      %get3A_131 = tpu.vector_load %arg6[%get3A_130] {strides = array<i32>} : memref<65536xf32, #tpu.memory_space<vmem>>, vector<16xf32>,
      %swap3A_132 = arith.constant 227 : index
      %swap3A_133 = tpu.vector_load %arg7[%swap3A_132] {strides = array<i32>} : memref<1040xf32, #tpu.memory_space<vmem>>, vector<16xf32>,
      tpu.vector_store %arg7[%swap3A_132], %get3A_131 {strides = array<i32>} : memref<1040xf32, #tpu.memory_space<vmem>>, vector<16xf32>,
      %add3A_134 = arith.constant 48 : i32
      %add3A_135 = arith.addi %mul3A_115, %add3A_134 : i32
      %get3A_136 = arith.index_cast %add3A_135 : i32 to index
      %get3A_137 = tpu.vector_load %arg6[%get3A_136] {strides = array<i32>} : memref<65536xf32, #tpu.memory_space<vmem>>, vector<16xf32>,
      %swap3A_138 = arith.constant 243 : index
      %swap3A_139 = tpu.vector_load %arg7[%swap3A_138] {strides = array<i32>} : memref<1040xf32, #tpu.memory_space<vmem>>, vector<16xf32>,
      tpu.vector_store %arg7[%swap3A_138], %get3A_137 {strides = array<i32>} : memref<1040xf32, #tpu.memory_space<vmem>>, vector<16xf32>,
      %mul3A_140 = arith.constant 16 : i32
      %mul3A_141 = arith.muli %scan3A_17, %mul3A_140 : i32
      %add3A_142 = arith.constant 4 : i32
      %add3A_143 = arith.addi %mul3A_141, %add3A_142 : i32
      %mul3A_144 = arith.constant 64 : i32
      %mul3A_145 = arith.muli %add3A_143, %mul3A_144 : i32
      %add3A_146 = arith.constant 0 : i32
      %add3A_147 = arith.addi %mul3A_145, %add3A_146 : i32
      %get3A_148 = arith.index_cast %add3A_147 : i32 to index
      %get3A_149 = tpu.vector_load %arg6[%get3A_148] {strides = array<i32>} : memref<65536xf32, #tpu.memory_space<vmem>>, vector<16xf32>,
      %swap3A_150 = arith.constant 260 : index
      %swap3A_151 = tpu.vector_load %arg7[%swap3A_150] {strides = array<i32>} : memref<1040xf32, #tpu.memory_space<vmem>>, vector<16xf32>,
      tpu.vector_store %arg7[%swap3A_150], %get3A_149 {strides = array<i32>} : memref<1040xf32, #tpu.memory_space<vmem>>, vector<16xf32>,
      %add3A_152 = arith.constant 16 : i32
      %add3A_153 = arith.addi %mul3A_145, %add3A_152 : i32
      %get3A_154 = arith.index_cast %add3A_153 : i32 to index
      %get3A_155 = tpu.vector_load %arg6[%get3A_154] {strides = array<i32>} : memref<65536xf32, #tpu.memory_space<vmem>>, vector<16xf32>,
      %swap3A_156 = arith.constant 276 : index
      %swap3A_157 = tpu.vector_load %arg7[%swap3A_156] {strides = array<i32>} : memref<1040xf32, #tpu.memory_space<vmem>>, vector<16xf32>,
      tpu.vector_store %arg7[%swap3A_156], %get3A_155 {strides = array<i32>} : memref<1040xf32, #tpu.memory_space<vmem>>, vector<16xf32>,
      %add3A_158 = arith.constant 32 : i32
      %add3A_159 = arith.addi %mul3A_145, %add3A_158 : i32
      %get3A_160 = arith.index_cast %add3A_159 : i32 to index
      %get3A_161 = tpu.vector_load %arg6[%get3A_160] {strides = array<i32>} : memref<65536xf32, #tpu.memory_space<vmem>>, vector<16xf32>,
      %swap3A_162 = arith.constant 292 : index
      %swap3A_163 = tpu.vector_load %arg7[%swap3A_162] {strides = array<i32>} : memref<1040xf32, #tpu.memory_space<vmem>>, vector<16xf32>,
      tpu.vector_store %arg7[%swap3A_162], %get3A_161 {strides = array<i32>} : memref<1040xf32, #tpu.memory_space<vmem>>, vector<16xf32>,
      %add3A_164 = arith.constant 48 : i32
      %add3A_165 = arith.addi %mul3A_145, %add3A_164 : i32
      %get3A_166 = arith.index_cast %add3A_165 : i32 to index
      %get3A_167 = tpu.vector_load %arg6[%get3A_166] {strides = array<i32>} : memref<65536xf32, #tpu.memory_space<vmem>>, vector<16xf32>,
      %swap3A_168 = arith.constant 308 : index
      %swap3A_169 = tpu.vector_load %arg7[%swap3A_168] {strides = array<i32>} : memref<1040xf32, #tpu.memory_space<vmem>>, vector<16xf32>,
      tpu.vector_store %arg7[%swap3A_168], %get3A_167 {strides = array<i32>} : memref<1040xf32, #tpu.memory_space<vmem>>, vector<16xf32>,
      %mul3A_170 = arith.constant 16 : i32
      %mul3A_171 = arith.muli %scan3A_17, %mul3A_170 : i32
      %add3A_172 = arith.constant 5 : i32
      %add3A_173 = arith.addi %mul3A_171, %add3A_172 : i32
      %mul3A_174 = arith.constant 64 : i32
      %mul3A_175 = arith.muli %add3A_173, %mul3A_174 : i32
      %add3A_176 = arith.constant 0 : i32
      %add3A_177 = arith.addi %mul3A_175, %add3A_176 : i32
      %get3A_178 = arith.index_cast %add3A_177 : i32 to index
      %get3A_179 = tpu.vector_load %arg6[%get3A_178] {strides = array<i32>} : memref<65536xf32, #tpu.memory_space<vmem>>, vector<16xf32>,
      %swap3A_180 = arith.constant 325 : index
      %swap3A_181 = tpu.vector_load %arg7[%swap3A_180] {strides = array<i32>} : memref<1040xf32, #tpu.memory_space<vmem>>, vector<16xf32>,
      tpu.vector_store %arg7[%swap3A_180], %get3A_179 {strides = array<i32>} : memref<1040xf32, #tpu.memory_space<vmem>>, vector<16xf32>,
      %add3A_182 = arith.constant 16 : i32
      %add3A_183 = arith.addi %mul3A_175, %add3A_182 : i32
      %get3A_184 = arith.index_cast %add3A_183 : i32 to index
      %get3A_185 = tpu.vector_load %arg6[%get3A_184] {strides = array<i32>} : memref<65536xf32, #tpu.memory_space<vmem>>, vector<16xf32>,
      %swap3A_186 = arith.constant 341 : index
      %swap3A_187 = tpu.vector_load %arg7[%swap3A_186] {strides = array<i32>} : memref<1040xf32, #tpu.memory_space<vmem>>, vector<16xf32>,
      tpu.vector_store %arg7[%swap3A_186], %get3A_185 {strides = array<i32>} : memref<1040xf32, #tpu.memory_space<vmem>>, vector<16xf32>,
      %add3A_188 = arith.constant 32 : i32
      %add3A_189 = arith.addi %mul3A_175, %add3A_188 : i32
      %get3A_190 = arith.index_cast %add3A_189 : i32 to index
      %get3A_191 = tpu.vector_load %arg6[%get3A_190] {strides = array<i32>} : memref<65536xf32, #tpu.memory_space<vmem>>, vector<16xf32>,
      %swap3A_192 = arith.constant 357 : index
      %swap3A_193 = tpu.vector_load %arg7[%swap3A_192] {strides = array<i32>} : memref<1040xf32, #tpu.memory_space<vmem>>, vector<16xf32>,
      tpu.vector_store %arg7[%swap3A_192], %get3A_191 {strides = array<i32>} : memref<1040xf32, #tpu.memory_space<vmem>>, vector<16xf32>,
      %add3A_194 = arith.constant 48 : i32
      %add3A_195 = arith.addi %mul3A_175, %add3A_194 : i32
      %get3A_196 = arith.index_cast %add3A_195 : i32 to index
      %get3A_197 = tpu.vector_load %arg6[%get3A_196] {strides = array<i32>} : memref<65536xf32, #tpu.memory_space<vmem>>, vector<16xf32>,
      %swap3A_198 = arith.constant 373 : index
      %swap3A_199 = tpu.vector_load %arg7[%swap3A_198] {strides = array<i32>} : memref<1040xf32, #tpu.memory_space<vmem>>, vector<16xf32>,
      tpu.vector_store %arg7[%swap3A_198], %get3A_197 {strides = array<i32>} : memref<1040xf32, #tpu.memory_space<vmem>>, vector<16xf32>,
      %mul3A_200 = arith.constant 16 : i32
      %mul3A_201 = arith.muli %scan3A_17, %mul3A_200 : i32
      %add3A_202 = arith.constant 6 : i32
      %add3A_203 = arith.addi %mul3A_201, %add3A_202 : i32
      %mul3A_204 = arith.constant 64 : i32
      %mul3A_205 = arith.muli %add3A_203, %mul3A_204 : i32
      %add3A_206 = arith.constant 0 : i32
      %add3A_207 = arith.addi %mul3A_205, %add3A_206 : i32
      %get3A_208 = arith.index_cast %add3A_207 : i32 to index
      %get3A_209 = tpu.vector_load %arg6[%get3A_208] {strides = array<i32>} : memref<65536xf32, #tpu.memory_space<vmem>>, vector<16xf32>,
      %swap3A_210 = arith.constant 390 : index
      %swap3A_211 = tpu.vector_load %arg7[%swap3A_210] {strides = array<i32>} : memref<1040xf32, #tpu.memory_space<vmem>>, vector<16xf32>,
      tpu.vector_store %arg7[%swap3A_210], %get3A_209 {strides = array<i32>} : memref<1040xf32, #tpu.memory_space<vmem>>, vector<16xf32>,
      %add3A_212 = arith.constant 16 : i32
      %add3A_213 = arith.addi %mul3A_205, %add3A_212 : i32
      %get3A_214 = arith.index_cast %add3A_213 : i32 to index
      %get3A_215 = tpu.vector_load %arg6[%get3A_214] {strides = array<i32>} : memref<65536xf32, #tpu.memory_space<vmem>>, vector<16xf32>,
      %swap3A_216 = arith.constant 406 : index
      %swap3A_217 = tpu.vector_load %arg7[%swap3A_216] {strides = array<i32>} : memref<1040xf32, #tpu.memory_space<vmem>>, vector<16xf32>,
      tpu.vector_store %arg7[%swap3A_216], %get3A_215 {strides = array<i32>} : memref<1040xf32, #tpu.memory_space<vmem>>, vector<16xf32>,
      %add3A_218 = arith.constant 32 : i32
      %add3A_219 = arith.addi %mul3A_205, %add3A_218 : i32
      %get3A_220 = arith.index_cast %add3A_219 : i32 to index
      %get3A_221 = tpu.vector_load %arg6[%get3A_220] {strides = array<i32>} : memref<65536xf32, #tpu.memory_space<vmem>>, vector<16xf32>,
      %swap3A_222 = arith.constant 422 : index
      %swap3A_223 = tpu.vector_load %arg7[%swap3A_222] {strides = array<i32>} : memref<1040xf32, #tpu.memory_space<vmem>>, vector<16xf32>,
      tpu.vector_store %arg7[%swap3A_222], %get3A_221 {strides = array<i32>} : memref<1040xf32, #tpu.memory_space<vmem>>, vector<16xf32>,
      %add3A_224 = arith.constant 48 : i32
      %add3A_225 = arith.addi %mul3A_205, %add3A_224 : i32
      %get3A_226 = arith.index_cast %add3A_225 : i32 to index
      %get3A_227 = tpu.vector_load %arg6[%get3A_226] {strides = array<i32>} : memref<65536xf32, #tpu.memory_space<vmem>>, vector<16xf32>,
      %swap3A_228 = arith.constant 438 : index
      %swap3A_229 = tpu.vector_load %arg7[%swap3A_228] {strides = array<i32>} : memref<1040xf32, #tpu.memory_space<vmem>>, vector<16xf32>,
      tpu.vector_store %arg7[%swap3A_228], %get3A_227 {strides = array<i32>} : memref<1040xf32, #tpu.memory_space<vmem>>, vector<16xf32>,
      %mul3A_230 = arith.constant 16 : i32
      %mul3A_231 = arith.muli %scan3A_17, %mul3A_230 : i32
      %add3A_232 = arith.constant 7 : i32
      %add3A_233 = arith.addi %mul3A_231, %add3A_232 : i32
      %mul3A_234 = arith.constant 64 : i32
      %mul3A_235 = arith.muli %add3A_233, %mul3A_234 : i32
      %add3A_236 = arith.constant 0 : i32
      %add3A_237 = arith.addi %mul3A_235, %add3A_236 : i32
      %get3A_238 = arith.index_cast %add3A_237 : i32 to index
      %get3A_239 = tpu.vector_load %arg6[%get3A_238] {strides = array<i32>} : memref<65536xf32, #tpu.memory_space<vmem>>, vector<16xf32>,
      %swap3A_240 = arith.constant 455 : index
      %swap3A_241 = tpu.vector_load %arg7[%swap3A_240] {strides = array<i32>} : memref<1040xf32, #tpu.memory_space<vmem>>, vector<16xf32>,
      tpu.vector_store %arg7[%swap3A_240], %get3A_239 {strides = array<i32>} : memref<1040xf32, #tpu.memory_space<vmem>>, vector<16xf32>,
      %add3A_242 = arith.constant 16 : i32
      %add3A_243 = arith.addi %mul3A_235, %add3A_242 : i32
      %get3A_244 = arith.index_cast %add3A_243 : i32 to index
      %get3A_245 = tpu.vector_load %arg6[%get3A_244] {strides = array<i32>} : memref<65536xf32, #tpu.memory_space<vmem>>, vector<16xf32>,
      %swap3A_246 = arith.constant 471 : index
      %swap3A_247 = tpu.vector_load %arg7[%swap3A_246] {strides = array<i32>} : memref<1040xf32, #tpu.memory_space<vmem>>, vector<16xf32>,
      tpu.vector_store %arg7[%swap3A_246], %get3A_245 {strides = array<i32>} : memref<1040xf32, #tpu.memory_space<vmem>>, vector<16xf32>,
      %add3A_248 = arith.constant 32 : i32
      %add3A_249 = arith.addi %mul3A_235, %add3A_248 : i32
      %get3A_250 = arith.index_cast %add3A_249 : i32 to index
      %get3A_251 = tpu.vector_load %arg6[%get3A_250] {strides = array<i32>} : memref<65536xf32, #tpu.memory_space<vmem>>, vector<16xf32>,
      %swap3A_252 = arith.constant 487 : index
      %swap3A_253 = tpu.vector_load %arg7[%swap3A_252] {strides = array<i32>} : memref<1040xf32, #tpu.memory_space<vmem>>, vector<16xf32>,
      tpu.vector_store %arg7[%swap3A_252], %get3A_251 {strides = array<i32>} : memref<1040xf32, #tpu.memory_space<vmem>>, vector<16xf32>,
      %add3A_254 = arith.constant 48 : i32
      %add3A_255 = arith.addi %mul3A_235, %add3A_254 : i32
      %get3A_256 = arith.index_cast %add3A_255 : i32 to index
      %get3A_257 = tpu.vector_load %arg6[%get3A_256] {strides = array<i32>} : memref<65536xf32, #tpu.memory_space<vmem>>, vector<16xf32>,
      %swap3A_258 = arith.constant 503 : index
      %swap3A_259 = tpu.vector_load %arg7[%swap3A_258] {strides = array<i32>} : memref<1040xf32, #tpu.memory_space<vmem>>, vector<16xf32>,
      tpu.vector_store %arg7[%swap3A_258], %get3A_257 {strides = array<i32>} : memref<1040xf32, #tpu.memory_space<vmem>>, vector<16xf32>,
      %mul3A_260 = arith.constant 16 : i32
      %mul3A_261 = arith.muli %scan3A_17, %mul3A_260 : i32
      %add3A_262 = arith.constant 8 : i32
      %add3A_263 = arith.addi %mul3A_261, %add3A_262 : i32
      %mul3A_264 = arith.constant 64 : i32
      %mul3A_265 = arith.muli %add3A_263, %mul3A_264 : i32
      %add3A_266 = arith.constant 0 : i32
      %add3A_267 = arith.addi %mul3A_265, %add3A_266 : i32
      %get3A_268 = arith.index_cast %add3A_267 : i32 to index
      %get3A_269 = tpu.vector_load %arg6[%get3A_268] {strides = array<i32>} : memref<65536xf32, #tpu.memory_space<vmem>>, vector<16xf32>,
      %swap3A_270 = arith.constant 520 : index
      %swap3A_271 = tpu.vector_load %arg7[%swap3A_270] {strides = array<i32>} : memref<1040xf32, #tpu.memory_space<vmem>>, vector<16xf32>,
      tpu.vector_store %arg7[%swap3A_270], %get3A_269 {strides = array<i32>} : memref<1040xf32, #tpu.memory_space<vmem>>, vector<16xf32>,
      %add3A_272 = arith.constant 16 : i32
      %add3A_273 = arith.addi %mul3A_265, %add3A_272 : i32
      %get3A_274 = arith.index_cast %add3A_273 : i32 to index
      %get3A_275 = tpu.vector_load %arg6[%get3A_274] {strides = array<i32>} : memref<65536xf32, #tpu.memory_space<vmem>>, vector<16xf32>,
      %swap3A_276 = arith.constant 536 : index
      %swap3A_277 = tpu.vector_load %arg7[%swap3A_276] {strides = array<i32>} : memref<1040xf32, #tpu.memory_space<vmem>>, vector<16xf32>,
      tpu.vector_store %arg7[%swap3A_276], %get3A_275 {strides = array<i32>} : memref<1040xf32, #tpu.memory_space<vmem>>, vector<16xf32>,
      %add3A_278 = arith.constant 32 : i32
      %add3A_279 = arith.addi %mul3A_265, %add3A_278 : i32
      %get3A_280 = arith.index_cast %add3A_279 : i32 to index
      %get3A_281 = tpu.vector_load %arg6[%get3A_280] {strides = array<i32>} : memref<65536xf32, #tpu.memory_space<vmem>>, vector<16xf32>,
      %swap3A_282 = arith.constant 552 : index
      %swap3A_283 = tpu.vector_load %arg7[%swap3A_282] {strides = array<i32>} : memref<1040xf32, #tpu.memory_space<vmem>>, vector<16xf32>,
      tpu.vector_store %arg7[%swap3A_282], %get3A_281 {strides = array<i32>} : memref<1040xf32, #tpu.memory_space<vmem>>, vector<16xf32>,
      %add3A_284 = arith.constant 48 : i32
      %add3A_285 = arith.addi %mul3A_265, %add3A_284 : i32
      %get3A_286 = arith.index_cast %add3A_285 : i32 to index
      %get3A_287 = tpu.vector_load %arg6[%get3A_286] {strides = array<i32>} : memref<65536xf32, #tpu.memory_space<vmem>>, vector<16xf32>,
      %swap3A_288 = arith.constant 568 : index
      %swap3A_289 = tpu.vector_load %arg7[%swap3A_288] {strides = array<i32>} : memref<1040xf32, #tpu.memory_space<vmem>>, vector<16xf32>,
      tpu.vector_store %arg7[%swap3A_288], %get3A_287 {strides = array<i32>} : memref<1040xf32, #tpu.memory_space<vmem>>, vector<16xf32>,
      %mul3A_290 = arith.constant 16 : i32
      %mul3A_291 = arith.muli %scan3A_17, %mul3A_290 : i32
      %add3A_292 = arith.constant 9 : i32
      %add3A_293 = arith.addi %mul3A_291, %add3A_292 : i32
      %mul3A_294 = arith.constant 64 : i32
      %mul3A_295 = arith.muli %add3A_293, %mul3A_294 : i32
      %add3A_296 = arith.constant 0 : i32
      %add3A_297 = arith.addi %mul3A_295, %add3A_296 : i32
      %get3A_298 = arith.index_cast %add3A_297 : i32 to index
      %get3A_299 = tpu.vector_load %arg6[%get3A_298] {strides = array<i32>} : memref<65536xf32, #tpu.memory_space<vmem>>, vector<16xf32>,
      %swap3A_300 = arith.constant 585 : index
      %swap3A_301 = tpu.vector_load %arg7[%swap3A_300] {strides = array<i32>} : memref<1040xf32, #tpu.memory_space<vmem>>, vector<16xf32>,
      tpu.vector_store %arg7[%swap3A_300], %get3A_299 {strides = array<i32>} : memref<1040xf32, #tpu.memory_space<vmem>>, vector<16xf32>,
      %add3A_302 = arith.constant 16 : i32
      %add3A_303 = arith.addi %mul3A_295, %add3A_302 : i32
      %get3A_304 = arith.index_cast %add3A_303 : i32 to index
      %get3A_305 = tpu.vector_load %arg6[%get3A_304] {strides = array<i32>} : memref<65536xf32, #tpu.memory_space<vmem>>, vector<16xf32>,
      %swap3A_306 = arith.constant 601 : index
      %swap3A_307 = tpu.vector_load %arg7[%swap3A_306] {strides = array<i32>} : memref<1040xf32, #tpu.memory_space<vmem>>, vector<16xf32>,
      tpu.vector_store %arg7[%swap3A_306], %get3A_305 {strides = array<i32>} : memref<1040xf32, #tpu.memory_space<vmem>>, vector<16xf32>,
      %add3A_308 = arith.constant 32 : i32
      %add3A_309 = arith.addi %mul3A_295, %add3A_308 : i32
      %get3A_310 = arith.index_cast %add3A_309 : i32 to index
      %get3A_311 = tpu.vector_load %arg6[%get3A_310] {strides = array<i32>} : memref<65536xf32, #tpu.memory_space<vmem>>, vector<16xf32>,
      %swap3A_312 = arith.constant 617 : index
      %swap3A_313 = tpu.vector_load %arg7[%swap3A_312] {strides = array<i32>} : memref<1040xf32, #tpu.memory_space<vmem>>, vector<16xf32>,
      tpu.vector_store %arg7[%swap3A_312], %get3A_311 {strides = array<i32>} : memref<1040xf32, #tpu.memory_space<vmem>>, vector<16xf32>,
      %add3A_314 = arith.constant 48 : i32
      %add3A_315 = arith.addi %mul3A_295, %add3A_314 : i32
      %get3A_316 = arith.index_cast %add3A_315 : i32 to index
      %get3A_317 = tpu.vector_load %arg6[%get3A_316] {strides = array<i32>} : memref<65536xf32, #tpu.memory_space<vmem>>, vector<16xf32>,
      %swap3A_318 = arith.constant 633 : index
      %swap3A_319 = tpu.vector_load %arg7[%swap3A_318] {strides = array<i32>} : memref<1040xf32, #tpu.memory_space<vmem>>, vector<16xf32>,
      tpu.vector_store %arg7[%swap3A_318], %get3A_317 {strides = array<i32>} : memref<1040xf32, #tpu.memory_space<vmem>>, vector<16xf32>,
      %mul3A_320 = arith.constant 16 : i32
      %mul3A_321 = arith.muli %scan3A_17, %mul3A_320 : i32
      %add3A_322 = arith.constant 10 : i32
      %add3A_323 = arith.addi %mul3A_321, %add3A_322 : i32
      %mul3A_324 = arith.constant 64 : i32
      %mul3A_325 = arith.muli %add3A_323, %mul3A_324 : i32
      %add3A_326 = arith.constant 0 : i32
      %add3A_327 = arith.addi %mul3A_325, %add3A_326 : i32
      %get3A_328 = arith.index_cast %add3A_327 : i32 to index
      %get3A_329 = tpu.vector_load %arg6[%get3A_328] {strides = array<i32>} : memref<65536xf32, #tpu.memory_space<vmem>>, vector<16xf32>,
      %swap3A_330 = arith.constant 650 : index
      %swap3A_331 = tpu.vector_load %arg7[%swap3A_330] {strides = array<i32>} : memref<1040xf32, #tpu.memory_space<vmem>>, vector<16xf32>,
      tpu.vector_store %arg7[%swap3A_330], %get3A_329 {strides = array<i32>} : memref<1040xf32, #tpu.memory_space<vmem>>, vector<16xf32>,
      %add3A_332 = arith.constant 16 : i32
      %add3A_333 = arith.addi %mul3A_325, %add3A_332 : i32
      %get3A_334 = arith.index_cast %add3A_333 : i32 to index
      %get3A_335 = tpu.vector_load %arg6[%get3A_334] {strides = array<i32>} : memref<65536xf32, #tpu.memory_space<vmem>>, vector<16xf32>,
      %swap3A_336 = arith.constant 666 : index
      %swap3A_337 = tpu.vector_load %arg7[%swap3A_336] {strides = array<i32>} : memref<1040xf32, #tpu.memory_space<vmem>>, vector<16xf32>,
      tpu.vector_store %arg7[%swap3A_336], %get3A_335 {strides = array<i32>} : memref<1040xf32, #tpu.memory_space<vmem>>, vector<16xf32>,
      %add3A_338 = arith.constant 32 : i32
      %add3A_339 = arith.addi %mul3A_325, %add3A_338 : i32
      %get3A_340 = arith.index_cast %add3A_339 : i32 to index
      %get3A_341 = tpu.vector_load %arg6[%get3A_340] {strides = array<i32>} : memref<65536xf32, #tpu.memory_space<vmem>>, vector<16xf32>,
      %swap3A_342 = arith.constant 682 : index
      %swap3A_343 = tpu.vector_load %arg7[%swap3A_342] {strides = array<i32>} : memref<1040xf32, #tpu.memory_space<vmem>>, vector<16xf32>,
      tpu.vector_store %arg7[%swap3A_342], %get3A_341 {strides = array<i32>} : memref<1040xf32, #tpu.memory_space<vmem>>, vector<16xf32>,
      %add3A_344 = arith.constant 48 : i32
      %add3A_345 = arith.addi %mul3A_325, %add3A_344 : i32
      %get3A_346 = arith.index_cast %add3A_345 : i32 to index
      %get3A_347 = tpu.vector_load %arg6[%get3A_346] {strides = array<i32>} : memref<65536xf32, #tpu.memory_space<vmem>>, vector<16xf32>,
      %swap3A_348 = arith.constant 698 : index
      %swap3A_349 = tpu.vector_load %arg7[%swap3A_348] {strides = array<i32>} : memref<1040xf32, #tpu.memory_space<vmem>>, vector<16xf32>,
      tpu.vector_store %arg7[%swap3A_348], %get3A_347 {strides = array<i32>} : memref<1040xf32, #tpu.memory_space<vmem>>, vector<16xf32>,
      %mul3A_350 = arith.constant 16 : i32
      %mul3A_351 = arith.muli %scan3A_17, %mul3A_350 : i32
      %add3A_352 = arith.constant 11 : i32
      %add3A_353 = arith.addi %mul3A_351, %add3A_352 : i32
      %mul3A_354 = arith.constant 64 : i32
      %mul3A_355 = arith.muli %add3A_353, %mul3A_354 : i32
      %add3A_356 = arith.constant 0 : i32
      %add3A_357 = arith.addi %mul3A_355, %add3A_356 : i32
      %get3A_358 = arith.index_cast %add3A_357 : i32 to index
      %get3A_359 = tpu.vector_load %arg6[%get3A_358] {strides = array<i32>} : memref<65536xf32, #tpu.memory_space<vmem>>, vector<16xf32>,
      %swap3A_360 = arith.constant 715 : index
      %swap3A_361 = tpu.vector_load %arg7[%swap3A_360] {strides = array<i32>} : memref<1040xf32, #tpu.memory_space<vmem>>, vector<16xf32>,
      tpu.vector_store %arg7[%swap3A_360], %get3A_359 {strides = array<i32>} : memref<1040xf32, #tpu.memory_space<vmem>>, vector<16xf32>,
      %add3A_362 = arith.constant 16 : i32
      %add3A_363 = arith.addi %mul3A_355, %add3A_362 : i32
      %get3A_364 = arith.index_cast %add3A_363 : i32 to index
      %get3A_365 = tpu.vector_load %arg6[%get3A_364] {strides = array<i32>} : memref<65536xf32, #tpu.memory_space<vmem>>, vector<16xf32>,
      %swap3A_366 = arith.constant 731 : index
      %swap3A_367 = tpu.vector_load %arg7[%swap3A_366] {strides = array<i32>} : memref<1040xf32, #tpu.memory_space<vmem>>, vector<16xf32>,
      tpu.vector_store %arg7[%swap3A_366], %get3A_365 {strides = array<i32>} : memref<1040xf32, #tpu.memory_space<vmem>>, vector<16xf32>,
      %add3A_368 = arith.constant 32 : i32
      %add3A_369 = arith.addi %mul3A_355, %add3A_368 : i32
      %get3A_370 = arith.index_cast %add3A_369 : i32 to index
      %get3A_371 = tpu.vector_load %arg6[%get3A_370] {strides = array<i32>} : memref<65536xf32, #tpu.memory_space<vmem>>, vector<16xf32>,
      %swap3A_372 = arith.constant 747 : index
      %swap3A_373 = tpu.vector_load %arg7[%swap3A_372] {strides = array<i32>} : memref<1040xf32, #tpu.memory_space<vmem>>, vector<16xf32>,
      tpu.vector_store %arg7[%swap3A_372], %get3A_371 {strides = array<i32>} : memref<1040xf32, #tpu.memory_space<vmem>>, vector<16xf32>,
      %add3A_374 = arith.constant 48 : i32
      %add3A_375 = arith.addi %mul3A_355, %add3A_374 : i32
      %get3A_376 = arith.index_cast %add3A_375 : i32 to index
      %get3A_377 = tpu.vector_load %arg6[%get3A_376] {strides = array<i32>} : memref<65536xf32, #tpu.memory_space<vmem>>, vector<16xf32>,
      %swap3A_378 = arith.constant 763 : index
      %swap3A_379 = tpu.vector_load %arg7[%swap3A_378] {strides = array<i32>} : memref<1040xf32, #tpu.memory_space<vmem>>, vector<16xf32>,
      tpu.vector_store %arg7[%swap3A_378], %get3A_377 {strides = array<i32>} : memref<1040xf32, #tpu.memory_space<vmem>>, vector<16xf32>,
      %mul3A_380 = arith.constant 16 : i32
      %mul3A_381 = arith.muli %scan3A_17, %mul3A_380 : i32
      %add3A_382 = arith.constant 12 : i32
      %add3A_383 = arith.addi %mul3A_381, %add3A_382 : i32
      %mul3A_384 = arith.constant 64 : i32
      %mul3A_385 = arith.muli %add3A_383, %mul3A_384 : i32
      %add3A_386 = arith.constant 0 : i32
      %add3A_387 = arith.addi %mul3A_385, %add3A_386 : i32
      %get3A_388 = arith.index_cast %add3A_387 : i32 to index
      %get3A_389 = tpu.vector_load %arg6[%get3A_388] {strides = array<i32>} : memref<65536xf32, #tpu.memory_space<vmem>>, vector<16xf32>,
      %swap3A_390 = arith.constant 780 : index
      %swap3A_391 = tpu.vector_load %arg7[%swap3A_390] {strides = array<i32>} : memref<1040xf32, #tpu.memory_space<vmem>>, vector<16xf32>,
      tpu.vector_store %arg7[%swap3A_390], %get3A_389 {strides = array<i32>} : memref<1040xf32, #tpu.memory_space<vmem>>, vector<16xf32>,
      %add3A_392 = arith.constant 16 : i32
      %add3A_393 = arith.addi %mul3A_385, %add3A_392 : i32
      %get3A_394 = arith.index_cast %add3A_393 : i32 to index
      %get3A_395 = tpu.vector_load %arg6[%get3A_394] {strides = array<i32>} : memref<65536xf32, #tpu.memory_space<vmem>>, vector<16xf32>,
      %swap3A_396 = arith.constant 796 : index
      %swap3A_397 = tpu.vector_load %arg7[%swap3A_396] {strides = array<i32>} : memref<1040xf32, #tpu.memory_space<vmem>>, vector<16xf32>,
      tpu.vector_store %arg7[%swap3A_396], %get3A_395 {strides = array<i32>} : memref<1040xf32, #tpu.memory_space<vmem>>, vector<16xf32>,
      %add3A_398 = arith.constant 32 : i32
      %add3A_399 = arith.addi %mul3A_385, %add3A_398 : i32
      %get3A_400 = arith.index_cast %add3A_399 : i32 to index
      %get3A_401 = tpu.vector_load %arg6[%get3A_400] {strides = array<i32>} : memref<65536xf32, #tpu.memory_space<vmem>>, vector<16xf32>,
      %swap3A_402 = arith.constant 812 : index
      %swap3A_403 = tpu.vector_load %arg7[%swap3A_402] {strides = array<i32>} : memref<1040xf32, #tpu.memory_space<vmem>>, vector<16xf32>,
      tpu.vector_store %arg7[%swap3A_402], %get3A_401 {strides = array<i32>} : memref<1040xf32, #tpu.memory_space<vmem>>, vector<16xf32>,
      %add3A_404 = arith.constant 48 : i32
      %add3A_405 = arith.addi %mul3A_385, %add3A_404 : i32
      %get3A_406 = arith.index_cast %add3A_405 : i32 to index
      %get3A_407 = tpu.vector_load %arg6[%get3A_406] {strides = array<i32>} : memref<65536xf32, #tpu.memory_space<vmem>>, vector<16xf32>,
      %swap3A_408 = arith.constant 828 : index
      %swap3A_409 = tpu.vector_load %arg7[%swap3A_408] {strides = array<i32>} : memref<1040xf32, #tpu.memory_space<vmem>>, vector<16xf32>,
      tpu.vector_store %arg7[%swap3A_408], %get3A_407 {strides = array<i32>} : memref<1040xf32, #tpu.memory_space<vmem>>, vector<16xf32>,
      %mul3A_410 = arith.constant 16 : i32
      %mul3A_411 = arith.muli %scan3A_17, %mul3A_410 : i32
      %add3A_412 = arith.constant 13 : i32
      %add3A_413 = arith.addi %mul3A_411, %add3A_412 : i32
      %mul3A_414 = arith.constant 64 : i32
      %mul3A_415 = arith.muli %add3A_413, %mul3A_414 : i32
      %add3A_416 = arith.constant 0 : i32
      %add3A_417 = arith.addi %mul3A_415, %add3A_416 : i32
      %get3A_418 = arith.index_cast %add3A_417 : i32 to index
      %get3A_419 = tpu.vector_load %arg6[%get3A_418] {strides = array<i32>} : memref<65536xf32, #tpu.memory_space<vmem>>, vector<16xf32>,
      %swap3A_420 = arith.constant 845 : index
      %swap3A_421 = tpu.vector_load %arg7[%swap3A_420] {strides = array<i32>} : memref<1040xf32, #tpu.memory_space<vmem>>, vector<16xf32>,
      tpu.vector_store %arg7[%swap3A_420], %get3A_419 {strides = array<i32>} : memref<1040xf32, #tpu.memory_space<vmem>>, vector<16xf32>,
      %add3A_422 = arith.constant 16 : i32
      %add3A_423 = arith.addi %mul3A_415, %add3A_422 : i32
      %get3A_424 = arith.index_cast %add3A_423 : i32 to index
      %get3A_425 = tpu.vector_load %arg6[%get3A_424] {strides = array<i32>} : memref<65536xf32, #tpu.memory_space<vmem>>, vector<16xf32>,
      %swap3A_426 = arith.constant 861 : index
      %swap3A_427 = tpu.vector_load %arg7[%swap3A_426] {strides = array<i32>} : memref<1040xf32, #tpu.memory_space<vmem>>, vector<16xf32>,
      tpu.vector_store %arg7[%swap3A_426], %get3A_425 {strides = array<i32>} : memref<1040xf32, #tpu.memory_space<vmem>>, vector<16xf32>,
      %add3A_428 = arith.constant 32 : i32
      %add3A_429 = arith.addi %mul3A_415, %add3A_428 : i32
      %get3A_430 = arith.index_cast %add3A_429 : i32 to index
      %get3A_431 = tpu.vector_load %arg6[%get3A_430] {strides = array<i32>} : memref<65536xf32, #tpu.memory_space<vmem>>, vector<16xf32>,
      %swap3A_432 = arith.constant 877 : index
      %swap3A_433 = tpu.vector_load %arg7[%swap3A_432] {strides = array<i32>} : memref<1040xf32, #tpu.memory_space<vmem>>, vector<16xf32>,
      tpu.vector_store %arg7[%swap3A_432], %get3A_431 {strides = array<i32>} : memref<1040xf32, #tpu.memory_space<vmem>>, vector<16xf32>,
      %add3A_434 = arith.constant 48 : i32
      %add3A_435 = arith.addi %mul3A_415, %add3A_434 : i32
      %get3A_436 = arith.index_cast %add3A_435 : i32 to index
      %get3A_437 = tpu.vector_load %arg6[%get3A_436] {strides = array<i32>} : memref<65536xf32, #tpu.memory_space<vmem>>, vector<16xf32>,
      %swap3A_438 = arith.constant 893 : index
      %swap3A_439 = tpu.vector_load %arg7[%swap3A_438] {strides = array<i32>} : memref<1040xf32, #tpu.memory_space<vmem>>, vector<16xf32>,
      tpu.vector_store %arg7[%swap3A_438], %get3A_437 {strides = array<i32>} : memref<1040xf32, #tpu.memory_space<vmem>>, vector<16xf32>,
      %mul3A_440 = arith.constant 16 : i32
      %mul3A_441 = arith.muli %scan3A_17, %mul3A_440 : i32
      %add3A_442 = arith.constant 14 : i32
      %add3A_443 = arith.addi %mul3A_441, %add3A_442 : i32
      %mul3A_444 = arith.constant 64 : i32
      %mul3A_445 = arith.muli %add3A_443, %mul3A_444 : i32
      %add3A_446 = arith.constant 0 : i32
      %add3A_447 = arith.addi %mul3A_445, %add3A_446 : i32
      %get3A_448 = arith.index_cast %add3A_447 : i32 to index
      %get3A_449 = tpu.vector_load %arg6[%get3A_448] {strides = array<i32>} : memref<65536xf32, #tpu.memory_space<vmem>>, vector<16xf32>,
      %swap3A_450 = arith.constant 910 : index
      %swap3A_451 = tpu.vector_load %arg7[%swap3A_450] {strides = array<i32>} : memref<1040xf32, #tpu.memory_space<vmem>>, vector<16xf32>,
      tpu.vector_store %arg7[%swap3A_450], %get3A_449 {strides = array<i32>} : memref<1040xf32, #tpu.memory_space<vmem>>, vector<16xf32>,
      %add3A_452 = arith.constant 16 : i32
      %add3A_453 = arith.addi %mul3A_445, %add3A_452 : i32
      %get3A_454 = arith.index_cast %add3A_453 : i32 to index
      %get3A_455 = tpu.vector_load %arg6[%get3A_454] {strides = array<i32>} : memref<65536xf32, #tpu.memory_space<vmem>>, vector<16xf32>,
      %swap3A_456 = arith.constant 926 : index
      %swap3A_457 = tpu.vector_load %arg7[%swap3A_456] {strides = array<i32>} : memref<1040xf32, #tpu.memory_space<vmem>>, vector<16xf32>,
      tpu.vector_store %arg7[%swap3A_456], %get3A_455 {strides = array<i32>} : memref<1040xf32, #tpu.memory_space<vmem>>, vector<16xf32>,
      %add3A_458 = arith.constant 32 : i32
      %add3A_459 = arith.addi %mul3A_445, %add3A_458 : i32
      %get3A_460 = arith.index_cast %add3A_459 : i32 to index
      %get3A_461 = tpu.vector_load %arg6[%get3A_460] {strides = array<i32>} : memref<65536xf32, #tpu.memory_space<vmem>>, vector<16xf32>,
      %swap3A_462 = arith.constant 942 : index
      %swap3A_463 = tpu.vector_load %arg7[%swap3A_462] {strides = array<i32>} : memref<1040xf32, #tpu.memory_space<vmem>>, vector<16xf32>,
      tpu.vector_store %arg7[%swap3A_462], %get3A_461 {strides = array<i32>} : memref<1040xf32, #tpu.memory_space<vmem>>, vector<16xf32>,
      %add3A_464 = arith.constant 48 : i32
      %add3A_465 = arith.addi %mul3A_445, %add3A_464 : i32
      %get3A_466 = arith.index_cast %add3A_465 : i32 to index
      %get3A_467 = tpu.vector_load %arg6[%get3A_466] {strides = array<i32>} : memref<65536xf32, #tpu.memory_space<vmem>>, vector<16xf32>,
      %swap3A_468 = arith.constant 958 : index
      %swap3A_469 = tpu.vector_load %arg7[%swap3A_468] {strides = array<i32>} : memref<1040xf32, #tpu.memory_space<vmem>>, vector<16xf32>,
      tpu.vector_store %arg7[%swap3A_468], %get3A_467 {strides = array<i32>} : memref<1040xf32, #tpu.memory_space<vmem>>, vector<16xf32>,
      %mul3A_470 = arith.constant 16 : i32
      %mul3A_471 = arith.muli %scan3A_17, %mul3A_470 : i32
      %add3A_472 = arith.constant 15 : i32
      %add3A_473 = arith.addi %mul3A_471, %add3A_472 : i32
      %mul3A_474 = arith.constant 64 : i32
      %mul3A_475 = arith.muli %add3A_473, %mul3A_474 : i32
      %add3A_476 = arith.constant 0 : i32
      %add3A_477 = arith.addi %mul3A_475, %add3A_476 : i32
      %get3A_478 = arith.index_cast %add3A_477 : i32 to index
      %get3A_479 = tpu.vector_load %arg6[%get3A_478] {strides = array<i32>} : memref<65536xf32, #tpu.memory_space<vmem>>, vector<16xf32>,
      %swap3A_480 = arith.constant 975 : index
      %swap3A_481 = tpu.vector_load %arg7[%swap3A_480] {strides = array<i32>} : memref<1040xf32, #tpu.memory_space<vmem>>, vector<16xf32>,
      tpu.vector_store %arg7[%swap3A_480], %get3A_479 {strides = array<i32>} : memref<1040xf32, #tpu.memory_space<vmem>>, vector<16xf32>,
      %add3A_482 = arith.constant 16 : i32
      %add3A_483 = arith.addi %mul3A_475, %add3A_482 : i32
      %get3A_484 = arith.index_cast %add3A_483 : i32 to index
      %get3A_485 = tpu.vector_load %arg6[%get3A_484] {strides = array<i32>} : memref<65536xf32, #tpu.memory_space<vmem>>, vector<16xf32>,
      %swap3A_486 = arith.constant 991 : index
      %swap3A_487 = tpu.vector_load %arg7[%swap3A_486] {strides = array<i32>} : memref<1040xf32, #tpu.memory_space<vmem>>, vector<16xf32>,
      tpu.vector_store %arg7[%swap3A_486], %get3A_485 {strides = array<i32>} : memref<1040xf32, #tpu.memory_space<vmem>>, vector<16xf32>,
      %add3A_488 = arith.constant 32 : i32
      %add3A_489 = arith.addi %mul3A_475, %add3A_488 : i32
      %get3A_490 = arith.index_cast %add3A_489 : i32 to index
      %get3A_491 = tpu.vector_load %arg6[%get3A_490] {strides = array<i32>} : memref<65536xf32, #tpu.memory_space<vmem>>, vector<16xf32>,
      %swap3A_492 = arith.constant 1007 : index
      %swap3A_493 = tpu.vector_load %arg7[%swap3A_492] {strides = array<i32>} : memref<1040xf32, #tpu.memory_space<vmem>>, vector<16xf32>,
      tpu.vector_store %arg7[%swap3A_492], %get3A_491 {strides = array<i32>} : memref<1040xf32, #tpu.memory_space<vmem>>, vector<16xf32>,
      %add3A_494 = arith.constant 48 : i32
      %add3A_495 = arith.addi %mul3A_475, %add3A_494 : i32
      %get3A_496 = arith.index_cast %add3A_495 : i32 to index
      %get3A_497 = tpu.vector_load %arg6[%get3A_496] {strides = array<i32>} : memref<65536xf32, #tpu.memory_space<vmem>>, vector<16xf32>,
      %swap3A_498 = arith.constant 1023 : index
      %swap3A_499 = tpu.vector_load %arg7[%swap3A_498] {strides = array<i32>} : memref<1040xf32, #tpu.memory_space<vmem>>, vector<16xf32>,
      tpu.vector_store %arg7[%swap3A_498], %get3A_497 {strides = array<i32>} : memref<1040xf32, #tpu.memory_space<vmem>>, vector<16xf32>,
      %add3A_500 = arith.constant 0 : i32
      %add3A_501 = vector.broadcast %add3A_500 : i32 to vector<16xi32>
      %add3A_502 = arith.addi %mul3A_7, %add3A_501 : vector<16xi32>
      %gather3A = tpu.vector_load_idx %arg7[%add3A_502] : memref<1040xf32, #tpu.memory_space<vmem>>[vector<16xi32>], vector<16xf32>,
      %add3A_503 = arith.constant 1 : i32
      %add3A_504 = vector.broadcast %add3A_503 : i32 to vector<16xi32>
      %add3A_505 = arith.addi %mul3A_7, %add3A_504 : vector<16xi32>
      %gather3A_506 = tpu.vector_load_idx %arg7[%add3A_505] : memref<1040xf32, #tpu.memory_space<vmem>>[vector<16xi32>], vector<16xf32>,
      %add3A_507 = arith.constant 2 : i32
      %add3A_508 = vector.broadcast %add3A_507 : i32 to vector<16xi32>
      %add3A_509 = arith.addi %mul3A_7, %add3A_508 : vector<16xi32>
      %gather3A_510 = tpu.vector_load_idx %arg7[%add3A_509] : memref<1040xf32, #tpu.memory_space<vmem>>[vector<16xi32>], vector<16xf32>,
      %add3A_511 = arith.constant 3 : i32
      %add3A_512 = vector.broadcast %add3A_511 : i32 to vector<16xi32>
      %add3A_513 = arith.addi %mul3A_7, %add3A_512 : vector<16xi32>
      %gather3A_514 = tpu.vector_load_idx %arg7[%add3A_513] : memref<1040xf32, #tpu.memory_space<vmem>>[vector<16xi32>], vector<16xf32>,
      %add3A_515 = arith.constant 4 : i32
      %add3A_516 = vector.broadcast %add3A_515 : i32 to vector<16xi32>
      %add3A_517 = arith.addi %mul3A_7, %add3A_516 : vector<16xi32>
      %gather3A_518 = tpu.vector_load_idx %arg7[%add3A_517] : memref<1040xf32, #tpu.memory_space<vmem>>[vector<16xi32>], vector<16xf32>,
      %add3A_519 = arith.constant 5 : i32
      %add3A_520 = vector.broadcast %add3A_519 : i32 to vector<16xi32>
      %add3A_521 = arith.addi %mul3A_7, %add3A_520 : vector<16xi32>
      %gather3A_522 = tpu.vector_load_idx %arg7[%add3A_521] : memref<1040xf32, #tpu.memory_space<vmem>>[vector<16xi32>], vector<16xf32>,
      %add3A_523 = arith.constant 6 : i32
      %add3A_524 = vector.broadcast %add3A_523 : i32 to vector<16xi32>
      %add3A_525 = arith.addi %mul3A_7, %add3A_524 : vector<16xi32>
      %gather3A_526 = tpu.vector_load_idx %arg7[%add3A_525] : memref<1040xf32, #tpu.memory_space<vmem>>[vector<16xi32>], vector<16xf32>,
      %add3A_527 = arith.constant 7 : i32
      %add3A_528 = vector.broadcast %add3A_527 : i32 to vector<16xi32>
      %add3A_529 = arith.addi %mul3A_7, %add3A_528 : vector<16xi32>
      %gather3A_530 = tpu.vector_load_idx %arg7[%add3A_529] : memref<1040xf32, #tpu.memory_space<vmem>>[vector<16xi32>], vector<16xf32>,
      %max3A = arith.maximumf %gather3A, %gather3A_506 : vector<16xf32>
      %max3A_531 = arith.maximumf %gather3A_510, %gather3A_514 : vector<16xf32>
      %max3A_532 = arith.maximumf %gather3A_518, %gather3A_522 : vector<16xf32>
      %max3A_533 = arith.maximumf %gather3A_526, %gather3A_530 : vector<16xf32>
      %min3A = arith.minimumf %gather3A, %gather3A_506 : vector<16xf32>
      %min3A_534 = arith.minimumf %gather3A_510, %gather3A_514 : vector<16xf32>
      %min3A_535 = arith.minimumf %gather3A_518, %gather3A_522 : vector<16xf32>
      %min3A_536 = arith.minimumf %gather3A_526, %gather3A_530 : vector<16xf32>
      %max3A_537 = arith.maximumf %max3A, %max3A_531 : vector<16xf32>
      %min3A_538 = arith.minimumf %max3A, %max3A_531 : vector<16xf32>
      %max3A_539 = arith.maximumf %min3A, %min3A_534 : vector<16xf32>
      %max3A_540 = arith.maximumf %min3A_538, %max3A_539 : vector<16xf32>
      %max3A_541 = arith.maximumf %max3A_532, %max3A_533 : vector<16xf32>
      %min3A_542 = arith.minimumf %max3A_532, %max3A_533 : vector<16xf32>
      %max3A_543 = arith.maximumf %min3A_535, %min3A_536 : vector<16xf32>
      %max3A_544 = arith.maximumf %min3A_542, %max3A_543 : vector<16xf32>
      %max3A_545 = arith.maximumf %max3A_537, %max3A_541 : vector<16xf32>
      %min3A_546 = arith.minimumf %max3A_537, %max3A_541 : vector<16xf32>
      %max3A_547 = arith.maximumf %max3A_540, %max3A_544 : vector<16xf32>
      %max3A_548 = arith.maximumf %min3A_546, %max3A_547 : vector<16xf32>
      %neg3A = arith.constant 0.000000e+00 : f32
      %neg3A_549 = vector.broadcast %neg3A : f32 to vector<16xf32>
      %neg3A_550 = arith.subf %neg3A_549, %max3A_545 : vector<16xf32>
      %exp3A = math.exp %neg3A_550 : vector<16xf32>
      %add3A_551 = arith.constant 1.000000e+00 : f32
      %add3A_552 = vector.broadcast %add3A_551 : f32 to vector<16xf32>
      %add3A_553 = arith.addf %add3A_552, %exp3A : vector<16xf32>
      %div3A = arith.constant 1.000000e+00 : f32
      %div3A_554 = vector.broadcast %div3A : f32 to vector<16xf32>
      %div3A_555 = arith.divf %div3A_554, %add3A_553 : vector<16xf32>
      %neg3A_556 = arith.constant 0.000000e+00 : f32
      %neg3A_557 = vector.broadcast %neg3A_556 : f32 to vector<16xf32>
      %neg3A_558 = arith.subf %neg3A_557, %max3A_548 : vector<16xf32>
      %exp3A_559 = math.exp %neg3A_558 : vector<16xf32>
      %add3A_560 = arith.constant 1.000000e+00 : f32
      %add3A_561 = vector.broadcast %add3A_560 : f32 to vector<16xf32>
      %add3A_562 = arith.addf %add3A_561, %exp3A_559 : vector<16xf32>
      %div3A_563 = arith.constant 1.000000e+00 : f32
      %div3A_564 = vector.broadcast %div3A_563 : f32 to vector<16xf32>
      %div3A_565 = arith.divf %div3A_564, %add3A_562 : vector<16xf32>
      %add3A_566 = arith.addf %div3A_555, %div3A_565 : vector<16xf32>
      %add3A_567 = arith.constant 8 : i32
      %add3A_568 = vector.broadcast %add3A_567 : i32 to vector<16xi32>
      %add3A_569 = arith.addi %mul3A_7, %add3A_568 : vector<16xi32>
      %gather3A_570 = tpu.vector_load_idx %arg7[%add3A_569] : memref<1040xf32, #tpu.memory_space<vmem>>[vector<16xi32>], vector<16xf32>,
      %add3A_571 = arith.constant 9 : i32
      %add3A_572 = vector.broadcast %add3A_571 : i32 to vector<16xi32>
      %add3A_573 = arith.addi %mul3A_7, %add3A_572 : vector<16xi32>
      %gather3A_574 = tpu.vector_load_idx %arg7[%add3A_573] : memref<1040xf32, #tpu.memory_space<vmem>>[vector<16xi32>], vector<16xf32>,
      %add3A_575 = arith.constant 10 : i32
      %add3A_576 = vector.broadcast %add3A_575 : i32 to vector<16xi32>
      %add3A_577 = arith.addi %mul3A_7, %add3A_576 : vector<16xi32>
      %gather3A_578 = tpu.vector_load_idx %arg7[%add3A_577] : memref<1040xf32, #tpu.memory_space<vmem>>[vector<16xi32>], vector<16xf32>,
      %add3A_579 = arith.constant 11 : i32
      %add3A_580 = vector.broadcast %add3A_579 : i32 to vector<16xi32>
      %add3A_581 = arith.addi %mul3A_7, %add3A_580 : vector<16xi32>
      %gather3A_582 = tpu.vector_load_idx %arg7[%add3A_581] : memref<1040xf32, #tpu.memory_space<vmem>>[vector<16xi32>], vector<16xf32>,
      %add3A_583 = arith.constant 12 : i32
      %add3A_584 = vector.broadcast %add3A_583 : i32 to vector<16xi32>
      %add3A_585 = arith.addi %mul3A_7, %add3A_584 : vector<16xi32>
      %gather3A_586 = tpu.vector_load_idx %arg7[%add3A_585] : memref<1040xf32, #tpu.memory_space<vmem>>[vector<16xi32>], vector<16xf32>,
      %add3A_587 = arith.constant 13 : i32
      %add3A_588 = vector.broadcast %add3A_587 : i32 to vector<16xi32>
      %add3A_589 = arith.addi %mul3A_7, %add3A_588 : vector<16xi32>
      %gather3A_590 = tpu.vector_load_idx %arg7[%add3A_589] : memref<1040xf32, #tpu.memory_space<vmem>>[vector<16xi32>], vector<16xf32>,
      %add3A_591 = arith.constant 14 : i32
      %add3A_592 = vector.broadcast %add3A_591 : i32 to vector<16xi32>
      %add3A_593 = arith.addi %mul3A_7, %add3A_592 : vector<16xi32>
      %gather3A_594 = tpu.vector_load_idx %arg7[%add3A_593] : memref<1040xf32, #tpu.memory_space<vmem>>[vector<16xi32>], vector<16xf32>,
      %add3A_595 = arith.constant 15 : i32
      %add3A_596 = vector.broadcast %add3A_595 : i32 to vector<16xi32>
      %add3A_597 = arith.addi %mul3A_7, %add3A_596 : vector<16xi32>
      %gather3A_598 = tpu.vector_load_idx %arg7[%add3A_597] : memref<1040xf32, #tpu.memory_space<vmem>>[vector<16xi32>], vector<16xf32>,
      %max3A_599 = arith.maximumf %gather3A_570, %gather3A_574 : vector<16xf32>
      %max3A_600 = arith.maximumf %gather3A_578, %gather3A_582 : vector<16xf32>
      %max3A_601 = arith.maximumf %gather3A_586, %gather3A_590 : vector<16xf32>
      %max3A_602 = arith.maximumf %gather3A_594, %gather3A_598 : vector<16xf32>
      %min3A_603 = arith.minimumf %gather3A_570, %gather3A_574 : vector<16xf32>
      %min3A_604 = arith.minimumf %gather3A_578, %gather3A_582 : vector<16xf32>
      %min3A_605 = arith.minimumf %gather3A_586, %gather3A_590 : vector<16xf32>
      %min3A_606 = arith.minimumf %gather3A_594, %gather3A_598 : vector<16xf32>
      %max3A_607 = arith.maximumf %max3A_599, %max3A_600 : vector<16xf32>
      %min3A_608 = arith.minimumf %max3A_599, %max3A_600 : vector<16xf32>
      %max3A_609 = arith.maximumf %min3A_603, %min3A_604 : vector<16xf32>
      %max3A_610 = arith.maximumf %min3A_608, %max3A_609 : vector<16xf32>
      %max3A_611 = arith.maximumf %max3A_601, %max3A_602 : vector<16xf32>
      %min3A_612 = arith.minimumf %max3A_601, %max3A_602 : vector<16xf32>
      %max3A_613 = arith.maximumf %min3A_605, %min3A_606 : vector<16xf32>
      %max3A_614 = arith.maximumf %min3A_612, %max3A_613 : vector<16xf32>
      %max3A_615 = arith.maximumf %max3A_607, %max3A_611 : vector<16xf32>
      %min3A_616 = arith.minimumf %max3A_607, %max3A_611 : vector<16xf32>
      %max3A_617 = arith.maximumf %max3A_610, %max3A_614 : vector<16xf32>
      %max3A_618 = arith.maximumf %min3A_616, %max3A_617 : vector<16xf32>
      %neg3A_619 = arith.constant 0.000000e+00 : f32
      %neg3A_620 = vector.broadcast %neg3A_619 : f32 to vector<16xf32>
      %neg3A_621 = arith.subf %neg3A_620, %max3A_615 : vector<16xf32>
      %exp3A_622 = math.exp %neg3A_621 : vector<16xf32>
      %add3A_623 = arith.constant 1.000000e+00 : f32
      %add3A_624 = vector.broadcast %add3A_623 : f32 to vector<16xf32>
      %add3A_625 = arith.addf %add3A_624, %exp3A_622 : vector<16xf32>
      %div3A_626 = arith.constant 1.000000e+00 : f32
      %div3A_627 = vector.broadcast %div3A_626 : f32 to vector<16xf32>
      %div3A_628 = arith.divf %div3A_627, %add3A_625 : vector<16xf32>
      %neg3A_629 = arith.constant 0.000000e+00 : f32
      %neg3A_630 = vector.broadcast %neg3A_629 : f32 to vector<16xf32>
      %neg3A_631 = arith.subf %neg3A_630, %max3A_618 : vector<16xf32>
      %exp3A_632 = math.exp %neg3A_631 : vector<16xf32>
      %add3A_633 = arith.constant 1.000000e+00 : f32
      %add3A_634 = vector.broadcast %add3A_633 : f32 to vector<16xf32>
      %add3A_635 = arith.addf %add3A_634, %exp3A_632 : vector<16xf32>
      %div3A_636 = arith.constant 1.000000e+00 : f32
      %div3A_637 = vector.broadcast %div3A_636 : f32 to vector<16xf32>
      %div3A_638 = arith.divf %div3A_637, %add3A_635 : vector<16xf32>
      %add3A_639 = arith.addf %div3A_628, %div3A_638 : vector<16xf32>
      %add3A_640 = arith.constant 16 : i32
      %add3A_641 = vector.broadcast %add3A_640 : i32 to vector<16xi32>
      %add3A_642 = arith.addi %mul3A_7, %add3A_641 : vector<16xi32>
      %gather3A_643 = tpu.vector_load_idx %arg7[%add3A_642] : memref<1040xf32, #tpu.memory_space<vmem>>[vector<16xi32>], vector<16xf32>,
      %add3A_644 = arith.constant 17 : i32
      %add3A_645 = vector.broadcast %add3A_644 : i32 to vector<16xi32>
      %add3A_646 = arith.addi %mul3A_7, %add3A_645 : vector<16xi32>
      %gather3A_647 = tpu.vector_load_idx %arg7[%add3A_646] : memref<1040xf32, #tpu.memory_space<vmem>>[vector<16xi32>], vector<16xf32>,
      %add3A_648 = arith.constant 18 : i32
      %add3A_649 = vector.broadcast %add3A_648 : i32 to vector<16xi32>
      %add3A_650 = arith.addi %mul3A_7, %add3A_649 : vector<16xi32>
      %gather3A_651 = tpu.vector_load_idx %arg7[%add3A_650] : memref<1040xf32, #tpu.memory_space<vmem>>[vector<16xi32>], vector<16xf32>,
      %add3A_652 = arith.constant 19 : i32
      %add3A_653 = vector.broadcast %add3A_652 : i32 to vector<16xi32>
      %add3A_654 = arith.addi %mul3A_7, %add3A_653 : vector<16xi32>
      %gather3A_655 = tpu.vector_load_idx %arg7[%add3A_654] : memref<1040xf32, #tpu.memory_space<vmem>>[vector<16xi32>], vector<16xf32>,
      %add3A_656 = arith.constant 20 : i32
      %add3A_657 = vector.broadcast %add3A_656 : i32 to vector<16xi32>
      %add3A_658 = arith.addi %mul3A_7, %add3A_657 : vector<16xi32>
      %gather3A_659 = tpu.vector_load_idx %arg7[%add3A_658] : memref<1040xf32, #tpu.memory_space<vmem>>[vector<16xi32>], vector<16xf32>,
      %add3A_660 = arith.constant 21 : i32
      %add3A_661 = vector.broadcast %add3A_660 : i32 to vector<16xi32>
      %add3A_662 = arith.addi %mul3A_7, %add3A_661 : vector<16xi32>
      %gather3A_663 = tpu.vector_load_idx %arg7[%add3A_662] : memref<1040xf32, #tpu.memory_space<vmem>>[vector<16xi32>], vector<16xf32>,
      %add3A_664 = arith.constant 22 : i32
      %add3A_665 = vector.broadcast %add3A_664 : i32 to vector<16xi32>
      %add3A_666 = arith.addi %mul3A_7, %add3A_665 : vector<16xi32>
      %gather3A_667 = tpu.vector_load_idx %arg7[%add3A_666] : memref<1040xf32, #tpu.memory_space<vmem>>[vector<16xi32>], vector<16xf32>,
      %add3A_668 = arith.constant 23 : i32
      %add3A_669 = vector.broadcast %add3A_668 : i32 to vector<16xi32>
      %add3A_670 = arith.addi %mul3A_7, %add3A_669 : vector<16xi32>
      %gather3A_671 = tpu.vector_load_idx %arg7[%add3A_670] : memref<1040xf32, #tpu.memory_space<vmem>>[vector<16xi32>], vector<16xf32>,
      %max3A_672 = arith.maximumf %gather3A_643, %gather3A_647 : vector<16xf32>
      %max3A_673 = arith.maximumf %gather3A_651, %gather3A_655 : vector<16xf32>
      %max3A_674 = arith.maximumf %gather3A_659, %gather3A_663 : vector<16xf32>
      %max3A_675 = arith.maximumf %gather3A_667, %gather3A_671 : vector<16xf32>
      %min3A_676 = arith.minimumf %gather3A_643, %gather3A_647 : vector<16xf32>
      %min3A_677 = arith.minimumf %gather3A_651, %gather3A_655 : vector<16xf32>
      %min3A_678 = arith.minimumf %gather3A_659, %gather3A_663 : vector<16xf32>
      %min3A_679 = arith.minimumf %gather3A_667, %gather3A_671 : vector<16xf32>
      %max3A_680 = arith.maximumf %max3A_672, %max3A_673 : vector<16xf32>
      %min3A_681 = arith.minimumf %max3A_672, %max3A_673 : vector<16xf32>
      %max3A_682 = arith.maximumf %min3A_676, %min3A_677 : vector<16xf32>
      %max3A_683 = arith.maximumf %min3A_681, %max3A_682 : vector<16xf32>
      %max3A_684 = arith.maximumf %max3A_674, %max3A_675 : vector<16xf32>
      %min3A_685 = arith.minimumf %max3A_674, %max3A_675 : vector<16xf32>
      %max3A_686 = arith.maximumf %min3A_678, %min3A_679 : vector<16xf32>
      %max3A_687 = arith.maximumf %min3A_685, %max3A_686 : vector<16xf32>
      %max3A_688 = arith.maximumf %max3A_680, %max3A_684 : vector<16xf32>
      %min3A_689 = arith.minimumf %max3A_680, %max3A_684 : vector<16xf32>
      %max3A_690 = arith.maximumf %max3A_683, %max3A_687 : vector<16xf32>
      %max3A_691 = arith.maximumf %min3A_689, %max3A_690 : vector<16xf32>
      %neg3A_692 = arith.constant 0.000000e+00 : f32
      %neg3A_693 = vector.broadcast %neg3A_692 : f32 to vector<16xf32>
      %neg3A_694 = arith.subf %neg3A_693, %max3A_688 : vector<16xf32>
      %exp3A_695 = math.exp %neg3A_694 : vector<16xf32>
      %add3A_696 = arith.constant 1.000000e+00 : f32
      %add3A_697 = vector.broadcast %add3A_696 : f32 to vector<16xf32>
      %add3A_698 = arith.addf %add3A_697, %exp3A_695 : vector<16xf32>
      %div3A_699 = arith.constant 1.000000e+00 : f32
      %div3A_700 = vector.broadcast %div3A_699 : f32 to vector<16xf32>
      %div3A_701 = arith.divf %div3A_700, %add3A_698 : vector<16xf32>
      %neg3A_702 = arith.constant 0.000000e+00 : f32
      %neg3A_703 = vector.broadcast %neg3A_702 : f32 to vector<16xf32>
      %neg3A_704 = arith.subf %neg3A_703, %max3A_691 : vector<16xf32>
      %exp3A_705 = math.exp %neg3A_704 : vector<16xf32>
      %add3A_706 = arith.constant 1.000000e+00 : f32
      %add3A_707 = vector.broadcast %add3A_706 : f32 to vector<16xf32>
      %add3A_708 = arith.addf %add3A_707, %exp3A_705 : vector<16xf32>
      %div3A_709 = arith.constant 1.000000e+00 : f32
      %div3A_710 = vector.broadcast %div3A_709 : f32 to vector<16xf32>
      %div3A_711 = arith.divf %div3A_710, %add3A_708 : vector<16xf32>
      %add3A_712 = arith.addf %div3A_701, %div3A_711 : vector<16xf32>
      %add3A_713 = arith.constant 24 : i32
      %add3A_714 = vector.broadcast %add3A_713 : i32 to vector<16xi32>
      %add3A_715 = arith.addi %mul3A_7, %add3A_714 : vector<16xi32>
      %gather3A_716 = tpu.vector_load_idx %arg7[%add3A_715] : memref<1040xf32, #tpu.memory_space<vmem>>[vector<16xi32>], vector<16xf32>,
      %add3A_717 = arith.constant 25 : i32
      %add3A_718 = vector.broadcast %add3A_717 : i32 to vector<16xi32>
      %add3A_719 = arith.addi %mul3A_7, %add3A_718 : vector<16xi32>
      %gather3A_720 = tpu.vector_load_idx %arg7[%add3A_719] : memref<1040xf32, #tpu.memory_space<vmem>>[vector<16xi32>], vector<16xf32>,
      %add3A_721 = arith.constant 26 : i32
      %add3A_722 = vector.broadcast %add3A_721 : i32 to vector<16xi32>
      %add3A_723 = arith.addi %mul3A_7, %add3A_722 : vector<16xi32>
      %gather3A_724 = tpu.vector_load_idx %arg7[%add3A_723] : memref<1040xf32, #tpu.memory_space<vmem>>[vector<16xi32>], vector<16xf32>,
      %add3A_725 = arith.constant 27 : i32
      %add3A_726 = vector.broadcast %add3A_725 : i32 to vector<16xi32>
      %add3A_727 = arith.addi %mul3A_7, %add3A_726 : vector<16xi32>
      %gather3A_728 = tpu.vector_load_idx %arg7[%add3A_727] : memref<1040xf32, #tpu.memory_space<vmem>>[vector<16xi32>], vector<16xf32>,
      %add3A_729 = arith.constant 28 : i32
      %add3A_730 = vector.broadcast %add3A_729 : i32 to vector<16xi32>
      %add3A_731 = arith.addi %mul3A_7, %add3A_730 : vector<16xi32>
      %gather3A_732 = tpu.vector_load_idx %arg7[%add3A_731] : memref<1040xf32, #tpu.memory_space<vmem>>[vector<16xi32>], vector<16xf32>,
      %add3A_733 = arith.constant 29 : i32
      %add3A_734 = vector.broadcast %add3A_733 : i32 to vector<16xi32>
      %add3A_735 = arith.addi %mul3A_7, %add3A_734 : vector<16xi32>
      %gather3A_736 = tpu.vector_load_idx %arg7[%add3A_735] : memref<1040xf32, #tpu.memory_space<vmem>>[vector<16xi32>], vector<16xf32>,
      %add3A_737 = arith.constant 30 : i32
      %add3A_738 = vector.broadcast %add3A_737 : i32 to vector<16xi32>
      %add3A_739 = arith.addi %mul3A_7, %add3A_738 : vector<16xi32>
      %gather3A_740 = tpu.vector_load_idx %arg7[%add3A_739] : memref<1040xf32, #tpu.memory_space<vmem>>[vector<16xi32>], vector<16xf32>,
      %add3A_741 = arith.constant 31 : i32
      %add3A_742 = vector.broadcast %add3A_741 : i32 to vector<16xi32>
      %add3A_743 = arith.addi %mul3A_7, %add3A_742 : vector<16xi32>
      %gather3A_744 = tpu.vector_load_idx %arg7[%add3A_743] : memref<1040xf32, #tpu.memory_space<vmem>>[vector<16xi32>], vector<16xf32>,
      %max3A_745 = arith.maximumf %gather3A_716, %gather3A_720 : vector<16xf32>
      %max3A_746 = arith.maximumf %gather3A_724, %gather3A_728 : vector<16xf32>
      %max3A_747 = arith.maximumf %gather3A_732, %gather3A_736 : vector<16xf32>
      %max3A_748 = arith.maximumf %gather3A_740, %gather3A_744 : vector<16xf32>
      %min3A_749 = arith.minimumf %gather3A_716, %gather3A_720 : vector<16xf32>
      %min3A_750 = arith.minimumf %gather3A_724, %gather3A_728 : vector<16xf32>
      %min3A_751 = arith.minimumf %gather3A_732, %gather3A_736 : vector<16xf32>
      %min3A_752 = arith.minimumf %gather3A_740, %gather3A_744 : vector<16xf32>
      %max3A_753 = arith.maximumf %max3A_745, %max3A_746 : vector<16xf32>
      %min3A_754 = arith.minimumf %max3A_745, %max3A_746 : vector<16xf32>
      %max3A_755 = arith.maximumf %min3A_749, %min3A_750 : vector<16xf32>
      %max3A_756 = arith.maximumf %min3A_754, %max3A_755 : vector<16xf32>
      %max3A_757 = arith.maximumf %max3A_747, %max3A_748 : vector<16xf32>
      %min3A_758 = arith.minimumf %max3A_747, %max3A_748 : vector<16xf32>
      %max3A_759 = arith.maximumf %min3A_751, %min3A_752 : vector<16xf32>
      %max3A_760 = arith.maximumf %min3A_758, %max3A_759 : vector<16xf32>
      %max3A_761 = arith.maximumf %max3A_753, %max3A_757 : vector<16xf32>
      %min3A_762 = arith.minimumf %max3A_753, %max3A_757 : vector<16xf32>
      %max3A_763 = arith.maximumf %max3A_756, %max3A_760 : vector<16xf32>
      %max3A_764 = arith.maximumf %min3A_762, %max3A_763 : vector<16xf32>
      %neg3A_765 = arith.constant 0.000000e+00 : f32
      %neg3A_766 = vector.broadcast %neg3A_765 : f32 to vector<16xf32>
      %neg3A_767 = arith.subf %neg3A_766, %max3A_761 : vector<16xf32>
      %exp3A_768 = math.exp %neg3A_767 : vector<16xf32>
      %add3A_769 = arith.constant 1.000000e+00 : f32
      %add3A_770 = vector.broadcast %add3A_769 : f32 to vector<16xf32>
      %add3A_771 = arith.addf %add3A_770, %exp3A_768 : vector<16xf32>
      %div3A_772 = arith.constant 1.000000e+00 : f32
      %div3A_773 = vector.broadcast %div3A_772 : f32 to vector<16xf32>
      %div3A_774 = arith.divf %div3A_773, %add3A_771 : vector<16xf32>
      %neg3A_775 = arith.constant 0.000000e+00 : f32
      %neg3A_776 = vector.broadcast %neg3A_775 : f32 to vector<16xf32>
      %neg3A_777 = arith.subf %neg3A_776, %max3A_764 : vector<16xf32>
      %exp3A_778 = math.exp %neg3A_777 : vector<16xf32>
      %add3A_779 = arith.constant 1.000000e+00 : f32
      %add3A_780 = vector.broadcast %add3A_779 : f32 to vector<16xf32>
      %add3A_781 = arith.addf %add3A_780, %exp3A_778 : vector<16xf32>
      %div3A_782 = arith.constant 1.000000e+00 : f32
      %div3A_783 = vector.broadcast %div3A_782 : f32 to vector<16xf32>
      %div3A_784 = arith.divf %div3A_783, %add3A_781 : vector<16xf32>
      %add3A_785 = arith.addf %div3A_774, %div3A_784 : vector<16xf32>
      %add3A_786 = arith.constant 32 : i32
      %add3A_787 = vector.broadcast %add3A_786 : i32 to vector<16xi32>
      %add3A_788 = arith.addi %mul3A_7, %add3A_787 : vector<16xi32>
      %gather3A_789 = tpu.vector_load_idx %arg7[%add3A_788] : memref<1040xf32, #tpu.memory_space<vmem>>[vector<16xi32>], vector<16xf32>,
      %add3A_790 = arith.constant 33 : i32
      %add3A_791 = vector.broadcast %add3A_790 : i32 to vector<16xi32>
      %add3A_792 = arith.addi %mul3A_7, %add3A_791 : vector<16xi32>
      %gather3A_793 = tpu.vector_load_idx %arg7[%add3A_792] : memref<1040xf32, #tpu.memory_space<vmem>>[vector<16xi32>], vector<16xf32>,
      %add3A_794 = arith.constant 34 : i32
      %add3A_795 = vector.broadcast %add3A_794 : i32 to vector<16xi32>
      %add3A_796 = arith.addi %mul3A_7, %add3A_795 : vector<16xi32>
      %gather3A_797 = tpu.vector_load_idx %arg7[%add3A_796] : memref<1040xf32, #tpu.memory_space<vmem>>[vector<16xi32>], vector<16xf32>,
      %add3A_798 = arith.constant 35 : i32
      %add3A_799 = vector.broadcast %add3A_798 : i32 to vector<16xi32>
      %add3A_800 = arith.addi %mul3A_7, %add3A_799 : vector<16xi32>
      %gather3A_801 = tpu.vector_load_idx %arg7[%add3A_800] : memref<1040xf32, #tpu.memory_space<vmem>>[vector<16xi32>], vector<16xf32>,
      %add3A_802 = arith.constant 36 : i32
      %add3A_803 = vector.broadcast %add3A_802 : i32 to vector<16xi32>
      %add3A_804 = arith.addi %mul3A_7, %add3A_803 : vector<16xi32>
      %gather3A_805 = tpu.vector_load_idx %arg7[%add3A_804] : memref<1040xf32, #tpu.memory_space<vmem>>[vector<16xi32>], vector<16xf32>,
      %add3A_806 = arith.constant 37 : i32
      %add3A_807 = vector.broadcast %add3A_806 : i32 to vector<16xi32>
      %add3A_808 = arith.addi %mul3A_7, %add3A_807 : vector<16xi32>
      %gather3A_809 = tpu.vector_load_idx %arg7[%add3A_808] : memref<1040xf32, #tpu.memory_space<vmem>>[vector<16xi32>], vector<16xf32>,
      %add3A_810 = arith.constant 38 : i32
      %add3A_811 = vector.broadcast %add3A_810 : i32 to vector<16xi32>
      %add3A_812 = arith.addi %mul3A_7, %add3A_811 : vector<16xi32>
      %gather3A_813 = tpu.vector_load_idx %arg7[%add3A_812] : memref<1040xf32, #tpu.memory_space<vmem>>[vector<16xi32>], vector<16xf32>,
      %add3A_814 = arith.constant 39 : i32
      %add3A_815 = vector.broadcast %add3A_814 : i32 to vector<16xi32>
      %add3A_816 = arith.addi %mul3A_7, %add3A_815 : vector<16xi32>
      %gather3A_817 = tpu.vector_load_idx %arg7[%add3A_816] : memref<1040xf32, #tpu.memory_space<vmem>>[vector<16xi32>], vector<16xf32>,
      %max3A_818 = arith.maximumf %gather3A_789, %gather3A_793 : vector<16xf32>
      %max3A_819 = arith.maximumf %gather3A_797, %gather3A_801 : vector<16xf32>
      %max3A_820 = arith.maximumf %gather3A_805, %gather3A_809 : vector<16xf32>
      %max3A_821 = arith.maximumf %gather3A_813, %gather3A_817 : vector<16xf32>
      %min3A_822 = arith.minimumf %gather3A_789, %gather3A_793 : vector<16xf32>
      %min3A_823 = arith.minimumf %gather3A_797, %gather3A_801 : vector<16xf32>
      %min3A_824 = arith.minimumf %gather3A_805, %gather3A_809 : vector<16xf32>
      %min3A_825 = arith.minimumf %gather3A_813, %gather3A_817 : vector<16xf32>
      %max3A_826 = arith.maximumf %max3A_818, %max3A_819 : vector<16xf32>
      %min3A_827 = arith.minimumf %max3A_818, %max3A_819 : vector<16xf32>
      %max3A_828 = arith.maximumf %min3A_822, %min3A_823 : vector<16xf32>
      %max3A_829 = arith.maximumf %min3A_827, %max3A_828 : vector<16xf32>
      %max3A_830 = arith.maximumf %max3A_820, %max3A_821 : vector<16xf32>
      %min3A_831 = arith.minimumf %max3A_820, %max3A_821 : vector<16xf32>
      %max3A_832 = arith.maximumf %min3A_824, %min3A_825 : vector<16xf32>
      %max3A_833 = arith.maximumf %min3A_831, %max3A_832 : vector<16xf32>
      %max3A_834 = arith.maximumf %max3A_826, %max3A_830 : vector<16xf32>
      %min3A_835 = arith.minimumf %max3A_826, %max3A_830 : vector<16xf32>
      %max3A_836 = arith.maximumf %max3A_829, %max3A_833 : vector<16xf32>
      %max3A_837 = arith.maximumf %min3A_835, %max3A_836 : vector<16xf32>
      %neg3A_838 = arith.constant 0.000000e+00 : f32
      %neg3A_839 = vector.broadcast %neg3A_838 : f32 to vector<16xf32>
      %neg3A_840 = arith.subf %neg3A_839, %max3A_834 : vector<16xf32>
      %exp3A_841 = math.exp %neg3A_840 : vector<16xf32>
      %add3A_842 = arith.constant 1.000000e+00 : f32
      %add3A_843 = vector.broadcast %add3A_842 : f32 to vector<16xf32>
      %add3A_844 = arith.addf %add3A_843, %exp3A_841 : vector<16xf32>
      %div3A_845 = arith.constant 1.000000e+00 : f32
      %div3A_846 = vector.broadcast %div3A_845 : f32 to vector<16xf32>
      %div3A_847 = arith.divf %div3A_846, %add3A_844 : vector<16xf32>
      %neg3A_848 = arith.constant 0.000000e+00 : f32
      %neg3A_849 = vector.broadcast %neg3A_848 : f32 to vector<16xf32>
      %neg3A_850 = arith.subf %neg3A_849, %max3A_837 : vector<16xf32>
      %exp3A_851 = math.exp %neg3A_850 : vector<16xf32>
      %add3A_852 = arith.constant 1.000000e+00 : f32
      %add3A_853 = vector.broadcast %add3A_852 : f32 to vector<16xf32>
      %add3A_854 = arith.addf %add3A_853, %exp3A_851 : vector<16xf32>
      %div3A_855 = arith.constant 1.000000e+00 : f32
      %div3A_856 = vector.broadcast %div3A_855 : f32 to vector<16xf32>
      %div3A_857 = arith.divf %div3A_856, %add3A_854 : vector<16xf32>
      %add3A_858 = arith.addf %div3A_847, %div3A_857 : vector<16xf32>
      %add3A_859 = arith.constant 40 : i32
      %add3A_860 = vector.broadcast %add3A_859 : i32 to vector<16xi32>
      %add3A_861 = arith.addi %mul3A_7, %add3A_860 : vector<16xi32>
      %gather3A_862 = tpu.vector_load_idx %arg7[%add3A_861] : memref<1040xf32, #tpu.memory_space<vmem>>[vector<16xi32>], vector<16xf32>,
      %add3A_863 = arith.constant 41 : i32
      %add3A_864 = vector.broadcast %add3A_863 : i32 to vector<16xi32>
      %add3A_865 = arith.addi %mul3A_7, %add3A_864 : vector<16xi32>
      %gather3A_866 = tpu.vector_load_idx %arg7[%add3A_865] : memref<1040xf32, #tpu.memory_space<vmem>>[vector<16xi32>], vector<16xf32>,
      %add3A_867 = arith.constant 42 : i32
      %add3A_868 = vector.broadcast %add3A_867 : i32 to vector<16xi32>
      %add3A_869 = arith.addi %mul3A_7, %add3A_868 : vector<16xi32>
      %gather3A_870 = tpu.vector_load_idx %arg7[%add3A_869] : memref<1040xf32, #tpu.memory_space<vmem>>[vector<16xi32>], vector<16xf32>,
      %add3A_871 = arith.constant 43 : i32
      %add3A_872 = vector.broadcast %add3A_871 : i32 to vector<16xi32>
      %add3A_873 = arith.addi %mul3A_7, %add3A_872 : vector<16xi32>
      %gather3A_874 = tpu.vector_load_idx %arg7[%add3A_873] : memref<1040xf32, #tpu.memory_space<vmem>>[vector<16xi32>], vector<16xf32>,
      %add3A_875 = arith.constant 44 : i32
      %add3A_876 = vector.broadcast %add3A_875 : i32 to vector<16xi32>
      %add3A_877 = arith.addi %mul3A_7, %add3A_876 : vector<16xi32>
      %gather3A_878 = tpu.vector_load_idx %arg7[%add3A_877] : memref<1040xf32, #tpu.memory_space<vmem>>[vector<16xi32>], vector<16xf32>,
      %add3A_879 = arith.constant 45 : i32
      %add3A_880 = vector.broadcast %add3A_879 : i32 to vector<16xi32>
      %add3A_881 = arith.addi %mul3A_7, %add3A_880 : vector<16xi32>
      %gather3A_882 = tpu.vector_load_idx %arg7[%add3A_881] : memref<1040xf32, #tpu.memory_space<vmem>>[vector<16xi32>], vector<16xf32>,
      %add3A_883 = arith.constant 46 : i32
      %add3A_884 = vector.broadcast %add3A_883 : i32 to vector<16xi32>
      %add3A_885 = arith.addi %mul3A_7, %add3A_884 : vector<16xi32>
      %gather3A_886 = tpu.vector_load_idx %arg7[%add3A_885] : memref<1040xf32, #tpu.memory_space<vmem>>[vector<16xi32>], vector<16xf32>,
      %add3A_887 = arith.constant 47 : i32
      %add3A_888 = vector.broadcast %add3A_887 : i32 to vector<16xi32>
      %add3A_889 = arith.addi %mul3A_7, %add3A_888 : vector<16xi32>
      %gather3A_890 = tpu.vector_load_idx %arg7[%add3A_889] : memref<1040xf32, #tpu.memory_space<vmem>>[vector<16xi32>], vector<16xf32>,
      %max3A_891 = arith.maximumf %gather3A_862, %gather3A_866 : vector<16xf32>
      %max3A_892 = arith.maximumf %gather3A_870, %gather3A_874 : vector<16xf32>
      %max3A_893 = arith.maximumf %gather3A_878, %gather3A_882 : vector<16xf32>
      %max3A_894 = arith.maximumf %gather3A_886, %gather3A_890 : vector<16xf32>
      %min3A_895 = arith.minimumf %gather3A_862, %gather3A_866 : vector<16xf32>
      %min3A_896 = arith.minimumf %gather3A_870, %gather3A_874 : vector<16xf32>
      %min3A_897 = arith.minimumf %gather3A_878, %gather3A_882 : vector<16xf32>
      %min3A_898 = arith.minimumf %gather3A_886, %gather3A_890 : vector<16xf32>
      %max3A_899 = arith.maximumf %max3A_891, %max3A_892 : vector<16xf32>
      %min3A_900 = arith.minimumf %max3A_891, %max3A_892 : vector<16xf32>
      %max3A_901 = arith.maximumf %min3A_895, %min3A_896 : vector<16xf32>
      %max3A_902 = arith.maximumf %min3A_900, %max3A_901 : vector<16xf32>
      %max3A_903 = arith.maximumf %max3A_893, %max3A_894 : vector<16xf32>
      %min3A_904 = arith.minimumf %max3A_893, %max3A_894 : vector<16xf32>
      %max3A_905 = arith.maximumf %min3A_897, %min3A_898 : vector<16xf32>
      %max3A_906 = arith.maximumf %min3A_904, %max3A_905 : vector<16xf32>
      %max3A_907 = arith.maximumf %max3A_899, %max3A_903 : vector<16xf32>
      %min3A_908 = arith.minimumf %max3A_899, %max3A_903 : vector<16xf32>
      %max3A_909 = arith.maximumf %max3A_902, %max3A_906 : vector<16xf32>
      %max3A_910 = arith.maximumf %min3A_908, %max3A_909 : vector<16xf32>
      %neg3A_911 = arith.constant 0.000000e+00 : f32
      %neg3A_912 = vector.broadcast %neg3A_911 : f32 to vector<16xf32>
      %neg3A_913 = arith.subf %neg3A_912, %max3A_907 : vector<16xf32>
      %exp3A_914 = math.exp %neg3A_913 : vector<16xf32>
      %add3A_915 = arith.constant 1.000000e+00 : f32
      %add3A_916 = vector.broadcast %add3A_915 : f32 to vector<16xf32>
      %add3A_917 = arith.addf %add3A_916, %exp3A_914 : vector<16xf32>
      %div3A_918 = arith.constant 1.000000e+00 : f32
      %div3A_919 = vector.broadcast %div3A_918 : f32 to vector<16xf32>
      %div3A_920 = arith.divf %div3A_919, %add3A_917 : vector<16xf32>
      %neg3A_921 = arith.constant 0.000000e+00 : f32
      %neg3A_922 = vector.broadcast %neg3A_921 : f32 to vector<16xf32>
      %neg3A_923 = arith.subf %neg3A_922, %max3A_910 : vector<16xf32>
      %exp3A_924 = math.exp %neg3A_923 : vector<16xf32>
      %add3A_925 = arith.constant 1.000000e+00 : f32
      %add3A_926 = vector.broadcast %add3A_925 : f32 to vector<16xf32>
      %add3A_927 = arith.addf %add3A_926, %exp3A_924 : vector<16xf32>
      %div3A_928 = arith.constant 1.000000e+00 : f32
      %div3A_929 = vector.broadcast %div3A_928 : f32 to vector<16xf32>
      %div3A_930 = arith.divf %div3A_929, %add3A_927 : vector<16xf32>
      %add3A_931 = arith.addf %div3A_920, %div3A_930 : vector<16xf32>
      %add3A_932 = arith.constant 48 : i32
      %add3A_933 = vector.broadcast %add3A_932 : i32 to vector<16xi32>
      %add3A_934 = arith.addi %mul3A_7, %add3A_933 : vector<16xi32>
      %gather3A_935 = tpu.vector_load_idx %arg7[%add3A_934] : memref<1040xf32, #tpu.memory_space<vmem>>[vector<16xi32>], vector<16xf32>,
      %add3A_936 = arith.constant 49 : i32
      %add3A_937 = vector.broadcast %add3A_936 : i32 to vector<16xi32>
      %add3A_938 = arith.addi %mul3A_7, %add3A_937 : vector<16xi32>
      %gather3A_939 = tpu.vector_load_idx %arg7[%add3A_938] : memref<1040xf32, #tpu.memory_space<vmem>>[vector<16xi32>], vector<16xf32>,
      %add3A_940 = arith.constant 50 : i32
      %add3A_941 = vector.broadcast %add3A_940 : i32 to vector<16xi32>
      %add3A_942 = arith.addi %mul3A_7, %add3A_941 : vector<16xi32>
      %gather3A_943 = tpu.vector_load_idx %arg7[%add3A_942] : memref<1040xf32, #tpu.memory_space<vmem>>[vector<16xi32>], vector<16xf32>,
      %add3A_944 = arith.constant 51 : i32
      %add3A_945 = vector.broadcast %add3A_944 : i32 to vector<16xi32>
      %add3A_946 = arith.addi %mul3A_7, %add3A_945 : vector<16xi32>
      %gather3A_947 = tpu.vector_load_idx %arg7[%add3A_946] : memref<1040xf32, #tpu.memory_space<vmem>>[vector<16xi32>], vector<16xf32>,
      %add3A_948 = arith.constant 52 : i32
      %add3A_949 = vector.broadcast %add3A_948 : i32 to vector<16xi32>
      %add3A_950 = arith.addi %mul3A_7, %add3A_949 : vector<16xi32>
      %gather3A_951 = tpu.vector_load_idx %arg7[%add3A_950] : memref<1040xf32, #tpu.memory_space<vmem>>[vector<16xi32>], vector<16xf32>,
      %add3A_952 = arith.constant 53 : i32
      %add3A_953 = vector.broadcast %add3A_952 : i32 to vector<16xi32>
      %add3A_954 = arith.addi %mul3A_7, %add3A_953 : vector<16xi32>
      %gather3A_955 = tpu.vector_load_idx %arg7[%add3A_954] : memref<1040xf32, #tpu.memory_space<vmem>>[vector<16xi32>], vector<16xf32>,
      %add3A_956 = arith.constant 54 : i32
      %add3A_957 = vector.broadcast %add3A_956 : i32 to vector<16xi32>
      %add3A_958 = arith.addi %mul3A_7, %add3A_957 : vector<16xi32>
      %gather3A_959 = tpu.vector_load_idx %arg7[%add3A_958] : memref<1040xf32, #tpu.memory_space<vmem>>[vector<16xi32>], vector<16xf32>,
      %add3A_960 = arith.constant 55 : i32
      %add3A_961 = vector.broadcast %add3A_960 : i32 to vector<16xi32>
      %add3A_962 = arith.addi %mul3A_7, %add3A_961 : vector<16xi32>
      %gather3A_963 = tpu.vector_load_idx %arg7[%add3A_962] : memref<1040xf32, #tpu.memory_space<vmem>>[vector<16xi32>], vector<16xf32>,
      %max3A_964 = arith.maximumf %gather3A_935, %gather3A_939 : vector<16xf32>
      %max3A_965 = arith.maximumf %gather3A_943, %gather3A_947 : vector<16xf32>
      %max3A_966 = arith.maximumf %gather3A_951, %gather3A_955 : vector<16xf32>
      %max3A_967 = arith.maximumf %gather3A_959, %gather3A_963 : vector<16xf32>
      %min3A_968 = arith.minimumf %gather3A_935, %gather3A_939 : vector<16xf32>
      %min3A_969 = arith.minimumf %gather3A_943, %gather3A_947 : vector<16xf32>
      %min3A_970 = arith.minimumf %gather3A_951, %gather3A_955 : vector<16xf32>
      %min3A_971 = arith.minimumf %gather3A_959, %gather3A_963 : vector<16xf32>
      %max3A_972 = arith.maximumf %max3A_964, %max3A_965 : vector<16xf32>
      %min3A_973 = arith.minimumf %max3A_964, %max3A_965 : vector<16xf32>
      %max3A_974 = arith.maximumf %min3A_968, %min3A_969 : vector<16xf32>
      %max3A_975 = arith.maximumf %min3A_973, %max3A_974 : vector<16xf32>
      %max3A_976 = arith.maximumf %max3A_966, %max3A_967 : vector<16xf32>
      %min3A_977 = arith.minimumf %max3A_966, %max3A_967 : vector<16xf32>
      %max3A_978 = arith.maximumf %min3A_970, %min3A_971 : vector<16xf32>
      %max3A_979 = arith.maximumf %min3A_977, %max3A_978 : vector<16xf32>
      %max3A_980 = arith.maximumf %max3A_972, %max3A_976 : vector<16xf32>
      %min3A_981 = arith.minimumf %max3A_972, %max3A_976 : vector<16xf32>
      %max3A_982 = arith.maximumf %max3A_975, %max3A_979 : vector<16xf32>
      %max3A_983 = arith.maximumf %min3A_981, %max3A_982 : vector<16xf32>
      %neg3A_984 = arith.constant 0.000000e+00 : f32
      %neg3A_985 = vector.broadcast %neg3A_984 : f32 to vector<16xf32>
      %neg3A_986 = arith.subf %neg3A_985, %max3A_980 : vector<16xf32>
      %exp3A_987 = math.exp %neg3A_986 : vector<16xf32>
      %add3A_988 = arith.constant 1.000000e+00 : f32
      %add3A_989 = vector.broadcast %add3A_988 : f32 to vector<16xf32>
      %add3A_990 = arith.addf %add3A_989, %exp3A_987 : vector<16xf32>
      %div3A_991 = arith.constant 1.000000e+00 : f32
      %div3A_992 = vector.broadcast %div3A_991 : f32 to vector<16xf32>
      %div3A_993 = arith.divf %div3A_992, %add3A_990 : vector<16xf32>
      %neg3A_994 = arith.constant 0.000000e+00 : f32
      %neg3A_995 = vector.broadcast %neg3A_994 : f32 to vector<16xf32>
      %neg3A_996 = arith.subf %neg3A_995, %max3A_983 : vector<16xf32>
      %exp3A_997 = math.exp %neg3A_996 : vector<16xf32>
      %add3A_998 = arith.constant 1.000000e+00 : f32
      %add3A_999 = vector.broadcast %add3A_998 : f32 to vector<16xf32>
      %add3A_1000 = arith.addf %add3A_999, %exp3A_997 : vector<16xf32>
      %div3A_1001 = arith.constant 1.000000e+00 : f32
      %div3A_1002 = vector.broadcast %div3A_1001 : f32 to vector<16xf32>
      %div3A_1003 = arith.divf %div3A_1002, %add3A_1000 : vector<16xf32>
      %add3A_1004 = arith.addf %div3A_993, %div3A_1003 : vector<16xf32>
      %add3A_1005 = arith.constant 56 : i32
      %add3A_1006 = vector.broadcast %add3A_1005 : i32 to vector<16xi32>
      %add3A_1007 = arith.addi %mul3A_7, %add3A_1006 : vector<16xi32>
      %gather3A_1008 = tpu.vector_load_idx %arg7[%add3A_1007] : memref<1040xf32, #tpu.memory_space<vmem>>[vector<16xi32>], vector<16xf32>,
      %add3A_1009 = arith.constant 57 : i32
      %add3A_1010 = vector.broadcast %add3A_1009 : i32 to vector<16xi32>
      %add3A_1011 = arith.addi %mul3A_7, %add3A_1010 : vector<16xi32>
      %gather3A_1012 = tpu.vector_load_idx %arg7[%add3A_1011] : memref<1040xf32, #tpu.memory_space<vmem>>[vector<16xi32>], vector<16xf32>,
      %add3A_1013 = arith.constant 58 : i32
      %add3A_1014 = vector.broadcast %add3A_1013 : i32 to vector<16xi32>
      %add3A_1015 = arith.addi %mul3A_7, %add3A_1014 : vector<16xi32>
      %gather3A_1016 = tpu.vector_load_idx %arg7[%add3A_1015] : memref<1040xf32, #tpu.memory_space<vmem>>[vector<16xi32>], vector<16xf32>,
      %add3A_1017 = arith.constant 59 : i32
      %add3A_1018 = vector.broadcast %add3A_1017 : i32 to vector<16xi32>
      %add3A_1019 = arith.addi %mul3A_7, %add3A_1018 : vector<16xi32>
      %gather3A_1020 = tpu.vector_load_idx %arg7[%add3A_1019] : memref<1040xf32, #tpu.memory_space<vmem>>[vector<16xi32>], vector<16xf32>,
      %add3A_1021 = arith.constant 60 : i32
      %add3A_1022 = vector.broadcast %add3A_1021 : i32 to vector<16xi32>
      %add3A_1023 = arith.addi %mul3A_7, %add3A_1022 : vector<16xi32>
      %gather3A_1024 = tpu.vector_load_idx %arg7[%add3A_1023] : memref<1040xf32, #tpu.memory_space<vmem>>[vector<16xi32>], vector<16xf32>,
      %add3A_1025 = arith.constant 61 : i32
      %add3A_1026 = vector.broadcast %add3A_1025 : i32 to vector<16xi32>
      %add3A_1027 = arith.addi %mul3A_7, %add3A_1026 : vector<16xi32>
      %gather3A_1028 = tpu.vector_load_idx %arg7[%add3A_1027] : memref<1040xf32, #tpu.memory_space<vmem>>[vector<16xi32>], vector<16xf32>,
      %add3A_1029 = arith.constant 62 : i32
      %add3A_1030 = vector.broadcast %add3A_1029 : i32 to vector<16xi32>
      %add3A_1031 = arith.addi %mul3A_7, %add3A_1030 : vector<16xi32>
      %gather3A_1032 = tpu.vector_load_idx %arg7[%add3A_1031] : memref<1040xf32, #tpu.memory_space<vmem>>[vector<16xi32>], vector<16xf32>,
      %add3A_1033 = arith.constant 63 : i32
      %add3A_1034 = vector.broadcast %add3A_1033 : i32 to vector<16xi32>
      %add3A_1035 = arith.addi %mul3A_7, %add3A_1034 : vector<16xi32>
      %gather3A_1036 = tpu.vector_load_idx %arg7[%add3A_1035] : memref<1040xf32, #tpu.memory_space<vmem>>[vector<16xi32>], vector<16xf32>,
      %max3A_1037 = arith.maximumf %gather3A_1008, %gather3A_1012 : vector<16xf32>
      %max3A_1038 = arith.maximumf %gather3A_1016, %gather3A_1020 : vector<16xf32>
      %max3A_1039 = arith.maximumf %gather3A_1024, %gather3A_1028 : vector<16xf32>
      %max3A_1040 = arith.maximumf %gather3A_1032, %gather3A_1036 : vector<16xf32>
      %min3A_1041 = arith.minimumf %gather3A_1008, %gather3A_1012 : vector<16xf32>
      %min3A_1042 = arith.minimumf %gather3A_1016, %gather3A_1020 : vector<16xf32>
      %min3A_1043 = arith.minimumf %gather3A_1024, %gather3A_1028 : vector<16xf32>
      %min3A_1044 = arith.minimumf %gather3A_1032, %gather3A_1036 : vector<16xf32>
      %max3A_1045 = arith.maximumf %max3A_1037, %max3A_1038 : vector<16xf32>
      %min3A_1046 = arith.minimumf %max3A_1037, %max3A_1038 : vector<16xf32>
      %max3A_1047 = arith.maximumf %min3A_1041, %min3A_1042 : vector<16xf32>
      %max3A_1048 = arith.maximumf %min3A_1046, %max3A_1047 : vector<16xf32>
      %max3A_1049 = arith.maximumf %max3A_1039, %max3A_1040 : vector<16xf32>
      %min3A_1050 = arith.minimumf %max3A_1039, %max3A_1040 : vector<16xf32>
      %max3A_1051 = arith.maximumf %min3A_1043, %min3A_1044 : vector<16xf32>
      %max3A_1052 = arith.maximumf %min3A_1050, %max3A_1051 : vector<16xf32>
      %max3A_1053 = arith.maximumf %max3A_1045, %max3A_1049 : vector<16xf32>
      %min3A_1054 = arith.minimumf %max3A_1045, %max3A_1049 : vector<16xf32>
      %max3A_1055 = arith.maximumf %max3A_1048, %max3A_1052 : vector<16xf32>
      %max3A_1056 = arith.maximumf %min3A_1054, %max3A_1055 : vector<16xf32>
      %neg3A_1057 = arith.constant 0.000000e+00 : f32
      %neg3A_1058 = vector.broadcast %neg3A_1057 : f32 to vector<16xf32>
      %neg3A_1059 = arith.subf %neg3A_1058, %max3A_1053 : vector<16xf32>
      %exp3A_1060 = math.exp %neg3A_1059 : vector<16xf32>
      %add3A_1061 = arith.constant 1.000000e+00 : f32
      %add3A_1062 = vector.broadcast %add3A_1061 : f32 to vector<16xf32>
      %add3A_1063 = arith.addf %add3A_1062, %exp3A_1060 : vector<16xf32>
      %div3A_1064 = arith.constant 1.000000e+00 : f32
      %div3A_1065 = vector.broadcast %div3A_1064 : f32 to vector<16xf32>
      %div3A_1066 = arith.divf %div3A_1065, %add3A_1063 : vector<16xf32>
      %neg3A_1067 = arith.constant 0.000000e+00 : f32
      %neg3A_1068 = vector.broadcast %neg3A_1067 : f32 to vector<16xf32>
      %neg3A_1069 = arith.subf %neg3A_1068, %max3A_1056 : vector<16xf32>
      %exp3A_1070 = math.exp %neg3A_1069 : vector<16xf32>
      %add3A_1071 = arith.constant 1.000000e+00 : f32
      %add3A_1072 = vector.broadcast %add3A_1071 : f32 to vector<16xf32>
      %add3A_1073 = arith.addf %add3A_1072, %exp3A_1070 : vector<16xf32>
      %div3A_1074 = arith.constant 1.000000e+00 : f32
      %div3A_1075 = vector.broadcast %div3A_1074 : f32 to vector<16xf32>
      %div3A_1076 = arith.divf %div3A_1075, %add3A_1073 : vector<16xf32>
      %add3A_1077 = arith.addf %div3A_1066, %div3A_1076 : vector<16xf32>
      %gt3A = arith.cmpf ogt, %add3A_639, %add3A_566 : vector<16xf32>
      %convert_element_type3A = arith.extui %gt3A : vector<16xi1> to vector<16xi32>
      %gt3A_1078 = arith.cmpf ogt, %add3A_712, %add3A_566 : vector<16xf32>
      %convert_element_type3A_1079 = arith.extui %gt3A_1078 : vector<16xi1> to vector<16xi32>
      %gt3A_1080 = arith.cmpf ogt, %add3A_785, %add3A_566 : vector<16xf32>
      %convert_element_type3A_1081 = arith.extui %gt3A_1080 : vector<16xi1> to vector<16xi32>
      %gt3A_1082 = arith.cmpf ogt, %add3A_858, %add3A_566 : vector<16xf32>
      %convert_element_type3A_1083 = arith.extui %gt3A_1082 : vector<16xi1> to vector<16xi32>
      %gt3A_1084 = arith.cmpf ogt, %add3A_931, %add3A_566 : vector<16xf32>
      %convert_element_type3A_1085 = arith.extui %gt3A_1084 : vector<16xi1> to vector<16xi32>
      %gt3A_1086 = arith.cmpf ogt, %add3A_1004, %add3A_566 : vector<16xf32>
      %convert_element_type3A_1087 = arith.extui %gt3A_1086 : vector<16xi1> to vector<16xi32>
      %gt3A_1088 = arith.cmpf ogt, %add3A_1077, %add3A_566 : vector<16xf32>
      %convert_element_type3A_1089 = arith.extui %gt3A_1088 : vector<16xi1> to vector<16xi32>
      %add3A_1090 = arith.addi %convert_element_type3A, %convert_element_type3A_1079 : vector<16xi32>
      %add3A_1091 = arith.addi %convert_element_type3A_1081, %convert_element_type3A_1083 : vector<16xi32>
      %add3A_1092 = arith.addi %convert_element_type3A_1085, %convert_element_type3A_1087 : vector<16xi32>
      %add3A_1093 = arith.addi %add3A_1090, %add3A_1091 : vector<16xi32>
      %add3A_1094 = arith.addi %add3A_1092, %convert_element_type3A_1089 : vector<16xi32>
      %add3A_1095 = arith.addi %add3A_1093, %add3A_1094 : vector<16xi32>
      %lt3A = arith.constant 4 : i32
      %lt3A_1096 = vector.broadcast %lt3A : i32 to vector<16xi32>
      %lt3A_1097 = arith.cmpi slt, %add3A_1095, %lt3A_1096 : vector<16xi32>
      %ge3A = arith.cmpf oge, %add3A_566, %add3A_639 : vector<16xf32>
      %convert_element_type3A_1098 = arith.extui %ge3A : vector<16xi1> to vector<16xi32>
      %gt3A_1099 = arith.cmpf ogt, %add3A_712, %add3A_639 : vector<16xf32>
      %convert_element_type3A_1100 = arith.extui %gt3A_1099 : vector<16xi1> to vector<16xi32>
      %gt3A_1101 = arith.cmpf ogt, %add3A_785, %add3A_639 : vector<16xf32>
      %convert_element_type3A_1102 = arith.extui %gt3A_1101 : vector<16xi1> to vector<16xi32>
      %gt3A_1103 = arith.cmpf ogt, %add3A_858, %add3A_639 : vector<16xf32>
      %convert_element_type3A_1104 = arith.extui %gt3A_1103 : vector<16xi1> to vector<16xi32>
      %gt3A_1105 = arith.cmpf ogt, %add3A_931, %add3A_639 : vector<16xf32>
      %convert_element_type3A_1106 = arith.extui %gt3A_1105 : vector<16xi1> to vector<16xi32>
      %gt3A_1107 = arith.cmpf ogt, %add3A_1004, %add3A_639 : vector<16xf32>
      %convert_element_type3A_1108 = arith.extui %gt3A_1107 : vector<16xi1> to vector<16xi32>
      %gt3A_1109 = arith.cmpf ogt, %add3A_1077, %add3A_639 : vector<16xf32>
      %convert_element_type3A_1110 = arith.extui %gt3A_1109 : vector<16xi1> to vector<16xi32>
      %add3A_1111 = arith.addi %convert_element_type3A_1098, %convert_element_type3A_1100 : vector<16xi32>
      %add3A_1112 = arith.addi %convert_element_type3A_1102, %convert_element_type3A_1104 : vector<16xi32>
      %add3A_1113 = arith.addi %convert_element_type3A_1106, %convert_element_type3A_1108 : vector<16xi32>
      %add3A_1114 = arith.addi %add3A_1111, %add3A_1112 : vector<16xi32>
      %add3A_1115 = arith.addi %add3A_1113, %convert_element_type3A_1110 : vector<16xi32>
      %add3A_1116 = arith.addi %add3A_1114, %add3A_1115 : vector<16xi32>
      %lt3A_1117 = arith.constant 4 : i32
      %lt3A_1118 = vector.broadcast %lt3A_1117 : i32 to vector<16xi32>
      %lt3A_1119 = arith.cmpi slt, %add3A_1116, %lt3A_1118 : vector<16xi32>
      %ge3A_1120 = arith.cmpf oge, %add3A_566, %add3A_712 : vector<16xf32>
      %convert_element_type3A_1121 = arith.extui %ge3A_1120 : vector<16xi1> to vector<16xi32>
      %ge3A_1122 = arith.cmpf oge, %add3A_639, %add3A_712 : vector<16xf32>
      %convert_element_type3A_1123 = arith.extui %ge3A_1122 : vector<16xi1> to vector<16xi32>
      %gt3A_1124 = arith.cmpf ogt, %add3A_785, %add3A_712 : vector<16xf32>
      %convert_element_type3A_1125 = arith.extui %gt3A_1124 : vector<16xi1> to vector<16xi32>
      %gt3A_1126 = arith.cmpf ogt, %add3A_858, %add3A_712 : vector<16xf32>
      %convert_element_type3A_1127 = arith.extui %gt3A_1126 : vector<16xi1> to vector<16xi32>
      %gt3A_1128 = arith.cmpf ogt, %add3A_931, %add3A_712 : vector<16xf32>
      %convert_element_type3A_1129 = arith.extui %gt3A_1128 : vector<16xi1> to vector<16xi32>
      %gt3A_1130 = arith.cmpf ogt, %add3A_1004, %add3A_712 : vector<16xf32>
      %convert_element_type3A_1131 = arith.extui %gt3A_1130 : vector<16xi1> to vector<16xi32>
      %gt3A_1132 = arith.cmpf ogt, %add3A_1077, %add3A_712 : vector<16xf32>
      %convert_element_type3A_1133 = arith.extui %gt3A_1132 : vector<16xi1> to vector<16xi32>
      %add3A_1134 = arith.addi %convert_element_type3A_1121, %convert_element_type3A_1123 : vector<16xi32>
      %add3A_1135 = arith.addi %convert_element_type3A_1125, %convert_element_type3A_1127 : vector<16xi32>
      %add3A_1136 = arith.addi %convert_element_type3A_1129, %convert_element_type3A_1131 : vector<16xi32>
      %add3A_1137 = arith.addi %add3A_1134, %add3A_1135 : vector<16xi32>
      %add3A_1138 = arith.addi %add3A_1136, %convert_element_type3A_1133 : vector<16xi32>
      %add3A_1139 = arith.addi %add3A_1137, %add3A_1138 : vector<16xi32>
      %lt3A_1140 = arith.constant 4 : i32
      %lt3A_1141 = vector.broadcast %lt3A_1140 : i32 to vector<16xi32>
      %lt3A_1142 = arith.cmpi slt, %add3A_1139, %lt3A_1141 : vector<16xi32>
      %ge3A_1143 = arith.cmpf oge, %add3A_566, %add3A_785 : vector<16xf32>
      %convert_element_type3A_1144 = arith.extui %ge3A_1143 : vector<16xi1> to vector<16xi32>
      %ge3A_1145 = arith.cmpf oge, %add3A_639, %add3A_785 : vector<16xf32>
      %convert_element_type3A_1146 = arith.extui %ge3A_1145 : vector<16xi1> to vector<16xi32>
      %ge3A_1147 = arith.cmpf oge, %add3A_712, %add3A_785 : vector<16xf32>
      %convert_element_type3A_1148 = arith.extui %ge3A_1147 : vector<16xi1> to vector<16xi32>
      %gt3A_1149 = arith.cmpf ogt, %add3A_858, %add3A_785 : vector<16xf32>
      %convert_element_type3A_1150 = arith.extui %gt3A_1149 : vector<16xi1> to vector<16xi32>
      %gt3A_1151 = arith.cmpf ogt, %add3A_931, %add3A_785 : vector<16xf32>
      %convert_element_type3A_1152 = arith.extui %gt3A_1151 : vector<16xi1> to vector<16xi32>
      %gt3A_1153 = arith.cmpf ogt, %add3A_1004, %add3A_785 : vector<16xf32>
      %convert_element_type3A_1154 = arith.extui %gt3A_1153 : vector<16xi1> to vector<16xi32>
      %gt3A_1155 = arith.cmpf ogt, %add3A_1077, %add3A_785 : vector<16xf32>
      %convert_element_type3A_1156 = arith.extui %gt3A_1155 : vector<16xi1> to vector<16xi32>
      %add3A_1157 = arith.addi %convert_element_type3A_1144, %convert_element_type3A_1146 : vector<16xi32>
      %add3A_1158 = arith.addi %convert_element_type3A_1148, %convert_element_type3A_1150 : vector<16xi32>
      %add3A_1159 = arith.addi %convert_element_type3A_1152, %convert_element_type3A_1154 : vector<16xi32>
      %add3A_1160 = arith.addi %add3A_1157, %add3A_1158 : vector<16xi32>
      %add3A_1161 = arith.addi %add3A_1159, %convert_element_type3A_1156 : vector<16xi32>
      %add3A_1162 = arith.addi %add3A_1160, %add3A_1161 : vector<16xi32>
      %lt3A_1163 = arith.constant 4 : i32
      %lt3A_1164 = vector.broadcast %lt3A_1163 : i32 to vector<16xi32>
      %lt3A_1165 = arith.cmpi slt, %add3A_1162, %lt3A_1164 : vector<16xi32>
      %ge3A_1166 = arith.cmpf oge, %add3A_566, %add3A_858 : vector<16xf32>
      %convert_element_type3A_1167 = arith.extui %ge3A_1166 : vector<16xi1> to vector<16xi32>
      %ge3A_1168 = arith.cmpf oge, %add3A_639, %add3A_858 : vector<16xf32>
      %convert_element_type3A_1169 = arith.extui %ge3A_1168 : vector<16xi1> to vector<16xi32>
      %ge3A_1170 = arith.cmpf oge, %add3A_712, %add3A_858 : vector<16xf32>
      %convert_element_type3A_1171 = arith.extui %ge3A_1170 : vector<16xi1> to vector<16xi32>
      %ge3A_1172 = arith.cmpf oge, %add3A_785, %add3A_858 : vector<16xf32>
      %convert_element_type3A_1173 = arith.extui %ge3A_1172 : vector<16xi1> to vector<16xi32>
      %gt3A_1174 = arith.cmpf ogt, %add3A_931, %add3A_858 : vector<16xf32>
      %convert_element_type3A_1175 = arith.extui %gt3A_1174 : vector<16xi1> to vector<16xi32>
      %gt3A_1176 = arith.cmpf ogt, %add3A_1004, %add3A_858 : vector<16xf32>
      %convert_element_type3A_1177 = arith.extui %gt3A_1176 : vector<16xi1> to vector<16xi32>
      %gt3A_1178 = arith.cmpf ogt, %add3A_1077, %add3A_858 : vector<16xf32>
      %convert_element_type3A_1179 = arith.extui %gt3A_1178 : vector<16xi1> to vector<16xi32>
      %add3A_1180 = arith.addi %convert_element_type3A_1167, %convert_element_type3A_1169 : vector<16xi32>
      %add3A_1181 = arith.addi %convert_element_type3A_1171, %convert_element_type3A_1173 : vector<16xi32>
      %add3A_1182 = arith.addi %convert_element_type3A_1175, %convert_element_type3A_1177 : vector<16xi32>
      %add3A_1183 = arith.addi %add3A_1180, %add3A_1181 : vector<16xi32>
      %add3A_1184 = arith.addi %add3A_1182, %convert_element_type3A_1179 : vector<16xi32>
      %add3A_1185 = arith.addi %add3A_1183, %add3A_1184 : vector<16xi32>
      %lt3A_1186 = arith.constant 4 : i32
      %lt3A_1187 = vector.broadcast %lt3A_1186 : i32 to vector<16xi32>
      %lt3A_1188 = arith.cmpi slt, %add3A_1185, %lt3A_1187 : vector<16xi32>
      %ge3A_1189 = arith.cmpf oge, %add3A_566, %add3A_931 : vector<16xf32>
      %convert_element_type3A_1190 = arith.extui %ge3A_1189 : vector<16xi1> to vector<16xi32>
      %ge3A_1191 = arith.cmpf oge, %add3A_639, %add3A_931 : vector<16xf32>
      %convert_element_type3A_1192 = arith.extui %ge3A_1191 : vector<16xi1> to vector<16xi32>
      %ge3A_1193 = arith.cmpf oge, %add3A_712, %add3A_931 : vector<16xf32>
      %convert_element_type3A_1194 = arith.extui %ge3A_1193 : vector<16xi1> to vector<16xi32>
      %ge3A_1195 = arith.cmpf oge, %add3A_785, %add3A_931 : vector<16xf32>
      %convert_element_type3A_1196 = arith.extui %ge3A_1195 : vector<16xi1> to vector<16xi32>
      %ge3A_1197 = arith.cmpf oge, %add3A_858, %add3A_931 : vector<16xf32>
      %convert_element_type3A_1198 = arith.extui %ge3A_1197 : vector<16xi1> to vector<16xi32>
      %gt3A_1199 = arith.cmpf ogt, %add3A_1004, %add3A_931 : vector<16xf32>
      %convert_element_type3A_1200 = arith.extui %gt3A_1199 : vector<16xi1> to vector<16xi32>
      %gt3A_1201 = arith.cmpf ogt, %add3A_1077, %add3A_931 : vector<16xf32>
      %convert_element_type3A_1202 = arith.extui %gt3A_1201 : vector<16xi1> to vector<16xi32>
      %add3A_1203 = arith.addi %convert_element_type3A_1190, %convert_element_type3A_1192 : vector<16xi32>
      %add3A_1204 = arith.addi %convert_element_type3A_1194, %convert_element_type3A_1196 : vector<16xi32>
      %add3A_1205 = arith.addi %convert_element_type3A_1198, %convert_element_type3A_1200 : vector<16xi32>
      %add3A_1206 = arith.addi %add3A_1203, %add3A_1204 : vector<16xi32>
      %add3A_1207 = arith.addi %add3A_1205, %convert_element_type3A_1202 : vector<16xi32>
      %add3A_1208 = arith.addi %add3A_1206, %add3A_1207 : vector<16xi32>
      %lt3A_1209 = arith.constant 4 : i32
      %lt3A_1210 = vector.broadcast %lt3A_1209 : i32 to vector<16xi32>
      %lt3A_1211 = arith.cmpi slt, %add3A_1208, %lt3A_1210 : vector<16xi32>
      %ge3A_1212 = arith.cmpf oge, %add3A_566, %add3A_1004 : vector<16xf32>
      %convert_element_type3A_1213 = arith.extui %ge3A_1212 : vector<16xi1> to vector<16xi32>
      %ge3A_1214 = arith.cmpf oge, %add3A_639, %add3A_1004 : vector<16xf32>
      %convert_element_type3A_1215 = arith.extui %ge3A_1214 : vector<16xi1> to vector<16xi32>
      %ge3A_1216 = arith.cmpf oge, %add3A_712, %add3A_1004 : vector<16xf32>
      %convert_element_type3A_1217 = arith.extui %ge3A_1216 : vector<16xi1> to vector<16xi32>
      %ge3A_1218 = arith.cmpf oge, %add3A_785, %add3A_1004 : vector<16xf32>
      %convert_element_type3A_1219 = arith.extui %ge3A_1218 : vector<16xi1> to vector<16xi32>
      %ge3A_1220 = arith.cmpf oge, %add3A_858, %add3A_1004 : vector<16xf32>
      %convert_element_type3A_1221 = arith.extui %ge3A_1220 : vector<16xi1> to vector<16xi32>
      %ge3A_1222 = arith.cmpf oge, %add3A_931, %add3A_1004 : vector<16xf32>
      %convert_element_type3A_1223 = arith.extui %ge3A_1222 : vector<16xi1> to vector<16xi32>
      %gt3A_1224 = arith.cmpf ogt, %add3A_1077, %add3A_1004 : vector<16xf32>
      %convert_element_type3A_1225 = arith.extui %gt3A_1224 : vector<16xi1> to vector<16xi32>
      %add3A_1226 = arith.addi %convert_element_type3A_1213, %convert_element_type3A_1215 : vector<16xi32>
      %add3A_1227 = arith.addi %convert_element_type3A_1217, %convert_element_type3A_1219 : vector<16xi32>
      %add3A_1228 = arith.addi %convert_element_type3A_1221, %convert_element_type3A_1223 : vector<16xi32>
      %add3A_1229 = arith.addi %add3A_1226, %add3A_1227 : vector<16xi32>
      %add3A_1230 = arith.addi %add3A_1228, %convert_element_type3A_1225 : vector<16xi32>
      %add3A_1231 = arith.addi %add3A_1229, %add3A_1230 : vector<16xi32>
      %lt3A_1232 = arith.constant 4 : i32
      %lt3A_1233 = vector.broadcast %lt3A_1232 : i32 to vector<16xi32>
      %lt3A_1234 = arith.cmpi slt, %add3A_1231, %lt3A_1233 : vector<16xi32>
      %ge3A_1235 = arith.cmpf oge, %add3A_566, %add3A_1077 : vector<16xf32>
      %convert_element_type3A_1236 = arith.extui %ge3A_1235 : vector<16xi1> to vector<16xi32>
      %ge3A_1237 = arith.cmpf oge, %add3A_639, %add3A_1077 : vector<16xf32>
      %convert_element_type3A_1238 = arith.extui %ge3A_1237 : vector<16xi1> to vector<16xi32>
      %ge3A_1239 = arith.cmpf oge, %add3A_712, %add3A_1077 : vector<16xf32>
      %convert_element_type3A_1240 = arith.extui %ge3A_1239 : vector<16xi1> to vector<16xi32>
      %ge3A_1241 = arith.cmpf oge, %add3A_785, %add3A_1077 : vector<16xf32>
      %convert_element_type3A_1242 = arith.extui %ge3A_1241 : vector<16xi1> to vector<16xi32>
      %ge3A_1243 = arith.cmpf oge, %add3A_858, %add3A_1077 : vector<16xf32>
      %convert_element_type3A_1244 = arith.extui %ge3A_1243 : vector<16xi1> to vector<16xi32>
      %ge3A_1245 = arith.cmpf oge, %add3A_931, %add3A_1077 : vector<16xf32>
      %convert_element_type3A_1246 = arith.extui %ge3A_1245 : vector<16xi1> to vector<16xi32>
      %ge3A_1247 = arith.cmpf oge, %add3A_1004, %add3A_1077 : vector<16xf32>
      %convert_element_type3A_1248 = arith.extui %ge3A_1247 : vector<16xi1> to vector<16xi32>
      %add3A_1249 = arith.addi %convert_element_type3A_1236, %convert_element_type3A_1238 : vector<16xi32>
      %add3A_1250 = arith.addi %convert_element_type3A_1240, %convert_element_type3A_1242 : vector<16xi32>
      %add3A_1251 = arith.addi %convert_element_type3A_1244, %convert_element_type3A_1246 : vector<16xi32>
      %add3A_1252 = arith.addi %add3A_1249, %add3A_1250 : vector<16xi32>
      %add3A_1253 = arith.addi %add3A_1251, %convert_element_type3A_1248 : vector<16xi32>
      %add3A_1254 = arith.addi %add3A_1252, %add3A_1253 : vector<16xi32>
      %lt3A_1255 = arith.constant 4 : i32
      %lt3A_1256 = vector.broadcast %lt3A_1255 : i32 to vector<16xi32>
      %lt3A_1257 = arith.cmpi slt, %add3A_1254, %lt3A_1256 : vector<16xi32>
      %broadcast_in_dim3A = arith.constant 0 : i32
      %broadcast_in_dim3A_1258 = vector.broadcast %broadcast_in_dim3A : i32 to vector<16xi32>
      %broadcast_in_dim3A_1259 = arith.constant 0 : i32
      %broadcast_in_dim3A_1260 = vector.broadcast %broadcast_in_dim3A_1259 : i32 to vector<16xi32>
      %broadcast_in_dim3A_1261 = arith.constant 0 : i32
      %broadcast_in_dim3A_1262 = vector.broadcast %broadcast_in_dim3A_1261 : i32 to vector<16xi32>
      %broadcast_in_dim3A_1263 = arith.constant 0 : i32
      %broadcast_in_dim3A_1264 = vector.broadcast %broadcast_in_dim3A_1263 : i32 to vector<16xi32>
      %broadcast_in_dim3A_1265 = arith.constant 0 : i32
      %broadcast_in_dim3A_1266 = vector.broadcast %broadcast_in_dim3A_1265 : i32 to vector<16xi32>
      %eq3A = arith.constant 0 : i32
      %eq3A_1267 = vector.broadcast %eq3A : i32 to vector<16xi32>
      %eq3A_1268 = arith.cmpi eq, %broadcast_in_dim3A_1266, %eq3A_1267 : vector<16xi32>
      %and3A = arith.andi %lt3A_1097, %eq3A_1268 : vector<16xi1>
      %broadcast_in_dim3A_1269 = arith.constant 0 : i32
      %broadcast_in_dim3A_1270 = vector.broadcast %broadcast_in_dim3A_1269 : i32 to vector<16xi32>
      %select_n3A = arith.select %and3A, %broadcast_in_dim3A_1270, %broadcast_in_dim3A_1258 : vector<16xi1>, vector<16xi32>
      %eq3A_1271 = arith.constant 1 : i32
      %eq3A_1272 = vector.broadcast %eq3A_1271 : i32 to vector<16xi32>
      %eq3A_1273 = arith.cmpi eq, %broadcast_in_dim3A_1266, %eq3A_1272 : vector<16xi32>
      %and3A_1274 = arith.andi %lt3A_1097, %eq3A_1273 : vector<16xi1>
      %broadcast_in_dim3A_1275 = arith.constant 0 : i32
      %broadcast_in_dim3A_1276 = vector.broadcast %broadcast_in_dim3A_1275 : i32 to vector<16xi32>
      %select_n3A_1277 = arith.select %and3A_1274, %broadcast_in_dim3A_1276, %broadcast_in_dim3A_1260 : vector<16xi1>, vector<16xi32>
      %eq3A_1278 = arith.constant 2 : i32
      %eq3A_1279 = vector.broadcast %eq3A_1278 : i32 to vector<16xi32>
      %eq3A_1280 = arith.cmpi eq, %broadcast_in_dim3A_1266, %eq3A_1279 : vector<16xi32>
      %and3A_1281 = arith.andi %lt3A_1097, %eq3A_1280 : vector<16xi1>
      %broadcast_in_dim3A_1282 = arith.constant 0 : i32
      %broadcast_in_dim3A_1283 = vector.broadcast %broadcast_in_dim3A_1282 : i32 to vector<16xi32>
      %select_n3A_1284 = arith.select %and3A_1281, %broadcast_in_dim3A_1283, %broadcast_in_dim3A_1262 : vector<16xi1>, vector<16xi32>
      %eq3A_1285 = arith.constant 3 : i32
      %eq3A_1286 = vector.broadcast %eq3A_1285 : i32 to vector<16xi32>
      %eq3A_1287 = arith.cmpi eq, %broadcast_in_dim3A_1266, %eq3A_1286 : vector<16xi32>
      %and3A_1288 = arith.andi %lt3A_1097, %eq3A_1287 : vector<16xi1>
      %broadcast_in_dim3A_1289 = arith.constant 0 : i32
      %broadcast_in_dim3A_1290 = vector.broadcast %broadcast_in_dim3A_1289 : i32 to vector<16xi32>
      %select_n3A_1291 = arith.select %and3A_1288, %broadcast_in_dim3A_1290, %broadcast_in_dim3A_1264 : vector<16xi1>, vector<16xi32>
      %convert_element_type3A_1292 = arith.extui %lt3A_1097 : vector<16xi1> to vector<16xi32>
      %add3A_1293 = arith.addi %broadcast_in_dim3A_1266, %convert_element_type3A_1292 : vector<16xi32>
      %eq3A_1294 = arith.constant 0 : i32
      %eq3A_1295 = vector.broadcast %eq3A_1294 : i32 to vector<16xi32>
      %eq3A_1296 = arith.cmpi eq, %add3A_1293, %eq3A_1295 : vector<16xi32>
      %and3A_1297 = arith.andi %lt3A_1119, %eq3A_1296 : vector<16xi1>
      %broadcast_in_dim3A_1298 = arith.constant 1 : i32
      %broadcast_in_dim3A_1299 = vector.broadcast %broadcast_in_dim3A_1298 : i32 to vector<16xi32>
      %select_n3A_1300 = arith.select %and3A_1297, %broadcast_in_dim3A_1299, %select_n3A : vector<16xi1>, vector<16xi32>
      %eq3A_1301 = arith.constant 1 : i32
      %eq3A_1302 = vector.broadcast %eq3A_1301 : i32 to vector<16xi32>
      %eq3A_1303 = arith.cmpi eq, %add3A_1293, %eq3A_1302 : vector<16xi32>
      %and3A_1304 = arith.andi %lt3A_1119, %eq3A_1303 : vector<16xi1>
      %broadcast_in_dim3A_1305 = arith.constant 1 : i32
      %broadcast_in_dim3A_1306 = vector.broadcast %broadcast_in_dim3A_1305 : i32 to vector<16xi32>
      %select_n3A_1307 = arith.select %and3A_1304, %broadcast_in_dim3A_1306, %select_n3A_1277 : vector<16xi1>, vector<16xi32>
      %eq3A_1308 = arith.constant 2 : i32
      %eq3A_1309 = vector.broadcast %eq3A_1308 : i32 to vector<16xi32>
      %eq3A_1310 = arith.cmpi eq, %add3A_1293, %eq3A_1309 : vector<16xi32>
      %and3A_1311 = arith.andi %lt3A_1119, %eq3A_1310 : vector<16xi1>
      %broadcast_in_dim3A_1312 = arith.constant 1 : i32
      %broadcast_in_dim3A_1313 = vector.broadcast %broadcast_in_dim3A_1312 : i32 to vector<16xi32>
      %select_n3A_1314 = arith.select %and3A_1311, %broadcast_in_dim3A_1313, %select_n3A_1284 : vector<16xi1>, vector<16xi32>
      %eq3A_1315 = arith.constant 3 : i32
      %eq3A_1316 = vector.broadcast %eq3A_1315 : i32 to vector<16xi32>
      %eq3A_1317 = arith.cmpi eq, %add3A_1293, %eq3A_1316 : vector<16xi32>
      %and3A_1318 = arith.andi %lt3A_1119, %eq3A_1317 : vector<16xi1>
      %broadcast_in_dim3A_1319 = arith.constant 1 : i32
      %broadcast_in_dim3A_1320 = vector.broadcast %broadcast_in_dim3A_1319 : i32 to vector<16xi32>
      %select_n3A_1321 = arith.select %and3A_1318, %broadcast_in_dim3A_1320, %select_n3A_1291 : vector<16xi1>, vector<16xi32>
      %convert_element_type3A_1322 = arith.extui %lt3A_1119 : vector<16xi1> to vector<16xi32>
      %add3A_1323 = arith.addi %add3A_1293, %convert_element_type3A_1322 : vector<16xi32>
      %eq3A_1324 = arith.constant 0 : i32
      %eq3A_1325 = vector.broadcast %eq3A_1324 : i32 to vector<16xi32>
      %eq3A_1326 = arith.cmpi eq, %add3A_1323, %eq3A_1325 : vector<16xi32>
      %and3A_1327 = arith.andi %lt3A_1142, %eq3A_1326 : vector<16xi1>
      %broadcast_in_dim3A_1328 = arith.constant 2 : i32
      %broadcast_in_dim3A_1329 = vector.broadcast %broadcast_in_dim3A_1328 : i32 to vector<16xi32>
      %select_n3A_1330 = arith.select %and3A_1327, %broadcast_in_dim3A_1329, %select_n3A_1300 : vector<16xi1>, vector<16xi32>
      %eq3A_1331 = arith.constant 1 : i32
      %eq3A_1332 = vector.broadcast %eq3A_1331 : i32 to vector<16xi32>
      %eq3A_1333 = arith.cmpi eq, %add3A_1323, %eq3A_1332 : vector<16xi32>
      %and3A_1334 = arith.andi %lt3A_1142, %eq3A_1333 : vector<16xi1>
      %broadcast_in_dim3A_1335 = arith.constant 2 : i32
      %broadcast_in_dim3A_1336 = vector.broadcast %broadcast_in_dim3A_1335 : i32 to vector<16xi32>
      %select_n3A_1337 = arith.select %and3A_1334, %broadcast_in_dim3A_1336, %select_n3A_1307 : vector<16xi1>, vector<16xi32>
      %eq3A_1338 = arith.constant 2 : i32
      %eq3A_1339 = vector.broadcast %eq3A_1338 : i32 to vector<16xi32>
      %eq3A_1340 = arith.cmpi eq, %add3A_1323, %eq3A_1339 : vector<16xi32>
      %and3A_1341 = arith.andi %lt3A_1142, %eq3A_1340 : vector<16xi1>
      %broadcast_in_dim3A_1342 = arith.constant 2 : i32
      %broadcast_in_dim3A_1343 = vector.broadcast %broadcast_in_dim3A_1342 : i32 to vector<16xi32>
      %select_n3A_1344 = arith.select %and3A_1341, %broadcast_in_dim3A_1343, %select_n3A_1314 : vector<16xi1>, vector<16xi32>
      %eq3A_1345 = arith.constant 3 : i32
      %eq3A_1346 = vector.broadcast %eq3A_1345 : i32 to vector<16xi32>
      %eq3A_1347 = arith.cmpi eq, %add3A_1323, %eq3A_1346 : vector<16xi32>
      %and3A_1348 = arith.andi %lt3A_1142, %eq3A_1347 : vector<16xi1>
      %broadcast_in_dim3A_1349 = arith.constant 2 : i32
      %broadcast_in_dim3A_1350 = vector.broadcast %broadcast_in_dim3A_1349 : i32 to vector<16xi32>
      %select_n3A_1351 = arith.select %and3A_1348, %broadcast_in_dim3A_1350, %select_n3A_1321 : vector<16xi1>, vector<16xi32>
      %convert_element_type3A_1352 = arith.extui %lt3A_1142 : vector<16xi1> to vector<16xi32>
      %add3A_1353 = arith.addi %add3A_1323, %convert_element_type3A_1352 : vector<16xi32>
      %eq3A_1354 = arith.constant 0 : i32
      %eq3A_1355 = vector.broadcast %eq3A_1354 : i32 to vector<16xi32>
      %eq3A_1356 = arith.cmpi eq, %add3A_1353, %eq3A_1355 : vector<16xi32>
      %and3A_1357 = arith.andi %lt3A_1165, %eq3A_1356 : vector<16xi1>
      %broadcast_in_dim3A_1358 = arith.constant 3 : i32
      %broadcast_in_dim3A_1359 = vector.broadcast %broadcast_in_dim3A_1358 : i32 to vector<16xi32>
      %select_n3A_1360 = arith.select %and3A_1357, %broadcast_in_dim3A_1359, %select_n3A_1330 : vector<16xi1>, vector<16xi32>
      %eq3A_1361 = arith.constant 1 : i32
      %eq3A_1362 = vector.broadcast %eq3A_1361 : i32 to vector<16xi32>
      %eq3A_1363 = arith.cmpi eq, %add3A_1353, %eq3A_1362 : vector<16xi32>
      %and3A_1364 = arith.andi %lt3A_1165, %eq3A_1363 : vector<16xi1>
      %broadcast_in_dim3A_1365 = arith.constant 3 : i32
      %broadcast_in_dim3A_1366 = vector.broadcast %broadcast_in_dim3A_1365 : i32 to vector<16xi32>
      %select_n3A_1367 = arith.select %and3A_1364, %broadcast_in_dim3A_1366, %select_n3A_1337 : vector<16xi1>, vector<16xi32>
      %eq3A_1368 = arith.constant 2 : i32
      %eq3A_1369 = vector.broadcast %eq3A_1368 : i32 to vector<16xi32>
      %eq3A_1370 = arith.cmpi eq, %add3A_1353, %eq3A_1369 : vector<16xi32>
      %and3A_1371 = arith.andi %lt3A_1165, %eq3A_1370 : vector<16xi1>
      %broadcast_in_dim3A_1372 = arith.constant 3 : i32
      %broadcast_in_dim3A_1373 = vector.broadcast %broadcast_in_dim3A_1372 : i32 to vector<16xi32>
      %select_n3A_1374 = arith.select %and3A_1371, %broadcast_in_dim3A_1373, %select_n3A_1344 : vector<16xi1>, vector<16xi32>
      %eq3A_1375 = arith.constant 3 : i32
      %eq3A_1376 = vector.broadcast %eq3A_1375 : i32 to vector<16xi32>
      %eq3A_1377 = arith.cmpi eq, %add3A_1353, %eq3A_1376 : vector<16xi32>
      %and3A_1378 = arith.andi %lt3A_1165, %eq3A_1377 : vector<16xi1>
      %broadcast_in_dim3A_1379 = arith.constant 3 : i32
      %broadcast_in_dim3A_1380 = vector.broadcast %broadcast_in_dim3A_1379 : i32 to vector<16xi32>
      %select_n3A_1381 = arith.select %and3A_1378, %broadcast_in_dim3A_1380, %select_n3A_1351 : vector<16xi1>, vector<16xi32>
      %convert_element_type3A_1382 = arith.extui %lt3A_1165 : vector<16xi1> to vector<16xi32>
      %add3A_1383 = arith.addi %add3A_1353, %convert_element_type3A_1382 : vector<16xi32>
      %eq3A_1384 = arith.constant 0 : i32
      %eq3A_1385 = vector.broadcast %eq3A_1384 : i32 to vector<16xi32>
      %eq3A_1386 = arith.cmpi eq, %add3A_1383, %eq3A_1385 : vector<16xi32>
      %and3A_1387 = arith.andi %lt3A_1188, %eq3A_1386 : vector<16xi1>
      %broadcast_in_dim3A_1388 = arith.constant 4 : i32
      %broadcast_in_dim3A_1389 = vector.broadcast %broadcast_in_dim3A_1388 : i32 to vector<16xi32>
      %select_n3A_1390 = arith.select %and3A_1387, %broadcast_in_dim3A_1389, %select_n3A_1360 : vector<16xi1>, vector<16xi32>
      %eq3A_1391 = arith.constant 1 : i32
      %eq3A_1392 = vector.broadcast %eq3A_1391 : i32 to vector<16xi32>
      %eq3A_1393 = arith.cmpi eq, %add3A_1383, %eq3A_1392 : vector<16xi32>
      %and3A_1394 = arith.andi %lt3A_1188, %eq3A_1393 : vector<16xi1>
      %broadcast_in_dim3A_1395 = arith.constant 4 : i32
      %broadcast_in_dim3A_1396 = vector.broadcast %broadcast_in_dim3A_1395 : i32 to vector<16xi32>
      %select_n3A_1397 = arith.select %and3A_1394, %broadcast_in_dim3A_1396, %select_n3A_1367 : vector<16xi1>, vector<16xi32>
      %eq3A_1398 = arith.constant 2 : i32
      %eq3A_1399 = vector.broadcast %eq3A_1398 : i32 to vector<16xi32>
      %eq3A_1400 = arith.cmpi eq, %add3A_1383, %eq3A_1399 : vector<16xi32>
      %and3A_1401 = arith.andi %lt3A_1188, %eq3A_1400 : vector<16xi1>
      %broadcast_in_dim3A_1402 = arith.constant 4 : i32
      %broadcast_in_dim3A_1403 = vector.broadcast %broadcast_in_dim3A_1402 : i32 to vector<16xi32>
      %select_n3A_1404 = arith.select %and3A_1401, %broadcast_in_dim3A_1403, %select_n3A_1374 : vector<16xi1>, vector<16xi32>
      %eq3A_1405 = arith.constant 3 : i32
      %eq3A_1406 = vector.broadcast %eq3A_1405 : i32 to vector<16xi32>
      %eq3A_1407 = arith.cmpi eq, %add3A_1383, %eq3A_1406 : vector<16xi32>
      %and3A_1408 = arith.andi %lt3A_1188, %eq3A_1407 : vector<16xi1>
      %broadcast_in_dim3A_1409 = arith.constant 4 : i32
      %broadcast_in_dim3A_1410 = vector.broadcast %broadcast_in_dim3A_1409 : i32 to vector<16xi32>
      %select_n3A_1411 = arith.select %and3A_1408, %broadcast_in_dim3A_1410, %select_n3A_1381 : vector<16xi1>, vector<16xi32>
      %convert_element_type3A_1412 = arith.extui %lt3A_1188 : vector<16xi1> to vector<16xi32>
      %add3A_1413 = arith.addi %add3A_1383, %convert_element_type3A_1412 : vector<16xi32>
      %eq3A_1414 = arith.constant 0 : i32
      %eq3A_1415 = vector.broadcast %eq3A_1414 : i32 to vector<16xi32>
      %eq3A_1416 = arith.cmpi eq, %add3A_1413, %eq3A_1415 : vector<16xi32>
      %and3A_1417 = arith.andi %lt3A_1211, %eq3A_1416 : vector<16xi1>
      %broadcast_in_dim3A_1418 = arith.constant 5 : i32
      %broadcast_in_dim3A_1419 = vector.broadcast %broadcast_in_dim3A_1418 : i32 to vector<16xi32>
      %select_n3A_1420 = arith.select %and3A_1417, %broadcast_in_dim3A_1419, %select_n3A_1390 : vector<16xi1>, vector<16xi32>
      %eq3A_1421 = arith.constant 1 : i32
      %eq3A_1422 = vector.broadcast %eq3A_1421 : i32 to vector<16xi32>
      %eq3A_1423 = arith.cmpi eq, %add3A_1413, %eq3A_1422 : vector<16xi32>
      %and3A_1424 = arith.andi %lt3A_1211, %eq3A_1423 : vector<16xi1>
      %broadcast_in_dim3A_1425 = arith.constant 5 : i32
      %broadcast_in_dim3A_1426 = vector.broadcast %broadcast_in_dim3A_1425 : i32 to vector<16xi32>
      %select_n3A_1427 = arith.select %and3A_1424, %broadcast_in_dim3A_1426, %select_n3A_1397 : vector<16xi1>, vector<16xi32>
      %eq3A_1428 = arith.constant 2 : i32
      %eq3A_1429 = vector.broadcast %eq3A_1428 : i32 to vector<16xi32>
      %eq3A_1430 = arith.cmpi eq, %add3A_1413, %eq3A_1429 : vector<16xi32>
      %and3A_1431 = arith.andi %lt3A_1211, %eq3A_1430 : vector<16xi1>
      %broadcast_in_dim3A_1432 = arith.constant 5 : i32
      %broadcast_in_dim3A_1433 = vector.broadcast %broadcast_in_dim3A_1432 : i32 to vector<16xi32>
      %select_n3A_1434 = arith.select %and3A_1431, %broadcast_in_dim3A_1433, %select_n3A_1404 : vector<16xi1>, vector<16xi32>
      %eq3A_1435 = arith.constant 3 : i32
      %eq3A_1436 = vector.broadcast %eq3A_1435 : i32 to vector<16xi32>
      %eq3A_1437 = arith.cmpi eq, %add3A_1413, %eq3A_1436 : vector<16xi32>
      %and3A_1438 = arith.andi %lt3A_1211, %eq3A_1437 : vector<16xi1>
      %broadcast_in_dim3A_1439 = arith.constant 5 : i32
      %broadcast_in_dim3A_1440 = vector.broadcast %broadcast_in_dim3A_1439 : i32 to vector<16xi32>
      %select_n3A_1441 = arith.select %and3A_1438, %broadcast_in_dim3A_1440, %select_n3A_1411 : vector<16xi1>, vector<16xi32>
      %convert_element_type3A_1442 = arith.extui %lt3A_1211 : vector<16xi1> to vector<16xi32>
      %add3A_1443 = arith.addi %add3A_1413, %convert_element_type3A_1442 : vector<16xi32>
      %eq3A_1444 = arith.constant 0 : i32
      %eq3A_1445 = vector.broadcast %eq3A_1444 : i32 to vector<16xi32>
      %eq3A_1446 = arith.cmpi eq, %add3A_1443, %eq3A_1445 : vector<16xi32>
      %and3A_1447 = arith.andi %lt3A_1234, %eq3A_1446 : vector<16xi1>
      %broadcast_in_dim3A_1448 = arith.constant 6 : i32
      %broadcast_in_dim3A_1449 = vector.broadcast %broadcast_in_dim3A_1448 : i32 to vector<16xi32>
      %select_n3A_1450 = arith.select %and3A_1447, %broadcast_in_dim3A_1449, %select_n3A_1420 : vector<16xi1>, vector<16xi32>
      %eq3A_1451 = arith.constant 1 : i32
      %eq3A_1452 = vector.broadcast %eq3A_1451 : i32 to vector<16xi32>
      %eq3A_1453 = arith.cmpi eq, %add3A_1443, %eq3A_1452 : vector<16xi32>
      %and3A_1454 = arith.andi %lt3A_1234, %eq3A_1453 : vector<16xi1>
      %broadcast_in_dim3A_1455 = arith.constant 6 : i32
      %broadcast_in_dim3A_1456 = vector.broadcast %broadcast_in_dim3A_1455 : i32 to vector<16xi32>
      %select_n3A_1457 = arith.select %and3A_1454, %broadcast_in_dim3A_1456, %select_n3A_1427 : vector<16xi1>, vector<16xi32>
      %eq3A_1458 = arith.constant 2 : i32
      %eq3A_1459 = vector.broadcast %eq3A_1458 : i32 to vector<16xi32>
      %eq3A_1460 = arith.cmpi eq, %add3A_1443, %eq3A_1459 : vector<16xi32>
      %and3A_1461 = arith.andi %lt3A_1234, %eq3A_1460 : vector<16xi1>
      %broadcast_in_dim3A_1462 = arith.constant 6 : i32
      %broadcast_in_dim3A_1463 = vector.broadcast %broadcast_in_dim3A_1462 : i32 to vector<16xi32>
      %select_n3A_1464 = arith.select %and3A_1461, %broadcast_in_dim3A_1463, %select_n3A_1434 : vector<16xi1>, vector<16xi32>
      %eq3A_1465 = arith.constant 3 : i32
      %eq3A_1466 = vector.broadcast %eq3A_1465 : i32 to vector<16xi32>
      %eq3A_1467 = arith.cmpi eq, %add3A_1443, %eq3A_1466 : vector<16xi32>
      %and3A_1468 = arith.andi %lt3A_1234, %eq3A_1467 : vector<16xi1>
      %broadcast_in_dim3A_1469 = arith.constant 6 : i32
      %broadcast_in_dim3A_1470 = vector.broadcast %broadcast_in_dim3A_1469 : i32 to vector<16xi32>
      %select_n3A_1471 = arith.select %and3A_1468, %broadcast_in_dim3A_1470, %select_n3A_1441 : vector<16xi1>, vector<16xi32>
      %convert_element_type3A_1472 = arith.extui %lt3A_1234 : vector<16xi1> to vector<16xi32>
      %add3A_1473 = arith.addi %add3A_1443, %convert_element_type3A_1472 : vector<16xi32>
      %eq3A_1474 = arith.constant 0 : i32
      %eq3A_1475 = vector.broadcast %eq3A_1474 : i32 to vector<16xi32>
      %eq3A_1476 = arith.cmpi eq, %add3A_1473, %eq3A_1475 : vector<16xi32>
      %and3A_1477 = arith.andi %lt3A_1257, %eq3A_1476 : vector<16xi1>
      %broadcast_in_dim3A_1478 = arith.constant 7 : i32
      %broadcast_in_dim3A_1479 = vector.broadcast %broadcast_in_dim3A_1478 : i32 to vector<16xi32>
      %select_n3A_1480 = arith.select %and3A_1477, %broadcast_in_dim3A_1479, %select_n3A_1450 : vector<16xi1>, vector<16xi32>
      %eq3A_1481 = arith.constant 1 : i32
      %eq3A_1482 = vector.broadcast %eq3A_1481 : i32 to vector<16xi32>
      %eq3A_1483 = arith.cmpi eq, %add3A_1473, %eq3A_1482 : vector<16xi32>
      %and3A_1484 = arith.andi %lt3A_1257, %eq3A_1483 : vector<16xi1>
      %broadcast_in_dim3A_1485 = arith.constant 7 : i32
      %broadcast_in_dim3A_1486 = vector.broadcast %broadcast_in_dim3A_1485 : i32 to vector<16xi32>
      %select_n3A_1487 = arith.select %and3A_1484, %broadcast_in_dim3A_1486, %select_n3A_1457 : vector<16xi1>, vector<16xi32>
      %eq3A_1488 = arith.constant 2 : i32
      %eq3A_1489 = vector.broadcast %eq3A_1488 : i32 to vector<16xi32>
      %eq3A_1490 = arith.cmpi eq, %add3A_1473, %eq3A_1489 : vector<16xi32>
      %and3A_1491 = arith.andi %lt3A_1257, %eq3A_1490 : vector<16xi1>
      %broadcast_in_dim3A_1492 = arith.constant 7 : i32
      %broadcast_in_dim3A_1493 = vector.broadcast %broadcast_in_dim3A_1492 : i32 to vector<16xi32>
      %select_n3A_1494 = arith.select %and3A_1491, %broadcast_in_dim3A_1493, %select_n3A_1464 : vector<16xi1>, vector<16xi32>
      %eq3A_1495 = arith.constant 3 : i32
      %eq3A_1496 = vector.broadcast %eq3A_1495 : i32 to vector<16xi32>
      %eq3A_1497 = arith.cmpi eq, %add3A_1473, %eq3A_1496 : vector<16xi32>
      %and3A_1498 = arith.andi %lt3A_1257, %eq3A_1497 : vector<16xi1>
      %broadcast_in_dim3A_1499 = arith.constant 7 : i32
      %broadcast_in_dim3A_1500 = vector.broadcast %broadcast_in_dim3A_1499 : i32 to vector<16xi32>
      %select_n3A_1501 = arith.select %and3A_1498, %broadcast_in_dim3A_1500, %select_n3A_1471 : vector<16xi1>, vector<16xi32>
      %convert_element_type3A_1502 = arith.extui %lt3A_1257 : vector<16xi1> to vector<16xi32>
      %add3A_1503 = arith.addi %add3A_1473, %convert_element_type3A_1502 : vector<16xi32>
      %shift_left3A = arith.constant 3 : i32
      %shift_left3A_1504 = vector.broadcast %shift_left3A : i32 to vector<16xi32>
      %shift_left3A_1505 = arith.shli %select_n3A_1480, %shift_left3A_1504 : vector<16xi32>
      %shift_left3A_1506 = arith.constant 3 : i32
      %shift_left3A_1507 = vector.broadcast %shift_left3A_1506 : i32 to vector<16xi32>
      %shift_left3A_1508 = arith.shli %select_n3A_1487, %shift_left3A_1507 : vector<16xi32>
      %shift_left3A_1509 = arith.constant 3 : i32
      %shift_left3A_1510 = vector.broadcast %shift_left3A_1509 : i32 to vector<16xi32>
      %shift_left3A_1511 = arith.shli %select_n3A_1494, %shift_left3A_1510 : vector<16xi32>
      %shift_left3A_1512 = arith.constant 3 : i32
      %shift_left3A_1513 = vector.broadcast %shift_left3A_1512 : i32 to vector<16xi32>
      %shift_left3A_1514 = arith.shli %select_n3A_1501, %shift_left3A_1513 : vector<16xi32>
      %add3A_1515 = arith.constant 0 : i32
      %add3A_1516 = vector.broadcast %add3A_1515 : i32 to vector<16xi32>
      %add3A_1517 = arith.addi %shift_left3A_1505, %add3A_1516 : vector<16xi32>
      %add3A_1518 = arith.addi %mul3A_7, %add3A_1517 : vector<16xi32>
      %gather3A_1519 = tpu.vector_load_idx %arg7[%add3A_1518] : memref<1040xf32, #tpu.memory_space<vmem>>[vector<16xi32>], vector<16xf32>,
      %add3A_1520 = arith.constant 1 : i32
      %add3A_1521 = vector.broadcast %add3A_1520 : i32 to vector<16xi32>
      %add3A_1522 = arith.addi %shift_left3A_1505, %add3A_1521 : vector<16xi32>
      %add3A_1523 = arith.addi %mul3A_7, %add3A_1522 : vector<16xi32>
      %gather3A_1524 = tpu.vector_load_idx %arg7[%add3A_1523] : memref<1040xf32, #tpu.memory_space<vmem>>[vector<16xi32>], vector<16xf32>,
      %add3A_1525 = arith.constant 2 : i32
      %add3A_1526 = vector.broadcast %add3A_1525 : i32 to vector<16xi32>
      %add3A_1527 = arith.addi %shift_left3A_1505, %add3A_1526 : vector<16xi32>
      %add3A_1528 = arith.addi %mul3A_7, %add3A_1527 : vector<16xi32>
      %gather3A_1529 = tpu.vector_load_idx %arg7[%add3A_1528] : memref<1040xf32, #tpu.memory_space<vmem>>[vector<16xi32>], vector<16xf32>,
      %add3A_1530 = arith.constant 3 : i32
      %add3A_1531 = vector.broadcast %add3A_1530 : i32 to vector<16xi32>
      %add3A_1532 = arith.addi %shift_left3A_1505, %add3A_1531 : vector<16xi32>
      %add3A_1533 = arith.addi %mul3A_7, %add3A_1532 : vector<16xi32>
      %gather3A_1534 = tpu.vector_load_idx %arg7[%add3A_1533] : memref<1040xf32, #tpu.memory_space<vmem>>[vector<16xi32>], vector<16xf32>,
      %add3A_1535 = arith.constant 4 : i32
      %add3A_1536 = vector.broadcast %add3A_1535 : i32 to vector<16xi32>
      %add3A_1537 = arith.addi %shift_left3A_1505, %add3A_1536 : vector<16xi32>
      %add3A_1538 = arith.addi %mul3A_7, %add3A_1537 : vector<16xi32>
      %gather3A_1539 = tpu.vector_load_idx %arg7[%add3A_1538] : memref<1040xf32, #tpu.memory_space<vmem>>[vector<16xi32>], vector<16xf32>,
      %add3A_1540 = arith.constant 5 : i32
      %add3A_1541 = vector.broadcast %add3A_1540 : i32 to vector<16xi32>
      %add3A_1542 = arith.addi %shift_left3A_1505, %add3A_1541 : vector<16xi32>
      %add3A_1543 = arith.addi %mul3A_7, %add3A_1542 : vector<16xi32>
      %gather3A_1544 = tpu.vector_load_idx %arg7[%add3A_1543] : memref<1040xf32, #tpu.memory_space<vmem>>[vector<16xi32>], vector<16xf32>,
      %add3A_1545 = arith.constant 6 : i32
      %add3A_1546 = vector.broadcast %add3A_1545 : i32 to vector<16xi32>
      %add3A_1547 = arith.addi %shift_left3A_1505, %add3A_1546 : vector<16xi32>
      %add3A_1548 = arith.addi %mul3A_7, %add3A_1547 : vector<16xi32>
      %gather3A_1549 = tpu.vector_load_idx %arg7[%add3A_1548] : memref<1040xf32, #tpu.memory_space<vmem>>[vector<16xi32>], vector<16xf32>,
      %add3A_1550 = arith.constant 7 : i32
      %add3A_1551 = vector.broadcast %add3A_1550 : i32 to vector<16xi32>
      %add3A_1552 = arith.addi %shift_left3A_1505, %add3A_1551 : vector<16xi32>
      %add3A_1553 = arith.addi %mul3A_7, %add3A_1552 : vector<16xi32>
      %gather3A_1554 = tpu.vector_load_idx %arg7[%add3A_1553] : memref<1040xf32, #tpu.memory_space<vmem>>[vector<16xi32>], vector<16xf32>,
      %gt3A_1555 = arith.cmpf ogt, %gather3A_1519, %gather3A_1524 : vector<16xf32>
      %eq3A_1556 = arith.cmpf oeq, %gather3A_1519, %gather3A_1524 : vector<16xf32>
      %lt3A_1557 = arith.cmpi slt, %add3A_1517, %add3A_1522 : vector<16xi32>
      %and3A_1558 = arith.andi %eq3A_1556, %lt3A_1557 : vector<16xi1>
      %or3A = arith.ori %gt3A_1555, %and3A_1558 : vector<16xi1>
      %select_n3A_1559 = arith.select %or3A, %gather3A_1519, %gather3A_1524 : vector<16xi1>, vector<16xf32>
      %select_n3A_1560 = arith.select %or3A, %gather3A_1524, %gather3A_1519 : vector<16xi1>, vector<16xf32>
      %select_n3A_1561 = arith.select %or3A, %add3A_1517, %add3A_1522 : vector<16xi1>, vector<16xi32>
      %select_n3A_1562 = arith.select %or3A, %add3A_1522, %add3A_1517 : vector<16xi1>, vector<16xi32>
      %gt3A_1563 = arith.cmpf ogt, %gather3A_1529, %gather3A_1534 : vector<16xf32>
      %eq3A_1564 = arith.cmpf oeq, %gather3A_1529, %gather3A_1534 : vector<16xf32>
      %lt3A_1565 = arith.cmpi slt, %add3A_1527, %add3A_1532 : vector<16xi32>
      %and3A_1566 = arith.andi %eq3A_1564, %lt3A_1565 : vector<16xi1>
      %or3A_1567 = arith.ori %gt3A_1563, %and3A_1566 : vector<16xi1>
      %select_n3A_1568 = arith.select %or3A_1567, %gather3A_1529, %gather3A_1534 : vector<16xi1>, vector<16xf32>
      %select_n3A_1569 = arith.select %or3A_1567, %gather3A_1534, %gather3A_1529 : vector<16xi1>, vector<16xf32>
      %select_n3A_1570 = arith.select %or3A_1567, %add3A_1527, %add3A_1532 : vector<16xi1>, vector<16xi32>
      %select_n3A_1571 = arith.select %or3A_1567, %add3A_1532, %add3A_1527 : vector<16xi1>, vector<16xi32>
      %gt3A_1572 = arith.cmpf ogt, %gather3A_1539, %gather3A_1544 : vector<16xf32>
      %eq3A_1573 = arith.cmpf oeq, %gather3A_1539, %gather3A_1544 : vector<16xf32>
      %lt3A_1574 = arith.cmpi slt, %add3A_1537, %add3A_1542 : vector<16xi32>
      %and3A_1575 = arith.andi %eq3A_1573, %lt3A_1574 : vector<16xi1>
      %or3A_1576 = arith.ori %gt3A_1572, %and3A_1575 : vector<16xi1>
      %select_n3A_1577 = arith.select %or3A_1576, %gather3A_1539, %gather3A_1544 : vector<16xi1>, vector<16xf32>
      %select_n3A_1578 = arith.select %or3A_1576, %gather3A_1544, %gather3A_1539 : vector<16xi1>, vector<16xf32>
      %select_n3A_1579 = arith.select %or3A_1576, %add3A_1537, %add3A_1542 : vector<16xi1>, vector<16xi32>
      %select_n3A_1580 = arith.select %or3A_1576, %add3A_1542, %add3A_1537 : vector<16xi1>, vector<16xi32>
      %gt3A_1581 = arith.cmpf ogt, %gather3A_1549, %gather3A_1554 : vector<16xf32>
      %eq3A_1582 = arith.cmpf oeq, %gather3A_1549, %gather3A_1554 : vector<16xf32>
      %lt3A_1583 = arith.cmpi slt, %add3A_1547, %add3A_1552 : vector<16xi32>
      %and3A_1584 = arith.andi %eq3A_1582, %lt3A_1583 : vector<16xi1>
      %or3A_1585 = arith.ori %gt3A_1581, %and3A_1584 : vector<16xi1>
      %select_n3A_1586 = arith.select %or3A_1585, %gather3A_1549, %gather3A_1554 : vector<16xi1>, vector<16xf32>
      %select_n3A_1587 = arith.select %or3A_1585, %gather3A_1554, %gather3A_1549 : vector<16xi1>, vector<16xf32>
      %select_n3A_1588 = arith.select %or3A_1585, %add3A_1547, %add3A_1552 : vector<16xi1>, vector<16xi32>
      %select_n3A_1589 = arith.select %or3A_1585, %add3A_1552, %add3A_1547 : vector<16xi1>, vector<16xi32>
      %gt3A_1590 = arith.cmpf ogt, %select_n3A_1559, %select_n3A_1568 : vector<16xf32>
      %eq3A_1591 = arith.cmpf oeq, %select_n3A_1559, %select_n3A_1568 : vector<16xf32>
      %lt3A_1592 = arith.cmpi slt, %select_n3A_1561, %select_n3A_1570 : vector<16xi32>
      %and3A_1593 = arith.andi %eq3A_1591, %lt3A_1592 : vector<16xi1>
      %or3A_1594 = arith.ori %gt3A_1590, %and3A_1593 : vector<16xi1>
      %select_n3A_1595 = arith.select %or3A_1594, %select_n3A_1559, %select_n3A_1568 : vector<16xi1>, vector<16xf32>
      %select_n3A_1596 = arith.select %or3A_1594, %select_n3A_1568, %select_n3A_1559 : vector<16xi1>, vector<16xf32>
      %select_n3A_1597 = arith.select %or3A_1594, %select_n3A_1561, %select_n3A_1570 : vector<16xi1>, vector<16xi32>
      %select_n3A_1598 = arith.select %or3A_1594, %select_n3A_1570, %select_n3A_1561 : vector<16xi1>, vector<16xi32>
      %gt3A_1599 = arith.cmpf ogt, %select_n3A_1560, %select_n3A_1569 : vector<16xf32>
      %eq3A_1600 = arith.cmpf oeq, %select_n3A_1560, %select_n3A_1569 : vector<16xf32>
      %lt3A_1601 = arith.cmpi slt, %select_n3A_1562, %select_n3A_1571 : vector<16xi32>
      %and3A_1602 = arith.andi %eq3A_1600, %lt3A_1601 : vector<16xi1>
      %or3A_1603 = arith.ori %gt3A_1599, %and3A_1602 : vector<16xi1>
      %select_n3A_1604 = arith.select %or3A_1603, %select_n3A_1560, %select_n3A_1569 : vector<16xi1>, vector<16xf32>
      %select_n3A_1605 = arith.select %or3A_1603, %select_n3A_1569, %select_n3A_1560 : vector<16xi1>, vector<16xf32>
      %select_n3A_1606 = arith.select %or3A_1603, %select_n3A_1562, %select_n3A_1571 : vector<16xi1>, vector<16xi32>
      %select_n3A_1607 = arith.select %or3A_1603, %select_n3A_1571, %select_n3A_1562 : vector<16xi1>, vector<16xi32>
      %gt3A_1608 = arith.cmpf ogt, %select_n3A_1577, %select_n3A_1586 : vector<16xf32>
      %eq3A_1609 = arith.cmpf oeq, %select_n3A_1577, %select_n3A_1586 : vector<16xf32>
      %lt3A_1610 = arith.cmpi slt, %select_n3A_1579, %select_n3A_1588 : vector<16xi32>
      %and3A_1611 = arith.andi %eq3A_1609, %lt3A_1610 : vector<16xi1>
      %or3A_1612 = arith.ori %gt3A_1608, %and3A_1611 : vector<16xi1>
      %select_n3A_1613 = arith.select %or3A_1612, %select_n3A_1577, %select_n3A_1586 : vector<16xi1>, vector<16xf32>
      %select_n3A_1614 = arith.select %or3A_1612, %select_n3A_1586, %select_n3A_1577 : vector<16xi1>, vector<16xf32>
      %select_n3A_1615 = arith.select %or3A_1612, %select_n3A_1579, %select_n3A_1588 : vector<16xi1>, vector<16xi32>
      %select_n3A_1616 = arith.select %or3A_1612, %select_n3A_1588, %select_n3A_1579 : vector<16xi1>, vector<16xi32>
      %gt3A_1617 = arith.cmpf ogt, %select_n3A_1578, %select_n3A_1587 : vector<16xf32>
      %eq3A_1618 = arith.cmpf oeq, %select_n3A_1578, %select_n3A_1587 : vector<16xf32>
      %lt3A_1619 = arith.cmpi slt, %select_n3A_1580, %select_n3A_1589 : vector<16xi32>
      %and3A_1620 = arith.andi %eq3A_1618, %lt3A_1619 : vector<16xi1>
      %or3A_1621 = arith.ori %gt3A_1617, %and3A_1620 : vector<16xi1>
      %select_n3A_1622 = arith.select %or3A_1621, %select_n3A_1578, %select_n3A_1587 : vector<16xi1>, vector<16xf32>
      %select_n3A_1623 = arith.select %or3A_1621, %select_n3A_1587, %select_n3A_1578 : vector<16xi1>, vector<16xf32>
      %select_n3A_1624 = arith.select %or3A_1621, %select_n3A_1580, %select_n3A_1589 : vector<16xi1>, vector<16xi32>
      %select_n3A_1625 = arith.select %or3A_1621, %select_n3A_1589, %select_n3A_1580 : vector<16xi1>, vector<16xi32>
      %gt3A_1626 = arith.cmpf ogt, %select_n3A_1604, %select_n3A_1596 : vector<16xf32>
      %eq3A_1627 = arith.cmpf oeq, %select_n3A_1604, %select_n3A_1596 : vector<16xf32>
      %lt3A_1628 = arith.cmpi slt, %select_n3A_1606, %select_n3A_1598 : vector<16xi32>
      %and3A_1629 = arith.andi %eq3A_1627, %lt3A_1628 : vector<16xi1>
      %or3A_1630 = arith.ori %gt3A_1626, %and3A_1629 : vector<16xi1>
      %select_n3A_1631 = arith.select %or3A_1630, %select_n3A_1604, %select_n3A_1596 : vector<16xi1>, vector<16xf32>
      %select_n3A_1632 = arith.select %or3A_1630, %select_n3A_1596, %select_n3A_1604 : vector<16xi1>, vector<16xf32>
      %select_n3A_1633 = arith.select %or3A_1630, %select_n3A_1606, %select_n3A_1598 : vector<16xi1>, vector<16xi32>
      %select_n3A_1634 = arith.select %or3A_1630, %select_n3A_1598, %select_n3A_1606 : vector<16xi1>, vector<16xi32>
      %gt3A_1635 = arith.cmpf ogt, %select_n3A_1622, %select_n3A_1614 : vector<16xf32>
      %eq3A_1636 = arith.cmpf oeq, %select_n3A_1622, %select_n3A_1614 : vector<16xf32>
      %lt3A_1637 = arith.cmpi slt, %select_n3A_1624, %select_n3A_1616 : vector<16xi32>
      %and3A_1638 = arith.andi %eq3A_1636, %lt3A_1637 : vector<16xi1>
      %or3A_1639 = arith.ori %gt3A_1635, %and3A_1638 : vector<16xi1>
      %select_n3A_1640 = arith.select %or3A_1639, %select_n3A_1622, %select_n3A_1614 : vector<16xi1>, vector<16xf32>
      %select_n3A_1641 = arith.select %or3A_1639, %select_n3A_1614, %select_n3A_1622 : vector<16xi1>, vector<16xf32>
      %select_n3A_1642 = arith.select %or3A_1639, %select_n3A_1624, %select_n3A_1616 : vector<16xi1>, vector<16xi32>
      %select_n3A_1643 = arith.select %or3A_1639, %select_n3A_1616, %select_n3A_1624 : vector<16xi1>, vector<16xi32>
      %gt3A_1644 = arith.cmpf ogt, %select_n3A_1595, %select_n3A_1613 : vector<16xf32>
      %eq3A_1645 = arith.cmpf oeq, %select_n3A_1595, %select_n3A_1613 : vector<16xf32>
      %lt3A_1646 = arith.cmpi slt, %select_n3A_1597, %select_n3A_1615 : vector<16xi32>
      %and3A_1647 = arith.andi %eq3A_1645, %lt3A_1646 : vector<16xi1>
      %or3A_1648 = arith.ori %gt3A_1644, %and3A_1647 : vector<16xi1>
      %select_n3A_1649 = arith.select %or3A_1648, %select_n3A_1595, %select_n3A_1613 : vector<16xi1>, vector<16xf32>
      %select_n3A_1650 = arith.select %or3A_1648, %select_n3A_1613, %select_n3A_1595 : vector<16xi1>, vector<16xf32>
      %select_n3A_1651 = arith.select %or3A_1648, %select_n3A_1597, %select_n3A_1615 : vector<16xi1>, vector<16xi32>
      %select_n3A_1652 = arith.select %or3A_1648, %select_n3A_1615, %select_n3A_1597 : vector<16xi1>, vector<16xi32>
      %gt3A_1653 = arith.cmpf ogt, %select_n3A_1631, %select_n3A_1640 : vector<16xf32>
      %eq3A_1654 = arith.cmpf oeq, %select_n3A_1631, %select_n3A_1640 : vector<16xf32>
      %lt3A_1655 = arith.cmpi slt, %select_n3A_1633, %select_n3A_1642 : vector<16xi32>
      %and3A_1656 = arith.andi %eq3A_1654, %lt3A_1655 : vector<16xi1>
      %or3A_1657 = arith.ori %gt3A_1653, %and3A_1656 : vector<16xi1>
      %select_n3A_1658 = arith.select %or3A_1657, %select_n3A_1631, %select_n3A_1640 : vector<16xi1>, vector<16xf32>
      %select_n3A_1659 = arith.select %or3A_1657, %select_n3A_1640, %select_n3A_1631 : vector<16xi1>, vector<16xf32>
      %select_n3A_1660 = arith.select %or3A_1657, %select_n3A_1633, %select_n3A_1642 : vector<16xi1>, vector<16xi32>
      %select_n3A_1661 = arith.select %or3A_1657, %select_n3A_1642, %select_n3A_1633 : vector<16xi1>, vector<16xi32>
      %gt3A_1662 = arith.cmpf ogt, %select_n3A_1632, %select_n3A_1641 : vector<16xf32>
      %eq3A_1663 = arith.cmpf oeq, %select_n3A_1632, %select_n3A_1641 : vector<16xf32>
      %lt3A_1664 = arith.cmpi slt, %select_n3A_1634, %select_n3A_1643 : vector<16xi32>
      %and3A_1665 = arith.andi %eq3A_1663, %lt3A_1664 : vector<16xi1>
      %or3A_1666 = arith.ori %gt3A_1662, %and3A_1665 : vector<16xi1>
      %select_n3A_1667 = arith.select %or3A_1666, %select_n3A_1632, %select_n3A_1641 : vector<16xi1>, vector<16xf32>
      %select_n3A_1668 = arith.select %or3A_1666, %select_n3A_1641, %select_n3A_1632 : vector<16xi1>, vector<16xf32>
      %select_n3A_1669 = arith.select %or3A_1666, %select_n3A_1634, %select_n3A_1643 : vector<16xi1>, vector<16xi32>
      %select_n3A_1670 = arith.select %or3A_1666, %select_n3A_1643, %select_n3A_1634 : vector<16xi1>, vector<16xi32>
      %gt3A_1671 = arith.cmpf ogt, %select_n3A_1605, %select_n3A_1623 : vector<16xf32>
      %eq3A_1672 = arith.cmpf oeq, %select_n3A_1605, %select_n3A_1623 : vector<16xf32>
      %lt3A_1673 = arith.cmpi slt, %select_n3A_1607, %select_n3A_1625 : vector<16xi32>
      %and3A_1674 = arith.andi %eq3A_1672, %lt3A_1673 : vector<16xi1>
      %or3A_1675 = arith.ori %gt3A_1671, %and3A_1674 : vector<16xi1>
      %select_n3A_1676 = arith.select %or3A_1675, %select_n3A_1605, %select_n3A_1623 : vector<16xi1>, vector<16xf32>
      %select_n3A_1677 = arith.select %or3A_1675, %select_n3A_1623, %select_n3A_1605 : vector<16xi1>, vector<16xf32>
      %select_n3A_1678 = arith.select %or3A_1675, %select_n3A_1607, %select_n3A_1625 : vector<16xi1>, vector<16xi32>
      %select_n3A_1679 = arith.select %or3A_1675, %select_n3A_1625, %select_n3A_1607 : vector<16xi1>, vector<16xi32>
      %gt3A_1680 = arith.cmpf ogt, %select_n3A_1667, %select_n3A_1650 : vector<16xf32>
      %eq3A_1681 = arith.cmpf oeq, %select_n3A_1667, %select_n3A_1650 : vector<16xf32>
      %lt3A_1682 = arith.cmpi slt, %select_n3A_1669, %select_n3A_1652 : vector<16xi32>
      %and3A_1683 = arith.andi %eq3A_1681, %lt3A_1682 : vector<16xi1>
      %or3A_1684 = arith.ori %gt3A_1680, %and3A_1683 : vector<16xi1>
      %select_n3A_1685 = arith.select %or3A_1684, %select_n3A_1667, %select_n3A_1650 : vector<16xi1>, vector<16xf32>
      %select_n3A_1686 = arith.select %or3A_1684, %select_n3A_1650, %select_n3A_1667 : vector<16xi1>, vector<16xf32>
      %select_n3A_1687 = arith.select %or3A_1684, %select_n3A_1669, %select_n3A_1652 : vector<16xi1>, vector<16xi32>
      %select_n3A_1688 = arith.select %or3A_1684, %select_n3A_1652, %select_n3A_1669 : vector<16xi1>, vector<16xi32>
      %gt3A_1689 = arith.cmpf ogt, %select_n3A_1676, %select_n3A_1659 : vector<16xf32>
      %eq3A_1690 = arith.cmpf oeq, %select_n3A_1676, %select_n3A_1659 : vector<16xf32>
      %lt3A_1691 = arith.cmpi slt, %select_n3A_1678, %select_n3A_1661 : vector<16xi32>
      %and3A_1692 = arith.andi %eq3A_1690, %lt3A_1691 : vector<16xi1>
      %or3A_1693 = arith.ori %gt3A_1689, %and3A_1692 : vector<16xi1>
      %select_n3A_1694 = arith.select %or3A_1693, %select_n3A_1676, %select_n3A_1659 : vector<16xi1>, vector<16xf32>
      %select_n3A_1695 = arith.select %or3A_1693, %select_n3A_1659, %select_n3A_1676 : vector<16xi1>, vector<16xf32>
      %select_n3A_1696 = arith.select %or3A_1693, %select_n3A_1678, %select_n3A_1661 : vector<16xi1>, vector<16xi32>
      %select_n3A_1697 = arith.select %or3A_1693, %select_n3A_1661, %select_n3A_1678 : vector<16xi1>, vector<16xi32>
      %gt3A_1698 = arith.cmpf ogt, %select_n3A_1658, %select_n3A_1685 : vector<16xf32>
      %eq3A_1699 = arith.cmpf oeq, %select_n3A_1658, %select_n3A_1685 : vector<16xf32>
      %lt3A_1700 = arith.cmpi slt, %select_n3A_1660, %select_n3A_1687 : vector<16xi32>
      %and3A_1701 = arith.andi %eq3A_1699, %lt3A_1700 : vector<16xi1>
      %or3A_1702 = arith.ori %gt3A_1698, %and3A_1701 : vector<16xi1>
      %select_n3A_1703 = arith.select %or3A_1702, %select_n3A_1658, %select_n3A_1685 : vector<16xi1>, vector<16xf32>
      %select_n3A_1704 = arith.select %or3A_1702, %select_n3A_1685, %select_n3A_1658 : vector<16xi1>, vector<16xf32>
      %select_n3A_1705 = arith.select %or3A_1702, %select_n3A_1660, %select_n3A_1687 : vector<16xi1>, vector<16xi32>
      %select_n3A_1706 = arith.select %or3A_1702, %select_n3A_1687, %select_n3A_1660 : vector<16xi1>, vector<16xi32>
      %gt3A_1707 = arith.cmpf ogt, %select_n3A_1694, %select_n3A_1686 : vector<16xf32>
      %eq3A_1708 = arith.cmpf oeq, %select_n3A_1694, %select_n3A_1686 : vector<16xf32>
      %lt3A_1709 = arith.cmpi slt, %select_n3A_1696, %select_n3A_1688 : vector<16xi32>
      %and3A_1710 = arith.andi %eq3A_1708, %lt3A_1709 : vector<16xi1>
      %or3A_1711 = arith.ori %gt3A_1707, %and3A_1710 : vector<16xi1>
      %select_n3A_1712 = arith.select %or3A_1711, %select_n3A_1694, %select_n3A_1686 : vector<16xi1>, vector<16xf32>
      %select_n3A_1713 = arith.select %or3A_1711, %select_n3A_1686, %select_n3A_1694 : vector<16xi1>, vector<16xf32>
      %select_n3A_1714 = arith.select %or3A_1711, %select_n3A_1696, %select_n3A_1688 : vector<16xi1>, vector<16xi32>
      %select_n3A_1715 = arith.select %or3A_1711, %select_n3A_1688, %select_n3A_1696 : vector<16xi1>, vector<16xi32>
      %gt3A_1716 = arith.cmpf ogt, %select_n3A_1695, %select_n3A_1668 : vector<16xf32>
      %eq3A_1717 = arith.cmpf oeq, %select_n3A_1695, %select_n3A_1668 : vector<16xf32>
      %lt3A_1718 = arith.cmpi slt, %select_n3A_1697, %select_n3A_1670 : vector<16xi32>
      %and3A_1719 = arith.andi %eq3A_1717, %lt3A_1718 : vector<16xi1>
      %or3A_1720 = arith.ori %gt3A_1716, %and3A_1719 : vector<16xi1>
      %select_n3A_1721 = arith.select %or3A_1720, %select_n3A_1695, %select_n3A_1668 : vector<16xi1>, vector<16xf32>
      %select_n3A_1722 = arith.select %or3A_1720, %select_n3A_1668, %select_n3A_1695 : vector<16xi1>, vector<16xf32>
      %select_n3A_1723 = arith.select %or3A_1720, %select_n3A_1697, %select_n3A_1670 : vector<16xi1>, vector<16xi32>
      %select_n3A_1724 = arith.select %or3A_1720, %select_n3A_1670, %select_n3A_1697 : vector<16xi1>, vector<16xi32>
      %add3A_1725 = arith.constant 0 : i32
      %add3A_1726 = vector.broadcast %add3A_1725 : i32 to vector<16xi32>
      %add3A_1727 = arith.addi %shift_left3A_1508, %add3A_1726 : vector<16xi32>
      %add3A_1728 = arith.addi %mul3A_7, %add3A_1727 : vector<16xi32>
      %gather3A_1729 = tpu.vector_load_idx %arg7[%add3A_1728] : memref<1040xf32, #tpu.memory_space<vmem>>[vector<16xi32>], vector<16xf32>,
      %add3A_1730 = arith.constant 1 : i32
      %add3A_1731 = vector.broadcast %add3A_1730 : i32 to vector<16xi32>
      %add3A_1732 = arith.addi %shift_left3A_1508, %add3A_1731 : vector<16xi32>
      %add3A_1733 = arith.addi %mul3A_7, %add3A_1732 : vector<16xi32>
      %gather3A_1734 = tpu.vector_load_idx %arg7[%add3A_1733] : memref<1040xf32, #tpu.memory_space<vmem>>[vector<16xi32>], vector<16xf32>,
      %add3A_1735 = arith.constant 2 : i32
      %add3A_1736 = vector.broadcast %add3A_1735 : i32 to vector<16xi32>
      %add3A_1737 = arith.addi %shift_left3A_1508, %add3A_1736 : vector<16xi32>
      %add3A_1738 = arith.addi %mul3A_7, %add3A_1737 : vector<16xi32>
      %gather3A_1739 = tpu.vector_load_idx %arg7[%add3A_1738] : memref<1040xf32, #tpu.memory_space<vmem>>[vector<16xi32>], vector<16xf32>,
      %add3A_1740 = arith.constant 3 : i32
      %add3A_1741 = vector.broadcast %add3A_1740 : i32 to vector<16xi32>
      %add3A_1742 = arith.addi %shift_left3A_1508, %add3A_1741 : vector<16xi32>
      %add3A_1743 = arith.addi %mul3A_7, %add3A_1742 : vector<16xi32>
      %gather3A_1744 = tpu.vector_load_idx %arg7[%add3A_1743] : memref<1040xf32, #tpu.memory_space<vmem>>[vector<16xi32>], vector<16xf32>,
      %add3A_1745 = arith.constant 4 : i32
      %add3A_1746 = vector.broadcast %add3A_1745 : i32 to vector<16xi32>
      %add3A_1747 = arith.addi %shift_left3A_1508, %add3A_1746 : vector<16xi32>
      %add3A_1748 = arith.addi %mul3A_7, %add3A_1747 : vector<16xi32>
      %gather3A_1749 = tpu.vector_load_idx %arg7[%add3A_1748] : memref<1040xf32, #tpu.memory_space<vmem>>[vector<16xi32>], vector<16xf32>,
      %add3A_1750 = arith.constant 5 : i32
      %add3A_1751 = vector.broadcast %add3A_1750 : i32 to vector<16xi32>
      %add3A_1752 = arith.addi %shift_left3A_1508, %add3A_1751 : vector<16xi32>
      %add3A_1753 = arith.addi %mul3A_7, %add3A_1752 : vector<16xi32>
      %gather3A_1754 = tpu.vector_load_idx %arg7[%add3A_1753] : memref<1040xf32, #tpu.memory_space<vmem>>[vector<16xi32>], vector<16xf32>,
      %add3A_1755 = arith.constant 6 : i32
      %add3A_1756 = vector.broadcast %add3A_1755 : i32 to vector<16xi32>
      %add3A_1757 = arith.addi %shift_left3A_1508, %add3A_1756 : vector<16xi32>
      %add3A_1758 = arith.addi %mul3A_7, %add3A_1757 : vector<16xi32>
      %gather3A_1759 = tpu.vector_load_idx %arg7[%add3A_1758] : memref<1040xf32, #tpu.memory_space<vmem>>[vector<16xi32>], vector<16xf32>,
      %add3A_1760 = arith.constant 7 : i32
      %add3A_1761 = vector.broadcast %add3A_1760 : i32 to vector<16xi32>
      %add3A_1762 = arith.addi %shift_left3A_1508, %add3A_1761 : vector<16xi32>
      %add3A_1763 = arith.addi %mul3A_7, %add3A_1762 : vector<16xi32>
      %gather3A_1764 = tpu.vector_load_idx %arg7[%add3A_1763] : memref<1040xf32, #tpu.memory_space<vmem>>[vector<16xi32>], vector<16xf32>,
      %gt3A_1765 = arith.cmpf ogt, %gather3A_1729, %gather3A_1734 : vector<16xf32>
      %eq3A_1766 = arith.cmpf oeq, %gather3A_1729, %gather3A_1734 : vector<16xf32>
      %lt3A_1767 = arith.cmpi slt, %add3A_1727, %add3A_1732 : vector<16xi32>
      %and3A_1768 = arith.andi %eq3A_1766, %lt3A_1767 : vector<16xi1>
      %or3A_1769 = arith.ori %gt3A_1765, %and3A_1768 : vector<16xi1>
      %select_n3A_1770 = arith.select %or3A_1769, %gather3A_1729, %gather3A_1734 : vector<16xi1>, vector<16xf32>
      %select_n3A_1771 = arith.select %or3A_1769, %gather3A_1734, %gather3A_1729 : vector<16xi1>, vector<16xf32>
      %select_n3A_1772 = arith.select %or3A_1769, %add3A_1727, %add3A_1732 : vector<16xi1>, vector<16xi32>
      %select_n3A_1773 = arith.select %or3A_1769, %add3A_1732, %add3A_1727 : vector<16xi1>, vector<16xi32>
      %gt3A_1774 = arith.cmpf ogt, %gather3A_1739, %gather3A_1744 : vector<16xf32>
      %eq3A_1775 = arith.cmpf oeq, %gather3A_1739, %gather3A_1744 : vector<16xf32>
      %lt3A_1776 = arith.cmpi slt, %add3A_1737, %add3A_1742 : vector<16xi32>
      %and3A_1777 = arith.andi %eq3A_1775, %lt3A_1776 : vector<16xi1>
      %or3A_1778 = arith.ori %gt3A_1774, %and3A_1777 : vector<16xi1>
      %select_n3A_1779 = arith.select %or3A_1778, %gather3A_1739, %gather3A_1744 : vector<16xi1>, vector<16xf32>
      %select_n3A_1780 = arith.select %or3A_1778, %gather3A_1744, %gather3A_1739 : vector<16xi1>, vector<16xf32>
      %select_n3A_1781 = arith.select %or3A_1778, %add3A_1737, %add3A_1742 : vector<16xi1>, vector<16xi32>
      %select_n3A_1782 = arith.select %or3A_1778, %add3A_1742, %add3A_1737 : vector<16xi1>, vector<16xi32>
      %gt3A_1783 = arith.cmpf ogt, %gather3A_1749, %gather3A_1754 : vector<16xf32>
      %eq3A_1784 = arith.cmpf oeq, %gather3A_1749, %gather3A_1754 : vector<16xf32>
      %lt3A_1785 = arith.cmpi slt, %add3A_1747, %add3A_1752 : vector<16xi32>
      %and3A_1786 = arith.andi %eq3A_1784, %lt3A_1785 : vector<16xi1>
      %or3A_1787 = arith.ori %gt3A_1783, %and3A_1786 : vector<16xi1>
      %select_n3A_1788 = arith.select %or3A_1787, %gather3A_1749, %gather3A_1754 : vector<16xi1>, vector<16xf32>
      %select_n3A_1789 = arith.select %or3A_1787, %gather3A_1754, %gather3A_1749 : vector<16xi1>, vector<16xf32>
      %select_n3A_1790 = arith.select %or3A_1787, %add3A_1747, %add3A_1752 : vector<16xi1>, vector<16xi32>
      %select_n3A_1791 = arith.select %or3A_1787, %add3A_1752, %add3A_1747 : vector<16xi1>, vector<16xi32>
      %gt3A_1792 = arith.cmpf ogt, %gather3A_1759, %gather3A_1764 : vector<16xf32>
      %eq3A_1793 = arith.cmpf oeq, %gather3A_1759, %gather3A_1764 : vector<16xf32>
      %lt3A_1794 = arith.cmpi slt, %add3A_1757, %add3A_1762 : vector<16xi32>
      %and3A_1795 = arith.andi %eq3A_1793, %lt3A_1794 : vector<16xi1>
      %or3A_1796 = arith.ori %gt3A_1792, %and3A_1795 : vector<16xi1>
      %select_n3A_1797 = arith.select %or3A_1796, %gather3A_1759, %gather3A_1764 : vector<16xi1>, vector<16xf32>
      %select_n3A_1798 = arith.select %or3A_1796, %gather3A_1764, %gather3A_1759 : vector<16xi1>, vector<16xf32>
      %select_n3A_1799 = arith.select %or3A_1796, %add3A_1757, %add3A_1762 : vector<16xi1>, vector<16xi32>
      %select_n3A_1800 = arith.select %or3A_1796, %add3A_1762, %add3A_1757 : vector<16xi1>, vector<16xi32>
      %gt3A_1801 = arith.cmpf ogt, %select_n3A_1770, %select_n3A_1779 : vector<16xf32>
      %eq3A_1802 = arith.cmpf oeq, %select_n3A_1770, %select_n3A_1779 : vector<16xf32>
      %lt3A_1803 = arith.cmpi slt, %select_n3A_1772, %select_n3A_1781 : vector<16xi32>
      %and3A_1804 = arith.andi %eq3A_1802, %lt3A_1803 : vector<16xi1>
      %or3A_1805 = arith.ori %gt3A_1801, %and3A_1804 : vector<16xi1>
      %select_n3A_1806 = arith.select %or3A_1805, %select_n3A_1770, %select_n3A_1779 : vector<16xi1>, vector<16xf32>
      %select_n3A_1807 = arith.select %or3A_1805, %select_n3A_1779, %select_n3A_1770 : vector<16xi1>, vector<16xf32>
      %select_n3A_1808 = arith.select %or3A_1805, %select_n3A_1772, %select_n3A_1781 : vector<16xi1>, vector<16xi32>
      %select_n3A_1809 = arith.select %or3A_1805, %select_n3A_1781, %select_n3A_1772 : vector<16xi1>, vector<16xi32>
      %gt3A_1810 = arith.cmpf ogt, %select_n3A_1771, %select_n3A_1780 : vector<16xf32>
      %eq3A_1811 = arith.cmpf oeq, %select_n3A_1771, %select_n3A_1780 : vector<16xf32>
      %lt3A_1812 = arith.cmpi slt, %select_n3A_1773, %select_n3A_1782 : vector<16xi32>
      %and3A_1813 = arith.andi %eq3A_1811, %lt3A_1812 : vector<16xi1>
      %or3A_1814 = arith.ori %gt3A_1810, %and3A_1813 : vector<16xi1>
      %select_n3A_1815 = arith.select %or3A_1814, %select_n3A_1771, %select_n3A_1780 : vector<16xi1>, vector<16xf32>
      %select_n3A_1816 = arith.select %or3A_1814, %select_n3A_1780, %select_n3A_1771 : vector<16xi1>, vector<16xf32>
      %select_n3A_1817 = arith.select %or3A_1814, %select_n3A_1773, %select_n3A_1782 : vector<16xi1>, vector<16xi32>
      %select_n3A_1818 = arith.select %or3A_1814, %select_n3A_1782, %select_n3A_1773 : vector<16xi1>, vector<16xi32>
      %gt3A_1819 = arith.cmpf ogt, %select_n3A_1788, %select_n3A_1797 : vector<16xf32>
      %eq3A_1820 = arith.cmpf oeq, %select_n3A_1788, %select_n3A_1797 : vector<16xf32>
      %lt3A_1821 = arith.cmpi slt, %select_n3A_1790, %select_n3A_1799 : vector<16xi32>
      %and3A_1822 = arith.andi %eq3A_1820, %lt3A_1821 : vector<16xi1>
      %or3A_1823 = arith.ori %gt3A_1819, %and3A_1822 : vector<16xi1>
      %select_n3A_1824 = arith.select %or3A_1823, %select_n3A_1788, %select_n3A_1797 : vector<16xi1>, vector<16xf32>
      %select_n3A_1825 = arith.select %or3A_1823, %select_n3A_1797, %select_n3A_1788 : vector<16xi1>, vector<16xf32>
      %select_n3A_1826 = arith.select %or3A_1823, %select_n3A_1790, %select_n3A_1799 : vector<16xi1>, vector<16xi32>
      %select_n3A_1827 = arith.select %or3A_1823, %select_n3A_1799, %select_n3A_1790 : vector<16xi1>, vector<16xi32>
      %gt3A_1828 = arith.cmpf ogt, %select_n3A_1789, %select_n3A_1798 : vector<16xf32>
      %eq3A_1829 = arith.cmpf oeq, %select_n3A_1789, %select_n3A_1798 : vector<16xf32>
      %lt3A_1830 = arith.cmpi slt, %select_n3A_1791, %select_n3A_1800 : vector<16xi32>
      %and3A_1831 = arith.andi %eq3A_1829, %lt3A_1830 : vector<16xi1>
      %or3A_1832 = arith.ori %gt3A_1828, %and3A_1831 : vector<16xi1>
      %select_n3A_1833 = arith.select %or3A_1832, %select_n3A_1789, %select_n3A_1798 : vector<16xi1>, vector<16xf32>
      %select_n3A_1834 = arith.select %or3A_1832, %select_n3A_1798, %select_n3A_1789 : vector<16xi1>, vector<16xf32>
      %select_n3A_1835 = arith.select %or3A_1832, %select_n3A_1791, %select_n3A_1800 : vector<16xi1>, vector<16xi32>
      %select_n3A_1836 = arith.select %or3A_1832, %select_n3A_1800, %select_n3A_1791 : vector<16xi1>, vector<16xi32>
      %gt3A_1837 = arith.cmpf ogt, %select_n3A_1815, %select_n3A_1807 : vector<16xf32>
      %eq3A_1838 = arith.cmpf oeq, %select_n3A_1815, %select_n3A_1807 : vector<16xf32>
      %lt3A_1839 = arith.cmpi slt, %select_n3A_1817, %select_n3A_1809 : vector<16xi32>
      %and3A_1840 = arith.andi %eq3A_1838, %lt3A_1839 : vector<16xi1>
      %or3A_1841 = arith.ori %gt3A_1837, %and3A_1840 : vector<16xi1>
      %select_n3A_1842 = arith.select %or3A_1841, %select_n3A_1815, %select_n3A_1807 : vector<16xi1>, vector<16xf32>
      %select_n3A_1843 = arith.select %or3A_1841, %select_n3A_1807, %select_n3A_1815 : vector<16xi1>, vector<16xf32>
      %select_n3A_1844 = arith.select %or3A_1841, %select_n3A_1817, %select_n3A_1809 : vector<16xi1>, vector<16xi32>
      %select_n3A_1845 = arith.select %or3A_1841, %select_n3A_1809, %select_n3A_1817 : vector<16xi1>, vector<16xi32>
      %gt3A_1846 = arith.cmpf ogt, %select_n3A_1833, %select_n3A_1825 : vector<16xf32>
      %eq3A_1847 = arith.cmpf oeq, %select_n3A_1833, %select_n3A_1825 : vector<16xf32>
      %lt3A_1848 = arith.cmpi slt, %select_n3A_1835, %select_n3A_1827 : vector<16xi32>
      %and3A_1849 = arith.andi %eq3A_1847, %lt3A_1848 : vector<16xi1>
      %or3A_1850 = arith.ori %gt3A_1846, %and3A_1849 : vector<16xi1>
      %select_n3A_1851 = arith.select %or3A_1850, %select_n3A_1833, %select_n3A_1825 : vector<16xi1>, vector<16xf32>
      %select_n3A_1852 = arith.select %or3A_1850, %select_n3A_1825, %select_n3A_1833 : vector<16xi1>, vector<16xf32>
      %select_n3A_1853 = arith.select %or3A_1850, %select_n3A_1835, %select_n3A_1827 : vector<16xi1>, vector<16xi32>
      %select_n3A_1854 = arith.select %or3A_1850, %select_n3A_1827, %select_n3A_1835 : vector<16xi1>, vector<16xi32>
      %gt3A_1855 = arith.cmpf ogt, %select_n3A_1806, %select_n3A_1824 : vector<16xf32>
      %eq3A_1856 = arith.cmpf oeq, %select_n3A_1806, %select_n3A_1824 : vector<16xf32>
      %lt3A_1857 = arith.cmpi slt, %select_n3A_1808, %select_n3A_1826 : vector<16xi32>
      %and3A_1858 = arith.andi %eq3A_1856, %lt3A_1857 : vector<16xi1>
      %or3A_1859 = arith.ori %gt3A_1855, %and3A_1858 : vector<16xi1>
      %select_n3A_1860 = arith.select %or3A_1859, %select_n3A_1806, %select_n3A_1824 : vector<16xi1>, vector<16xf32>
      %select_n3A_1861 = arith.select %or3A_1859, %select_n3A_1824, %select_n3A_1806 : vector<16xi1>, vector<16xf32>
      %select_n3A_1862 = arith.select %or3A_1859, %select_n3A_1808, %select_n3A_1826 : vector<16xi1>, vector<16xi32>
      %select_n3A_1863 = arith.select %or3A_1859, %select_n3A_1826, %select_n3A_1808 : vector<16xi1>, vector<16xi32>
      %gt3A_1864 = arith.cmpf ogt, %select_n3A_1842, %select_n3A_1851 : vector<16xf32>
      %eq3A_1865 = arith.cmpf oeq, %select_n3A_1842, %select_n3A_1851 : vector<16xf32>
      %lt3A_1866 = arith.cmpi slt, %select_n3A_1844, %select_n3A_1853 : vector<16xi32>
      %and3A_1867 = arith.andi %eq3A_1865, %lt3A_1866 : vector<16xi1>
      %or3A_1868 = arith.ori %gt3A_1864, %and3A_1867 : vector<16xi1>
      %select_n3A_1869 = arith.select %or3A_1868, %select_n3A_1842, %select_n3A_1851 : vector<16xi1>, vector<16xf32>
      %select_n3A_1870 = arith.select %or3A_1868, %select_n3A_1851, %select_n3A_1842 : vector<16xi1>, vector<16xf32>
      %select_n3A_1871 = arith.select %or3A_1868, %select_n3A_1844, %select_n3A_1853 : vector<16xi1>, vector<16xi32>
      %select_n3A_1872 = arith.select %or3A_1868, %select_n3A_1853, %select_n3A_1844 : vector<16xi1>, vector<16xi32>
      %gt3A_1873 = arith.cmpf ogt, %select_n3A_1843, %select_n3A_1852 : vector<16xf32>
      %eq3A_1874 = arith.cmpf oeq, %select_n3A_1843, %select_n3A_1852 : vector<16xf32>
      %lt3A_1875 = arith.cmpi slt, %select_n3A_1845, %select_n3A_1854 : vector<16xi32>
      %and3A_1876 = arith.andi %eq3A_1874, %lt3A_1875 : vector<16xi1>
      %or3A_1877 = arith.ori %gt3A_1873, %and3A_1876 : vector<16xi1>
      %select_n3A_1878 = arith.select %or3A_1877, %select_n3A_1843, %select_n3A_1852 : vector<16xi1>, vector<16xf32>
      %select_n3A_1879 = arith.select %or3A_1877, %select_n3A_1852, %select_n3A_1843 : vector<16xi1>, vector<16xf32>
      %select_n3A_1880 = arith.select %or3A_1877, %select_n3A_1845, %select_n3A_1854 : vector<16xi1>, vector<16xi32>
      %select_n3A_1881 = arith.select %or3A_1877, %select_n3A_1854, %select_n3A_1845 : vector<16xi1>, vector<16xi32>
      %gt3A_1882 = arith.cmpf ogt, %select_n3A_1816, %select_n3A_1834 : vector<16xf32>
      %eq3A_1883 = arith.cmpf oeq, %select_n3A_1816, %select_n3A_1834 : vector<16xf32>
      %lt3A_1884 = arith.cmpi slt, %select_n3A_1818, %select_n3A_1836 : vector<16xi32>
      %and3A_1885 = arith.andi %eq3A_1883, %lt3A_1884 : vector<16xi1>
      %or3A_1886 = arith.ori %gt3A_1882, %and3A_1885 : vector<16xi1>
      %select_n3A_1887 = arith.select %or3A_1886, %select_n3A_1816, %select_n3A_1834 : vector<16xi1>, vector<16xf32>
      %select_n3A_1888 = arith.select %or3A_1886, %select_n3A_1834, %select_n3A_1816 : vector<16xi1>, vector<16xf32>
      %select_n3A_1889 = arith.select %or3A_1886, %select_n3A_1818, %select_n3A_1836 : vector<16xi1>, vector<16xi32>
      %select_n3A_1890 = arith.select %or3A_1886, %select_n3A_1836, %select_n3A_1818 : vector<16xi1>, vector<16xi32>
      %gt3A_1891 = arith.cmpf ogt, %select_n3A_1878, %select_n3A_1861 : vector<16xf32>
      %eq3A_1892 = arith.cmpf oeq, %select_n3A_1878, %select_n3A_1861 : vector<16xf32>
      %lt3A_1893 = arith.cmpi slt, %select_n3A_1880, %select_n3A_1863 : vector<16xi32>
      %and3A_1894 = arith.andi %eq3A_1892, %lt3A_1893 : vector<16xi1>
      %or3A_1895 = arith.ori %gt3A_1891, %and3A_1894 : vector<16xi1>
      %select_n3A_1896 = arith.select %or3A_1895, %select_n3A_1878, %select_n3A_1861 : vector<16xi1>, vector<16xf32>
      %select_n3A_1897 = arith.select %or3A_1895, %select_n3A_1861, %select_n3A_1878 : vector<16xi1>, vector<16xf32>
      %select_n3A_1898 = arith.select %or3A_1895, %select_n3A_1880, %select_n3A_1863 : vector<16xi1>, vector<16xi32>
      %select_n3A_1899 = arith.select %or3A_1895, %select_n3A_1863, %select_n3A_1880 : vector<16xi1>, vector<16xi32>
      %gt3A_1900 = arith.cmpf ogt, %select_n3A_1887, %select_n3A_1870 : vector<16xf32>
      %eq3A_1901 = arith.cmpf oeq, %select_n3A_1887, %select_n3A_1870 : vector<16xf32>
      %lt3A_1902 = arith.cmpi slt, %select_n3A_1889, %select_n3A_1872 : vector<16xi32>
      %and3A_1903 = arith.andi %eq3A_1901, %lt3A_1902 : vector<16xi1>
      %or3A_1904 = arith.ori %gt3A_1900, %and3A_1903 : vector<16xi1>
      %select_n3A_1905 = arith.select %or3A_1904, %select_n3A_1887, %select_n3A_1870 : vector<16xi1>, vector<16xf32>
      %select_n3A_1906 = arith.select %or3A_1904, %select_n3A_1870, %select_n3A_1887 : vector<16xi1>, vector<16xf32>
      %select_n3A_1907 = arith.select %or3A_1904, %select_n3A_1889, %select_n3A_1872 : vector<16xi1>, vector<16xi32>
      %select_n3A_1908 = arith.select %or3A_1904, %select_n3A_1872, %select_n3A_1889 : vector<16xi1>, vector<16xi32>
      %gt3A_1909 = arith.cmpf ogt, %select_n3A_1869, %select_n3A_1896 : vector<16xf32>
      %eq3A_1910 = arith.cmpf oeq, %select_n3A_1869, %select_n3A_1896 : vector<16xf32>
      %lt3A_1911 = arith.cmpi slt, %select_n3A_1871, %select_n3A_1898 : vector<16xi32>
      %and3A_1912 = arith.andi %eq3A_1910, %lt3A_1911 : vector<16xi1>
      %or3A_1913 = arith.ori %gt3A_1909, %and3A_1912 : vector<16xi1>
      %select_n3A_1914 = arith.select %or3A_1913, %select_n3A_1869, %select_n3A_1896 : vector<16xi1>, vector<16xf32>
      %select_n3A_1915 = arith.select %or3A_1913, %select_n3A_1896, %select_n3A_1869 : vector<16xi1>, vector<16xf32>
      %select_n3A_1916 = arith.select %or3A_1913, %select_n3A_1871, %select_n3A_1898 : vector<16xi1>, vector<16xi32>
      %select_n3A_1917 = arith.select %or3A_1913, %select_n3A_1898, %select_n3A_1871 : vector<16xi1>, vector<16xi32>
      %gt3A_1918 = arith.cmpf ogt, %select_n3A_1905, %select_n3A_1897 : vector<16xf32>
      %eq3A_1919 = arith.cmpf oeq, %select_n3A_1905, %select_n3A_1897 : vector<16xf32>
      %lt3A_1920 = arith.cmpi slt, %select_n3A_1907, %select_n3A_1899 : vector<16xi32>
      %and3A_1921 = arith.andi %eq3A_1919, %lt3A_1920 : vector<16xi1>
      %or3A_1922 = arith.ori %gt3A_1918, %and3A_1921 : vector<16xi1>
      %select_n3A_1923 = arith.select %or3A_1922, %select_n3A_1905, %select_n3A_1897 : vector<16xi1>, vector<16xf32>
      %select_n3A_1924 = arith.select %or3A_1922, %select_n3A_1897, %select_n3A_1905 : vector<16xi1>, vector<16xf32>
      %select_n3A_1925 = arith.select %or3A_1922, %select_n3A_1907, %select_n3A_1899 : vector<16xi1>, vector<16xi32>
      %select_n3A_1926 = arith.select %or3A_1922, %select_n3A_1899, %select_n3A_1907 : vector<16xi1>, vector<16xi32>
      %gt3A_1927 = arith.cmpf ogt, %select_n3A_1906, %select_n3A_1879 : vector<16xf32>
      %eq3A_1928 = arith.cmpf oeq, %select_n3A_1906, %select_n3A_1879 : vector<16xf32>
      %lt3A_1929 = arith.cmpi slt, %select_n3A_1908, %select_n3A_1881 : vector<16xi32>
      %and3A_1930 = arith.andi %eq3A_1928, %lt3A_1929 : vector<16xi1>
      %or3A_1931 = arith.ori %gt3A_1927, %and3A_1930 : vector<16xi1>
      %select_n3A_1932 = arith.select %or3A_1931, %select_n3A_1906, %select_n3A_1879 : vector<16xi1>, vector<16xf32>
      %select_n3A_1933 = arith.select %or3A_1931, %select_n3A_1879, %select_n3A_1906 : vector<16xi1>, vector<16xf32>
      %select_n3A_1934 = arith.select %or3A_1931, %select_n3A_1908, %select_n3A_1881 : vector<16xi1>, vector<16xi32>
      %select_n3A_1935 = arith.select %or3A_1931, %select_n3A_1881, %select_n3A_1908 : vector<16xi1>, vector<16xi32>
      %add3A_1936 = arith.constant 0 : i32
      %add3A_1937 = vector.broadcast %add3A_1936 : i32 to vector<16xi32>
      %add3A_1938 = arith.addi %shift_left3A_1511, %add3A_1937 : vector<16xi32>
      %add3A_1939 = arith.addi %mul3A_7, %add3A_1938 : vector<16xi32>
      %gather3A_1940 = tpu.vector_load_idx %arg7[%add3A_1939] : memref<1040xf32, #tpu.memory_space<vmem>>[vector<16xi32>], vector<16xf32>,
      %add3A_1941 = arith.constant 1 : i32
      %add3A_1942 = vector.broadcast %add3A_1941 : i32 to vector<16xi32>
      %add3A_1943 = arith.addi %shift_left3A_1511, %add3A_1942 : vector<16xi32>
      %add3A_1944 = arith.addi %mul3A_7, %add3A_1943 : vector<16xi32>
      %gather3A_1945 = tpu.vector_load_idx %arg7[%add3A_1944] : memref<1040xf32, #tpu.memory_space<vmem>>[vector<16xi32>], vector<16xf32>,
      %add3A_1946 = arith.constant 2 : i32
      %add3A_1947 = vector.broadcast %add3A_1946 : i32 to vector<16xi32>
      %add3A_1948 = arith.addi %shift_left3A_1511, %add3A_1947 : vector<16xi32>
      %add3A_1949 = arith.addi %mul3A_7, %add3A_1948 : vector<16xi32>
      %gather3A_1950 = tpu.vector_load_idx %arg7[%add3A_1949] : memref<1040xf32, #tpu.memory_space<vmem>>[vector<16xi32>], vector<16xf32>,
      %add3A_1951 = arith.constant 3 : i32
      %add3A_1952 = vector.broadcast %add3A_1951 : i32 to vector<16xi32>
      %add3A_1953 = arith.addi %shift_left3A_1511, %add3A_1952 : vector<16xi32>
      %add3A_1954 = arith.addi %mul3A_7, %add3A_1953 : vector<16xi32>
      %gather3A_1955 = tpu.vector_load_idx %arg7[%add3A_1954] : memref<1040xf32, #tpu.memory_space<vmem>>[vector<16xi32>], vector<16xf32>,
      %add3A_1956 = arith.constant 4 : i32
      %add3A_1957 = vector.broadcast %add3A_1956 : i32 to vector<16xi32>
      %add3A_1958 = arith.addi %shift_left3A_1511, %add3A_1957 : vector<16xi32>
      %add3A_1959 = arith.addi %mul3A_7, %add3A_1958 : vector<16xi32>
      %gather3A_1960 = tpu.vector_load_idx %arg7[%add3A_1959] : memref<1040xf32, #tpu.memory_space<vmem>>[vector<16xi32>], vector<16xf32>,
      %add3A_1961 = arith.constant 5 : i32
      %add3A_1962 = vector.broadcast %add3A_1961 : i32 to vector<16xi32>
      %add3A_1963 = arith.addi %shift_left3A_1511, %add3A_1962 : vector<16xi32>
      %add3A_1964 = arith.addi %mul3A_7, %add3A_1963 : vector<16xi32>
      %gather3A_1965 = tpu.vector_load_idx %arg7[%add3A_1964] : memref<1040xf32, #tpu.memory_space<vmem>>[vector<16xi32>], vector<16xf32>,
      %add3A_1966 = arith.constant 6 : i32
      %add3A_1967 = vector.broadcast %add3A_1966 : i32 to vector<16xi32>
      %add3A_1968 = arith.addi %shift_left3A_1511, %add3A_1967 : vector<16xi32>
      %add3A_1969 = arith.addi %mul3A_7, %add3A_1968 : vector<16xi32>
      %gather3A_1970 = tpu.vector_load_idx %arg7[%add3A_1969] : memref<1040xf32, #tpu.memory_space<vmem>>[vector<16xi32>], vector<16xf32>,
      %add3A_1971 = arith.constant 7 : i32
      %add3A_1972 = vector.broadcast %add3A_1971 : i32 to vector<16xi32>
      %add3A_1973 = arith.addi %shift_left3A_1511, %add3A_1972 : vector<16xi32>
      %add3A_1974 = arith.addi %mul3A_7, %add3A_1973 : vector<16xi32>
      %gather3A_1975 = tpu.vector_load_idx %arg7[%add3A_1974] : memref<1040xf32, #tpu.memory_space<vmem>>[vector<16xi32>], vector<16xf32>,
      %gt3A_1976 = arith.cmpf ogt, %gather3A_1940, %gather3A_1945 : vector<16xf32>
      %eq3A_1977 = arith.cmpf oeq, %gather3A_1940, %gather3A_1945 : vector<16xf32>
      %lt3A_1978 = arith.cmpi slt, %add3A_1938, %add3A_1943 : vector<16xi32>
      %and3A_1979 = arith.andi %eq3A_1977, %lt3A_1978 : vector<16xi1>
      %or3A_1980 = arith.ori %gt3A_1976, %and3A_1979 : vector<16xi1>
      %select_n3A_1981 = arith.select %or3A_1980, %gather3A_1940, %gather3A_1945 : vector<16xi1>, vector<16xf32>
      %select_n3A_1982 = arith.select %or3A_1980, %gather3A_1945, %gather3A_1940 : vector<16xi1>, vector<16xf32>
      %select_n3A_1983 = arith.select %or3A_1980, %add3A_1938, %add3A_1943 : vector<16xi1>, vector<16xi32>
      %select_n3A_1984 = arith.select %or3A_1980, %add3A_1943, %add3A_1938 : vector<16xi1>, vector<16xi32>
      %gt3A_1985 = arith.cmpf ogt, %gather3A_1950, %gather3A_1955 : vector<16xf32>
      %eq3A_1986 = arith.cmpf oeq, %gather3A_1950, %gather3A_1955 : vector<16xf32>
      %lt3A_1987 = arith.cmpi slt, %add3A_1948, %add3A_1953 : vector<16xi32>
      %and3A_1988 = arith.andi %eq3A_1986, %lt3A_1987 : vector<16xi1>
      %or3A_1989 = arith.ori %gt3A_1985, %and3A_1988 : vector<16xi1>
      %select_n3A_1990 = arith.select %or3A_1989, %gather3A_1950, %gather3A_1955 : vector<16xi1>, vector<16xf32>
      %select_n3A_1991 = arith.select %or3A_1989, %gather3A_1955, %gather3A_1950 : vector<16xi1>, vector<16xf32>
      %select_n3A_1992 = arith.select %or3A_1989, %add3A_1948, %add3A_1953 : vector<16xi1>, vector<16xi32>
      %select_n3A_1993 = arith.select %or3A_1989, %add3A_1953, %add3A_1948 : vector<16xi1>, vector<16xi32>
      %gt3A_1994 = arith.cmpf ogt, %gather3A_1960, %gather3A_1965 : vector<16xf32>
      %eq3A_1995 = arith.cmpf oeq, %gather3A_1960, %gather3A_1965 : vector<16xf32>
      %lt3A_1996 = arith.cmpi slt, %add3A_1958, %add3A_1963 : vector<16xi32>
      %and3A_1997 = arith.andi %eq3A_1995, %lt3A_1996 : vector<16xi1>
      %or3A_1998 = arith.ori %gt3A_1994, %and3A_1997 : vector<16xi1>
      %select_n3A_1999 = arith.select %or3A_1998, %gather3A_1960, %gather3A_1965 : vector<16xi1>, vector<16xf32>
      %select_n3A_2000 = arith.select %or3A_1998, %gather3A_1965, %gather3A_1960 : vector<16xi1>, vector<16xf32>
      %select_n3A_2001 = arith.select %or3A_1998, %add3A_1958, %add3A_1963 : vector<16xi1>, vector<16xi32>
      %select_n3A_2002 = arith.select %or3A_1998, %add3A_1963, %add3A_1958 : vector<16xi1>, vector<16xi32>
      %gt3A_2003 = arith.cmpf ogt, %gather3A_1970, %gather3A_1975 : vector<16xf32>
      %eq3A_2004 = arith.cmpf oeq, %gather3A_1970, %gather3A_1975 : vector<16xf32>
      %lt3A_2005 = arith.cmpi slt, %add3A_1968, %add3A_1973 : vector<16xi32>
      %and3A_2006 = arith.andi %eq3A_2004, %lt3A_2005 : vector<16xi1>
      %or3A_2007 = arith.ori %gt3A_2003, %and3A_2006 : vector<16xi1>
      %select_n3A_2008 = arith.select %or3A_2007, %gather3A_1970, %gather3A_1975 : vector<16xi1>, vector<16xf32>
      %select_n3A_2009 = arith.select %or3A_2007, %gather3A_1975, %gather3A_1970 : vector<16xi1>, vector<16xf32>
      %select_n3A_2010 = arith.select %or3A_2007, %add3A_1968, %add3A_1973 : vector<16xi1>, vector<16xi32>
      %select_n3A_2011 = arith.select %or3A_2007, %add3A_1973, %add3A_1968 : vector<16xi1>, vector<16xi32>
      %gt3A_2012 = arith.cmpf ogt, %select_n3A_1981, %select_n3A_1990 : vector<16xf32>
      %eq3A_2013 = arith.cmpf oeq, %select_n3A_1981, %select_n3A_1990 : vector<16xf32>
      %lt3A_2014 = arith.cmpi slt, %select_n3A_1983, %select_n3A_1992 : vector<16xi32>
      %and3A_2015 = arith.andi %eq3A_2013, %lt3A_2014 : vector<16xi1>
      %or3A_2016 = arith.ori %gt3A_2012, %and3A_2015 : vector<16xi1>
      %select_n3A_2017 = arith.select %or3A_2016, %select_n3A_1981, %select_n3A_1990 : vector<16xi1>, vector<16xf32>
      %select_n3A_2018 = arith.select %or3A_2016, %select_n3A_1990, %select_n3A_1981 : vector<16xi1>, vector<16xf32>
      %select_n3A_2019 = arith.select %or3A_2016, %select_n3A_1983, %select_n3A_1992 : vector<16xi1>, vector<16xi32>
      %select_n3A_2020 = arith.select %or3A_2016, %select_n3A_1992, %select_n3A_1983 : vector<16xi1>, vector<16xi32>
      %gt3A_2021 = arith.cmpf ogt, %select_n3A_1982, %select_n3A_1991 : vector<16xf32>
      %eq3A_2022 = arith.cmpf oeq, %select_n3A_1982, %select_n3A_1991 : vector<16xf32>
      %lt3A_2023 = arith.cmpi slt, %select_n3A_1984, %select_n3A_1993 : vector<16xi32>
      %and3A_2024 = arith.andi %eq3A_2022, %lt3A_2023 : vector<16xi1>
      %or3A_2025 = arith.ori %gt3A_2021, %and3A_2024 : vector<16xi1>
      %select_n3A_2026 = arith.select %or3A_2025, %select_n3A_1982, %select_n3A_1991 : vector<16xi1>, vector<16xf32>
      %select_n3A_2027 = arith.select %or3A_2025, %select_n3A_1991, %select_n3A_1982 : vector<16xi1>, vector<16xf32>
      %select_n3A_2028 = arith.select %or3A_2025, %select_n3A_1984, %select_n3A_1993 : vector<16xi1>, vector<16xi32>
      %select_n3A_2029 = arith.select %or3A_2025, %select_n3A_1993, %select_n3A_1984 : vector<16xi1>, vector<16xi32>
      %gt3A_2030 = arith.cmpf ogt, %select_n3A_1999, %select_n3A_2008 : vector<16xf32>
      %eq3A_2031 = arith.cmpf oeq, %select_n3A_1999, %select_n3A_2008 : vector<16xf32>
      %lt3A_2032 = arith.cmpi slt, %select_n3A_2001, %select_n3A_2010 : vector<16xi32>
      %and3A_2033 = arith.andi %eq3A_2031, %lt3A_2032 : vector<16xi1>
      %or3A_2034 = arith.ori %gt3A_2030, %and3A_2033 : vector<16xi1>
      %select_n3A_2035 = arith.select %or3A_2034, %select_n3A_1999, %select_n3A_2008 : vector<16xi1>, vector<16xf32>
      %select_n3A_2036 = arith.select %or3A_2034, %select_n3A_2008, %select_n3A_1999 : vector<16xi1>, vector<16xf32>
      %select_n3A_2037 = arith.select %or3A_2034, %select_n3A_2001, %select_n3A_2010 : vector<16xi1>, vector<16xi32>
      %select_n3A_2038 = arith.select %or3A_2034, %select_n3A_2010, %select_n3A_2001 : vector<16xi1>, vector<16xi32>
      %gt3A_2039 = arith.cmpf ogt, %select_n3A_2000, %select_n3A_2009 : vector<16xf32>
      %eq3A_2040 = arith.cmpf oeq, %select_n3A_2000, %select_n3A_2009 : vector<16xf32>
      %lt3A_2041 = arith.cmpi slt, %select_n3A_2002, %select_n3A_2011 : vector<16xi32>
      %and3A_2042 = arith.andi %eq3A_2040, %lt3A_2041 : vector<16xi1>
      %or3A_2043 = arith.ori %gt3A_2039, %and3A_2042 : vector<16xi1>
      %select_n3A_2044 = arith.select %or3A_2043, %select_n3A_2000, %select_n3A_2009 : vector<16xi1>, vector<16xf32>
      %select_n3A_2045 = arith.select %or3A_2043, %select_n3A_2009, %select_n3A_2000 : vector<16xi1>, vector<16xf32>
      %select_n3A_2046 = arith.select %or3A_2043, %select_n3A_2002, %select_n3A_2011 : vector<16xi1>, vector<16xi32>
      %select_n3A_2047 = arith.select %or3A_2043, %select_n3A_2011, %select_n3A_2002 : vector<16xi1>, vector<16xi32>
      %gt3A_2048 = arith.cmpf ogt, %select_n3A_2026, %select_n3A_2018 : vector<16xf32>
      %eq3A_2049 = arith.cmpf oeq, %select_n3A_2026, %select_n3A_2018 : vector<16xf32>
      %lt3A_2050 = arith.cmpi slt, %select_n3A_2028, %select_n3A_2020 : vector<16xi32>
      %and3A_2051 = arith.andi %eq3A_2049, %lt3A_2050 : vector<16xi1>
      %or3A_2052 = arith.ori %gt3A_2048, %and3A_2051 : vector<16xi1>
      %select_n3A_2053 = arith.select %or3A_2052, %select_n3A_2026, %select_n3A_2018 : vector<16xi1>, vector<16xf32>
      %select_n3A_2054 = arith.select %or3A_2052, %select_n3A_2018, %select_n3A_2026 : vector<16xi1>, vector<16xf32>
      %select_n3A_2055 = arith.select %or3A_2052, %select_n3A_2028, %select_n3A_2020 : vector<16xi1>, vector<16xi32>
      %select_n3A_2056 = arith.select %or3A_2052, %select_n3A_2020, %select_n3A_2028 : vector<16xi1>, vector<16xi32>
      %gt3A_2057 = arith.cmpf ogt, %select_n3A_2044, %select_n3A_2036 : vector<16xf32>
      %eq3A_2058 = arith.cmpf oeq, %select_n3A_2044, %select_n3A_2036 : vector<16xf32>
      %lt3A_2059 = arith.cmpi slt, %select_n3A_2046, %select_n3A_2038 : vector<16xi32>
      %and3A_2060 = arith.andi %eq3A_2058, %lt3A_2059 : vector<16xi1>
      %or3A_2061 = arith.ori %gt3A_2057, %and3A_2060 : vector<16xi1>
      %select_n3A_2062 = arith.select %or3A_2061, %select_n3A_2044, %select_n3A_2036 : vector<16xi1>, vector<16xf32>
      %select_n3A_2063 = arith.select %or3A_2061, %select_n3A_2036, %select_n3A_2044 : vector<16xi1>, vector<16xf32>
      %select_n3A_2064 = arith.select %or3A_2061, %select_n3A_2046, %select_n3A_2038 : vector<16xi1>, vector<16xi32>
      %select_n3A_2065 = arith.select %or3A_2061, %select_n3A_2038, %select_n3A_2046 : vector<16xi1>, vector<16xi32>
      %gt3A_2066 = arith.cmpf ogt, %select_n3A_2017, %select_n3A_2035 : vector<16xf32>
      %eq3A_2067 = arith.cmpf oeq, %select_n3A_2017, %select_n3A_2035 : vector<16xf32>
      %lt3A_2068 = arith.cmpi slt, %select_n3A_2019, %select_n3A_2037 : vector<16xi32>
      %and3A_2069 = arith.andi %eq3A_2067, %lt3A_2068 : vector<16xi1>
      %or3A_2070 = arith.ori %gt3A_2066, %and3A_2069 : vector<16xi1>
      %select_n3A_2071 = arith.select %or3A_2070, %select_n3A_2017, %select_n3A_2035 : vector<16xi1>, vector<16xf32>
      %select_n3A_2072 = arith.select %or3A_2070, %select_n3A_2035, %select_n3A_2017 : vector<16xi1>, vector<16xf32>
      %select_n3A_2073 = arith.select %or3A_2070, %select_n3A_2019, %select_n3A_2037 : vector<16xi1>, vector<16xi32>
      %select_n3A_2074 = arith.select %or3A_2070, %select_n3A_2037, %select_n3A_2019 : vector<16xi1>, vector<16xi32>
      %gt3A_2075 = arith.cmpf ogt, %select_n3A_2053, %select_n3A_2062 : vector<16xf32>
      %eq3A_2076 = arith.cmpf oeq, %select_n3A_2053, %select_n3A_2062 : vector<16xf32>
      %lt3A_2077 = arith.cmpi slt, %select_n3A_2055, %select_n3A_2064 : vector<16xi32>
      %and3A_2078 = arith.andi %eq3A_2076, %lt3A_2077 : vector<16xi1>
      %or3A_2079 = arith.ori %gt3A_2075, %and3A_2078 : vector<16xi1>
      %select_n3A_2080 = arith.select %or3A_2079, %select_n3A_2053, %select_n3A_2062 : vector<16xi1>, vector<16xf32>
      %select_n3A_2081 = arith.select %or3A_2079, %select_n3A_2062, %select_n3A_2053 : vector<16xi1>, vector<16xf32>
      %select_n3A_2082 = arith.select %or3A_2079, %select_n3A_2055, %select_n3A_2064 : vector<16xi1>, vector<16xi32>
      %select_n3A_2083 = arith.select %or3A_2079, %select_n3A_2064, %select_n3A_2055 : vector<16xi1>, vector<16xi32>
      %gt3A_2084 = arith.cmpf ogt, %select_n3A_2054, %select_n3A_2063 : vector<16xf32>
      %eq3A_2085 = arith.cmpf oeq, %select_n3A_2054, %select_n3A_2063 : vector<16xf32>
      %lt3A_2086 = arith.cmpi slt, %select_n3A_2056, %select_n3A_2065 : vector<16xi32>
      %and3A_2087 = arith.andi %eq3A_2085, %lt3A_2086 : vector<16xi1>
      %or3A_2088 = arith.ori %gt3A_2084, %and3A_2087 : vector<16xi1>
      %select_n3A_2089 = arith.select %or3A_2088, %select_n3A_2054, %select_n3A_2063 : vector<16xi1>, vector<16xf32>
      %select_n3A_2090 = arith.select %or3A_2088, %select_n3A_2063, %select_n3A_2054 : vector<16xi1>, vector<16xf32>
      %select_n3A_2091 = arith.select %or3A_2088, %select_n3A_2056, %select_n3A_2065 : vector<16xi1>, vector<16xi32>
      %select_n3A_2092 = arith.select %or3A_2088, %select_n3A_2065, %select_n3A_2056 : vector<16xi1>, vector<16xi32>
      %gt3A_2093 = arith.cmpf ogt, %select_n3A_2027, %select_n3A_2045 : vector<16xf32>
      %eq3A_2094 = arith.cmpf oeq, %select_n3A_2027, %select_n3A_2045 : vector<16xf32>
      %lt3A_2095 = arith.cmpi slt, %select_n3A_2029, %select_n3A_2047 : vector<16xi32>
      %and3A_2096 = arith.andi %eq3A_2094, %lt3A_2095 : vector<16xi1>
      %or3A_2097 = arith.ori %gt3A_2093, %and3A_2096 : vector<16xi1>
      %select_n3A_2098 = arith.select %or3A_2097, %select_n3A_2027, %select_n3A_2045 : vector<16xi1>, vector<16xf32>
      %select_n3A_2099 = arith.select %or3A_2097, %select_n3A_2045, %select_n3A_2027 : vector<16xi1>, vector<16xf32>
      %select_n3A_2100 = arith.select %or3A_2097, %select_n3A_2029, %select_n3A_2047 : vector<16xi1>, vector<16xi32>
      %select_n3A_2101 = arith.select %or3A_2097, %select_n3A_2047, %select_n3A_2029 : vector<16xi1>, vector<16xi32>
      %gt3A_2102 = arith.cmpf ogt, %select_n3A_2089, %select_n3A_2072 : vector<16xf32>
      %eq3A_2103 = arith.cmpf oeq, %select_n3A_2089, %select_n3A_2072 : vector<16xf32>
      %lt3A_2104 = arith.cmpi slt, %select_n3A_2091, %select_n3A_2074 : vector<16xi32>
      %and3A_2105 = arith.andi %eq3A_2103, %lt3A_2104 : vector<16xi1>
      %or3A_2106 = arith.ori %gt3A_2102, %and3A_2105 : vector<16xi1>
      %select_n3A_2107 = arith.select %or3A_2106, %select_n3A_2089, %select_n3A_2072 : vector<16xi1>, vector<16xf32>
      %select_n3A_2108 = arith.select %or3A_2106, %select_n3A_2072, %select_n3A_2089 : vector<16xi1>, vector<16xf32>
      %select_n3A_2109 = arith.select %or3A_2106, %select_n3A_2091, %select_n3A_2074 : vector<16xi1>, vector<16xi32>
      %select_n3A_2110 = arith.select %or3A_2106, %select_n3A_2074, %select_n3A_2091 : vector<16xi1>, vector<16xi32>
      %gt3A_2111 = arith.cmpf ogt, %select_n3A_2098, %select_n3A_2081 : vector<16xf32>
      %eq3A_2112 = arith.cmpf oeq, %select_n3A_2098, %select_n3A_2081 : vector<16xf32>
      %lt3A_2113 = arith.cmpi slt, %select_n3A_2100, %select_n3A_2083 : vector<16xi32>
      %and3A_2114 = arith.andi %eq3A_2112, %lt3A_2113 : vector<16xi1>
      %or3A_2115 = arith.ori %gt3A_2111, %and3A_2114 : vector<16xi1>
      %select_n3A_2116 = arith.select %or3A_2115, %select_n3A_2098, %select_n3A_2081 : vector<16xi1>, vector<16xf32>
      %select_n3A_2117 = arith.select %or3A_2115, %select_n3A_2081, %select_n3A_2098 : vector<16xi1>, vector<16xf32>
      %select_n3A_2118 = arith.select %or3A_2115, %select_n3A_2100, %select_n3A_2083 : vector<16xi1>, vector<16xi32>
      %select_n3A_2119 = arith.select %or3A_2115, %select_n3A_2083, %select_n3A_2100 : vector<16xi1>, vector<16xi32>
      %gt3A_2120 = arith.cmpf ogt, %select_n3A_2080, %select_n3A_2107 : vector<16xf32>
      %eq3A_2121 = arith.cmpf oeq, %select_n3A_2080, %select_n3A_2107 : vector<16xf32>
      %lt3A_2122 = arith.cmpi slt, %select_n3A_2082, %select_n3A_2109 : vector<16xi32>
      %and3A_2123 = arith.andi %eq3A_2121, %lt3A_2122 : vector<16xi1>
      %or3A_2124 = arith.ori %gt3A_2120, %and3A_2123 : vector<16xi1>
      %select_n3A_2125 = arith.select %or3A_2124, %select_n3A_2080, %select_n3A_2107 : vector<16xi1>, vector<16xf32>
      %select_n3A_2126 = arith.select %or3A_2124, %select_n3A_2107, %select_n3A_2080 : vector<16xi1>, vector<16xf32>
      %select_n3A_2127 = arith.select %or3A_2124, %select_n3A_2082, %select_n3A_2109 : vector<16xi1>, vector<16xi32>
      %select_n3A_2128 = arith.select %or3A_2124, %select_n3A_2109, %select_n3A_2082 : vector<16xi1>, vector<16xi32>
      %gt3A_2129 = arith.cmpf ogt, %select_n3A_2116, %select_n3A_2108 : vector<16xf32>
      %eq3A_2130 = arith.cmpf oeq, %select_n3A_2116, %select_n3A_2108 : vector<16xf32>
      %lt3A_2131 = arith.cmpi slt, %select_n3A_2118, %select_n3A_2110 : vector<16xi32>
      %and3A_2132 = arith.andi %eq3A_2130, %lt3A_2131 : vector<16xi1>
      %or3A_2133 = arith.ori %gt3A_2129, %and3A_2132 : vector<16xi1>
      %select_n3A_2134 = arith.select %or3A_2133, %select_n3A_2116, %select_n3A_2108 : vector<16xi1>, vector<16xf32>
      %select_n3A_2135 = arith.select %or3A_2133, %select_n3A_2108, %select_n3A_2116 : vector<16xi1>, vector<16xf32>
      %select_n3A_2136 = arith.select %or3A_2133, %select_n3A_2118, %select_n3A_2110 : vector<16xi1>, vector<16xi32>
      %select_n3A_2137 = arith.select %or3A_2133, %select_n3A_2110, %select_n3A_2118 : vector<16xi1>, vector<16xi32>
      %gt3A_2138 = arith.cmpf ogt, %select_n3A_2117, %select_n3A_2090 : vector<16xf32>
      %eq3A_2139 = arith.cmpf oeq, %select_n3A_2117, %select_n3A_2090 : vector<16xf32>
      %lt3A_2140 = arith.cmpi slt, %select_n3A_2119, %select_n3A_2092 : vector<16xi32>
      %and3A_2141 = arith.andi %eq3A_2139, %lt3A_2140 : vector<16xi1>
      %or3A_2142 = arith.ori %gt3A_2138, %and3A_2141 : vector<16xi1>
      %select_n3A_2143 = arith.select %or3A_2142, %select_n3A_2117, %select_n3A_2090 : vector<16xi1>, vector<16xf32>
      %select_n3A_2144 = arith.select %or3A_2142, %select_n3A_2090, %select_n3A_2117 : vector<16xi1>, vector<16xf32>
      %select_n3A_2145 = arith.select %or3A_2142, %select_n3A_2119, %select_n3A_2092 : vector<16xi1>, vector<16xi32>
      %select_n3A_2146 = arith.select %or3A_2142, %select_n3A_2092, %select_n3A_2119 : vector<16xi1>, vector<16xi32>
      %add3A_2147 = arith.constant 0 : i32
      %add3A_2148 = vector.broadcast %add3A_2147 : i32 to vector<16xi32>
      %add3A_2149 = arith.addi %shift_left3A_1514, %add3A_2148 : vector<16xi32>
      %add3A_2150 = arith.addi %mul3A_7, %add3A_2149 : vector<16xi32>
      %gather3A_2151 = tpu.vector_load_idx %arg7[%add3A_2150] : memref<1040xf32, #tpu.memory_space<vmem>>[vector<16xi32>], vector<16xf32>,
      %add3A_2152 = arith.constant 1 : i32
      %add3A_2153 = vector.broadcast %add3A_2152 : i32 to vector<16xi32>
      %add3A_2154 = arith.addi %shift_left3A_1514, %add3A_2153 : vector<16xi32>
      %add3A_2155 = arith.addi %mul3A_7, %add3A_2154 : vector<16xi32>
      %gather3A_2156 = tpu.vector_load_idx %arg7[%add3A_2155] : memref<1040xf32, #tpu.memory_space<vmem>>[vector<16xi32>], vector<16xf32>,
      %add3A_2157 = arith.constant 2 : i32
      %add3A_2158 = vector.broadcast %add3A_2157 : i32 to vector<16xi32>
      %add3A_2159 = arith.addi %shift_left3A_1514, %add3A_2158 : vector<16xi32>
      %add3A_2160 = arith.addi %mul3A_7, %add3A_2159 : vector<16xi32>
      %gather3A_2161 = tpu.vector_load_idx %arg7[%add3A_2160] : memref<1040xf32, #tpu.memory_space<vmem>>[vector<16xi32>], vector<16xf32>,
      %add3A_2162 = arith.constant 3 : i32
      %add3A_2163 = vector.broadcast %add3A_2162 : i32 to vector<16xi32>
      %add3A_2164 = arith.addi %shift_left3A_1514, %add3A_2163 : vector<16xi32>
      %add3A_2165 = arith.addi %mul3A_7, %add3A_2164 : vector<16xi32>
      %gather3A_2166 = tpu.vector_load_idx %arg7[%add3A_2165] : memref<1040xf32, #tpu.memory_space<vmem>>[vector<16xi32>], vector<16xf32>,
      %add3A_2167 = arith.constant 4 : i32
      %add3A_2168 = vector.broadcast %add3A_2167 : i32 to vector<16xi32>
      %add3A_2169 = arith.addi %shift_left3A_1514, %add3A_2168 : vector<16xi32>
      %add3A_2170 = arith.addi %mul3A_7, %add3A_2169 : vector<16xi32>
      %gather3A_2171 = tpu.vector_load_idx %arg7[%add3A_2170] : memref<1040xf32, #tpu.memory_space<vmem>>[vector<16xi32>], vector<16xf32>,
      %add3A_2172 = arith.constant 5 : i32
      %add3A_2173 = vector.broadcast %add3A_2172 : i32 to vector<16xi32>
      %add3A_2174 = arith.addi %shift_left3A_1514, %add3A_2173 : vector<16xi32>
      %add3A_2175 = arith.addi %mul3A_7, %add3A_2174 : vector<16xi32>
      %gather3A_2176 = tpu.vector_load_idx %arg7[%add3A_2175] : memref<1040xf32, #tpu.memory_space<vmem>>[vector<16xi32>], vector<16xf32>,
      %add3A_2177 = arith.constant 6 : i32
      %add3A_2178 = vector.broadcast %add3A_2177 : i32 to vector<16xi32>
      %add3A_2179 = arith.addi %shift_left3A_1514, %add3A_2178 : vector<16xi32>
      %add3A_2180 = arith.addi %mul3A_7, %add3A_2179 : vector<16xi32>
      %gather3A_2181 = tpu.vector_load_idx %arg7[%add3A_2180] : memref<1040xf32, #tpu.memory_space<vmem>>[vector<16xi32>], vector<16xf32>,
      %add3A_2182 = arith.constant 7 : i32
      %add3A_2183 = vector.broadcast %add3A_2182 : i32 to vector<16xi32>
      %add3A_2184 = arith.addi %shift_left3A_1514, %add3A_2183 : vector<16xi32>
      %add3A_2185 = arith.addi %mul3A_7, %add3A_2184 : vector<16xi32>
      %gather3A_2186 = tpu.vector_load_idx %arg7[%add3A_2185] : memref<1040xf32, #tpu.memory_space<vmem>>[vector<16xi32>], vector<16xf32>,
      %gt3A_2187 = arith.cmpf ogt, %gather3A_2151, %gather3A_2156 : vector<16xf32>
      %eq3A_2188 = arith.cmpf oeq, %gather3A_2151, %gather3A_2156 : vector<16xf32>
      %lt3A_2189 = arith.cmpi slt, %add3A_2149, %add3A_2154 : vector<16xi32>
      %and3A_2190 = arith.andi %eq3A_2188, %lt3A_2189 : vector<16xi1>
      %or3A_2191 = arith.ori %gt3A_2187, %and3A_2190 : vector<16xi1>
      %select_n3A_2192 = arith.select %or3A_2191, %gather3A_2151, %gather3A_2156 : vector<16xi1>, vector<16xf32>
      %select_n3A_2193 = arith.select %or3A_2191, %gather3A_2156, %gather3A_2151 : vector<16xi1>, vector<16xf32>
      %select_n3A_2194 = arith.select %or3A_2191, %add3A_2149, %add3A_2154 : vector<16xi1>, vector<16xi32>
      %select_n3A_2195 = arith.select %or3A_2191, %add3A_2154, %add3A_2149 : vector<16xi1>, vector<16xi32>
      %gt3A_2196 = arith.cmpf ogt, %gather3A_2161, %gather3A_2166 : vector<16xf32>
      %eq3A_2197 = arith.cmpf oeq, %gather3A_2161, %gather3A_2166 : vector<16xf32>
      %lt3A_2198 = arith.cmpi slt, %add3A_2159, %add3A_2164 : vector<16xi32>
      %and3A_2199 = arith.andi %eq3A_2197, %lt3A_2198 : vector<16xi1>
      %or3A_2200 = arith.ori %gt3A_2196, %and3A_2199 : vector<16xi1>
      %select_n3A_2201 = arith.select %or3A_2200, %gather3A_2161, %gather3A_2166 : vector<16xi1>, vector<16xf32>
      %select_n3A_2202 = arith.select %or3A_2200, %gather3A_2166, %gather3A_2161 : vector<16xi1>, vector<16xf32>
      %select_n3A_2203 = arith.select %or3A_2200, %add3A_2159, %add3A_2164 : vector<16xi1>, vector<16xi32>
      %select_n3A_2204 = arith.select %or3A_2200, %add3A_2164, %add3A_2159 : vector<16xi1>, vector<16xi32>
      %gt3A_2205 = arith.cmpf ogt, %gather3A_2171, %gather3A_2176 : vector<16xf32>
      %eq3A_2206 = arith.cmpf oeq, %gather3A_2171, %gather3A_2176 : vector<16xf32>
      %lt3A_2207 = arith.cmpi slt, %add3A_2169, %add3A_2174 : vector<16xi32>
      %and3A_2208 = arith.andi %eq3A_2206, %lt3A_2207 : vector<16xi1>
      %or3A_2209 = arith.ori %gt3A_2205, %and3A_2208 : vector<16xi1>
      %select_n3A_2210 = arith.select %or3A_2209, %gather3A_2171, %gather3A_2176 : vector<16xi1>, vector<16xf32>
      %select_n3A_2211 = arith.select %or3A_2209, %gather3A_2176, %gather3A_2171 : vector<16xi1>, vector<16xf32>
      %select_n3A_2212 = arith.select %or3A_2209, %add3A_2169, %add3A_2174 : vector<16xi1>, vector<16xi32>
      %select_n3A_2213 = arith.select %or3A_2209, %add3A_2174, %add3A_2169 : vector<16xi1>, vector<16xi32>
      %gt3A_2214 = arith.cmpf ogt, %gather3A_2181, %gather3A_2186 : vector<16xf32>
      %eq3A_2215 = arith.cmpf oeq, %gather3A_2181, %gather3A_2186 : vector<16xf32>
      %lt3A_2216 = arith.cmpi slt, %add3A_2179, %add3A_2184 : vector<16xi32>
      %and3A_2217 = arith.andi %eq3A_2215, %lt3A_2216 : vector<16xi1>
      %or3A_2218 = arith.ori %gt3A_2214, %and3A_2217 : vector<16xi1>
      %select_n3A_2219 = arith.select %or3A_2218, %gather3A_2181, %gather3A_2186 : vector<16xi1>, vector<16xf32>
      %select_n3A_2220 = arith.select %or3A_2218, %gather3A_2186, %gather3A_2181 : vector<16xi1>, vector<16xf32>
      %select_n3A_2221 = arith.select %or3A_2218, %add3A_2179, %add3A_2184 : vector<16xi1>, vector<16xi32>
      %select_n3A_2222 = arith.select %or3A_2218, %add3A_2184, %add3A_2179 : vector<16xi1>, vector<16xi32>
      %gt3A_2223 = arith.cmpf ogt, %select_n3A_2192, %select_n3A_2201 : vector<16xf32>
      %eq3A_2224 = arith.cmpf oeq, %select_n3A_2192, %select_n3A_2201 : vector<16xf32>
      %lt3A_2225 = arith.cmpi slt, %select_n3A_2194, %select_n3A_2203 : vector<16xi32>
      %and3A_2226 = arith.andi %eq3A_2224, %lt3A_2225 : vector<16xi1>
      %or3A_2227 = arith.ori %gt3A_2223, %and3A_2226 : vector<16xi1>
      %select_n3A_2228 = arith.select %or3A_2227, %select_n3A_2192, %select_n3A_2201 : vector<16xi1>, vector<16xf32>
      %select_n3A_2229 = arith.select %or3A_2227, %select_n3A_2201, %select_n3A_2192 : vector<16xi1>, vector<16xf32>
      %select_n3A_2230 = arith.select %or3A_2227, %select_n3A_2194, %select_n3A_2203 : vector<16xi1>, vector<16xi32>
      %select_n3A_2231 = arith.select %or3A_2227, %select_n3A_2203, %select_n3A_2194 : vector<16xi1>, vector<16xi32>
      %gt3A_2232 = arith.cmpf ogt, %select_n3A_2193, %select_n3A_2202 : vector<16xf32>
      %eq3A_2233 = arith.cmpf oeq, %select_n3A_2193, %select_n3A_2202 : vector<16xf32>
      %lt3A_2234 = arith.cmpi slt, %select_n3A_2195, %select_n3A_2204 : vector<16xi32>
      %and3A_2235 = arith.andi %eq3A_2233, %lt3A_2234 : vector<16xi1>
      %or3A_2236 = arith.ori %gt3A_2232, %and3A_2235 : vector<16xi1>
      %select_n3A_2237 = arith.select %or3A_2236, %select_n3A_2193, %select_n3A_2202 : vector<16xi1>, vector<16xf32>
      %select_n3A_2238 = arith.select %or3A_2236, %select_n3A_2202, %select_n3A_2193 : vector<16xi1>, vector<16xf32>
      %select_n3A_2239 = arith.select %or3A_2236, %select_n3A_2195, %select_n3A_2204 : vector<16xi1>, vector<16xi32>
      %select_n3A_2240 = arith.select %or3A_2236, %select_n3A_2204, %select_n3A_2195 : vector<16xi1>, vector<16xi32>
      %gt3A_2241 = arith.cmpf ogt, %select_n3A_2210, %select_n3A_2219 : vector<16xf32>
      %eq3A_2242 = arith.cmpf oeq, %select_n3A_2210, %select_n3A_2219 : vector<16xf32>
      %lt3A_2243 = arith.cmpi slt, %select_n3A_2212, %select_n3A_2221 : vector<16xi32>
      %and3A_2244 = arith.andi %eq3A_2242, %lt3A_2243 : vector<16xi1>
      %or3A_2245 = arith.ori %gt3A_2241, %and3A_2244 : vector<16xi1>
      %select_n3A_2246 = arith.select %or3A_2245, %select_n3A_2210, %select_n3A_2219 : vector<16xi1>, vector<16xf32>
      %select_n3A_2247 = arith.select %or3A_2245, %select_n3A_2219, %select_n3A_2210 : vector<16xi1>, vector<16xf32>
      %select_n3A_2248 = arith.select %or3A_2245, %select_n3A_2212, %select_n3A_2221 : vector<16xi1>, vector<16xi32>
      %select_n3A_2249 = arith.select %or3A_2245, %select_n3A_2221, %select_n3A_2212 : vector<16xi1>, vector<16xi32>
      %gt3A_2250 = arith.cmpf ogt, %select_n3A_2211, %select_n3A_2220 : vector<16xf32>
      %eq3A_2251 = arith.cmpf oeq, %select_n3A_2211, %select_n3A_2220 : vector<16xf32>
      %lt3A_2252 = arith.cmpi slt, %select_n3A_2213, %select_n3A_2222 : vector<16xi32>
      %and3A_2253 = arith.andi %eq3A_2251, %lt3A_2252 : vector<16xi1>
      %or3A_2254 = arith.ori %gt3A_2250, %and3A_2253 : vector<16xi1>
      %select_n3A_2255 = arith.select %or3A_2254, %select_n3A_2211, %select_n3A_2220 : vector<16xi1>, vector<16xf32>
      %select_n3A_2256 = arith.select %or3A_2254, %select_n3A_2220, %select_n3A_2211 : vector<16xi1>, vector<16xf32>
      %select_n3A_2257 = arith.select %or3A_2254, %select_n3A_2213, %select_n3A_2222 : vector<16xi1>, vector<16xi32>
      %select_n3A_2258 = arith.select %or3A_2254, %select_n3A_2222, %select_n3A_2213 : vector<16xi1>, vector<16xi32>
      %gt3A_2259 = arith.cmpf ogt, %select_n3A_2237, %select_n3A_2229 : vector<16xf32>
      %eq3A_2260 = arith.cmpf oeq, %select_n3A_2237, %select_n3A_2229 : vector<16xf32>
      %lt3A_2261 = arith.cmpi slt, %select_n3A_2239, %select_n3A_2231 : vector<16xi32>
      %and3A_2262 = arith.andi %eq3A_2260, %lt3A_2261 : vector<16xi1>
      %or3A_2263 = arith.ori %gt3A_2259, %and3A_2262 : vector<16xi1>
      %select_n3A_2264 = arith.select %or3A_2263, %select_n3A_2237, %select_n3A_2229 : vector<16xi1>, vector<16xf32>
      %select_n3A_2265 = arith.select %or3A_2263, %select_n3A_2229, %select_n3A_2237 : vector<16xi1>, vector<16xf32>
      %select_n3A_2266 = arith.select %or3A_2263, %select_n3A_2239, %select_n3A_2231 : vector<16xi1>, vector<16xi32>
      %select_n3A_2267 = arith.select %or3A_2263, %select_n3A_2231, %select_n3A_2239 : vector<16xi1>, vector<16xi32>
      %gt3A_2268 = arith.cmpf ogt, %select_n3A_2255, %select_n3A_2247 : vector<16xf32>
      %eq3A_2269 = arith.cmpf oeq, %select_n3A_2255, %select_n3A_2247 : vector<16xf32>
      %lt3A_2270 = arith.cmpi slt, %select_n3A_2257, %select_n3A_2249 : vector<16xi32>
      %and3A_2271 = arith.andi %eq3A_2269, %lt3A_2270 : vector<16xi1>
      %or3A_2272 = arith.ori %gt3A_2268, %and3A_2271 : vector<16xi1>
      %select_n3A_2273 = arith.select %or3A_2272, %select_n3A_2255, %select_n3A_2247 : vector<16xi1>, vector<16xf32>
      %select_n3A_2274 = arith.select %or3A_2272, %select_n3A_2247, %select_n3A_2255 : vector<16xi1>, vector<16xf32>
      %select_n3A_2275 = arith.select %or3A_2272, %select_n3A_2257, %select_n3A_2249 : vector<16xi1>, vector<16xi32>
      %select_n3A_2276 = arith.select %or3A_2272, %select_n3A_2249, %select_n3A_2257 : vector<16xi1>, vector<16xi32>
      %gt3A_2277 = arith.cmpf ogt, %select_n3A_2228, %select_n3A_2246 : vector<16xf32>
      %eq3A_2278 = arith.cmpf oeq, %select_n3A_2228, %select_n3A_2246 : vector<16xf32>
      %lt3A_2279 = arith.cmpi slt, %select_n3A_2230, %select_n3A_2248 : vector<16xi32>
      %and3A_2280 = arith.andi %eq3A_2278, %lt3A_2279 : vector<16xi1>
      %or3A_2281 = arith.ori %gt3A_2277, %and3A_2280 : vector<16xi1>
      %select_n3A_2282 = arith.select %or3A_2281, %select_n3A_2228, %select_n3A_2246 : vector<16xi1>, vector<16xf32>
      %select_n3A_2283 = arith.select %or3A_2281, %select_n3A_2246, %select_n3A_2228 : vector<16xi1>, vector<16xf32>
      %select_n3A_2284 = arith.select %or3A_2281, %select_n3A_2230, %select_n3A_2248 : vector<16xi1>, vector<16xi32>
      %select_n3A_2285 = arith.select %or3A_2281, %select_n3A_2248, %select_n3A_2230 : vector<16xi1>, vector<16xi32>
      %gt3A_2286 = arith.cmpf ogt, %select_n3A_2264, %select_n3A_2273 : vector<16xf32>
      %eq3A_2287 = arith.cmpf oeq, %select_n3A_2264, %select_n3A_2273 : vector<16xf32>
      %lt3A_2288 = arith.cmpi slt, %select_n3A_2266, %select_n3A_2275 : vector<16xi32>
      %and3A_2289 = arith.andi %eq3A_2287, %lt3A_2288 : vector<16xi1>
      %or3A_2290 = arith.ori %gt3A_2286, %and3A_2289 : vector<16xi1>
      %select_n3A_2291 = arith.select %or3A_2290, %select_n3A_2264, %select_n3A_2273 : vector<16xi1>, vector<16xf32>
      %select_n3A_2292 = arith.select %or3A_2290, %select_n3A_2273, %select_n3A_2264 : vector<16xi1>, vector<16xf32>
      %select_n3A_2293 = arith.select %or3A_2290, %select_n3A_2266, %select_n3A_2275 : vector<16xi1>, vector<16xi32>
      %select_n3A_2294 = arith.select %or3A_2290, %select_n3A_2275, %select_n3A_2266 : vector<16xi1>, vector<16xi32>
      %gt3A_2295 = arith.cmpf ogt, %select_n3A_2265, %select_n3A_2274 : vector<16xf32>
      %eq3A_2296 = arith.cmpf oeq, %select_n3A_2265, %select_n3A_2274 : vector<16xf32>
      %lt3A_2297 = arith.cmpi slt, %select_n3A_2267, %select_n3A_2276 : vector<16xi32>
      %and3A_2298 = arith.andi %eq3A_2296, %lt3A_2297 : vector<16xi1>
      %or3A_2299 = arith.ori %gt3A_2295, %and3A_2298 : vector<16xi1>
      %select_n3A_2300 = arith.select %or3A_2299, %select_n3A_2265, %select_n3A_2274 : vector<16xi1>, vector<16xf32>
      %select_n3A_2301 = arith.select %or3A_2299, %select_n3A_2274, %select_n3A_2265 : vector<16xi1>, vector<16xf32>
      %select_n3A_2302 = arith.select %or3A_2299, %select_n3A_2267, %select_n3A_2276 : vector<16xi1>, vector<16xi32>
      %select_n3A_2303 = arith.select %or3A_2299, %select_n3A_2276, %select_n3A_2267 : vector<16xi1>, vector<16xi32>
      %gt3A_2304 = arith.cmpf ogt, %select_n3A_2238, %select_n3A_2256 : vector<16xf32>
      %eq3A_2305 = arith.cmpf oeq, %select_n3A_2238, %select_n3A_2256 : vector<16xf32>
      %lt3A_2306 = arith.cmpi slt, %select_n3A_2240, %select_n3A_2258 : vector<16xi32>
      %and3A_2307 = arith.andi %eq3A_2305, %lt3A_2306 : vector<16xi1>
      %or3A_2308 = arith.ori %gt3A_2304, %and3A_2307 : vector<16xi1>
      %select_n3A_2309 = arith.select %or3A_2308, %select_n3A_2238, %select_n3A_2256 : vector<16xi1>, vector<16xf32>
      %select_n3A_2310 = arith.select %or3A_2308, %select_n3A_2256, %select_n3A_2238 : vector<16xi1>, vector<16xf32>
      %select_n3A_2311 = arith.select %or3A_2308, %select_n3A_2240, %select_n3A_2258 : vector<16xi1>, vector<16xi32>
      %select_n3A_2312 = arith.select %or3A_2308, %select_n3A_2258, %select_n3A_2240 : vector<16xi1>, vector<16xi32>
      %gt3A_2313 = arith.cmpf ogt, %select_n3A_2300, %select_n3A_2283 : vector<16xf32>
      %eq3A_2314 = arith.cmpf oeq, %select_n3A_2300, %select_n3A_2283 : vector<16xf32>
      %lt3A_2315 = arith.cmpi slt, %select_n3A_2302, %select_n3A_2285 : vector<16xi32>
      %and3A_2316 = arith.andi %eq3A_2314, %lt3A_2315 : vector<16xi1>
      %or3A_2317 = arith.ori %gt3A_2313, %and3A_2316 : vector<16xi1>
      %select_n3A_2318 = arith.select %or3A_2317, %select_n3A_2300, %select_n3A_2283 : vector<16xi1>, vector<16xf32>
      %select_n3A_2319 = arith.select %or3A_2317, %select_n3A_2283, %select_n3A_2300 : vector<16xi1>, vector<16xf32>
      %select_n3A_2320 = arith.select %or3A_2317, %select_n3A_2302, %select_n3A_2285 : vector<16xi1>, vector<16xi32>
      %select_n3A_2321 = arith.select %or3A_2317, %select_n3A_2285, %select_n3A_2302 : vector<16xi1>, vector<16xi32>
      %gt3A_2322 = arith.cmpf ogt, %select_n3A_2309, %select_n3A_2292 : vector<16xf32>
      %eq3A_2323 = arith.cmpf oeq, %select_n3A_2309, %select_n3A_2292 : vector<16xf32>
      %lt3A_2324 = arith.cmpi slt, %select_n3A_2311, %select_n3A_2294 : vector<16xi32>
      %and3A_2325 = arith.andi %eq3A_2323, %lt3A_2324 : vector<16xi1>
      %or3A_2326 = arith.ori %gt3A_2322, %and3A_2325 : vector<16xi1>
      %select_n3A_2327 = arith.select %or3A_2326, %select_n3A_2309, %select_n3A_2292 : vector<16xi1>, vector<16xf32>
      %select_n3A_2328 = arith.select %or3A_2326, %select_n3A_2292, %select_n3A_2309 : vector<16xi1>, vector<16xf32>
      %select_n3A_2329 = arith.select %or3A_2326, %select_n3A_2311, %select_n3A_2294 : vector<16xi1>, vector<16xi32>
      %select_n3A_2330 = arith.select %or3A_2326, %select_n3A_2294, %select_n3A_2311 : vector<16xi1>, vector<16xi32>
      %gt3A_2331 = arith.cmpf ogt, %select_n3A_2291, %select_n3A_2318 : vector<16xf32>
      %eq3A_2332 = arith.cmpf oeq, %select_n3A_2291, %select_n3A_2318 : vector<16xf32>
      %lt3A_2333 = arith.cmpi slt, %select_n3A_2293, %select_n3A_2320 : vector<16xi32>
      %and3A_2334 = arith.andi %eq3A_2332, %lt3A_2333 : vector<16xi1>
      %or3A_2335 = arith.ori %gt3A_2331, %and3A_2334 : vector<16xi1>
      %select_n3A_2336 = arith.select %or3A_2335, %select_n3A_2291, %select_n3A_2318 : vector<16xi1>, vector<16xf32>
      %select_n3A_2337 = arith.select %or3A_2335, %select_n3A_2318, %select_n3A_2291 : vector<16xi1>, vector<16xf32>
      %select_n3A_2338 = arith.select %or3A_2335, %select_n3A_2293, %select_n3A_2320 : vector<16xi1>, vector<16xi32>
      %select_n3A_2339 = arith.select %or3A_2335, %select_n3A_2320, %select_n3A_2293 : vector<16xi1>, vector<16xi32>
      %gt3A_2340 = arith.cmpf ogt, %select_n3A_2327, %select_n3A_2319 : vector<16xf32>
      %eq3A_2341 = arith.cmpf oeq, %select_n3A_2327, %select_n3A_2319 : vector<16xf32>
      %lt3A_2342 = arith.cmpi slt, %select_n3A_2329, %select_n3A_2321 : vector<16xi32>
      %and3A_2343 = arith.andi %eq3A_2341, %lt3A_2342 : vector<16xi1>
      %or3A_2344 = arith.ori %gt3A_2340, %and3A_2343 : vector<16xi1>
      %select_n3A_2345 = arith.select %or3A_2344, %select_n3A_2327, %select_n3A_2319 : vector<16xi1>, vector<16xf32>
      %select_n3A_2346 = arith.select %or3A_2344, %select_n3A_2319, %select_n3A_2327 : vector<16xi1>, vector<16xf32>
      %select_n3A_2347 = arith.select %or3A_2344, %select_n3A_2329, %select_n3A_2321 : vector<16xi1>, vector<16xi32>
      %select_n3A_2348 = arith.select %or3A_2344, %select_n3A_2321, %select_n3A_2329 : vector<16xi1>, vector<16xi32>
      %gt3A_2349 = arith.cmpf ogt, %select_n3A_2328, %select_n3A_2301 : vector<16xf32>
      %eq3A_2350 = arith.cmpf oeq, %select_n3A_2328, %select_n3A_2301 : vector<16xf32>
      %lt3A_2351 = arith.cmpi slt, %select_n3A_2330, %select_n3A_2303 : vector<16xi32>
      %and3A_2352 = arith.andi %eq3A_2350, %lt3A_2351 : vector<16xi1>
      %or3A_2353 = arith.ori %gt3A_2349, %and3A_2352 : vector<16xi1>
      %select_n3A_2354 = arith.select %or3A_2353, %select_n3A_2328, %select_n3A_2301 : vector<16xi1>, vector<16xf32>
      %select_n3A_2355 = arith.select %or3A_2353, %select_n3A_2301, %select_n3A_2328 : vector<16xi1>, vector<16xf32>
      %select_n3A_2356 = arith.select %or3A_2353, %select_n3A_2330, %select_n3A_2303 : vector<16xi1>, vector<16xi32>
      %select_n3A_2357 = arith.select %or3A_2353, %select_n3A_2303, %select_n3A_2330 : vector<16xi1>, vector<16xi32>
      %gt3A_2358 = arith.cmpf ogt, %select_n3A_1649, %select_n3A_1888 : vector<16xf32>
      %eq3A_2359 = arith.cmpf oeq, %select_n3A_1649, %select_n3A_1888 : vector<16xf32>
      %lt3A_2360 = arith.cmpi slt, %select_n3A_1651, %select_n3A_1890 : vector<16xi32>
      %and3A_2361 = arith.andi %eq3A_2359, %lt3A_2360 : vector<16xi1>
      %or3A_2362 = arith.ori %gt3A_2358, %and3A_2361 : vector<16xi1>
      %select_n3A_2363 = arith.select %or3A_2362, %select_n3A_1649, %select_n3A_1888 : vector<16xi1>, vector<16xf32>
      %select_n3A_2364 = arith.select %or3A_2362, %select_n3A_1651, %select_n3A_1890 : vector<16xi1>, vector<16xi32>
      %gt3A_2365 = arith.cmpf ogt, %select_n3A_1703, %select_n3A_1933 : vector<16xf32>
      %eq3A_2366 = arith.cmpf oeq, %select_n3A_1703, %select_n3A_1933 : vector<16xf32>
      %lt3A_2367 = arith.cmpi slt, %select_n3A_1705, %select_n3A_1935 : vector<16xi32>
      %and3A_2368 = arith.andi %eq3A_2366, %lt3A_2367 : vector<16xi1>
      %or3A_2369 = arith.ori %gt3A_2365, %and3A_2368 : vector<16xi1>
      %select_n3A_2370 = arith.select %or3A_2369, %select_n3A_1703, %select_n3A_1933 : vector<16xi1>, vector<16xf32>
      %select_n3A_2371 = arith.select %or3A_2369, %select_n3A_1705, %select_n3A_1935 : vector<16xi1>, vector<16xi32>
      %gt3A_2372 = arith.cmpf ogt, %select_n3A_1704, %select_n3A_1932 : vector<16xf32>
      %eq3A_2373 = arith.cmpf oeq, %select_n3A_1704, %select_n3A_1932 : vector<16xf32>
      %lt3A_2374 = arith.cmpi slt, %select_n3A_1706, %select_n3A_1934 : vector<16xi32>
      %and3A_2375 = arith.andi %eq3A_2373, %lt3A_2374 : vector<16xi1>
      %or3A_2376 = arith.ori %gt3A_2372, %and3A_2375 : vector<16xi1>
      %select_n3A_2377 = arith.select %or3A_2376, %select_n3A_1704, %select_n3A_1932 : vector<16xi1>, vector<16xf32>
      %select_n3A_2378 = arith.select %or3A_2376, %select_n3A_1706, %select_n3A_1934 : vector<16xi1>, vector<16xi32>
      %gt3A_2379 = arith.cmpf ogt, %select_n3A_1712, %select_n3A_1924 : vector<16xf32>
      %eq3A_2380 = arith.cmpf oeq, %select_n3A_1712, %select_n3A_1924 : vector<16xf32>
      %lt3A_2381 = arith.cmpi slt, %select_n3A_1714, %select_n3A_1926 : vector<16xi32>
      %and3A_2382 = arith.andi %eq3A_2380, %lt3A_2381 : vector<16xi1>
      %or3A_2383 = arith.ori %gt3A_2379, %and3A_2382 : vector<16xi1>
      %select_n3A_2384 = arith.select %or3A_2383, %select_n3A_1712, %select_n3A_1924 : vector<16xi1>, vector<16xf32>
      %select_n3A_2385 = arith.select %or3A_2383, %select_n3A_1714, %select_n3A_1926 : vector<16xi1>, vector<16xi32>
      %gt3A_2386 = arith.cmpf ogt, %select_n3A_1713, %select_n3A_1923 : vector<16xf32>
      %eq3A_2387 = arith.cmpf oeq, %select_n3A_1713, %select_n3A_1923 : vector<16xf32>
      %lt3A_2388 = arith.cmpi slt, %select_n3A_1715, %select_n3A_1925 : vector<16xi32>
      %and3A_2389 = arith.andi %eq3A_2387, %lt3A_2388 : vector<16xi1>
      %or3A_2390 = arith.ori %gt3A_2386, %and3A_2389 : vector<16xi1>
      %select_n3A_2391 = arith.select %or3A_2390, %select_n3A_1713, %select_n3A_1923 : vector<16xi1>, vector<16xf32>
      %select_n3A_2392 = arith.select %or3A_2390, %select_n3A_1715, %select_n3A_1925 : vector<16xi1>, vector<16xi32>
      %gt3A_2393 = arith.cmpf ogt, %select_n3A_1721, %select_n3A_1915 : vector<16xf32>
      %eq3A_2394 = arith.cmpf oeq, %select_n3A_1721, %select_n3A_1915 : vector<16xf32>
      %lt3A_2395 = arith.cmpi slt, %select_n3A_1723, %select_n3A_1917 : vector<16xi32>
      %and3A_2396 = arith.andi %eq3A_2394, %lt3A_2395 : vector<16xi1>
      %or3A_2397 = arith.ori %gt3A_2393, %and3A_2396 : vector<16xi1>
      %select_n3A_2398 = arith.select %or3A_2397, %select_n3A_1721, %select_n3A_1915 : vector<16xi1>, vector<16xf32>
      %select_n3A_2399 = arith.select %or3A_2397, %select_n3A_1723, %select_n3A_1917 : vector<16xi1>, vector<16xi32>
      %gt3A_2400 = arith.cmpf ogt, %select_n3A_1722, %select_n3A_1914 : vector<16xf32>
      %eq3A_2401 = arith.cmpf oeq, %select_n3A_1722, %select_n3A_1914 : vector<16xf32>
      %lt3A_2402 = arith.cmpi slt, %select_n3A_1724, %select_n3A_1916 : vector<16xi32>
      %and3A_2403 = arith.andi %eq3A_2401, %lt3A_2402 : vector<16xi1>
      %or3A_2404 = arith.ori %gt3A_2400, %and3A_2403 : vector<16xi1>
      %select_n3A_2405 = arith.select %or3A_2404, %select_n3A_1722, %select_n3A_1914 : vector<16xi1>, vector<16xf32>
      %select_n3A_2406 = arith.select %or3A_2404, %select_n3A_1724, %select_n3A_1916 : vector<16xi1>, vector<16xi32>
      %gt3A_2407 = arith.cmpf ogt, %select_n3A_1677, %select_n3A_1860 : vector<16xf32>
      %eq3A_2408 = arith.cmpf oeq, %select_n3A_1677, %select_n3A_1860 : vector<16xf32>
      %lt3A_2409 = arith.cmpi slt, %select_n3A_1679, %select_n3A_1862 : vector<16xi32>
      %and3A_2410 = arith.andi %eq3A_2408, %lt3A_2409 : vector<16xi1>
      %or3A_2411 = arith.ori %gt3A_2407, %and3A_2410 : vector<16xi1>
      %select_n3A_2412 = arith.select %or3A_2411, %select_n3A_1677, %select_n3A_1860 : vector<16xi1>, vector<16xf32>
      %select_n3A_2413 = arith.select %or3A_2411, %select_n3A_1679, %select_n3A_1862 : vector<16xi1>, vector<16xi32>
      %gt3A_2414 = arith.cmpf ogt, %select_n3A_2363, %select_n3A_2391 : vector<16xf32>
      %eq3A_2415 = arith.cmpf oeq, %select_n3A_2363, %select_n3A_2391 : vector<16xf32>
      %lt3A_2416 = arith.cmpi slt, %select_n3A_2364, %select_n3A_2392 : vector<16xi32>
      %and3A_2417 = arith.andi %eq3A_2415, %lt3A_2416 : vector<16xi1>
      %or3A_2418 = arith.ori %gt3A_2414, %and3A_2417 : vector<16xi1>
      %select_n3A_2419 = arith.select %or3A_2418, %select_n3A_2363, %select_n3A_2391 : vector<16xi1>, vector<16xf32>
      %select_n3A_2420 = arith.select %or3A_2418, %select_n3A_2391, %select_n3A_2363 : vector<16xi1>, vector<16xf32>
      %select_n3A_2421 = arith.select %or3A_2418, %select_n3A_2364, %select_n3A_2392 : vector<16xi1>, vector<16xi32>
      %select_n3A_2422 = arith.select %or3A_2418, %select_n3A_2392, %select_n3A_2364 : vector<16xi1>, vector<16xi32>
      %gt3A_2423 = arith.cmpf ogt, %select_n3A_2370, %select_n3A_2398 : vector<16xf32>
      %eq3A_2424 = arith.cmpf oeq, %select_n3A_2370, %select_n3A_2398 : vector<16xf32>
      %lt3A_2425 = arith.cmpi slt, %select_n3A_2371, %select_n3A_2399 : vector<16xi32>
      %and3A_2426 = arith.andi %eq3A_2424, %lt3A_2425 : vector<16xi1>
      %or3A_2427 = arith.ori %gt3A_2423, %and3A_2426 : vector<16xi1>
      %select_n3A_2428 = arith.select %or3A_2427, %select_n3A_2370, %select_n3A_2398 : vector<16xi1>, vector<16xf32>
      %select_n3A_2429 = arith.select %or3A_2427, %select_n3A_2398, %select_n3A_2370 : vector<16xi1>, vector<16xf32>
      %select_n3A_2430 = arith.select %or3A_2427, %select_n3A_2371, %select_n3A_2399 : vector<16xi1>, vector<16xi32>
      %select_n3A_2431 = arith.select %or3A_2427, %select_n3A_2399, %select_n3A_2371 : vector<16xi1>, vector<16xi32>
      %gt3A_2432 = arith.cmpf ogt, %select_n3A_2377, %select_n3A_2405 : vector<16xf32>
      %eq3A_2433 = arith.cmpf oeq, %select_n3A_2377, %select_n3A_2405 : vector<16xf32>
      %lt3A_2434 = arith.cmpi slt, %select_n3A_2378, %select_n3A_2406 : vector<16xi32>
      %and3A_2435 = arith.andi %eq3A_2433, %lt3A_2434 : vector<16xi1>
      %or3A_2436 = arith.ori %gt3A_2432, %and3A_2435 : vector<16xi1>
      %select_n3A_2437 = arith.select %or3A_2436, %select_n3A_2377, %select_n3A_2405 : vector<16xi1>, vector<16xf32>
      %select_n3A_2438 = arith.select %or3A_2436, %select_n3A_2405, %select_n3A_2377 : vector<16xi1>, vector<16xf32>
      %select_n3A_2439 = arith.select %or3A_2436, %select_n3A_2378, %select_n3A_2406 : vector<16xi1>, vector<16xi32>
      %select_n3A_2440 = arith.select %or3A_2436, %select_n3A_2406, %select_n3A_2378 : vector<16xi1>, vector<16xi32>
      %gt3A_2441 = arith.cmpf ogt, %select_n3A_2384, %select_n3A_2412 : vector<16xf32>
      %eq3A_2442 = arith.cmpf oeq, %select_n3A_2384, %select_n3A_2412 : vector<16xf32>
      %lt3A_2443 = arith.cmpi slt, %select_n3A_2385, %select_n3A_2413 : vector<16xi32>
      %and3A_2444 = arith.andi %eq3A_2442, %lt3A_2443 : vector<16xi1>
      %or3A_2445 = arith.ori %gt3A_2441, %and3A_2444 : vector<16xi1>
      %select_n3A_2446 = arith.select %or3A_2445, %select_n3A_2384, %select_n3A_2412 : vector<16xi1>, vector<16xf32>
      %select_n3A_2447 = arith.select %or3A_2445, %select_n3A_2412, %select_n3A_2384 : vector<16xi1>, vector<16xf32>
      %select_n3A_2448 = arith.select %or3A_2445, %select_n3A_2385, %select_n3A_2413 : vector<16xi1>, vector<16xi32>
      %select_n3A_2449 = arith.select %or3A_2445, %select_n3A_2413, %select_n3A_2385 : vector<16xi1>, vector<16xi32>
      %gt3A_2450 = arith.cmpf ogt, %select_n3A_2419, %select_n3A_2437 : vector<16xf32>
      %eq3A_2451 = arith.cmpf oeq, %select_n3A_2419, %select_n3A_2437 : vector<16xf32>
      %lt3A_2452 = arith.cmpi slt, %select_n3A_2421, %select_n3A_2439 : vector<16xi32>
      %and3A_2453 = arith.andi %eq3A_2451, %lt3A_2452 : vector<16xi1>
      %or3A_2454 = arith.ori %gt3A_2450, %and3A_2453 : vector<16xi1>
      %select_n3A_2455 = arith.select %or3A_2454, %select_n3A_2419, %select_n3A_2437 : vector<16xi1>, vector<16xf32>
      %select_n3A_2456 = arith.select %or3A_2454, %select_n3A_2437, %select_n3A_2419 : vector<16xi1>, vector<16xf32>
      %select_n3A_2457 = arith.select %or3A_2454, %select_n3A_2421, %select_n3A_2439 : vector<16xi1>, vector<16xi32>
      %select_n3A_2458 = arith.select %or3A_2454, %select_n3A_2439, %select_n3A_2421 : vector<16xi1>, vector<16xi32>
      %gt3A_2459 = arith.cmpf ogt, %select_n3A_2428, %select_n3A_2446 : vector<16xf32>
      %eq3A_2460 = arith.cmpf oeq, %select_n3A_2428, %select_n3A_2446 : vector<16xf32>
      %lt3A_2461 = arith.cmpi slt, %select_n3A_2430, %select_n3A_2448 : vector<16xi32>
      %and3A_2462 = arith.andi %eq3A_2460, %lt3A_2461 : vector<16xi1>
      %or3A_2463 = arith.ori %gt3A_2459, %and3A_2462 : vector<16xi1>
      %select_n3A_2464 = arith.select %or3A_2463, %select_n3A_2428, %select_n3A_2446 : vector<16xi1>, vector<16xf32>
      %select_n3A_2465 = arith.select %or3A_2463, %select_n3A_2446, %select_n3A_2428 : vector<16xi1>, vector<16xf32>
      %select_n3A_2466 = arith.select %or3A_2463, %select_n3A_2430, %select_n3A_2448 : vector<16xi1>, vector<16xi32>
      %select_n3A_2467 = arith.select %or3A_2463, %select_n3A_2448, %select_n3A_2430 : vector<16xi1>, vector<16xi32>
      %gt3A_2468 = arith.cmpf ogt, %select_n3A_2420, %select_n3A_2438 : vector<16xf32>
      %eq3A_2469 = arith.cmpf oeq, %select_n3A_2420, %select_n3A_2438 : vector<16xf32>
      %lt3A_2470 = arith.cmpi slt, %select_n3A_2422, %select_n3A_2440 : vector<16xi32>
      %and3A_2471 = arith.andi %eq3A_2469, %lt3A_2470 : vector<16xi1>
      %or3A_2472 = arith.ori %gt3A_2468, %and3A_2471 : vector<16xi1>
      %select_n3A_2473 = arith.select %or3A_2472, %select_n3A_2420, %select_n3A_2438 : vector<16xi1>, vector<16xf32>
      %select_n3A_2474 = arith.select %or3A_2472, %select_n3A_2438, %select_n3A_2420 : vector<16xi1>, vector<16xf32>
      %select_n3A_2475 = arith.select %or3A_2472, %select_n3A_2422, %select_n3A_2440 : vector<16xi1>, vector<16xi32>
      %select_n3A_2476 = arith.select %or3A_2472, %select_n3A_2440, %select_n3A_2422 : vector<16xi1>, vector<16xi32>
      %gt3A_2477 = arith.cmpf ogt, %select_n3A_2429, %select_n3A_2447 : vector<16xf32>
      %eq3A_2478 = arith.cmpf oeq, %select_n3A_2429, %select_n3A_2447 : vector<16xf32>
      %lt3A_2479 = arith.cmpi slt, %select_n3A_2431, %select_n3A_2449 : vector<16xi32>
      %and3A_2480 = arith.andi %eq3A_2478, %lt3A_2479 : vector<16xi1>
      %or3A_2481 = arith.ori %gt3A_2477, %and3A_2480 : vector<16xi1>
      %select_n3A_2482 = arith.select %or3A_2481, %select_n3A_2429, %select_n3A_2447 : vector<16xi1>, vector<16xf32>
      %select_n3A_2483 = arith.select %or3A_2481, %select_n3A_2447, %select_n3A_2429 : vector<16xi1>, vector<16xf32>
      %select_n3A_2484 = arith.select %or3A_2481, %select_n3A_2431, %select_n3A_2449 : vector<16xi1>, vector<16xi32>
      %select_n3A_2485 = arith.select %or3A_2481, %select_n3A_2449, %select_n3A_2431 : vector<16xi1>, vector<16xi32>
      %gt3A_2486 = arith.cmpf ogt, %select_n3A_2455, %select_n3A_2464 : vector<16xf32>
      %eq3A_2487 = arith.cmpf oeq, %select_n3A_2455, %select_n3A_2464 : vector<16xf32>
      %lt3A_2488 = arith.cmpi slt, %select_n3A_2457, %select_n3A_2466 : vector<16xi32>
      %and3A_2489 = arith.andi %eq3A_2487, %lt3A_2488 : vector<16xi1>
      %or3A_2490 = arith.ori %gt3A_2486, %and3A_2489 : vector<16xi1>
      %select_n3A_2491 = arith.select %or3A_2490, %select_n3A_2455, %select_n3A_2464 : vector<16xi1>, vector<16xf32>
      %select_n3A_2492 = arith.select %or3A_2490, %select_n3A_2464, %select_n3A_2455 : vector<16xi1>, vector<16xf32>
      %select_n3A_2493 = arith.select %or3A_2490, %select_n3A_2457, %select_n3A_2466 : vector<16xi1>, vector<16xi32>
      %select_n3A_2494 = arith.select %or3A_2490, %select_n3A_2466, %select_n3A_2457 : vector<16xi1>, vector<16xi32>
      %gt3A_2495 = arith.cmpf ogt, %select_n3A_2456, %select_n3A_2465 : vector<16xf32>
      %eq3A_2496 = arith.cmpf oeq, %select_n3A_2456, %select_n3A_2465 : vector<16xf32>
      %lt3A_2497 = arith.cmpi slt, %select_n3A_2458, %select_n3A_2467 : vector<16xi32>
      %and3A_2498 = arith.andi %eq3A_2496, %lt3A_2497 : vector<16xi1>
      %or3A_2499 = arith.ori %gt3A_2495, %and3A_2498 : vector<16xi1>
      %select_n3A_2500 = arith.select %or3A_2499, %select_n3A_2456, %select_n3A_2465 : vector<16xi1>, vector<16xf32>
      %select_n3A_2501 = arith.select %or3A_2499, %select_n3A_2465, %select_n3A_2456 : vector<16xi1>, vector<16xf32>
      %select_n3A_2502 = arith.select %or3A_2499, %select_n3A_2458, %select_n3A_2467 : vector<16xi1>, vector<16xi32>
      %select_n3A_2503 = arith.select %or3A_2499, %select_n3A_2467, %select_n3A_2458 : vector<16xi1>, vector<16xi32>
      %gt3A_2504 = arith.cmpf ogt, %select_n3A_2473, %select_n3A_2482 : vector<16xf32>
      %eq3A_2505 = arith.cmpf oeq, %select_n3A_2473, %select_n3A_2482 : vector<16xf32>
      %lt3A_2506 = arith.cmpi slt, %select_n3A_2475, %select_n3A_2484 : vector<16xi32>
      %and3A_2507 = arith.andi %eq3A_2505, %lt3A_2506 : vector<16xi1>
      %or3A_2508 = arith.ori %gt3A_2504, %and3A_2507 : vector<16xi1>
      %select_n3A_2509 = arith.select %or3A_2508, %select_n3A_2473, %select_n3A_2482 : vector<16xi1>, vector<16xf32>
      %select_n3A_2510 = arith.select %or3A_2508, %select_n3A_2482, %select_n3A_2473 : vector<16xi1>, vector<16xf32>
      %select_n3A_2511 = arith.select %or3A_2508, %select_n3A_2475, %select_n3A_2484 : vector<16xi1>, vector<16xi32>
      %select_n3A_2512 = arith.select %or3A_2508, %select_n3A_2484, %select_n3A_2475 : vector<16xi1>, vector<16xi32>
      %gt3A_2513 = arith.cmpf ogt, %select_n3A_2474, %select_n3A_2483 : vector<16xf32>
      %eq3A_2514 = arith.cmpf oeq, %select_n3A_2474, %select_n3A_2483 : vector<16xf32>
      %lt3A_2515 = arith.cmpi slt, %select_n3A_2476, %select_n3A_2485 : vector<16xi32>
      %and3A_2516 = arith.andi %eq3A_2514, %lt3A_2515 : vector<16xi1>
      %or3A_2517 = arith.ori %gt3A_2513, %and3A_2516 : vector<16xi1>
      %select_n3A_2518 = arith.select %or3A_2517, %select_n3A_2474, %select_n3A_2483 : vector<16xi1>, vector<16xf32>
      %select_n3A_2519 = arith.select %or3A_2517, %select_n3A_2483, %select_n3A_2474 : vector<16xi1>, vector<16xf32>
      %select_n3A_2520 = arith.select %or3A_2517, %select_n3A_2476, %select_n3A_2485 : vector<16xi1>, vector<16xi32>
      %select_n3A_2521 = arith.select %or3A_2517, %select_n3A_2485, %select_n3A_2476 : vector<16xi1>, vector<16xi32>
      %gt3A_2522 = arith.cmpf ogt, %select_n3A_2071, %select_n3A_2310 : vector<16xf32>
      %eq3A_2523 = arith.cmpf oeq, %select_n3A_2071, %select_n3A_2310 : vector<16xf32>
      %lt3A_2524 = arith.cmpi slt, %select_n3A_2073, %select_n3A_2312 : vector<16xi32>
      %and3A_2525 = arith.andi %eq3A_2523, %lt3A_2524 : vector<16xi1>
      %or3A_2526 = arith.ori %gt3A_2522, %and3A_2525 : vector<16xi1>
      %select_n3A_2527 = arith.select %or3A_2526, %select_n3A_2071, %select_n3A_2310 : vector<16xi1>, vector<16xf32>
      %select_n3A_2528 = arith.select %or3A_2526, %select_n3A_2073, %select_n3A_2312 : vector<16xi1>, vector<16xi32>
      %gt3A_2529 = arith.cmpf ogt, %select_n3A_2125, %select_n3A_2355 : vector<16xf32>
      %eq3A_2530 = arith.cmpf oeq, %select_n3A_2125, %select_n3A_2355 : vector<16xf32>
      %lt3A_2531 = arith.cmpi slt, %select_n3A_2127, %select_n3A_2357 : vector<16xi32>
      %and3A_2532 = arith.andi %eq3A_2530, %lt3A_2531 : vector<16xi1>
      %or3A_2533 = arith.ori %gt3A_2529, %and3A_2532 : vector<16xi1>
      %select_n3A_2534 = arith.select %or3A_2533, %select_n3A_2125, %select_n3A_2355 : vector<16xi1>, vector<16xf32>
      %select_n3A_2535 = arith.select %or3A_2533, %select_n3A_2127, %select_n3A_2357 : vector<16xi1>, vector<16xi32>
      %gt3A_2536 = arith.cmpf ogt, %select_n3A_2126, %select_n3A_2354 : vector<16xf32>
      %eq3A_2537 = arith.cmpf oeq, %select_n3A_2126, %select_n3A_2354 : vector<16xf32>
      %lt3A_2538 = arith.cmpi slt, %select_n3A_2128, %select_n3A_2356 : vector<16xi32>
      %and3A_2539 = arith.andi %eq3A_2537, %lt3A_2538 : vector<16xi1>
      %or3A_2540 = arith.ori %gt3A_2536, %and3A_2539 : vector<16xi1>
      %select_n3A_2541 = arith.select %or3A_2540, %select_n3A_2126, %select_n3A_2354 : vector<16xi1>, vector<16xf32>
      %select_n3A_2542 = arith.select %or3A_2540, %select_n3A_2128, %select_n3A_2356 : vector<16xi1>, vector<16xi32>
      %gt3A_2543 = arith.cmpf ogt, %select_n3A_2134, %select_n3A_2346 : vector<16xf32>
      %eq3A_2544 = arith.cmpf oeq, %select_n3A_2134, %select_n3A_2346 : vector<16xf32>
      %lt3A_2545 = arith.cmpi slt, %select_n3A_2136, %select_n3A_2348 : vector<16xi32>
      %and3A_2546 = arith.andi %eq3A_2544, %lt3A_2545 : vector<16xi1>
      %or3A_2547 = arith.ori %gt3A_2543, %and3A_2546 : vector<16xi1>
      %select_n3A_2548 = arith.select %or3A_2547, %select_n3A_2134, %select_n3A_2346 : vector<16xi1>, vector<16xf32>
      %select_n3A_2549 = arith.select %or3A_2547, %select_n3A_2136, %select_n3A_2348 : vector<16xi1>, vector<16xi32>
      %gt3A_2550 = arith.cmpf ogt, %select_n3A_2135, %select_n3A_2345 : vector<16xf32>
      %eq3A_2551 = arith.cmpf oeq, %select_n3A_2135, %select_n3A_2345 : vector<16xf32>
      %lt3A_2552 = arith.cmpi slt, %select_n3A_2137, %select_n3A_2347 : vector<16xi32>
      %and3A_2553 = arith.andi %eq3A_2551, %lt3A_2552 : vector<16xi1>
      %or3A_2554 = arith.ori %gt3A_2550, %and3A_2553 : vector<16xi1>
      %select_n3A_2555 = arith.select %or3A_2554, %select_n3A_2135, %select_n3A_2345 : vector<16xi1>, vector<16xf32>
      %select_n3A_2556 = arith.select %or3A_2554, %select_n3A_2137, %select_n3A_2347 : vector<16xi1>, vector<16xi32>
      %gt3A_2557 = arith.cmpf ogt, %select_n3A_2143, %select_n3A_2337 : vector<16xf32>
      %eq3A_2558 = arith.cmpf oeq, %select_n3A_2143, %select_n3A_2337 : vector<16xf32>
      %lt3A_2559 = arith.cmpi slt, %select_n3A_2145, %select_n3A_2339 : vector<16xi32>
      %and3A_2560 = arith.andi %eq3A_2558, %lt3A_2559 : vector<16xi1>
      %or3A_2561 = arith.ori %gt3A_2557, %and3A_2560 : vector<16xi1>
      %select_n3A_2562 = arith.select %or3A_2561, %select_n3A_2143, %select_n3A_2337 : vector<16xi1>, vector<16xf32>
      %select_n3A_2563 = arith.select %or3A_2561, %select_n3A_2145, %select_n3A_2339 : vector<16xi1>, vector<16xi32>
      %gt3A_2564 = arith.cmpf ogt, %select_n3A_2144, %select_n3A_2336 : vector<16xf32>
      %eq3A_2565 = arith.cmpf oeq, %select_n3A_2144, %select_n3A_2336 : vector<16xf32>
      %lt3A_2566 = arith.cmpi slt, %select_n3A_2146, %select_n3A_2338 : vector<16xi32>
      %and3A_2567 = arith.andi %eq3A_2565, %lt3A_2566 : vector<16xi1>
      %or3A_2568 = arith.ori %gt3A_2564, %and3A_2567 : vector<16xi1>
      %select_n3A_2569 = arith.select %or3A_2568, %select_n3A_2144, %select_n3A_2336 : vector<16xi1>, vector<16xf32>
      %select_n3A_2570 = arith.select %or3A_2568, %select_n3A_2146, %select_n3A_2338 : vector<16xi1>, vector<16xi32>
      %gt3A_2571 = arith.cmpf ogt, %select_n3A_2099, %select_n3A_2282 : vector<16xf32>
      %eq3A_2572 = arith.cmpf oeq, %select_n3A_2099, %select_n3A_2282 : vector<16xf32>
      %lt3A_2573 = arith.cmpi slt, %select_n3A_2101, %select_n3A_2284 : vector<16xi32>
      %and3A_2574 = arith.andi %eq3A_2572, %lt3A_2573 : vector<16xi1>
      %or3A_2575 = arith.ori %gt3A_2571, %and3A_2574 : vector<16xi1>
      %select_n3A_2576 = arith.select %or3A_2575, %select_n3A_2099, %select_n3A_2282 : vector<16xi1>, vector<16xf32>
      %select_n3A_2577 = arith.select %or3A_2575, %select_n3A_2101, %select_n3A_2284 : vector<16xi1>, vector<16xi32>
      %gt3A_2578 = arith.cmpf ogt, %select_n3A_2527, %select_n3A_2555 : vector<16xf32>
      %eq3A_2579 = arith.cmpf oeq, %select_n3A_2527, %select_n3A_2555 : vector<16xf32>
      %lt3A_2580 = arith.cmpi slt, %select_n3A_2528, %select_n3A_2556 : vector<16xi32>
      %and3A_2581 = arith.andi %eq3A_2579, %lt3A_2580 : vector<16xi1>
      %or3A_2582 = arith.ori %gt3A_2578, %and3A_2581 : vector<16xi1>
      %select_n3A_2583 = arith.select %or3A_2582, %select_n3A_2527, %select_n3A_2555 : vector<16xi1>, vector<16xf32>
      %select_n3A_2584 = arith.select %or3A_2582, %select_n3A_2555, %select_n3A_2527 : vector<16xi1>, vector<16xf32>
      %select_n3A_2585 = arith.select %or3A_2582, %select_n3A_2528, %select_n3A_2556 : vector<16xi1>, vector<16xi32>
      %select_n3A_2586 = arith.select %or3A_2582, %select_n3A_2556, %select_n3A_2528 : vector<16xi1>, vector<16xi32>
      %gt3A_2587 = arith.cmpf ogt, %select_n3A_2534, %select_n3A_2562 : vector<16xf32>
      %eq3A_2588 = arith.cmpf oeq, %select_n3A_2534, %select_n3A_2562 : vector<16xf32>
      %lt3A_2589 = arith.cmpi slt, %select_n3A_2535, %select_n3A_2563 : vector<16xi32>
      %and3A_2590 = arith.andi %eq3A_2588, %lt3A_2589 : vector<16xi1>
      %or3A_2591 = arith.ori %gt3A_2587, %and3A_2590 : vector<16xi1>
      %select_n3A_2592 = arith.select %or3A_2591, %select_n3A_2534, %select_n3A_2562 : vector<16xi1>, vector<16xf32>
      %select_n3A_2593 = arith.select %or3A_2591, %select_n3A_2562, %select_n3A_2534 : vector<16xi1>, vector<16xf32>
      %select_n3A_2594 = arith.select %or3A_2591, %select_n3A_2535, %select_n3A_2563 : vector<16xi1>, vector<16xi32>
      %select_n3A_2595 = arith.select %or3A_2591, %select_n3A_2563, %select_n3A_2535 : vector<16xi1>, vector<16xi32>
      %gt3A_2596 = arith.cmpf ogt, %select_n3A_2541, %select_n3A_2569 : vector<16xf32>
      %eq3A_2597 = arith.cmpf oeq, %select_n3A_2541, %select_n3A_2569 : vector<16xf32>
      %lt3A_2598 = arith.cmpi slt, %select_n3A_2542, %select_n3A_2570 : vector<16xi32>
      %and3A_2599 = arith.andi %eq3A_2597, %lt3A_2598 : vector<16xi1>
      %or3A_2600 = arith.ori %gt3A_2596, %and3A_2599 : vector<16xi1>
      %select_n3A_2601 = arith.select %or3A_2600, %select_n3A_2541, %select_n3A_2569 : vector<16xi1>, vector<16xf32>
      %select_n3A_2602 = arith.select %or3A_2600, %select_n3A_2569, %select_n3A_2541 : vector<16xi1>, vector<16xf32>
      %select_n3A_2603 = arith.select %or3A_2600, %select_n3A_2542, %select_n3A_2570 : vector<16xi1>, vector<16xi32>
      %select_n3A_2604 = arith.select %or3A_2600, %select_n3A_2570, %select_n3A_2542 : vector<16xi1>, vector<16xi32>
      %gt3A_2605 = arith.cmpf ogt, %select_n3A_2548, %select_n3A_2576 : vector<16xf32>
      %eq3A_2606 = arith.cmpf oeq, %select_n3A_2548, %select_n3A_2576 : vector<16xf32>
      %lt3A_2607 = arith.cmpi slt, %select_n3A_2549, %select_n3A_2577 : vector<16xi32>
      %and3A_2608 = arith.andi %eq3A_2606, %lt3A_2607 : vector<16xi1>
      %or3A_2609 = arith.ori %gt3A_2605, %and3A_2608 : vector<16xi1>
      %select_n3A_2610 = arith.select %or3A_2609, %select_n3A_2548, %select_n3A_2576 : vector<16xi1>, vector<16xf32>
      %select_n3A_2611 = arith.select %or3A_2609, %select_n3A_2576, %select_n3A_2548 : vector<16xi1>, vector<16xf32>
      %select_n3A_2612 = arith.select %or3A_2609, %select_n3A_2549, %select_n3A_2577 : vector<16xi1>, vector<16xi32>
      %select_n3A_2613 = arith.select %or3A_2609, %select_n3A_2577, %select_n3A_2549 : vector<16xi1>, vector<16xi32>
      %gt3A_2614 = arith.cmpf ogt, %select_n3A_2583, %select_n3A_2601 : vector<16xf32>
      %eq3A_2615 = arith.cmpf oeq, %select_n3A_2583, %select_n3A_2601 : vector<16xf32>
      %lt3A_2616 = arith.cmpi slt, %select_n3A_2585, %select_n3A_2603 : vector<16xi32>
      %and3A_2617 = arith.andi %eq3A_2615, %lt3A_2616 : vector<16xi1>
      %or3A_2618 = arith.ori %gt3A_2614, %and3A_2617 : vector<16xi1>
      %select_n3A_2619 = arith.select %or3A_2618, %select_n3A_2583, %select_n3A_2601 : vector<16xi1>, vector<16xf32>
      %select_n3A_2620 = arith.select %or3A_2618, %select_n3A_2601, %select_n3A_2583 : vector<16xi1>, vector<16xf32>
      %select_n3A_2621 = arith.select %or3A_2618, %select_n3A_2585, %select_n3A_2603 : vector<16xi1>, vector<16xi32>
      %select_n3A_2622 = arith.select %or3A_2618, %select_n3A_2603, %select_n3A_2585 : vector<16xi1>, vector<16xi32>
      %gt3A_2623 = arith.cmpf ogt, %select_n3A_2592, %select_n3A_2610 : vector<16xf32>
      %eq3A_2624 = arith.cmpf oeq, %select_n3A_2592, %select_n3A_2610 : vector<16xf32>
      %lt3A_2625 = arith.cmpi slt, %select_n3A_2594, %select_n3A_2612 : vector<16xi32>
      %and3A_2626 = arith.andi %eq3A_2624, %lt3A_2625 : vector<16xi1>
      %or3A_2627 = arith.ori %gt3A_2623, %and3A_2626 : vector<16xi1>
      %select_n3A_2628 = arith.select %or3A_2627, %select_n3A_2592, %select_n3A_2610 : vector<16xi1>, vector<16xf32>
      %select_n3A_2629 = arith.select %or3A_2627, %select_n3A_2610, %select_n3A_2592 : vector<16xi1>, vector<16xf32>
      %select_n3A_2630 = arith.select %or3A_2627, %select_n3A_2594, %select_n3A_2612 : vector<16xi1>, vector<16xi32>
      %select_n3A_2631 = arith.select %or3A_2627, %select_n3A_2612, %select_n3A_2594 : vector<16xi1>, vector<16xi32>
      %gt3A_2632 = arith.cmpf ogt, %select_n3A_2584, %select_n3A_2602 : vector<16xf32>
      %eq3A_2633 = arith.cmpf oeq, %select_n3A_2584, %select_n3A_2602 : vector<16xf32>
      %lt3A_2634 = arith.cmpi slt, %select_n3A_2586, %select_n3A_2604 : vector<16xi32>
      %and3A_2635 = arith.andi %eq3A_2633, %lt3A_2634 : vector<16xi1>
      %or3A_2636 = arith.ori %gt3A_2632, %and3A_2635 : vector<16xi1>
      %select_n3A_2637 = arith.select %or3A_2636, %select_n3A_2584, %select_n3A_2602 : vector<16xi1>, vector<16xf32>
      %select_n3A_2638 = arith.select %or3A_2636, %select_n3A_2602, %select_n3A_2584 : vector<16xi1>, vector<16xf32>
      %select_n3A_2639 = arith.select %or3A_2636, %select_n3A_2586, %select_n3A_2604 : vector<16xi1>, vector<16xi32>
      %select_n3A_2640 = arith.select %or3A_2636, %select_n3A_2604, %select_n3A_2586 : vector<16xi1>, vector<16xi32>
      %gt3A_2641 = arith.cmpf ogt, %select_n3A_2593, %select_n3A_2611 : vector<16xf32>
      %eq3A_2642 = arith.cmpf oeq, %select_n3A_2593, %select_n3A_2611 : vector<16xf32>
      %lt3A_2643 = arith.cmpi slt, %select_n3A_2595, %select_n3A_2613 : vector<16xi32>
      %and3A_2644 = arith.andi %eq3A_2642, %lt3A_2643 : vector<16xi1>
      %or3A_2645 = arith.ori %gt3A_2641, %and3A_2644 : vector<16xi1>
      %select_n3A_2646 = arith.select %or3A_2645, %select_n3A_2593, %select_n3A_2611 : vector<16xi1>, vector<16xf32>
      %select_n3A_2647 = arith.select %or3A_2645, %select_n3A_2611, %select_n3A_2593 : vector<16xi1>, vector<16xf32>
      %select_n3A_2648 = arith.select %or3A_2645, %select_n3A_2595, %select_n3A_2613 : vector<16xi1>, vector<16xi32>
      %select_n3A_2649 = arith.select %or3A_2645, %select_n3A_2613, %select_n3A_2595 : vector<16xi1>, vector<16xi32>
      %gt3A_2650 = arith.cmpf ogt, %select_n3A_2619, %select_n3A_2628 : vector<16xf32>
      %eq3A_2651 = arith.cmpf oeq, %select_n3A_2619, %select_n3A_2628 : vector<16xf32>
      %lt3A_2652 = arith.cmpi slt, %select_n3A_2621, %select_n3A_2630 : vector<16xi32>
      %and3A_2653 = arith.andi %eq3A_2651, %lt3A_2652 : vector<16xi1>
      %or3A_2654 = arith.ori %gt3A_2650, %and3A_2653 : vector<16xi1>
      %select_n3A_2655 = arith.select %or3A_2654, %select_n3A_2619, %select_n3A_2628 : vector<16xi1>, vector<16xf32>
      %select_n3A_2656 = arith.select %or3A_2654, %select_n3A_2628, %select_n3A_2619 : vector<16xi1>, vector<16xf32>
      %select_n3A_2657 = arith.select %or3A_2654, %select_n3A_2621, %select_n3A_2630 : vector<16xi1>, vector<16xi32>
      %select_n3A_2658 = arith.select %or3A_2654, %select_n3A_2630, %select_n3A_2621 : vector<16xi1>, vector<16xi32>
      %gt3A_2659 = arith.cmpf ogt, %select_n3A_2620, %select_n3A_2629 : vector<16xf32>
      %eq3A_2660 = arith.cmpf oeq, %select_n3A_2620, %select_n3A_2629 : vector<16xf32>
      %lt3A_2661 = arith.cmpi slt, %select_n3A_2622, %select_n3A_2631 : vector<16xi32>
      %and3A_2662 = arith.andi %eq3A_2660, %lt3A_2661 : vector<16xi1>
      %or3A_2663 = arith.ori %gt3A_2659, %and3A_2662 : vector<16xi1>
      %select_n3A_2664 = arith.select %or3A_2663, %select_n3A_2620, %select_n3A_2629 : vector<16xi1>, vector<16xf32>
      %select_n3A_2665 = arith.select %or3A_2663, %select_n3A_2629, %select_n3A_2620 : vector<16xi1>, vector<16xf32>
      %select_n3A_2666 = arith.select %or3A_2663, %select_n3A_2622, %select_n3A_2631 : vector<16xi1>, vector<16xi32>
      %select_n3A_2667 = arith.select %or3A_2663, %select_n3A_2631, %select_n3A_2622 : vector<16xi1>, vector<16xi32>
      %gt3A_2668 = arith.cmpf ogt, %select_n3A_2637, %select_n3A_2646 : vector<16xf32>
      %eq3A_2669 = arith.cmpf oeq, %select_n3A_2637, %select_n3A_2646 : vector<16xf32>
      %lt3A_2670 = arith.cmpi slt, %select_n3A_2639, %select_n3A_2648 : vector<16xi32>
      %and3A_2671 = arith.andi %eq3A_2669, %lt3A_2670 : vector<16xi1>
      %or3A_2672 = arith.ori %gt3A_2668, %and3A_2671 : vector<16xi1>
      %select_n3A_2673 = arith.select %or3A_2672, %select_n3A_2637, %select_n3A_2646 : vector<16xi1>, vector<16xf32>
      %select_n3A_2674 = arith.select %or3A_2672, %select_n3A_2646, %select_n3A_2637 : vector<16xi1>, vector<16xf32>
      %select_n3A_2675 = arith.select %or3A_2672, %select_n3A_2639, %select_n3A_2648 : vector<16xi1>, vector<16xi32>
      %select_n3A_2676 = arith.select %or3A_2672, %select_n3A_2648, %select_n3A_2639 : vector<16xi1>, vector<16xi32>
      %gt3A_2677 = arith.cmpf ogt, %select_n3A_2638, %select_n3A_2647 : vector<16xf32>
      %eq3A_2678 = arith.cmpf oeq, %select_n3A_2638, %select_n3A_2647 : vector<16xf32>
      %lt3A_2679 = arith.cmpi slt, %select_n3A_2640, %select_n3A_2649 : vector<16xi32>
      %and3A_2680 = arith.andi %eq3A_2678, %lt3A_2679 : vector<16xi1>
      %or3A_2681 = arith.ori %gt3A_2677, %and3A_2680 : vector<16xi1>
      %select_n3A_2682 = arith.select %or3A_2681, %select_n3A_2638, %select_n3A_2647 : vector<16xi1>, vector<16xf32>
      %select_n3A_2683 = arith.select %or3A_2681, %select_n3A_2647, %select_n3A_2638 : vector<16xi1>, vector<16xf32>
      %select_n3A_2684 = arith.select %or3A_2681, %select_n3A_2640, %select_n3A_2649 : vector<16xi1>, vector<16xi32>
      %select_n3A_2685 = arith.select %or3A_2681, %select_n3A_2649, %select_n3A_2640 : vector<16xi1>, vector<16xi32>
      %gt3A_2686 = arith.cmpf ogt, %select_n3A_2491, %select_n3A_2683 : vector<16xf32>
      %eq3A_2687 = arith.cmpf oeq, %select_n3A_2491, %select_n3A_2683 : vector<16xf32>
      %lt3A_2688 = arith.cmpi slt, %select_n3A_2493, %select_n3A_2685 : vector<16xi32>
      %and3A_2689 = arith.andi %eq3A_2687, %lt3A_2688 : vector<16xi1>
      %or3A_2690 = arith.ori %gt3A_2686, %and3A_2689 : vector<16xi1>
      %select_n3A_2691 = arith.select %or3A_2690, %select_n3A_2491, %select_n3A_2683 : vector<16xi1>, vector<16xf32>
      %select_n3A_2692 = arith.select %or3A_2690, %select_n3A_2493, %select_n3A_2685 : vector<16xi1>, vector<16xi32>
      %gt3A_2693 = arith.cmpf ogt, %select_n3A_2492, %select_n3A_2682 : vector<16xf32>
      %eq3A_2694 = arith.cmpf oeq, %select_n3A_2492, %select_n3A_2682 : vector<16xf32>
      %lt3A_2695 = arith.cmpi slt, %select_n3A_2494, %select_n3A_2684 : vector<16xi32>
      %and3A_2696 = arith.andi %eq3A_2694, %lt3A_2695 : vector<16xi1>
      %or3A_2697 = arith.ori %gt3A_2693, %and3A_2696 : vector<16xi1>
      %select_n3A_2698 = arith.select %or3A_2697, %select_n3A_2492, %select_n3A_2682 : vector<16xi1>, vector<16xf32>
      %select_n3A_2699 = arith.select %or3A_2697, %select_n3A_2494, %select_n3A_2684 : vector<16xi1>, vector<16xi32>
      %gt3A_2700 = arith.cmpf ogt, %select_n3A_2500, %select_n3A_2674 : vector<16xf32>
      %eq3A_2701 = arith.cmpf oeq, %select_n3A_2500, %select_n3A_2674 : vector<16xf32>
      %lt3A_2702 = arith.cmpi slt, %select_n3A_2502, %select_n3A_2676 : vector<16xi32>
      %and3A_2703 = arith.andi %eq3A_2701, %lt3A_2702 : vector<16xi1>
      %or3A_2704 = arith.ori %gt3A_2700, %and3A_2703 : vector<16xi1>
      %select_n3A_2705 = arith.select %or3A_2704, %select_n3A_2500, %select_n3A_2674 : vector<16xi1>, vector<16xf32>
      %select_n3A_2706 = arith.select %or3A_2704, %select_n3A_2502, %select_n3A_2676 : vector<16xi1>, vector<16xi32>
      %gt3A_2707 = arith.cmpf ogt, %select_n3A_2501, %select_n3A_2673 : vector<16xf32>
      %eq3A_2708 = arith.cmpf oeq, %select_n3A_2501, %select_n3A_2673 : vector<16xf32>
      %lt3A_2709 = arith.cmpi slt, %select_n3A_2503, %select_n3A_2675 : vector<16xi32>
      %and3A_2710 = arith.andi %eq3A_2708, %lt3A_2709 : vector<16xi1>
      %or3A_2711 = arith.ori %gt3A_2707, %and3A_2710 : vector<16xi1>
      %select_n3A_2712 = arith.select %or3A_2711, %select_n3A_2501, %select_n3A_2673 : vector<16xi1>, vector<16xf32>
      %select_n3A_2713 = arith.select %or3A_2711, %select_n3A_2503, %select_n3A_2675 : vector<16xi1>, vector<16xi32>
      %gt3A_2714 = arith.cmpf ogt, %select_n3A_2509, %select_n3A_2665 : vector<16xf32>
      %eq3A_2715 = arith.cmpf oeq, %select_n3A_2509, %select_n3A_2665 : vector<16xf32>
      %lt3A_2716 = arith.cmpi slt, %select_n3A_2511, %select_n3A_2667 : vector<16xi32>
      %and3A_2717 = arith.andi %eq3A_2715, %lt3A_2716 : vector<16xi1>
      %or3A_2718 = arith.ori %gt3A_2714, %and3A_2717 : vector<16xi1>
      %select_n3A_2719 = arith.select %or3A_2718, %select_n3A_2509, %select_n3A_2665 : vector<16xi1>, vector<16xf32>
      %select_n3A_2720 = arith.select %or3A_2718, %select_n3A_2511, %select_n3A_2667 : vector<16xi1>, vector<16xi32>
      %gt3A_2721 = arith.cmpf ogt, %select_n3A_2510, %select_n3A_2664 : vector<16xf32>
      %eq3A_2722 = arith.cmpf oeq, %select_n3A_2510, %select_n3A_2664 : vector<16xf32>
      %lt3A_2723 = arith.cmpi slt, %select_n3A_2512, %select_n3A_2666 : vector<16xi32>
      %and3A_2724 = arith.andi %eq3A_2722, %lt3A_2723 : vector<16xi1>
      %or3A_2725 = arith.ori %gt3A_2721, %and3A_2724 : vector<16xi1>
      %select_n3A_2726 = arith.select %or3A_2725, %select_n3A_2510, %select_n3A_2664 : vector<16xi1>, vector<16xf32>
      %select_n3A_2727 = arith.select %or3A_2725, %select_n3A_2512, %select_n3A_2666 : vector<16xi1>, vector<16xi32>
      %gt3A_2728 = arith.cmpf ogt, %select_n3A_2518, %select_n3A_2656 : vector<16xf32>
      %eq3A_2729 = arith.cmpf oeq, %select_n3A_2518, %select_n3A_2656 : vector<16xf32>
      %lt3A_2730 = arith.cmpi slt, %select_n3A_2520, %select_n3A_2658 : vector<16xi32>
      %and3A_2731 = arith.andi %eq3A_2729, %lt3A_2730 : vector<16xi1>
      %or3A_2732 = arith.ori %gt3A_2728, %and3A_2731 : vector<16xi1>
      %select_n3A_2733 = arith.select %or3A_2732, %select_n3A_2518, %select_n3A_2656 : vector<16xi1>, vector<16xf32>
      %select_n3A_2734 = arith.select %or3A_2732, %select_n3A_2520, %select_n3A_2658 : vector<16xi1>, vector<16xi32>
      %gt3A_2735 = arith.cmpf ogt, %select_n3A_2519, %select_n3A_2655 : vector<16xf32>
      %eq3A_2736 = arith.cmpf oeq, %select_n3A_2519, %select_n3A_2655 : vector<16xf32>
      %lt3A_2737 = arith.cmpi slt, %select_n3A_2521, %select_n3A_2657 : vector<16xi32>
      %and3A_2738 = arith.andi %eq3A_2736, %lt3A_2737 : vector<16xi1>
      %or3A_2739 = arith.ori %gt3A_2735, %and3A_2738 : vector<16xi1>
      %select_n3A_2740 = arith.select %or3A_2739, %select_n3A_2519, %select_n3A_2655 : vector<16xi1>, vector<16xf32>
      %select_n3A_2741 = arith.select %or3A_2739, %select_n3A_2521, %select_n3A_2657 : vector<16xi1>, vector<16xi32>
      %gt3A_2742 = arith.cmpf ogt, %select_n3A_2691, %select_n3A_2719 : vector<16xf32>
      %eq3A_2743 = arith.cmpf oeq, %select_n3A_2691, %select_n3A_2719 : vector<16xf32>
      %lt3A_2744 = arith.cmpi slt, %select_n3A_2692, %select_n3A_2720 : vector<16xi32>
      %and3A_2745 = arith.andi %eq3A_2743, %lt3A_2744 : vector<16xi1>
      %or3A_2746 = arith.ori %gt3A_2742, %and3A_2745 : vector<16xi1>
      %select_n3A_2747 = arith.select %or3A_2746, %select_n3A_2691, %select_n3A_2719 : vector<16xi1>, vector<16xf32>
      %select_n3A_2748 = arith.select %or3A_2746, %select_n3A_2719, %select_n3A_2691 : vector<16xi1>, vector<16xf32>
      %select_n3A_2749 = arith.select %or3A_2746, %select_n3A_2692, %select_n3A_2720 : vector<16xi1>, vector<16xi32>
      %select_n3A_2750 = arith.select %or3A_2746, %select_n3A_2720, %select_n3A_2692 : vector<16xi1>, vector<16xi32>
      %gt3A_2751 = arith.cmpf ogt, %select_n3A_2698, %select_n3A_2726 : vector<16xf32>
      %eq3A_2752 = arith.cmpf oeq, %select_n3A_2698, %select_n3A_2726 : vector<16xf32>
      %lt3A_2753 = arith.cmpi slt, %select_n3A_2699, %select_n3A_2727 : vector<16xi32>
      %and3A_2754 = arith.andi %eq3A_2752, %lt3A_2753 : vector<16xi1>
      %or3A_2755 = arith.ori %gt3A_2751, %and3A_2754 : vector<16xi1>
      %select_n3A_2756 = arith.select %or3A_2755, %select_n3A_2698, %select_n3A_2726 : vector<16xi1>, vector<16xf32>
      %select_n3A_2757 = arith.select %or3A_2755, %select_n3A_2726, %select_n3A_2698 : vector<16xi1>, vector<16xf32>
      %select_n3A_2758 = arith.select %or3A_2755, %select_n3A_2699, %select_n3A_2727 : vector<16xi1>, vector<16xi32>
      %select_n3A_2759 = arith.select %or3A_2755, %select_n3A_2727, %select_n3A_2699 : vector<16xi1>, vector<16xi32>
      %gt3A_2760 = arith.cmpf ogt, %select_n3A_2705, %select_n3A_2733 : vector<16xf32>
      %eq3A_2761 = arith.cmpf oeq, %select_n3A_2705, %select_n3A_2733 : vector<16xf32>
      %lt3A_2762 = arith.cmpi slt, %select_n3A_2706, %select_n3A_2734 : vector<16xi32>
      %and3A_2763 = arith.andi %eq3A_2761, %lt3A_2762 : vector<16xi1>
      %or3A_2764 = arith.ori %gt3A_2760, %and3A_2763 : vector<16xi1>
      %select_n3A_2765 = arith.select %or3A_2764, %select_n3A_2705, %select_n3A_2733 : vector<16xi1>, vector<16xf32>
      %select_n3A_2766 = arith.select %or3A_2764, %select_n3A_2733, %select_n3A_2705 : vector<16xi1>, vector<16xf32>
      %select_n3A_2767 = arith.select %or3A_2764, %select_n3A_2706, %select_n3A_2734 : vector<16xi1>, vector<16xi32>
      %select_n3A_2768 = arith.select %or3A_2764, %select_n3A_2734, %select_n3A_2706 : vector<16xi1>, vector<16xi32>
      %gt3A_2769 = arith.cmpf ogt, %select_n3A_2712, %select_n3A_2740 : vector<16xf32>
      %eq3A_2770 = arith.cmpf oeq, %select_n3A_2712, %select_n3A_2740 : vector<16xf32>
      %lt3A_2771 = arith.cmpi slt, %select_n3A_2713, %select_n3A_2741 : vector<16xi32>
      %and3A_2772 = arith.andi %eq3A_2770, %lt3A_2771 : vector<16xi1>
      %or3A_2773 = arith.ori %gt3A_2769, %and3A_2772 : vector<16xi1>
      %select_n3A_2774 = arith.select %or3A_2773, %select_n3A_2712, %select_n3A_2740 : vector<16xi1>, vector<16xf32>
      %select_n3A_2775 = arith.select %or3A_2773, %select_n3A_2740, %select_n3A_2712 : vector<16xi1>, vector<16xf32>
      %select_n3A_2776 = arith.select %or3A_2773, %select_n3A_2713, %select_n3A_2741 : vector<16xi1>, vector<16xi32>
      %select_n3A_2777 = arith.select %or3A_2773, %select_n3A_2741, %select_n3A_2713 : vector<16xi1>, vector<16xi32>
      %gt3A_2778 = arith.cmpf ogt, %select_n3A_2747, %select_n3A_2765 : vector<16xf32>
      %eq3A_2779 = arith.cmpf oeq, %select_n3A_2747, %select_n3A_2765 : vector<16xf32>
      %lt3A_2780 = arith.cmpi slt, %select_n3A_2749, %select_n3A_2767 : vector<16xi32>
      %and3A_2781 = arith.andi %eq3A_2779, %lt3A_2780 : vector<16xi1>
      %or3A_2782 = arith.ori %gt3A_2778, %and3A_2781 : vector<16xi1>
      %select_n3A_2783 = arith.select %or3A_2782, %select_n3A_2747, %select_n3A_2765 : vector<16xi1>, vector<16xf32>
      %select_n3A_2784 = arith.select %or3A_2782, %select_n3A_2765, %select_n3A_2747 : vector<16xi1>, vector<16xf32>
      %select_n3A_2785 = arith.select %or3A_2782, %select_n3A_2749, %select_n3A_2767 : vector<16xi1>, vector<16xi32>
      %select_n3A_2786 = arith.select %or3A_2782, %select_n3A_2767, %select_n3A_2749 : vector<16xi1>, vector<16xi32>
      %gt3A_2787 = arith.cmpf ogt, %select_n3A_2756, %select_n3A_2774 : vector<16xf32>
      %eq3A_2788 = arith.cmpf oeq, %select_n3A_2756, %select_n3A_2774 : vector<16xf32>
      %lt3A_2789 = arith.cmpi slt, %select_n3A_2758, %select_n3A_2776 : vector<16xi32>
      %and3A_2790 = arith.andi %eq3A_2788, %lt3A_2789 : vector<16xi1>
      %or3A_2791 = arith.ori %gt3A_2787, %and3A_2790 : vector<16xi1>
      %select_n3A_2792 = arith.select %or3A_2791, %select_n3A_2756, %select_n3A_2774 : vector<16xi1>, vector<16xf32>
      %select_n3A_2793 = arith.select %or3A_2791, %select_n3A_2774, %select_n3A_2756 : vector<16xi1>, vector<16xf32>
      %select_n3A_2794 = arith.select %or3A_2791, %select_n3A_2758, %select_n3A_2776 : vector<16xi1>, vector<16xi32>
      %select_n3A_2795 = arith.select %or3A_2791, %select_n3A_2776, %select_n3A_2758 : vector<16xi1>, vector<16xi32>
      %gt3A_2796 = arith.cmpf ogt, %select_n3A_2748, %select_n3A_2766 : vector<16xf32>
      %eq3A_2797 = arith.cmpf oeq, %select_n3A_2748, %select_n3A_2766 : vector<16xf32>
      %lt3A_2798 = arith.cmpi slt, %select_n3A_2750, %select_n3A_2768 : vector<16xi32>
      %and3A_2799 = arith.andi %eq3A_2797, %lt3A_2798 : vector<16xi1>
      %or3A_2800 = arith.ori %gt3A_2796, %and3A_2799 : vector<16xi1>
      %select_n3A_2801 = arith.select %or3A_2800, %select_n3A_2748, %select_n3A_2766 : vector<16xi1>, vector<16xf32>
      %select_n3A_2802 = arith.select %or3A_2800, %select_n3A_2766, %select_n3A_2748 : vector<16xi1>, vector<16xf32>
      %select_n3A_2803 = arith.select %or3A_2800, %select_n3A_2750, %select_n3A_2768 : vector<16xi1>, vector<16xi32>
      %select_n3A_2804 = arith.select %or3A_2800, %select_n3A_2768, %select_n3A_2750 : vector<16xi1>, vector<16xi32>
      %gt3A_2805 = arith.cmpf ogt, %select_n3A_2757, %select_n3A_2775 : vector<16xf32>
      %eq3A_2806 = arith.cmpf oeq, %select_n3A_2757, %select_n3A_2775 : vector<16xf32>
      %lt3A_2807 = arith.cmpi slt, %select_n3A_2759, %select_n3A_2777 : vector<16xi32>
      %and3A_2808 = arith.andi %eq3A_2806, %lt3A_2807 : vector<16xi1>
      %or3A_2809 = arith.ori %gt3A_2805, %and3A_2808 : vector<16xi1>
      %select_n3A_2810 = arith.select %or3A_2809, %select_n3A_2757, %select_n3A_2775 : vector<16xi1>, vector<16xf32>
      %select_n3A_2811 = arith.select %or3A_2809, %select_n3A_2775, %select_n3A_2757 : vector<16xi1>, vector<16xf32>
      %select_n3A_2812 = arith.select %or3A_2809, %select_n3A_2759, %select_n3A_2777 : vector<16xi1>, vector<16xi32>
      %select_n3A_2813 = arith.select %or3A_2809, %select_n3A_2777, %select_n3A_2759 : vector<16xi1>, vector<16xi32>
      %gt3A_2814 = arith.cmpf ogt, %select_n3A_2783, %select_n3A_2792 : vector<16xf32>
      %eq3A_2815 = arith.cmpf oeq, %select_n3A_2783, %select_n3A_2792 : vector<16xf32>
      %lt3A_2816 = arith.cmpi slt, %select_n3A_2785, %select_n3A_2794 : vector<16xi32>
      %and3A_2817 = arith.andi %eq3A_2815, %lt3A_2816 : vector<16xi1>
      %or3A_2818 = arith.ori %gt3A_2814, %and3A_2817 : vector<16xi1>
      %select_n3A_2819 = arith.select %or3A_2818, %select_n3A_2783, %select_n3A_2792 : vector<16xi1>, vector<16xf32>
      %select_n3A_2820 = arith.select %or3A_2818, %select_n3A_2792, %select_n3A_2783 : vector<16xi1>, vector<16xf32>
      %select_n3A_2821 = arith.select %or3A_2818, %select_n3A_2785, %select_n3A_2794 : vector<16xi1>, vector<16xi32>
      %select_n3A_2822 = arith.select %or3A_2818, %select_n3A_2794, %select_n3A_2785 : vector<16xi1>, vector<16xi32>
      %gt3A_2823 = arith.cmpf ogt, %select_n3A_2784, %select_n3A_2793 : vector<16xf32>
      %eq3A_2824 = arith.cmpf oeq, %select_n3A_2784, %select_n3A_2793 : vector<16xf32>
      %lt3A_2825 = arith.cmpi slt, %select_n3A_2786, %select_n3A_2795 : vector<16xi32>
      %and3A_2826 = arith.andi %eq3A_2824, %lt3A_2825 : vector<16xi1>
      %or3A_2827 = arith.ori %gt3A_2823, %and3A_2826 : vector<16xi1>
      %select_n3A_2828 = arith.select %or3A_2827, %select_n3A_2784, %select_n3A_2793 : vector<16xi1>, vector<16xf32>
      %select_n3A_2829 = arith.select %or3A_2827, %select_n3A_2793, %select_n3A_2784 : vector<16xi1>, vector<16xf32>
      %select_n3A_2830 = arith.select %or3A_2827, %select_n3A_2786, %select_n3A_2795 : vector<16xi1>, vector<16xi32>
      %select_n3A_2831 = arith.select %or3A_2827, %select_n3A_2795, %select_n3A_2786 : vector<16xi1>, vector<16xi32>
      %gt3A_2832 = arith.cmpf ogt, %select_n3A_2801, %select_n3A_2810 : vector<16xf32>
      %eq3A_2833 = arith.cmpf oeq, %select_n3A_2801, %select_n3A_2810 : vector<16xf32>
      %lt3A_2834 = arith.cmpi slt, %select_n3A_2803, %select_n3A_2812 : vector<16xi32>
      %and3A_2835 = arith.andi %eq3A_2833, %lt3A_2834 : vector<16xi1>
      %or3A_2836 = arith.ori %gt3A_2832, %and3A_2835 : vector<16xi1>
      %select_n3A_2837 = arith.select %or3A_2836, %select_n3A_2801, %select_n3A_2810 : vector<16xi1>, vector<16xf32>
      %select_n3A_2838 = arith.select %or3A_2836, %select_n3A_2810, %select_n3A_2801 : vector<16xi1>, vector<16xf32>
      %select_n3A_2839 = arith.select %or3A_2836, %select_n3A_2803, %select_n3A_2812 : vector<16xi1>, vector<16xi32>
      %select_n3A_2840 = arith.select %or3A_2836, %select_n3A_2812, %select_n3A_2803 : vector<16xi1>, vector<16xi32>
      %gt3A_2841 = arith.cmpf ogt, %select_n3A_2802, %select_n3A_2811 : vector<16xf32>
      %eq3A_2842 = arith.cmpf oeq, %select_n3A_2802, %select_n3A_2811 : vector<16xf32>
      %lt3A_2843 = arith.cmpi slt, %select_n3A_2804, %select_n3A_2813 : vector<16xi32>
      %and3A_2844 = arith.andi %eq3A_2842, %lt3A_2843 : vector<16xi1>
      %or3A_2845 = arith.ori %gt3A_2841, %and3A_2844 : vector<16xi1>
      %select_n3A_2846 = arith.select %or3A_2845, %select_n3A_2802, %select_n3A_2811 : vector<16xi1>, vector<16xf32>
      %select_n3A_2847 = arith.select %or3A_2845, %select_n3A_2811, %select_n3A_2802 : vector<16xi1>, vector<16xf32>
      %select_n3A_2848 = arith.select %or3A_2845, %select_n3A_2804, %select_n3A_2813 : vector<16xi1>, vector<16xi32>
      %select_n3A_2849 = arith.select %or3A_2845, %select_n3A_2813, %select_n3A_2804 : vector<16xi1>, vector<16xi32>
      %neg3A_2850 = arith.constant 0.000000e+00 : f32
      %neg3A_2851 = vector.broadcast %neg3A_2850 : f32 to vector<16xf32>
      %neg3A_2852 = arith.subf %neg3A_2851, %select_n3A_2819 : vector<16xf32>
      %exp3A_2853 = math.exp %neg3A_2852 : vector<16xf32>
      %add3A_2854 = arith.constant 1.000000e+00 : f32
      %add3A_2855 = vector.broadcast %add3A_2854 : f32 to vector<16xf32>
      %add3A_2856 = arith.addf %add3A_2855, %exp3A_2853 : vector<16xf32>
      %div3A_2857 = arith.constant 1.000000e+00 : f32
      %div3A_2858 = vector.broadcast %div3A_2857 : f32 to vector<16xf32>
      %div3A_2859 = arith.divf %div3A_2858, %add3A_2856 : vector<16xf32>
      %neg3A_2860 = arith.constant 0.000000e+00 : f32
      %neg3A_2861 = vector.broadcast %neg3A_2860 : f32 to vector<16xf32>
      %neg3A_2862 = arith.subf %neg3A_2861, %select_n3A_2820 : vector<16xf32>
      %exp3A_2863 = math.exp %neg3A_2862 : vector<16xf32>
      %add3A_2864 = arith.constant 1.000000e+00 : f32
      %add3A_2865 = vector.broadcast %add3A_2864 : f32 to vector<16xf32>
      %add3A_2866 = arith.addf %add3A_2865, %exp3A_2863 : vector<16xf32>
      %div3A_2867 = arith.constant 1.000000e+00 : f32
      %div3A_2868 = vector.broadcast %div3A_2867 : f32 to vector<16xf32>
      %div3A_2869 = arith.divf %div3A_2868, %add3A_2866 : vector<16xf32>
      %neg3A_2870 = arith.constant 0.000000e+00 : f32
      %neg3A_2871 = vector.broadcast %neg3A_2870 : f32 to vector<16xf32>
      %neg3A_2872 = arith.subf %neg3A_2871, %select_n3A_2828 : vector<16xf32>
      %exp3A_2873 = math.exp %neg3A_2872 : vector<16xf32>
      %add3A_2874 = arith.constant 1.000000e+00 : f32
      %add3A_2875 = vector.broadcast %add3A_2874 : f32 to vector<16xf32>
      %add3A_2876 = arith.addf %add3A_2875, %exp3A_2873 : vector<16xf32>
      %div3A_2877 = arith.constant 1.000000e+00 : f32
      %div3A_2878 = vector.broadcast %div3A_2877 : f32 to vector<16xf32>
      %div3A_2879 = arith.divf %div3A_2878, %add3A_2876 : vector<16xf32>
      %neg3A_2880 = arith.constant 0.000000e+00 : f32
      %neg3A_2881 = vector.broadcast %neg3A_2880 : f32 to vector<16xf32>
      %neg3A_2882 = arith.subf %neg3A_2881, %select_n3A_2829 : vector<16xf32>
      %exp3A_2883 = math.exp %neg3A_2882 : vector<16xf32>
      %add3A_2884 = arith.constant 1.000000e+00 : f32
      %add3A_2885 = vector.broadcast %add3A_2884 : f32 to vector<16xf32>
      %add3A_2886 = arith.addf %add3A_2885, %exp3A_2883 : vector<16xf32>
      %div3A_2887 = arith.constant 1.000000e+00 : f32
      %div3A_2888 = vector.broadcast %div3A_2887 : f32 to vector<16xf32>
      %div3A_2889 = arith.divf %div3A_2888, %add3A_2886 : vector<16xf32>
      %neg3A_2890 = arith.constant 0.000000e+00 : f32
      %neg3A_2891 = vector.broadcast %neg3A_2890 : f32 to vector<16xf32>
      %neg3A_2892 = arith.subf %neg3A_2891, %select_n3A_2837 : vector<16xf32>
      %exp3A_2893 = math.exp %neg3A_2892 : vector<16xf32>
      %add3A_2894 = arith.constant 1.000000e+00 : f32
      %add3A_2895 = vector.broadcast %add3A_2894 : f32 to vector<16xf32>
      %add3A_2896 = arith.addf %add3A_2895, %exp3A_2893 : vector<16xf32>
      %div3A_2897 = arith.constant 1.000000e+00 : f32
      %div3A_2898 = vector.broadcast %div3A_2897 : f32 to vector<16xf32>
      %div3A_2899 = arith.divf %div3A_2898, %add3A_2896 : vector<16xf32>
      %neg3A_2900 = arith.constant 0.000000e+00 : f32
      %neg3A_2901 = vector.broadcast %neg3A_2900 : f32 to vector<16xf32>
      %neg3A_2902 = arith.subf %neg3A_2901, %select_n3A_2838 : vector<16xf32>
      %exp3A_2903 = math.exp %neg3A_2902 : vector<16xf32>
      %add3A_2904 = arith.constant 1.000000e+00 : f32
      %add3A_2905 = vector.broadcast %add3A_2904 : f32 to vector<16xf32>
      %add3A_2906 = arith.addf %add3A_2905, %exp3A_2903 : vector<16xf32>
      %div3A_2907 = arith.constant 1.000000e+00 : f32
      %div3A_2908 = vector.broadcast %div3A_2907 : f32 to vector<16xf32>
      %div3A_2909 = arith.divf %div3A_2908, %add3A_2906 : vector<16xf32>
      %neg3A_2910 = arith.constant 0.000000e+00 : f32
      %neg3A_2911 = vector.broadcast %neg3A_2910 : f32 to vector<16xf32>
      %neg3A_2912 = arith.subf %neg3A_2911, %select_n3A_2846 : vector<16xf32>
      %exp3A_2913 = math.exp %neg3A_2912 : vector<16xf32>
      %add3A_2914 = arith.constant 1.000000e+00 : f32
      %add3A_2915 = vector.broadcast %add3A_2914 : f32 to vector<16xf32>
      %add3A_2916 = arith.addf %add3A_2915, %exp3A_2913 : vector<16xf32>
      %div3A_2917 = arith.constant 1.000000e+00 : f32
      %div3A_2918 = vector.broadcast %div3A_2917 : f32 to vector<16xf32>
      %div3A_2919 = arith.divf %div3A_2918, %add3A_2916 : vector<16xf32>
      %neg3A_2920 = arith.constant 0.000000e+00 : f32
      %neg3A_2921 = vector.broadcast %neg3A_2920 : f32 to vector<16xf32>
      %neg3A_2922 = arith.subf %neg3A_2921, %select_n3A_2847 : vector<16xf32>
      %exp3A_2923 = math.exp %neg3A_2922 : vector<16xf32>
      %add3A_2924 = arith.constant 1.000000e+00 : f32
      %add3A_2925 = vector.broadcast %add3A_2924 : f32 to vector<16xf32>
      %add3A_2926 = arith.addf %add3A_2925, %exp3A_2923 : vector<16xf32>
      %div3A_2927 = arith.constant 1.000000e+00 : f32
      %div3A_2928 = vector.broadcast %div3A_2927 : f32 to vector<16xf32>
      %div3A_2929 = arith.divf %div3A_2928, %add3A_2926 : vector<16xf32>
      %add3A_2930 = arith.addf %div3A_2859, %div3A_2869 : vector<16xf32>
      %add3A_2931 = arith.addf %div3A_2879, %div3A_2889 : vector<16xf32>
      %add3A_2932 = arith.addf %div3A_2899, %div3A_2909 : vector<16xf32>
      %add3A_2933 = arith.addf %div3A_2919, %div3A_2929 : vector<16xf32>
      %add3A_2934 = arith.addf %add3A_2930, %add3A_2931 : vector<16xf32>
      %add3A_2935 = arith.addf %add3A_2932, %add3A_2933 : vector<16xf32>
      %add3A_2936 = arith.addf %add3A_2934, %add3A_2935 : vector<16xf32>
      %add3A_2937 = arith.constant 9.99999968E-21 : f32
      %add3A_2938 = vector.broadcast %add3A_2937 : f32 to vector<16xf32>
      %add3A_2939 = arith.addf %add3A_2936, %add3A_2938 : vector<16xf32>
      %div3A_2940 = arith.constant 2.500000e+00 : f32
      %div3A_2941 = vector.broadcast %div3A_2940 : f32 to vector<16xf32>
      %div3A_2942 = arith.divf %div3A_2941, %add3A_2939 : vector<16xf32>
      %mul3A_2943 = arith.constant 8 : i32
      %mul3A_2944 = vector.broadcast %mul3A_2943 : i32 to vector<16xi32>
      %mul3A_2945 = arith.muli %add3A_21, %mul3A_2944 : vector<16xi32>
      %add3A_2946 = arith.constant 0 : i32
      %add3A_2947 = vector.broadcast %add3A_2946 : i32 to vector<16xi32>
      %add3A_2948 = arith.addi %mul3A_2945, %add3A_2947 : vector<16xi32>
      tpu.vector_store_idx %arg8[%add3A_2948], %select_n3A_2821 : memref<8192xi32, #tpu.memory_space<vmem>>[vector<16xi32>], vector<16xi32>,
      %add3A_2949 = arith.constant 0 : i32
      %add3A_2950 = vector.broadcast %add3A_2949 : i32 to vector<16xi32>
      %add3A_2951 = arith.addi %mul3A_2945, %add3A_2950 : vector<16xi32>
      %mul3A_2952 = arith.mulf %div3A_2859, %div3A_2942 : vector<16xf32>
      tpu.vector_store_idx %arg9[%add3A_2951], %mul3A_2952 : memref<8192xf32, #tpu.memory_space<vmem>>[vector<16xi32>], vector<16xf32>,
      %add3A_2953 = arith.constant 1 : i32
      %add3A_2954 = vector.broadcast %add3A_2953 : i32 to vector<16xi32>
      %add3A_2955 = arith.addi %mul3A_2945, %add3A_2954 : vector<16xi32>
      tpu.vector_store_idx %arg8[%add3A_2955], %select_n3A_2822 : memref<8192xi32, #tpu.memory_space<vmem>>[vector<16xi32>], vector<16xi32>,
      %add3A_2956 = arith.constant 1 : i32
      %add3A_2957 = vector.broadcast %add3A_2956 : i32 to vector<16xi32>
      %add3A_2958 = arith.addi %mul3A_2945, %add3A_2957 : vector<16xi32>
      %mul3A_2959 = arith.mulf %div3A_2869, %div3A_2942 : vector<16xf32>
      tpu.vector_store_idx %arg9[%add3A_2958], %mul3A_2959 : memref<8192xf32, #tpu.memory_space<vmem>>[vector<16xi32>], vector<16xf32>,
      %add3A_2960 = arith.constant 2 : i32
      %add3A_2961 = vector.broadcast %add3A_2960 : i32 to vector<16xi32>
      %add3A_2962 = arith.addi %mul3A_2945, %add3A_2961 : vector<16xi32>
      tpu.vector_store_idx %arg8[%add3A_2962], %select_n3A_2830 : memref<8192xi32, #tpu.memory_space<vmem>>[vector<16xi32>], vector<16xi32>,
      %add3A_2963 = arith.constant 2 : i32
      %add3A_2964 = vector.broadcast %add3A_2963 : i32 to vector<16xi32>
      %add3A_2965 = arith.addi %mul3A_2945, %add3A_2964 : vector<16xi32>
      %mul3A_2966 = arith.mulf %div3A_2879, %div3A_2942 : vector<16xf32>
      tpu.vector_store_idx %arg9[%add3A_2965], %mul3A_2966 : memref<8192xf32, #tpu.memory_space<vmem>>[vector<16xi32>], vector<16xf32>,
      %add3A_2967 = arith.constant 3 : i32
      %add3A_2968 = vector.broadcast %add3A_2967 : i32 to vector<16xi32>
      %add3A_2969 = arith.addi %mul3A_2945, %add3A_2968 : vector<16xi32>
      tpu.vector_store_idx %arg8[%add3A_2969], %select_n3A_2831 : memref<8192xi32, #tpu.memory_space<vmem>>[vector<16xi32>], vector<16xi32>,
      %add3A_2970 = arith.constant 3 : i32
      %add3A_2971 = vector.broadcast %add3A_2970 : i32 to vector<16xi32>
      %add3A_2972 = arith.addi %mul3A_2945, %add3A_2971 : vector<16xi32>
      %mul3A_2973 = arith.mulf %div3A_2889, %div3A_2942 : vector<16xf32>
      tpu.vector_store_idx %arg9[%add3A_2972], %mul3A_2973 : memref<8192xf32, #tpu.memory_space<vmem>>[vector<16xi32>], vector<16xf32>,
      %add3A_2974 = arith.constant 4 : i32
      %add3A_2975 = vector.broadcast %add3A_2974 : i32 to vector<16xi32>
      %add3A_2976 = arith.addi %mul3A_2945, %add3A_2975 : vector<16xi32>
      tpu.vector_store_idx %arg8[%add3A_2976], %select_n3A_2839 : memref<8192xi32, #tpu.memory_space<vmem>>[vector<16xi32>], vector<16xi32>,
      %add3A_2977 = arith.constant 4 : i32
      %add3A_2978 = vector.broadcast %add3A_2977 : i32 to vector<16xi32>
      %add3A_2979 = arith.addi %mul3A_2945, %add3A_2978 : vector<16xi32>
      %mul3A_2980 = arith.mulf %div3A_2899, %div3A_2942 : vector<16xf32>
      tpu.vector_store_idx %arg9[%add3A_2979], %mul3A_2980 : memref<8192xf32, #tpu.memory_space<vmem>>[vector<16xi32>], vector<16xf32>,
      %add3A_2981 = arith.constant 5 : i32
      %add3A_2982 = vector.broadcast %add3A_2981 : i32 to vector<16xi32>
      %add3A_2983 = arith.addi %mul3A_2945, %add3A_2982 : vector<16xi32>
      tpu.vector_store_idx %arg8[%add3A_2983], %select_n3A_2840 : memref<8192xi32, #tpu.memory_space<vmem>>[vector<16xi32>], vector<16xi32>,
      %add3A_2984 = arith.constant 5 : i32
      %add3A_2985 = vector.broadcast %add3A_2984 : i32 to vector<16xi32>
      %add3A_2986 = arith.addi %mul3A_2945, %add3A_2985 : vector<16xi32>
      %mul3A_2987 = arith.mulf %div3A_2909, %div3A_2942 : vector<16xf32>
      tpu.vector_store_idx %arg9[%add3A_2986], %mul3A_2987 : memref<8192xf32, #tpu.memory_space<vmem>>[vector<16xi32>], vector<16xf32>,
      %add3A_2988 = arith.constant 6 : i32
      %add3A_2989 = vector.broadcast %add3A_2988 : i32 to vector<16xi32>
      %add3A_2990 = arith.addi %mul3A_2945, %add3A_2989 : vector<16xi32>
      tpu.vector_store_idx %arg8[%add3A_2990], %select_n3A_2848 : memref<8192xi32, #tpu.memory_space<vmem>>[vector<16xi32>], vector<16xi32>,
      %add3A_2991 = arith.constant 6 : i32
      %add3A_2992 = vector.broadcast %add3A_2991 : i32 to vector<16xi32>
      %add3A_2993 = arith.addi %mul3A_2945, %add3A_2992 : vector<16xi32>
      %mul3A_2994 = arith.mulf %div3A_2919, %div3A_2942 : vector<16xf32>
      tpu.vector_store_idx %arg9[%add3A_2993], %mul3A_2994 : memref<8192xf32, #tpu.memory_space<vmem>>[vector<16xi32>], vector<16xf32>,
      %add3A_2995 = arith.constant 7 : i32
      %add3A_2996 = vector.broadcast %add3A_2995 : i32 to vector<16xi32>
      %add3A_2997 = arith.addi %mul3A_2945, %add3A_2996 : vector<16xi32>
      tpu.vector_store_idx %arg8[%add3A_2997], %select_n3A_2849 : memref<8192xi32, #tpu.memory_space<vmem>>[vector<16xi32>], vector<16xi32>,
      %add3A_2998 = arith.constant 7 : i32
      %add3A_2999 = vector.broadcast %add3A_2998 : i32 to vector<16xi32>
      %add3A_3000 = arith.addi %mul3A_2945, %add3A_2999 : vector<16xi32>
      %mul3A_3001 = arith.mulf %div3A_2929, %div3A_2942 : vector<16xf32>
      tpu.vector_store_idx %arg9[%add3A_3000], %mul3A_3001 : memref<8192xf32, #tpu.memory_space<vmem>>[vector<16xi32>], vector<16xf32>,
    }
    %scan3A_12 = arith.constant 64 : i32
    %mul3A_13 = arith.constant 8 : i32
    %mul3A_14 = arith.muli %mul3A_2, %mul3A_13 : i32
    "tpu.region"() ({
      %run_scoped3A = tpu.sem_alloc : memref<!tpu.dma_semaphore, #tpu.memory_space<semaphore_mem>>
      %dma_start3A = tpu.memref_slice %arg4[%mul3A_14] : memref<262144xi32, #tpu.memory_space<hbm>> -> memref<8192xi32, #tpu.memory_space<hbm>>
      %dma_start3A_17 = tpu.memref_slice %arg4[%mul3A_14] : memref<262144xi32, #tpu.memory_space<hbm>> -> memref<8192xi32, #tpu.memory_space<hbm>>
      tpu.enqueue_dma source(%arg8 : memref<8192xi32, #tpu.memory_space<vmem>>) target(%dma_start3A_17 : memref<8192xi32, #tpu.memory_space<hbm>>) target_semaphore(%run_scoped3A : memref<!tpu.dma_semaphore, #tpu.memory_space<semaphore_mem>>)
      %dma_wait3A = tpu.memref_slice %arg4[%mul3A_14] : memref<262144xi32, #tpu.memory_space<hbm>> -> memref<8192xi32, #tpu.memory_space<hbm>>
      %dma_wait3A_18 = tpu.memref_slice %arg4[%mul3A_14] : memref<262144xi32, #tpu.memory_space<hbm>> -> memref<8192xi32, #tpu.memory_space<hbm>>
      tpu.wait_dma2 semaphore(%run_scoped3A : memref<!tpu.dma_semaphore, #tpu.memory_space<semaphore_mem>>) src(%arg8 : memref<8192xi32, #tpu.memory_space<vmem>>) dst(%dma_wait3A_18 : memref<8192xi32, #tpu.memory_space<hbm>>)
      tpu.yield
    }) : () -> ()
    %mul3A_15 = arith.constant 8 : i32
    %mul3A_16 = arith.muli %mul3A_2, %mul3A_15 : i32
    "tpu.region"() ({
      %run_scoped3A = tpu.sem_alloc : memref<!tpu.dma_semaphore, #tpu.memory_space<semaphore_mem>>
      %dma_start3A = tpu.memref_slice %arg5[%mul3A_16] : memref<262144xf32, #tpu.memory_space<hbm>> -> memref<8192xf32, #tpu.memory_space<hbm>>
      %dma_start3A_17 = tpu.memref_slice %arg5[%mul3A_16] : memref<262144xf32, #tpu.memory_space<hbm>> -> memref<8192xf32, #tpu.memory_space<hbm>>
      tpu.enqueue_dma source(%arg9 : memref<8192xf32, #tpu.memory_space<vmem>>) target(%dma_start3A_17 : memref<8192xf32, #tpu.memory_space<hbm>>) target_semaphore(%run_scoped3A : memref<!tpu.dma_semaphore, #tpu.memory_space<semaphore_mem>>)
      %dma_wait3A = tpu.memref_slice %arg5[%mul3A_16] : memref<262144xf32, #tpu.memory_space<hbm>> -> memref<8192xf32, #tpu.memory_space<hbm>>
      %dma_wait3A_18 = tpu.memref_slice %arg5[%mul3A_16] : memref<262144xf32, #tpu.memory_space<hbm>> -> memref<8192xf32, #tpu.memory_space<hbm>>
      tpu.wait_dma2 semaphore(%run_scoped3A : memref<!tpu.dma_semaphore, #tpu.memory_space<semaphore_mem>>) src(%arg9 : memref<8192xf32, #tpu.memory_space<vmem>>) dst(%dma_wait3A_18 : memref<8192xf32, #tpu.memory_space<hbm>>)
      tpu.yield
    }) : () -> ()
    return
  }
}

</mosaic_0001>

<sc_bundles>
// kernel: kernel.3.cloned.1.call-start
scs
__scs_entry_jumppad:
0x0: {  	(pc) =	sbr.rel $0x88, $3  }
0x1: {  	(tag) =	ssettag $0x0;
	lr =	simm.s32 $0x1  }
0x2: {  	[smem:$0x3FA0] =	sst lr;
	_ =	strace $0xD0000000  }
0x3: {  	_ = 	snop  }
0x4: {  	_ = 	snop  }
0x5: {  	_ = 	snop  }
0x6: {  	_ = 	snop  }
0x7: {  	_ = 	snop  }
__scs_overlays_trampoline_lowered:
0x8: {  	[smem:$0x3FAF] =	sst s0  }
0x9: {  	[smem:$0x3FB0] =	sst s1  }
0xa: {  	[smem:$0x3FB1] =	sst s2  }
0xb: {  	[smem:$0x3FB2] =	sst s3  }
0xc: {  	[smem:$0x3FB3] =	sst s4  }
0xd: {  	[smem:$0x3FB4] =	sst s5  }
0xe: {  	[smem:$0x3FB5] =	sst s6  }
0xf: {  	[smem:$0x3FB6] =	sst s7  }
0x10: {  	[smem:$0x3FB7] =	sst s8  }
0x11: {  	[smem:$0x3FB8] =	sst s9;
	s0 =	simm.s32 @!p0 $0x0  }
0x12: {  	s1 =	sld [smem:$0x3F9E];
	s0 =	simm.s32 @p0 $0x1  }
0x13: {  	[smem:$0x3FB9] =	sst s0;
	s0 =	simm.s32 @!p1 $0x0  }
0x14: {  	s2 =	sld [smem:$0x3F9D];
	s0 =	simm.s32 @p1 $0x1  }
0x15: {  	[smem:$0x3FBA] =	sst s0;
	s0 =	simm.s32 @!p2 $0x0  }
0x16: {  	s3 =	sld [smem:$0x3FDB];
	s0 =	simm.s32 @p2 $0x1  }
0x17: {  	s4 =	simm.s32 $0x1BF5;
	[smem:$0x3FBC] =	sst s0  }
0x18: {  	s0 =	sld [smem:$0x3F9F];
	_ =	swait.ge [sflag:s4], $0x0  }
0x19: {  	s7 =	sld [smem:$0x3FA0]  }
0x1a: {  	s8 =	sadd.s32 $0xFFFFE003, lr  }
0x1b: {  	s9 =	sadd.s32 $0xFFFFFEF7, lr;
	s5 =	simm.s32 $0xFFFFFFFF;
	p2 =	slt.u32 s8, $0xFFFFF086  }
0x1c: {  	p1 =	slt.u32 s9, $0xF7A;
	s5 =	simm.s32 @!p2 $0x0  }
0x1d: {  	s5 =	simm.s32 @p1 $0x1;
	p0 =	seq.s32 s7, s2  }
0x1e: {  	s7 =	smul.u32 @!p0 $0xF7A, s2;
	p2 =	seq.s32 @!p0 s5, $0x0  }
0x1f: {  	s9 =	smul.u32 $0xF7A, s1;
	s8 =	simm.s32 @!p0 $0x1BF5;
	p2 =	por !p2, p0  }
0x20: {  	[sflag:s8] =	ssyncset.s32 @!p0 $0xFFFFF086;
	s6 =	sadd.s32 @!p0 s3, s7;
	s7 =	simm.s32 @!p0 $0x108  }
0x21: {  	s3 =	sadd.s32 s3, s9;
	s6 =	sadd.s32 @!p0 $0x88, s6;
	s7 =	simm.s32 @p2 $0x1082  }
0x22: {  	[simem:s7], [sflag:s8] =	dma.local @!p0 [hbm:s6], $0xF7A  }
0x23: {  	s9 =	sor.u32 $0xD0000000, s2;
	s6 =	simm.s32 $0x108;
	_ =	swait.ge @!p0 [sflag:s8], $0x0  }
0x24: {  	s3 =	sadd.s32 $0x88, s3;
	s6 =	simm.s32 @!p1 $0x1082;
	[sflag:s4] =	ssyncset.s32 $0xFFFFF086  }
0x25: {  	[simem:s6], [sflag:s4] =	dma.local [hbm:s3], $0xF7A  }
0x26: {  	[smem:$0x3FA0] =	sst s1;
	(tag) =	ssettag s2;
	_ =	strace s9  }
0x27: {  	s1 =	sld [smem:$0x3FB0]  }
0x28: {  	s2 =	sld [smem:$0x3FB1]  }
0x29: {  	s4 =	sld [smem:$0x3FB3]  }
0x2a: {  	p0 =	seq.s32 s5, $0x0;
	s5 =	sld [smem:$0x3FB4]  }
0x2b: {  	s6 =	sld [smem:$0x3FB5]  }
0x2c: {  	s7 =	sld [smem:$0x3FB6]  }
0x2d: {  	s3 =	simm.s32 $0x108;
	s8 =	sld [smem:$0x3FB7]  }
0x2e: {  	s3 =	simm.s32 @!p0 $0x1082;
	s9 =	sld [smem:$0x3FB8]  }
0x2f: {  	lr =	sadd.s32 s0, s3;
	s0 =	sld [smem:$0x3FAF]  }
0x30: {  	s3 =	sld [smem:$0x3FB2]  }
0x31: {  	[smem:$0x3FBB] =	sst s10  }
0x32: {  	s10 =	sld [smem:$0x3FB9];
	_ =	sdelay $0x3  }
0x33: {  	p0 =	seq.s32 s10, $0x1;
	s10 =	sld [smem:$0x3FBB];
	_ =	sdelay $0x3  }
0x34: {  	[smem:$0x3FBB] =	sst s10  }
0x35: {  	s10 =	sld [smem:$0x3FBA];
	_ =	sdelay $0x3  }
0x36: {  	p1 =	seq.s32 s10, $0x1;
	s10 =	sld [smem:$0x3FBB];
	_ =	sdelay $0x3  }
0x37: {  	[smem:$0x3FBB] =	sst s10  }
0x38: {  	s10 =	sld [smem:$0x3FBC]  }
0x39: {  	_ = 	snop;
	(pc) =	sbr.ind lr, $3  }
0x3a: {  	_ = 	snop  }
0x3b: {  	_ = 	snop  }
0x3c: {  	p2 =	seq.s32 s10, $0x1;
	s10 =	sld [smem:$0x3FBB]  }
0x3d: {  	_ =	shalt  }
0x3e: {  	_ =	shalt  }
0x3f: {  	_ =	shalt  }
0x40: {  	_ =	shalt  }
0x41: {  	_ =	shalt  }
0x42: {  	_ =	shalt  }
0x43: {  	_ =	shalt  }
0x44: {  	_ =	shalt  }
0x45: {  	_ =	shalt  }
0x46: {  	_ =	shalt  }
0x47: {  	_ =	shalt  }
0x48: {  	_ =	shalt  }
0x49: {  	_ =	shalt  }
0x4a: {  	_ =	shalt  }
0x4b: {  	_ =	shalt  }
0x4c: {  	_ =	shalt  }
0x4d: {  	_ =	shalt  }
0x4e: {  	_ =	shalt  }
0x4f: {  	_ =	shalt  }
0x50: {  	_ =	shalt  }
0x51: {  	_ =	shalt  }
0x52: {  	_ =	shalt  }
0x53: {  	_ =	shalt  }
0x54: {  	_ =	shalt  }
0x55: {  	_ =	shalt  }
0x56: {  	_ =	shalt  }
0x57: {  	_ =	shalt  }
0x58: {  	_ =	shalt  }
0x59: {  	_ =	shalt  }
0x5a: {  	_ =	shalt  }
0x5b: {  	_ =	shalt  }
0x5c: {  	_ =	shalt  }
0x5d: {  	_ =	shalt  }
0x5e: {  	_ =	shalt  }
0x5f: {  	_ =	shalt  }
0x60: {  	_ =	shalt  }
0x61: {  	_ =	shalt  }
0x62: {  	_ =	shalt  }
0x63: {  	_ =	shalt  }
0x64: {  	_ =	shalt  }
0x65: {  	_ =	shalt  }
0x66: {  	_ =	shalt  }
0x67: {  	_ =	shalt  }
0x68: {  	_ =	shalt  }
0x69: {  	_ =	shalt  }
0x6a: {  	_ =	shalt  }
0x6b: {  	_ =	shalt  }
0x6c: {  	_ =	shalt  }
0x6d: {  	_ =	shalt  }
0x6e: {  	_ =	shalt  }
0x6f: {  	_ =	shalt  }
0x70: {  	_ =	shalt  }
0x71: {  	_ =	shalt  }
0x72: {  	_ =	shalt  }
0x73: {  	_ =	shalt  }
0x74: {  	_ =	shalt  }
0x75: {  	_ =	shalt  }
0x76: {  	_ =	shalt  }
0x77: {  	_ =	shalt  }
0x78: {  	_ =	shalt  }
0x79: {  	_ =	shalt  }
0x7a: {  	_ =	shalt  }
0x7b: {  	_ =	shalt  }
0x7c: {  	_ =	shalt  }
0x7d: {  	_ =	shalt  }
0x7e: {  	_ =	shalt  }
0x7f: {  	_ =	shalt  }
0x80: {  	_ =	shalt  }
0x81: {  	_ =	shalt  }
0x82: {  	_ =	shalt  }
0x83: {  	_ =	shalt  }
0x84: {  	_ =	shalt  }
0x85: {  	_ =	shalt  }
0x86: {  	_ =	shalt  }
0x87: {  	_ =	shalt  }
.Lfunc_end0:
.L_simem_size_0:
called_computation_lowered:
.L_overlay_start_0:
0x88: {  	s2 =	sld [smem:$0x3FD9]  }
0x89: {  	s3 =	sld [smem:$0x3FFE];
	_ =	sdelay $0x1  }
0x8a: {  	s1 =	srdreg.scid  }
0x8b: {  	s0 =	sand.u32 $0x1, s1  }
0x8c: {  	s14 =	sshll.u32 s0, $0xA;
	s2 =	sadd.s32 s3, s2  }
0x8d: {  	s2 =	sadd.s32 s2, s14  }
0x8e: {  	[smem:$0x3FC7] =	sst s2  }
0x8f: {  	_ = 	snop  }
0x90: {  	s2 =	sld [smem:$0x3FD0];
	_ =	sdelay $0x2  }
0x91: {  	s15 =	simm.s32 $0xA;
	s4 =	simm.s32 $0x10  }
0x92: {  	[smem:s4], [sflag:s15] =	dma.local [hbm:s2], $0x1  }
0x93: {  	_ =	swait.eq [sflag:s15], $0x1  }
0x94: {  	[sflag:s15] =	ssyncset.done $0x0  }
0x95: {  	[sflag:s15] =	ssyncadd.s32 $0xFFFFFFFF  }
0x96: {  	s16 =	sld [smem:$0x11];
	(tm) =	ssettm $0x1  }
0x97: {  	s17 =	sld [smem:$0x3FFB];
	_ =	sdelay $0x3  }
0x98: {  	_ =	strace s17  }
0x99: {  	s3 =	sld [smem:$0x3FFC];
	_ =	sdelay $0x3  }
0x9a: {  	_ =	strace s3  }
0x9b: {  	s3 =	sld [smem:$0x3FFD];
	_ =	sdelay $0x3  }
0x9c: {  	_ =	strace s3  }
0x9d: {  	_ =	strace $0x8FFFFFFF  }
0x9e: {  	s18 =	sld [smem:$0x3FDB];
	_ =	sdelay $0x1  }
0x9f: {  	s19 =	simm.s32 $_scs_section_size  }
0xa0: {  	s5 =	simm.s32 $_size__tile_overlayer_lowered;
	s6 =	simm.s32 $_tile_overlayer_lowered  }
0xa1: {  	s22 =	simm.s32 $0x1BFF;
	s21 =	sshll.u32 s6, $0x1;
	s3 =	sadd.s32 s19, s18  }
0xa2: {  	s7 =	simm.s32 $0x0;
	s20 =	sshll.u32 s5, $0x1;
	s5 =	sadd.s32 s21, s3  }
0xa3: {  	[timem:s7], [sflag:s22] =	dma.local [hbm:s5], s20  }
0xa4: {  	_ =	swait.ge [sflag:s22], s20  }
0xa5: {  	s4 =	ssub.s32 $0x0, s20;
	[sflag:s22] =	ssyncset.done $0x0  }
0xa6: {  	[sflag:s22] =	ssyncadd.s32 s4;
	_ =	sdelay $0x1  }
0xa7: {  	s23 =	simm.s32 $0x1B8B  }
0xa8: {  	_ =	swait.ge [sflag:s23], $0x1  }
0xa9: {  	[sflag:s23] =	ssyncset.done $0x0  }
0xaa: {  	s25 =	simm.s32 $0x1B8E;
	s24 =	sld [smem:$0x3FFE];
	[sflag:s23] =	ssyncadd.s32 $0xFFFFFFFF  }
0xab: {  	s26 =	simm.s32 $execute0_lowered;
	[smem:$0x3FD2] =	sst s25  }
0xac: {  	s5 =	sshll.u32 s26, $0x1;
	_ =	strace $0x80000046;
	[dreg:$0x1] =	wrdreg $0xFFFFFFFF  }
0xad: {  	s28 =	simm.s32 $_size_execute0_lowered;
	s3 =	sadd.s32 s3, s5;
	[dreg:$0x0] =	wrdreg $0x0  }
0xae: {  	s5 =	sshll.u32 s28, $0x1;
	[dreg:$0x2] =	wrdreg s3  }
0xaf: {  	[dreg:$0x3] =	wrdreg s5  }
0xb0: {  	[dreg:$0x4] =	wrdreg $0xC0  }
0xb1: {  	_ =	task [dreg:s7], $0x5FFFF  }
0xb2: {  	[dreg:$0x1] =	wrdreg $0xFFFFFFFF  }
0xb3: {  	[dreg:$0x0] =	wrdreg $0x60  }
0xb4: {  	[dreg:$0x2] =	wrdreg s24  }
0xb5: {  	[dreg:$0x3] =	wrdreg s16  }
0xb6: {  	[dreg:$0x4] =	wrdreg $0x9  }
0xb7: {  	_ =	task.clear_ibuf [dreg:s7], $0x5FFFF;
	_ =	strace $0x90000046  }
0xb8: {  	s29 =	simm.s32 $0x9;
	_ =	strace $0x80000048  }
0xb9: {  	_ =	swait.ge [sflag:s29], $0x1  }
0xba: {  	[sflag:s29] =	ssyncadd.s32 $0xFFFFFFFF  }
0xbb: {  	_ =	strace $0x90000048  }
0xbc: {  	_ =	sfence  }
0xbd: {  	s30 =	sld [smem:$0x0];
	_ =	sdelay $0x2  }
0xbe: {  	s31 =	sshll.u32 s1, $0xD;
	s1 =	sshrl.u32 s1, $0x2  }
0xbf: {  	s3 =	sand.u32 $0x4000, s31;
	s1 =	sadd.s32 s1, s30  }
0xc0: {  	s0 =	sor.u32 s3, s0;
	s1 =	sshll.u32 s1, $0x11  }
0xc1: {  	s0 =	sor.u32 s1, s0  }
0xc2: {  	s0 =	sadd.s32 $0x8F2B, s0  }
0xc3: {  	[sflag:s0] =	ssyncadd.remote.s32 $0x1  }
0xc4: {  	_ =	sfence.sel $0xFFFF  }
0xc5: {  	[dreg:$0x0] =	wrdreg $0xFFFFFFFF;
	(pc) =	sbr.abs _section_cstart, $3  }
0xc6: {  	[dreg:$0x1] =	wrdreg $0xFFFFFFFF  }
0xc7: {  	_ =	task.clear_ibuf [dreg:s7], $0x2FFFF;
	_ =	strace $0x9FFFFFFF  }
0xc8: {  	(tm) =	ssettm $0x7FFFFFFF  }
0xc9: {  	_ =	shalt  }
tec
execute0_lowered:
.L_overlay_start_1:
0x0: {  	(tag) =	ssettag $0x1  }
0x1: {  	v0 =	vlaneseq.u32;
	s3 =	rddreg [dreg:$0x0]  }
0x2: {  	s4 =	rddreg [dreg:$0x1];
	s2 =	simm.s32 $0x0;
	v0 =	vmul.u32 $0x41, v0  }
0x3: {  	[smem:$0x7FF] =	sst s2  }
0x4: {  	s0 =	rddreg [dreg:$0x2];
	_ =	strace $0x80000047;
	v1 =	vadd.s32 $0x30, v0;
	[tilespmem:$0x1FD50] =	vst v0  }
0x5: {  	v48 =	vadd.s32 $0x2, v0;
	[tilespmem:$0x1FC60] =	vst v1  }
0x6: {  	v53 =	vadd.s32 $0x3, v0;
	[tilespmem:$0x1FD60] =	vst v48  }
0x7: {  	v54 =	vadd.s32 $0x4, v0;
	[tilespmem:$0x1FD70] =	vst v53  }
0x8: {  	v40 =	vadd.s32 $0x6, v0;
	[tilespmem:$0x1FD80] =	vst v54  }
0x9: {  	v16 =	vadd.s32 $0x8, v0;
	[tilespmem:$0x1FD90] =	vst v40  }
0xa: {  	v17 =	vadd.s32 $0x9, v0;
	[tilespmem:$0x1FDA0] =	vst v16  }
0xb: {  	v18 =	vadd.s32 $0xA, v0;
	[tilespmem:$0x1FDB0] =	vst v17  }
0xc: {  	v19 =	vadd.s32 $0xB, v0;
	[tilespmem:$0x1FDC0] =	vst v18  }
0xd: {  	v20 =	vadd.s32 $0xC, v0;
	[tilespmem:$0x1FDD0] =	vst v19  }
0xe: {  	v21 =	vadd.s32 $0xD, v0;
	[tilespmem:$0x1FDE0] =	vst v20  }
0xf: {  	v22 =	vadd.s32 $0xE, v0;
	[tilespmem:$0x1FDF0] =	vst v21  }
0x10: {  	v23 =	vadd.s32 $0xF, v0;
	[tilespmem:$0x1FE00] =	vst v22  }
0x11: {  	v24 =	vadd.s32 $0x10, v0;
	[tilespmem:$0x1FE10] =	vst v23  }
0x12: {  	v25 =	vadd.s32 $0x11, v0;
	[tilespmem:$0x1FE20] =	vst v24  }
0x13: {  	v26 =	vadd.s32 $0x12, v0;
	[tilespmem:$0x1FE30] =	vst v25  }
0x14: {  	v27 =	vadd.s32 $0x13, v0;
	[tilespmem:$0x1FE40] =	vst v26  }
0x15: {  	v28 =	vadd.s32 $0x14, v0;
	[tilespmem:$0x1FE50] =	vst v27  }
0x16: {  	v29 =	vadd.s32 $0x15, v0;
	[tilespmem:$0x1FE60] =	vst v28  }
0x17: {  	v30 =	vadd.s32 $0x16, v0;
	[tilespmem:$0x1FE70] =	vst v29  }
0x18: {  	v31 =	vadd.s32 $0x17, v0;
	[tilespmem:$0x1FE80] =	vst v30  }
0x19: {  	v32 =	vadd.s32 $0x18, v0;
	[tilespmem:$0x1FE90] =	vst v31  }
0x1a: {  	v33 =	vadd.s32 $0x19, v0;
	[tilespmem:$0x1FEA0] =	vst v32  }
0x1b: {  	v34 =	vadd.s32 $0x1A, v0;
	[tilespmem:$0x1FEB0] =	vst v33  }
0x1c: {  	v35 =	vadd.s32 $0x1B, v0;
	[tilespmem:$0x1FEC0] =	vst v34  }
0x1d: {  	v36 =	vadd.s32 $0x1C, v0;
	[tilespmem:$0x1FED0] =	vst v35  }
0x1e: {  	v38 =	vadd.s32 $0x1D, v0;
	[tilespmem:$0x1FEE0] =	vst v36  }
0x1f: {  	v39 =	vadd.s32 $0x1E, v0;
	[tilespmem:$0x1FEF0] =	vst v38  }
0x20: {  	v41 =	vadd.s32 $0x1F, v0;
	[tilespmem:$0x1FF00] =	vst v39  }
0x21: {  	v42 =	vadd.s32 $0x20, v0;
	[tilespmem:$0x1FF10] =	vst v41  }
0x22: {  	v43 =	vadd.s32 $0x21, v0;
	[tilespmem:$0x1FF20] =	vst v42  }
0x23: {  	v45 =	vadd.s32 $0x22, v0;
	[tilespmem:$0x1FF30] =	vst v43  }
0x24: {  	v46 =	vadd.s32 $0x23, v0;
	[tilespmem:$0x1FF40] =	vst v45  }
0x25: {  	v47 =	vadd.s32 $0x24, v0;
	[tilespmem:$0x1FF50] =	vst v46  }
0x26: {  	v49 =	vadd.s32 $0x25, v0;
	[tilespmem:$0x1FF60] =	vst v47  }
0x27: {  	v50 =	vadd.s32 $0x26, v0;
	[tilespmem:$0x1FF70] =	vst v49  }
0x28: {  	v51 =	vadd.s32 $0x27, v0;
	[tilespmem:$0x1FF80] =	vst v50  }
0x29: {  	v52 =	vadd.s32 $0x28, v0;
	[tilespmem:$0x1FF90] =	vst v51  }
0x2a: {  	v55 =	vadd.s32 $0x29, v0;
	[tilespmem:$0x1FFA0] =	vst v52  }
0x2b: {  	v59 =	vadd.s32 $0x2C, v0;
	[tilespmem:$0x1FFB0] =	vst v55  }
0x2c: {  	v60 =	vadd.s32 $0x2D, v0;
	[tilespmem:$0x1FFC0] =	vst v59  }
0x2d: {  	v62 =	vadd.s32 $0x2E, v0;
	[tilespmem:$0x1FFD0] =	vst v60  }
0x2e: {  	v63 =	vadd.s32 $0x2F, v0;
	[tilespmem:$0x1FFE0] =	vst v62  }
0x2f: {  	v1 =	vadd.s32 $0x31, v0;
	[tilespmem:$0x1FFF0] =	vst v63  }
0x30: {  	[tilespmem:$0x1FC70] =	vst v1;
	v1 =	vadd.s32 $0x32, v0  }
0x31: {  	[tilespmem:$0x1FC80] =	vst v1;
	v1 =	vadd.s32 $0x33, v0  }
0x32: {  	[tilespmem:$0x1FC90] =	vst v1;
	v1 =	vadd.s32 $0x34, v0  }
0x33: {  	[tilespmem:$0x1FCA0] =	vst v1;
	v1 =	vadd.s32 $0x35, v0  }
0x34: {  	[tilespmem:$0x1FCB0] =	vst v1;
	v1 =	vadd.s32 $0x36, v0  }
0x35: {  	[tilespmem:$0x1FCC0] =	vst v1;
	v1 =	vadd.s32 $0x37, v0  }
0x36: {  	s5 =	srdreg.scid;
	s1 =	stileid.u32;
	[tilespmem:$0x1FCD0] =	vst v1;
	v1 =	vadd.s32 $0x38, v0  }
0x37: {  	s5 =	sand.u32 $0x1, s5;
	s6 =	sshll.u32 s1, $0x1;
	[tilespmem:$0x1FCE0] =	vst v1;
	v1 =	vadd.s32 $0x39, v0  }
0x38: {  	s10 =	simm.s32 $0x12480;
	s6 =	sor.u32 s5, s6;
	[tilespmem:$0x1FCF0] =	vst v1;
	v1 =	vadd.s32 $0x3A, v0  }
0x39: {  	s11 =	simm.s32 $0x0;
	s5 =	ssub.s32 $0x2, s5;
	s7 =	sshll.u32 s6, $0xD;
	[tilespmem:$0x1FD00] =	vst v1;
	v1 =	vadd.s32 $0x3B, v0  }
0x3a: {  	s6 =	sshll.u32 s6, $0xA;
	s8 =	sshrl.u32 s5, $0x1;
	s7 =	sadd.s32 s7, s3;
	[tilespmem:$0x1FD10] =	vst v1;
	v1 =	vadd.s32 $0x3C, v0  }
0x3b: {  	v44 =	vimm.s32 $0x0;
	s9 =	sadd.s32 s6, s3;
	s8 =	ssub.s32 s5, s8;
	s4 =	sadd.s32 s4, s6;
	[tilespmem:$0x1FD20] =	vst v1;
	v1 =	vadd.s32 $0x3D, v0  }
0x3c: {  	v37 =	vadd.s32 $0x1, v0;
	v58 =	vadd.s32 $0x5, v0;
	s3 =	sadd.s32 $0xA00, s7;
	s5 =	sadd.s32 $0x40A00, s9;
	s6 =	smax.u32 s8, $0x1;
	[tilespmem:$0x1FD30] =	vst v1;
	v1 =	vadd.s32 $0x3E, v0  }
0x3d: {  	v61 =	vadd.s32 $0x7, v0;
	v56 =	vadd.s32 $0x2A, v0;
	v57 =	vadd.s32 $0x2B, v0;
	s7 =	simm.s32 $0x1;
	s8 =	simm.s32 $0x10000;
	s9 =	simm.s32 $0x10480;
	[tilespmem:$0x1FD40] =	vst v1  }
.LBB2_1:
0x3e: {  	[tilespmem:s2], [sflag:$0x1] =	stream.linear.gather [hbm4b:s3+s2], $0x10000, $0x38;
	[tilespmem:$0x14480] =	vst v63  }
0x3f: {  	_ =	swait.ge [sflag:s7], $0x10000  }
0x40: {  	[sflag:s7] =	ssyncset.done $0x0  }
0x41: {  	s12 =	simm.s32 $0x200;
	s13 =	simm.s32 $0x0;
	[sflag:s7] =	ssyncadd.s32 $0xFFFF0000  }
.LBB2_2:
0x42: {  	v1 =	vld [tilespmem:s12+$0xFFFFFE00];
	_ =	sdelay $0x4  }
0x43: {  	[tilespmem:$0x10000] =	vst v1  }
0x44: {  	v1 =	vld [tilespmem:s12+$0xFFFFFE10];
	_ =	sdelay $0x4  }
0x45: {  	[tilespmem:$0x10010] =	vst v1  }
0x46: {  	v1 =	vld [tilespmem:s12+$0xFFFFFE20];
	_ =	sdelay $0x4  }
0x47: {  	[tilespmem:$0x10020] =	vst v1  }
0x48: {  	v1 =	vld [tilespmem:s12+$0xFFFFFE30];
	_ =	sdelay $0x4  }
0x49: {  	[tilespmem:$0x10030] =	vst v1  }
0x4a: {  	v1 =	vld [tilespmem:s12+$0xFFFFFE40];
	_ =	sdelay $0x4  }
0x4b: {  	[tilespmem:$0x10041] =	vst v1  }
0x4c: {  	v1 =	vld [tilespmem:s12+$0xFFFFFE50];
	_ =	sdelay $0x4  }
0x4d: {  	[tilespmem:$0x10051] =	vst v1  }
0x4e: {  	v1 =	vld [tilespmem:s12+$0xFFFFFE60];
	_ =	sdelay $0x4  }
0x4f: {  	[tilespmem:$0x10061] =	vst v1  }
0x50: {  	v1 =	vld [tilespmem:s12+$0xFFFFFE70];
	_ =	sdelay $0x4  }
0x51: {  	[tilespmem:$0x10071] =	vst v1  }
0x52: {  	v1 =	vld [tilespmem:s12+$0xFFFFFE80];
	_ =	sdelay $0x4  }
0x53: {  	[tilespmem:$0x10082] =	vst v1  }
0x54: {  	v1 =	vld [tilespmem:s12+$0xFFFFFE90];
	_ =	sdelay $0x4  }
0x55: {  	[tilespmem:$0x10092] =	vst v1  }
0x56: {  	v1 =	vld [tilespmem:s12+$0xFFFFFEA0];
	_ =	sdelay $0x4  }
0x57: {  	[tilespmem:$0x100A2] =	vst v1  }
0x58: {  	v1 =	vld [tilespmem:s12+$0xFFFFFEB0];
	_ =	sdelay $0x4  }
0x59: {  	[tilespmem:$0x100B2] =	vst v1  }
0x5a: {  	v1 =	vld [tilespmem:s12+$0xFFFFFEC0];
	_ =	sdelay $0x4  }
0x5b: {  	[tilespmem:$0x100C3] =	vst v1  }
0x5c: {  	v1 =	vld [tilespmem:s12+$0xFFFFFED0];
	_ =	sdelay $0x4  }
0x5d: {  	[tilespmem:$0x100D3] =	vst v1  }
0x5e: {  	v1 =	vld [tilespmem:s12+$0xFFFFFEE0];
	_ =	sdelay $0x4  }
0x5f: {  	[tilespmem:$0x100E3] =	vst v1  }
0x60: {  	v1 =	vld [tilespmem:s12+$0xFFFFFEF0];
	_ =	sdelay $0x4  }
0x61: {  	[tilespmem:$0x100F3] =	vst v1  }
0x62: {  	v1 =	vld [tilespmem:s12+$0xFFFFFF00];
	_ =	sdelay $0x4  }
0x63: {  	[tilespmem:$0x10104] =	vst v1  }
0x64: {  	v1 =	vld [tilespmem:s12+$0xFFFFFF10];
	_ =	sdelay $0x4  }
0x65: {  	[tilespmem:$0x10114] =	vst v1  }
0x66: {  	v1 =	vld [tilespmem:s12+$0xFFFFFF20];
	_ =	sdelay $0x4  }
0x67: {  	[tilespmem:$0x10124] =	vst v1  }
0x68: {  	v1 =	vld [tilespmem:s12+$0xFFFFFF30];
	_ =	sdelay $0x4  }
0x69: {  	[tilespmem:$0x10134] =	vst v1  }
0x6a: {  	v1 =	vld [tilespmem:s12+$0xFFFFFF40];
	_ =	sdelay $0x4  }
0x6b: {  	[tilespmem:$0x10145] =	vst v1  }
0x6c: {  	v1 =	vld [tilespmem:s12+$0xFFFFFF50];
	_ =	sdelay $0x4  }
0x6d: {  	[tilespmem:$0x10155] =	vst v1  }
0x6e: {  	v1 =	vld [tilespmem:s12+$0xFFFFFF60];
	_ =	sdelay $0x4  }
0x6f: {  	[tilespmem:$0x10165] =	vst v1  }
0x70: {  	v1 =	vld [tilespmem:s12+$0xFFFFFF70];
	_ =	sdelay $0x4  }
0x71: {  	[tilespmem:$0x10175] =	vst v1  }
0x72: {  	v1 =	vld [tilespmem:s12+$0xFFFFFF80];
	_ =	sdelay $0x4  }
0x73: {  	[tilespmem:$0x10186] =	vst v1  }
0x74: {  	v1 =	vld [tilespmem:s12+$0xFFFFFF90];
	_ =	sdelay $0x4  }
0x75: {  	[tilespmem:$0x10196] =	vst v1  }
0x76: {  	v1 =	vld [tilespmem:s12+$0xFFFFFFA0];
	_ =	sdelay $0x4  }
0x77: {  	[tilespmem:$0x101A6] =	vst v1  }
0x78: {  	v1 =	vld [tilespmem:s12+$0xFFFFFFB0];
	_ =	sdelay $0x4  }
0x79: {  	[tilespmem:$0x101B6] =	vst v1  }
0x7a: {  	v1 =	vld [tilespmem:s12+$0xFFFFFFC0];
	_ =	sdelay $0x4  }
0x7b: {  	[tilespmem:$0x101C7] =	vst v1  }
0x7c: {  	v1 =	vld [tilespmem:s12+$0xFFFFFFD0];
	_ =	sdelay $0x4  }
0x7d: {  	[tilespmem:$0x101D7] =	vst v1  }
0x7e: {  	v1 =	vld [tilespmem:s12+$0xFFFFFFE0];
	_ =	sdelay $0x4  }
0x7f: {  	[tilespmem:$0x101E7] =	vst v1  }
0x80: {  	v1 =	vld [tilespmem:s12+$0xFFFFFFF0];
	_ =	sdelay $0x4  }
0x81: {  	[tilespmem:$0x101F7] =	vst v1  }
0x82: {  	v1 =	vld [tilespmem:s12+$0x0];
	_ =	sdelay $0x4  }
0x83: {  	[tilespmem:$0x10208] =	vst v1  }
0x84: {  	v1 =	vld [tilespmem:s12+$0x10];
	_ =	sdelay $0x4  }
0x85: {  	[tilespmem:$0x10218] =	vst v1  }
0x86: {  	v1 =	vld [tilespmem:s12+$0x20];
	_ =	sdelay $0x4  }
0x87: {  	[tilespmem:$0x10228] =	vst v1  }
0x88: {  	v1 =	vld [tilespmem:s12+$0x30];
	_ =	sdelay $0x4  }
0x89: {  	[tilespmem:$0x10238] =	vst v1  }
0x8a: {  	v1 =	vld [tilespmem:s12+$0x40];
	_ =	sdelay $0x4  }
0x8b: {  	[tilespmem:$0x10249] =	vst v1  }
0x8c: {  	v1 =	vld [tilespmem:s12+$0x50];
	_ =	sdelay $0x4  }
0x8d: {  	[tilespmem:$0x10259] =	vst v1  }
0x8e: {  	v1 =	vld [tilespmem:s12+$0x60];
	_ =	sdelay $0x4  }
0x8f: {  	[tilespmem:$0x10269] =	vst v1  }
0x90: {  	v1 =	vld [tilespmem:s12+$0x70];
	_ =	sdelay $0x4  }
0x91: {  	[tilespmem:$0x10279] =	vst v1  }
0x92: {  	v1 =	vld [tilespmem:s12+$0x80];
	_ =	sdelay $0x4  }
0x93: {  	[tilespmem:$0x1028A] =	vst v1  }
0x94: {  	v1 =	vld [tilespmem:s12+$0x90];
	_ =	sdelay $0x4  }
0x95: {  	[tilespmem:$0x1029A] =	vst v1  }
0x96: {  	v1 =	vld [tilespmem:s12+$0xA0];
	_ =	sdelay $0x4  }
0x97: {  	[tilespmem:$0x102AA] =	vst v1  }
0x98: {  	v1 =	vld [tilespmem:s12+$0xB0];
	_ =	sdelay $0x4  }
0x99: {  	[tilespmem:$0x102BA] =	vst v1  }
0x9a: {  	v1 =	vld [tilespmem:s12+$0xC0];
	_ =	sdelay $0x4  }
0x9b: {  	[tilespmem:$0x102CB] =	vst v1  }
0x9c: {  	v1 =	vld [tilespmem:s12+$0xD0];
	_ =	sdelay $0x4  }
0x9d: {  	[tilespmem:$0x102DB] =	vst v1  }
0x9e: {  	v1 =	vld [tilespmem:s12+$0xE0];
	_ =	sdelay $0x4  }
0x9f: {  	[tilespmem:$0x102EB] =	vst v1  }
0xa0: {  	v1 =	vld [tilespmem:s12+$0xF0];
	_ =	sdelay $0x4  }
0xa1: {  	[tilespmem:$0x102FB] =	vst v1  }
0xa2: {  	v1 =	vld [tilespmem:s12+$0x100];
	_ =	sdelay $0x4  }
0xa3: {  	[tilespmem:$0x1030C] =	vst v1  }
0xa4: {  	v1 =	vld [tilespmem:s12+$0x110];
	_ =	sdelay $0x4  }
0xa5: {  	[tilespmem:$0x1031C] =	vst v1  }
0xa6: {  	v1 =	vld [tilespmem:s12+$0x120];
	_ =	sdelay $0x4  }
0xa7: {  	[tilespmem:$0x1032C] =	vst v1  }
0xa8: {  	v1 =	vld [tilespmem:s12+$0x130];
	_ =	sdelay $0x4  }
0xa9: {  	[tilespmem:$0x1033C] =	vst v1  }
0xaa: {  	v1 =	vld [tilespmem:s12+$0x140];
	_ =	sdelay $0x4  }
0xab: {  	[tilespmem:$0x1034D] =	vst v1  }
0xac: {  	v1 =	vld [tilespmem:s12+$0x150];
	_ =	sdelay $0x4  }
0xad: {  	[tilespmem:$0x1035D] =	vst v1  }
0xae: {  	v1 =	vld [tilespmem:s12+$0x160];
	_ =	sdelay $0x4  }
0xaf: {  	[tilespmem:$0x1036D] =	vst v1  }
0xb0: {  	v1 =	vld [tilespmem:s12+$0x170];
	_ =	sdelay $0x4  }
0xb1: {  	[tilespmem:$0x1037D] =	vst v1  }
0xb2: {  	v1 =	vld [tilespmem:s12+$0x180];
	_ =	sdelay $0x4  }
0xb3: {  	[tilespmem:$0x1038E] =	vst v1  }
0xb4: {  	v1 =	vld [tilespmem:s12+$0x190];
	_ =	sdelay $0x4  }
0xb5: {  	[tilespmem:$0x1039E] =	vst v1  }
0xb6: {  	v1 =	vld [tilespmem:s12+$0x1A0];
	_ =	sdelay $0x4  }
0xb7: {  	[tilespmem:$0x103AE] =	vst v1  }
0xb8: {  	v1 =	vld [tilespmem:s12+$0x1B0];
	_ =	sdelay $0x4  }
0xb9: {  	[tilespmem:$0x103BE] =	vst v1  }
0xba: {  	v1 =	vld [tilespmem:s12+$0x1C0];
	_ =	sdelay $0x4  }
0xbb: {  	[tilespmem:$0x103CF] =	vst v1  }
0xbc: {  	v1 =	vld [tilespmem:s12+$0x1D0];
	_ =	sdelay $0x4  }
0xbd: {  	[tilespmem:$0x103DF] =	vst v1  }
0xbe: {  	v1 =	vld [tilespmem:s12+$0x1E0];
	_ =	sdelay $0x4  }
0xbf: {  	[tilespmem:$0x103EF] =	vst v1  }
0xc0: {  	v1 =	vld [tilespmem:s12+$0x1F0];
	_ =	sdelay $0x4  }
0xc1: {  	[tilespmem:$0x103FF] =	vst v1  }
0xc2: {  	v1 =	vld.idx.msk [tilespmem:v0+s8+$0x0], $0xffff  }
0xc3: {  	v2 =	vld.idx.msk [tilespmem:v37+s8+$0x0], $0xffff  }
0xc4: {  	v3 =	vld.idx.msk [tilespmem:v48+s8+$0x0], $0xffff  }
0xc5: {  	v4 =	vld.idx.msk [tilespmem:v53+s8+$0x0], $0xffff  }
0xc6: {  	v5 =	vld.idx.msk [tilespmem:v54+s8+$0x0], $0xffff  }
0xc7: {  	v6 =	vld.idx.msk [tilespmem:v58+s8+$0x0], $0xffff  }
0xc8: {  	v7 =	vld.idx.msk [tilespmem:v40+s8+$0x0], $0xffff  }
0xc9: {  	v8 =	vld.idx.msk [tilespmem:v61+s8+$0x0], $0xffff;
	_ =	sdelay $0x3  }
0xca: {  	v9 =	vmax.f32 v1, v2  }
0xcb: {  	v10 =	vmax.f32 v3, v4;
	v11 =	vmax.f32 v5, v6;
	v12 =	vmax.f32 v7, v8  }
0xcc: {  	v13 =	vmax.f32 v9, v10;
	v14 =	vmax.f32 v11, v12  }
0xcd: {  	v15 =	vmax.f32 v13, v14  }
0xce: {  	v15 =	vsub.f32 $0.0e+00, v15;
	_ =	sdelay $0x1  }
0xcf: {  	v15 =	vmul.f32 $1.442695020e+00, v15;
	_ =	sdelay $0x1  }
0xd0: {  	(erf) = vpow2.f32 v15;
	_ =	sdelay $0x2  }
0xd1: {  	v1 =	vmin.f32 v1, v2;
	v2 =	vmin.f32 v3, v4  }
0xd2: {  	v3 =	vmin.f32 v5, v6;
	v8 =	vmin.f32 v7, v8;
	v9 =	vmin.f32 v9, v10  }
0xd3: {  	v1 =	vmax.f32 v1, v2;
	v2 =	vmin.f32 v11, v12;
	v3 =	vmax.f32 v3, v8  }
0xd4: {  	v1 =	vmax.f32 v9, v1;
	v2 =	vmax.f32 v2, v3  }
0xd5: {  	v5 =	vld.idx.msk [tilespmem:v18+s8+$0x0], $0xffff;
	v3 =	vmin.f32 v13, v14;
	v1 =	vmax.f32 v1, v2  }
0xd6: {  	v6 =	vld.idx.msk [tilespmem:v19+s8+$0x0], $0xffff;
	v1 =	vmax.f32 v3, v1  }
0xd7: {  	v7 =	vld.idx.msk [tilespmem:v20+s8+$0x0], $0xffff;
	v1 =	vsub.f32 $0.0e+00, v1;
	v10 =	vpop (erf)  }
0xd8: {  	v8 =	vld.idx.msk [tilespmem:v23+s8+$0x0], $0xffff;
	v4 =	vadd.f32 $1.000000000e+00, v10  }
0xd9: {  	v2 =	vld.idx.msk [tilespmem:v16+s8+$0x0], $0xffff;
	v1 =	vmul.f32 $1.442695020e+00, v1  }
0xda: {  	v3 =	vld.idx.msk [tilespmem:v17+s8+$0x0], $0xffff;
	(erf) = vrcp.f32 v4  }
0xdb: {  	v4 =	vld.idx.msk [tilespmem:v21+s8+$0x0], $0xffff;
	(erf) = vpow2.f32 v1  }
0xdc: {  	v1 =	vld.idx.msk [tilespmem:v22+s8+$0x0], $0xffff;
	_ =	sdelay $0x3  }
0xdd: {  	v11 =	vmax.f32 v5, v6  }
0xde: {  	v10 =	vmax.f32 v2, v3;
	v12 =	vmax.f32 v7, v4;
	v13 =	vmax.f32 v1, v8  }
0xdf: {  	v14 =	vmax.f32 v10, v11;
	v15 =	vmax.f32 v12, v13  }
0xe0: {  	v16 =	vmax.f32 v14, v15;
	v9 =	vpop (erf)  }
0xe1: {  	v16 =	vsub.f32 $0.0e+00, v16;
	v17 =	vpop (erf)  }
0xe2: {  	v17 =	vadd.f32 $1.000000000e+00, v17  }
0xe3: {  	v16 =	vmul.f32 $1.442695020e+00, v16  }
0xe4: {  	(erf) = vrcp.f32 v17  }
0xe5: {  	(erf) = vpow2.f32 v16;
	_ =	sdelay $0x2  }
0xe6: {  	v2 =	vmin.f32 v2, v3;
	v3 =	vmin.f32 v5, v6  }
0xe7: {  	v11 =	vmin.f32 v10, v11;
	v4 =	vmin.f32 v7, v4;
	v1 =	vmin.f32 v1, v8  }
0xe8: {  	v2 =	vmax.f32 v2, v3;
	v3 =	vmin.f32 v12, v13;
	v1 =	vmax.f32 v4, v1  }
0xe9: {  	v2 =	vmax.f32 v11, v2;
	v1 =	vmax.f32 v3, v1  }
0xea: {  	v5 =	vld.idx.msk [tilespmem:v26+s8+$0x0], $0xffff;
	v3 =	vmin.f32 v14, v15;
	v1 =	vmax.f32 v2, v1  }
0xeb: {  	v6 =	vld.idx.msk [tilespmem:v27+s8+$0x0], $0xffff;
	v1 =	vmax.f32 v3, v1;
	v10 =	vpop (erf)  }
0xec: {  	v7 =	vld.idx.msk [tilespmem:v28+s8+$0x0], $0xffff;
	v1 =	vsub.f32 $0.0e+00, v1;
	v12 =	vpop (erf)  }
0xed: {  	v8 =	vld.idx.msk [tilespmem:v31+s8+$0x0], $0xffff;
	v4 =	vadd.f32 $1.000000000e+00, v12  }
0xee: {  	v2 =	vld.idx.msk [tilespmem:v24+s8+$0x0], $0xffff;
	v1 =	vmul.f32 $1.442695020e+00, v1  }
0xef: {  	v3 =	vld.idx.msk [tilespmem:v25+s8+$0x0], $0xffff;
	(erf) = vrcp.f32 v4  }
0xf0: {  	v4 =	vld.idx.msk [tilespmem:v29+s8+$0x0], $0xffff;
	(erf) = vpow2.f32 v1  }
0xf1: {  	v1 =	vld.idx.msk [tilespmem:v30+s8+$0x0], $0xffff;
	_ =	sdelay $0x3  }
0xf2: {  	v13 =	vmax.f32 v5, v6  }
0xf3: {  	v12 =	vmax.f32 v2, v3;
	v14 =	vmax.f32 v7, v4;
	v15 =	vmax.f32 v1, v8  }
0xf4: {  	v16 =	vmax.f32 v12, v13;
	v17 =	vmax.f32 v14, v15  }
0xf5: {  	v18 =	vmax.f32 v16, v17;
	v11 =	vpop (erf)  }
0xf6: {  	v18 =	vsub.f32 $0.0e+00, v18;
	v19 =	vpop (erf)  }
0xf7: {  	v19 =	vadd.f32 $1.000000000e+00, v19  }
0xf8: {  	v18 =	vmul.f32 $1.442695020e+00, v18  }
0xf9: {  	(erf) = vrcp.f32 v19  }
0xfa: {  	(erf) = vpow2.f32 v18;
	_ =	sdelay $0x2  }
0xfb: {  	v2 =	vmin.f32 v2, v3;
	v3 =	vmin.f32 v5, v6  }
0xfc: {  	v13 =	vmin.f32 v12, v13;
	v4 =	vmin.f32 v7, v4;
	v1 =	vmin.f32 v1, v8  }
0xfd: {  	v2 =	vmax.f32 v2, v3;
	v3 =	vmin.f32 v14, v15;
	v1 =	vmax.f32 v4, v1  }
0xfe: {  	v2 =	vmax.f32 v13, v2;
	v1 =	vmax.f32 v3, v1  }
0xff: {  	v4 =	vld.idx.msk [tilespmem:v32+s8+$0x0], $0xffff;
	v3 =	vmin.f32 v16, v17;
	v1 =	vmax.f32 v2, v1  }
0x100: {  	v32 =	vld.idx.msk [tilespmem:v34+s8+$0x0], $0xffff;
	v1 =	vmax.f32 v3, v1;
	v12 =	vpop (erf)  }
0x101: {  	v34 =	vld.idx.msk [tilespmem:v36+s8+$0x0], $0xffff;
	v1 =	vsub.f32 $0.0e+00, v1;
	v2 =	vpop (erf)  }
0x102: {  	v36 =	vld.idx.msk [tilespmem:v41+s8+$0x0], $0xffff;
	v2 =	vadd.f32 $1.000000000e+00, v2  }
0x103: {  	v3 =	vld.idx.msk [tilespmem:v33+s8+$0x0], $0xffff;
	v1 =	vmul.f32 $1.442695020e+00, v1  }
0x104: {  	v33 =	vld.idx.msk [tilespmem:v35+s8+$0x0], $0xffff;
	(erf) = vrcp.f32 v2  }
0x105: {  	v35 =	vld.idx.msk [tilespmem:v38+s8+$0x0], $0xffff;
	(erf) = vpow2.f32 v1  }
0x106: {  	v1 =	vld.idx.msk [tilespmem:v39+s8+$0x0], $0xffff;
	_ =	sdelay $0x3  }
0x107: {  	v38 =	vmax.f32 v4, v3  }
0x108: {  	v15 =	vmax.f32 v32, v33;
	v16 =	vmax.f32 v34, v35;
	v17 =	vmax.f32 v1, v36  }
0x109: {  	v18 =	vmax.f32 v38, v15;
	v19 =	vmax.f32 v16, v17  }
0x10a: {  	v20 =	vmax.f32 v18, v19;
	v2 =	vpop (erf)  }
0x10b: {  	v20 =	vsub.f32 $0.0e+00, v20;
	v21 =	vpop (erf)  }
0x10c: {  	v21 =	vadd.f32 $1.000000000e+00, v21  }
0x10d: {  	v20 =	vmul.f32 $1.442695020e+00, v20  }
0x10e: {  	(erf) = vrcp.f32 v21  }
0x10f: {  	(erf) = vpow2.f32 v20;
	_ =	sdelay $0x2  }
0x110: {  	v3 =	vmin.f32 v4, v3;
	v41 =	vmin.f32 v34, v35;
	v39 =	vmin.f32 v32, v33  }
0x111: {  	v32 =	vmin.f32 v38, v15;
	v3 =	vmax.f32 v3, v39;
	v1 =	vmin.f32 v1, v36  }
0x112: {  	v3 =	vmax.f32 v32, v3;
	v33 =	vmin.f32 v16, v17;
	v1 =	vmax.f32 v41, v1  }
0x113: {  	v1 =	vmax.f32 v33, v1  }
0x114: {  	v35 =	vld.idx.msk [tilespmem:v42+s8+$0x0], $0xffff;
	v34 =	vmin.f32 v18, v19;
	v1 =	vmax.f32 v3, v1  }
0x115: {  	v42 =	vld.idx.msk [tilespmem:v47+s8+$0x0], $0xffff;
	v1 =	vmax.f32 v34, v1;
	v3 =	vpop (erf)  }
0x116: {  	v15 =	vld.idx.msk [tilespmem:v51+s8+$0x0], $0xffff;
	v1 =	vsub.f32 $0.0e+00, v1;
	v38 =	vpop (erf)  }
0x117: {  	v39 =	vld.idx.msk [tilespmem:v45+s8+$0x0], $0xffff;
	v6 =	vadd.f32 $1.000000000e+00, v38  }
0x118: {  	v45 =	vld.idx.msk [tilespmem:v50+s8+$0x0], $0xffff;
	v1 =	vmul.f32 $1.442695020e+00, v1  }
0x119: {  	v36 =	vld.idx.msk [tilespmem:v43+s8+$0x0], $0xffff;
	(erf) = vrcp.f32 v6  }
0x11a: {  	v43 =	vld.idx.msk [tilespmem:v49+s8+$0x0], $0xffff;
	(erf) = vpow2.f32 v1  }
0x11b: {  	v41 =	vld.idx.msk [tilespmem:v46+s8+$0x0], $0xffff;
	_ =	sdelay $0x3  }
0x11c: {  	v19 =	vmax.f32 v45, v15  }
0x11d: {  	v16 =	vmax.f32 v35, v36;
	v18 =	vmax.f32 v42, v43;
	v17 =	vmax.f32 v39, v41  }
0x11e: {  	v21 =	vmax.f32 v18, v19;
	v20 =	vmax.f32 v16, v17  }
0x11f: {  	v22 =	vmax.f32 v20, v21;
	v1 =	vpop (erf)  }
0x120: {  	v22 =	vsub.f32 $0.0e+00, v22;
	v23 =	vpop (erf)  }
0x121: {  	v23 =	vadd.f32 $1.000000000e+00, v23  }
0x122: {  	v22 =	vmul.f32 $1.442695020e+00, v22  }
0x123: {  	(erf) = vrcp.f32 v23  }
0x124: {  	(erf) = vpow2.f32 v22;
	_ =	sdelay $0x2  }
0x125: {  	v47 =	vmin.f32 v45, v15;
	v4 =	vmin.f32 v35, v36;
	v46 =	vmin.f32 v39, v41  }
0x126: {  	v49 =	vmin.f32 v16, v17;
	v4 =	vmax.f32 v4, v46;
	v6 =	vmin.f32 v42, v43  }
0x127: {  	v50 =	vmin.f32 v18, v19;
	v4 =	vmax.f32 v49, v4;
	v6 =	vmax.f32 v6, v47  }
0x128: {  	v5 =	vmax.f32 v50, v6  }
0x129: {  	v52 =	vld.idx.msk [tilespmem:v52+s8+$0x0], $0xffff;
	v51 =	vmin.f32 v20, v21;
	v5 =	vmax.f32 v4, v5  }
0x12a: {  	v55 =	vld.idx.msk [tilespmem:v55+s8+$0x0], $0xffff;
	v5 =	vmax.f32 v51, v5;
	v4 =	vpop (erf)  }
0x12b: {  	v33 =	vld.idx.msk [tilespmem:v56+s8+$0x0], $0xffff;
	v5 =	vsub.f32 $0.0e+00, v5;
	v32 =	vpop (erf)  }
0x12c: {  	v15 =	vld.idx.msk [tilespmem:v59+s8+$0x0], $0xffff;
	v8 =	vadd.f32 $1.000000000e+00, v32  }
0x12d: {  	v34 =	vld.idx.msk [tilespmem:v57+s8+$0x0], $0xffff;
	v5 =	vmul.f32 $1.442695020e+00, v5  }
0x12e: {  	v35 =	vld.idx.msk [tilespmem:v60+s8+$0x0], $0xffff;
	(erf) = vrcp.f32 v8  }
0x12f: {  	v36 =	vld.idx.msk [tilespmem:v62+s8+$0x0], $0xffff;
	(erf) = vpow2.f32 v5  }
0x130: {  	v16 =	vld.idx.msk [tilespmem:v63+s8+$0x0], $0xffff;
	_ =	sdelay $0x3  }
0x131: {  	v17 =	vmax.f32 v52, v55  }
0x132: {  	v18 =	vmax.f32 v33, v34;
	v19 =	vmax.f32 v15, v35;
	v20 =	vmax.f32 v36, v16  }
0x133: {  	v21 =	vmax.f32 v17, v18;
	v22 =	vmax.f32 v19, v20  }
0x134: {  	v24 =	vmax.f32 v21, v22;
	v23 =	vpop (erf)  }
0x135: {  	v24 =	vsub.f32 $0.0e+00, v24;
	v25 =	vpop (erf)  }
0x136: {  	v25 =	vadd.f32 $1.000000000e+00, v25  }
0x137: {  	v24 =	vmul.f32 $1.442695020e+00, v24  }
0x138: {  	v46 =	vld [tilespmem:$0x1FC70];
	(erf) = vrcp.f32 v25  }
0x139: {  	v49 =	vld [tilespmem:$0x1FC80];
	(erf) = vpow2.f32 v24  }
0x13a: {  	v39 =	vmin.f32 v17, v18;
	v17 =	vld [tilespmem:$0x1FCD0]  }
0x13b: {  	v43 =	vld [tilespmem:$0x1FC60]  }
0x13c: {  	v8 =	vmin.f32 v15, v35;
	v15 =	vld [tilespmem:$0x1FC90]  }
0x13d: {  	v38 =	vmin.f32 v33, v34;
	v6 =	vmin.f32 v52, v55;
	v5 =	vmin.f32 v36, v16;
	v16 =	vld [tilespmem:$0x1FCA0]  }
0x13e: {  	v41 =	vmin.f32 v19, v20;
	v50 =	vld [tilespmem:$0x1FCB0];
	v6 =	vmax.f32 v6, v38;
	v5 =	vmax.f32 v8, v5  }
0x13f: {  	v6 =	vmax.f32 v39, v6;
	v51 =	vld [tilespmem:$0x1FCC0];
	v5 =	vmax.f32 v41, v5  }
0x140: {  	v7 =	vld.idx.msk [tilespmem:v46+s8+$0x0], $0xffff;
	v42 =	vmin.f32 v21, v22;
	v5 =	vmax.f32 v6, v5  }
0x141: {  	v14 =	vld.idx.msk [tilespmem:v49+s8+$0x0], $0xffff;
	v5 =	vmax.f32 v42, v5;
	v45 =	vpop (erf)  }
0x142: {  	v17 =	vld.idx.msk [tilespmem:v17+s8+$0x0], $0xffff;
	v5 =	vsub.f32 $0.0e+00, v5;
	v47 =	vpop (erf)  }
0x143: {  	v6 =	vld.idx.msk [tilespmem:v43+s8+$0x0], $0xffff;
	v8 =	vadd.f32 $1.000000000e+00, v47  }
0x144: {  	v15 =	vld.idx.msk [tilespmem:v15+s8+$0x0], $0xffff;
	v5 =	vmul.f32 $1.442695020e+00, v5  }
0x145: {  	v16 =	vld.idx.msk [tilespmem:v16+s8+$0x0], $0xffff;
	(erf) = vrcp.f32 v8  }
0x146: {  	v8 =	vld.idx.msk [tilespmem:v50+s8+$0x0], $0xffff;
	(erf) = vpow2.f32 v5  }
0x147: {  	v5 =	vld.idx.msk [tilespmem:v51+s8+$0x0], $0xffff;
	_ =	sdelay $0x3  }
0x148: {  	v18 =	vmax.f32 v6, v7  }
0x149: {  	v19 =	vmax.f32 v14, v15;
	v20 =	vmax.f32 v16, v8;
	v21 =	vmax.f32 v5, v17  }
0x14a: {  	v22 =	vmax.f32 v18, v19;
	v24 =	vmax.f32 v20, v21  }
0x14b: {  	v26 =	vmax.f32 v22, v24;
	v25 =	vpop (erf)  }
0x14c: {  	v26 =	vsub.f32 $0.0e+00, v26;
	v27 =	vpop (erf)  }
0x14d: {  	v27 =	vadd.f32 $1.000000000e+00, v27  }
0x14e: {  	v26 =	vmul.f32 $1.442695020e+00, v26  }
0x14f: {  	v32 =	vld [tilespmem:$0x1FCF0];
	(erf) = vrcp.f32 v27  }
0x150: {  	v52 =	vmin.f32 v14, v15;
	v15 =	vld [tilespmem:$0x1FD00];
	(erf) = vpow2.f32 v26  }
0x151: {  	v55 =	vmin.f32 v18, v19;
	v18 =	vld [tilespmem:$0x1FD20]  }
0x152: {  	v62 =	vld [tilespmem:$0x1FCE0];
	_ =	sdelay $0x1  }
0x153: {  	v6 =	vmin.f32 v6, v7;
	v8 =	vmin.f32 v16, v8;
	v5 =	vmin.f32 v5, v17;
	v17 =	vld [tilespmem:$0x1FD10]  }
0x154: {  	v34 =	vld [tilespmem:$0x1FD30];
	v6 =	vmax.f32 v6, v52;
	v59 =	vmin.f32 v20, v21;
	v5 =	vmax.f32 v8, v5  }
0x155: {  	v35 =	vld [tilespmem:$0x1FD40];
	v6 =	vmax.f32 v55, v6;
	v16 =	vadd.s32 $0x3F, v0;
	v5 =	vmax.f32 v59, v5  }
0x156: {  	v7 =	vld.idx.msk [tilespmem:v32+s8+$0x0], $0xffff;
	v60 =	vmin.f32 v22, v24;
	v5 =	vmax.f32 v6, v5  }
0x157: {  	v15 =	vld.idx.msk [tilespmem:v15+s8+$0x0], $0xffff;
	v5 =	vmax.f32 v60, v5;
	v63 =	vpop (erf)  }
0x158: {  	v18 =	vld.idx.msk [tilespmem:v18+s8+$0x0], $0xffff;
	v5 =	vsub.f32 $0.0e+00, v5;
	v33 =	vpop (erf)  }
0x159: {  	v6 =	vld.idx.msk [tilespmem:v62+s8+$0x0], $0xffff;
	v8 =	vadd.f32 $1.000000000e+00, v33  }
0x15a: {  	v16 =	vld.idx.msk [tilespmem:v16+s8+$0x0], $0xffff;
	v5 =	vmul.f32 $1.442695020e+00, v5  }
0x15b: {  	v17 =	vld.idx.msk [tilespmem:v17+s8+$0x0], $0xffff;
	(erf) = vrcp.f32 v8  }
0x15c: {  	v8 =	vld.idx.msk [tilespmem:v34+s8+$0x0], $0xffff;
	(erf) = vpow2.f32 v5  }
0x15d: {  	v5 =	vld.idx.msk [tilespmem:v35+s8+$0x0], $0xffff;
	_ =	sdelay $0x3  }
0x15e: {  	v19 =	vmax.f32 v6, v7  }
0x15f: {  	v20 =	vmax.f32 v15, v17;
	v21 =	vmax.f32 v18, v8;
	v22 =	vmax.f32 v5, v16  }
0x160: {  	v24 =	vmax.f32 v19, v20;
	v26 =	vmax.f32 v21, v22  }
0x161: {  	v28 =	vmax.f32 v24, v26;
	v27 =	vpop (erf)  }
0x162: {  	v28 =	vsub.f32 $0.0e+00, v28;
	v29 =	vpop (erf)  }
0x163: {  	v29 =	vadd.f32 $1.000000000e+00, v29  }
0x164: {  	v28 =	vmul.f32 $1.442695020e+00, v28  }
0x165: {  	(erf) = vrcp.f32 v29  }
0x166: {  	(erf) = vpow2.f32 v28;
	_ =	sdelay $0x2  }
0x167: {  	v6 =	vmin.f32 v6, v7;
	v36 =	vmin.f32 v15, v17  }
0x168: {  	v15 =	vmin.f32 v19, v20;
	v8 =	vmin.f32 v18, v8;
	v5 =	vmin.f32 v5, v16  }
0x169: {  	v6 =	vmax.f32 v6, v36;
	v38 =	vmin.f32 v21, v22;
	v5 =	vmax.f32 v8, v5  }
0x16a: {  	v6 =	vmax.f32 v15, v6;
	v5 =	vmax.f32 v38, v5  }
0x16b: {  	v39 =	vmin.f32 v24, v26;
	v5 =	vmax.f32 v6, v5  }
0x16c: {  	v5 =	vmax.f32 v39, v5;
	v15 =	vpop (erf)  }
0x16d: {  	v5 =	vsub.f32 $0.0e+00, v5;
	v41 =	vpop (erf)  }
0x16e: {  	v6 =	vadd.f32 $1.000000000e+00, v41  }
0x16f: {  	v5 =	vmul.f32 $1.442695020e+00, v5  }
0x170: {  	(erf) = vrcp.f32 v6  }
0x171: {  	(erf) = vpow2.f32 v5;
	_ =	sdelay $0x3  }
0x172: {  	v7 =	vadd.f32 v10, v9;
	v8 =	vadd.f32 v12, v11;
	_ =	sdelay $0x1  }
0x173: {  	vm0 =	vgt.f32 v8, v7;
	v6 =	vadd.f32 v4, v1;
	v4 =	vadd.f32 v63, v25  }
0x174: {  	vm13 =	vge.f32 v7, v8;
	v42 =	vsel vm0, $0x1, v44;
	v1 =	vadd.f32 v15, v27  }
0x175: {  	v51 =	vsel vm13, $0x1, v44;
	vm8 =	vgt.f32 v6, v7;
	vm10 =	vgt.f32 v4, v7;
	v16 =	vpop (erf)  }
0x176: {  	vm11 =	vgt.f32 v1, v7;
	vm14 =	vgt.f32 v6, v8;
	vm4 =	vgt.f32 v4, v8;
	v5 =	vpop (erf)  }
0x177: {  	vm5 =	vgt.f32 v1, v8;
	vm13 =	vge.f32 v7, v6;
	v5 =	vadd.f32 $1.000000000e+00, v5  }
0x178: {  	v47 =	vsel vm10, $0x1, v44;
	v49 =	vsel vm11, $0x1, v44;
	v55 =	vsel vm14, $0x1, v44  }
0x179: {  	v60 =	vsel vm4, $0x1, v44;
	(erf) = vrcp.f32 v5;
	v5 =	vadd.f32 v3, v2  }
0x17a: {  	v62 =	vsel vm5, $0x1, v44;
	vm4 =	vge.f32 v8, v6;
	v2 =	vadd.f32 v45, v23  }
0x17b: {  	v41 =	vsel vm13, $0x1, v44;
	v45 =	vsel vm8, $0x1, v44;
	vm1 =	vgt.f32 v5, v7  }
0x17c: {  	vm9 =	vgt.f32 v2, v7;
	vm2 =	vgt.f32 v5, v8;
	vm15 =	vgt.f32 v2, v8  }
0x17d: {  	vm7 =	vge.f32 v7, v5;
	vm3 =	vge.f32 v8, v5;
	vm8 =	vgt.f32 v6, v5  }
0x17e: {  	vm10 =	vgt.f32 v4, v5;
	vm11 =	vgt.f32 v1, v5;
	vm14 =	vge.f32 v5, v6  }
0x17f: {  	vm5 =	vge.f32 v8, v2;
	vm13 =	vgt.f32 v1, v2;
	v43 =	vsel vm1, $0x1, v44  }
0x180: {  	v46 =	vsel vm9, $0x1, v44;
	v52 =	vsel vm2, $0x1, v44;
	v59 =	vsel vm15, $0x1, v44  }
0x181: {  	v32 =	vsel vm7, $0x1, v44;
	v33 =	vsel vm3, $0x1, v44;
	v34 =	vsel vm8, $0x1, v44  }
0x182: {  	vm9 =	vgt.f32 v2, v5;
	v36 =	vsel vm10, $0x1, v44;
	v38 =	vsel vm11, $0x1, v44  }
0x183: {  	vm15 =	vgt.f32 v2, v6;
	vm7 =	vgt.f32 v1, v6;
	vm10 =	vge.f32 v6, v2  }
0x184: {  	vm11 =	vge.f32 v5, v2;
	v9 =	vadd.s32 v42, v43;
	v10 =	vadd.s32 v51, v52  }
0x185: {  	v11 =	vadd.s32 v33, v32;
	v35 =	vsel vm9, $0x1, v44;
	v42 =	vsel vm4, $0x1, v44  }
0x186: {  	v43 =	vsel vm14, $0x1, v44;
	vm9 =	vge.f32 v7, v2;
	v51 =	vsel vm5, $0x1, v44  }
0x187: {  	v15 =	vsel vm10, $0x1, v44;
	v52 =	vsel vm11, $0x1, v44;
	vm10 =	vge.f32 v5, v4  }
0x188: {  	vm11 =	vge.f32 v2, v4;
	v9 =	vadd.s32 v45, v9;
	v10 =	vadd.s32 v55, v10  }
0x189: {  	v11 =	vadd.s32 v34, v11;
	v12 =	vadd.s32 v42, v41;
	v45 =	vsel vm15, $0x1, v44  }
0x18a: {  	v55 =	vsel vm13, $0x1, v44;
	vm15 =	vge.f32 v7, v4;
	v9 =	vadd.s32 v46, v9  }
0x18b: {  	v10 =	vadd.s32 v59, v10;
	v11 =	vadd.s32 v35, v11;
	v12 =	vadd.s32 v43, v12  }
0x18c: {  	v9 =	vadd.s32 v47, v9;
	v10 =	vadd.s32 v60, v10;
	v11 =	vadd.s32 v36, v11  }
0x18d: {  	v12 =	vadd.s32 v45, v12;
	v47 =	vsel vm7, $0x1, v44;
	v60 =	vsel vm15, $0x1, v44;
	v3 =	vpop (erf)  }
0x18e: {  	vm15 =	vge.f32 v8, v1;
	v9 =	vadd.s32 v49, v9;
	v3 =	vadd.f32 v3, v16  }
0x18f: {  	v10 =	vadd.s32 v62, v10;
	v11 =	vadd.s32 v38, v11;
	v35 =	vsel vm15, $0x1, v44  }
0x190: {  	vm12 =	vgt.f32 v3, v7;
	vm6 =	vgt.f32 v3, v8;
	vm8 =	vgt.f32 v3, v6  }
0x191: {  	vm14 =	vgt.f32 v3, v2;
	vm13 =	vgt.f32 v3, v4;
	vm15 =	vge.f32 v6, v3  }
0x192: {  	v50 =	vsel vm12, $0x1, v44;
	v63 =	vsel vm6, $0x1, v44;
	vm12 =	vgt.f32 v3, v5  }
0x193: {  	vm6 =	vgt.f32 v4, v6;
	v49 =	vsel vm8, $0x1, v44;
	v59 =	vsel vm14, $0x1, v44  }
0x194: {  	v33 =	vsel vm13, $0x1, v44;
	vm14 =	vge.f32 v7, v1;
	vm13 =	vgt.f32 v3, v1  }
0x195: {  	vm8 =	vge.f32 v8, v3;
	v41 =	vsel vm15, $0x1, v44;
	vm15 =	vge.f32 v1, v3  }
0x196: {  	v9 =	vadd.s32 v50, v9;
	v10 =	vadd.s32 v63, v10;
	v39 =	vsel vm12, $0x1, v44  }
0x197: {  	v46 =	vsel vm6, $0x1, v44;
	v50 =	vsel vm9, $0x1, v44;
	vm12 =	vgt.f32 v4, v2  }
0x198: {  	vm6 =	vge.f32 v8, v4;
	vm9 =	vge.f32 v6, v4;
	v63 =	vsel vm10, $0x1, v44  }
0x199: {  	v34 =	vsel vm14, $0x1, v44;
	vm10 =	vge.f32 v5, v1;
	vm14 =	vge.f32 v7, v3  }
0x19a: {  	v8 =	vsel vm8, $0x1, v44;
	vm0 =	vge.u32 v9, $0x4;
	vm1 =	vlt.u32 v9, $0x4  }
0x19b: {  	vm2 =	vlt.u32 v10, $0x4;
	v11 =	vadd.s32 v39, v11;
	v12 =	vadd.s32 v46, v12  }
0x19c: {  	v13 =	vadd.s32 v51, v50;
	v62 =	vsel vm6, $0x1, v44;
	v36 =	vsel vm10, $0x1, v44  }
0x19d: {  	v39 =	vsel vm13, $0x1, v44;
	v7 =	vsel vm14, $0x1, v44;
	vm13 =	vge.f32 v4, v3  }
0x19e: {  	vm14 =	vge.f32 v2, v3;
	vm3 =	vlt.u32 v11, $0x4;
	v12 =	vadd.s32 v47, v12  }
0x19f: {  	v13 =	vadd.s32 v15, v13;
	v15 =	vsel vm12, $0x1, v44;
	vm12 =	vgt.f32 v1, v4  }
0x1a0: {  	v42 =	vadd.s32 v8, v7;
	v46 =	vsel vm14, $0x1, v44;
	v12 =	vadd.s32 v49, v12  }
0x1a1: {  	v13 =	vadd.s32 v52, v13;
	v32 =	vsel vm12, $0x1, v44;
	vm12 =	vge.f32 v2, v1  }
0x1a2: {  	v45 =	vadd.s32 v41, v42;
	v2 =	vsel vm13, $0x1, v44;
	v13 =	vadd.s32 v15, v13  }
0x1a3: {  	vm4 =	vlt.u32 v12, $0x4;
	v15 =	vsel vm9, $0x1, v44;
	vm9 =	vge.f32 v6, v1  }
0x1a4: {  	v38 =	vsel vm12, $0x1, v44;
	vm12 =	vge.f32 v5, v3;
	v13 =	vadd.s32 v55, v13  }
0x1a5: {  	v3 =	vsel vm2, $0x1, v44;
	v12 =	vadd.s32 v59, v13;
	v13 =	vadd.s32 v62, v60  }
0x1a6: {  	v43 =	vsel vm12, $0x1, v44;
	v13 =	vadd.s32 v15, v13;
	v15 =	vsel vm11, $0x1, v44  }
0x1a7: {  	vm7 =	vlt.u32 v12, $0x4;
	vm11 =	vge.f32 v4, v1;
	v4 =	vadd.s32 v43, v45  }
0x1a8: {  	v13 =	vadd.s32 v63, v13;
	v1 =	vadd.s32 v2, v4;
	v2 =	vsel vm15, $0x1, v44  }
0x1a9: {  	v47 =	vsel vm7, $0x1, v44;
	v13 =	vadd.s32 v15, v13;
	v15 =	vsel vm9, $0x1, v44  }
0x1aa: {  	v1 =	vadd.s32 v46, v1;
	vm9 =	vmand vm2, vm0;
	v13 =	vadd.s32 v32, v13  }
0x1ab: {  	v1 =	vadd.s32 v2, v1;
	v2 =	vsel vm1, $0x1, v44;
	vm1 =	vmxor vm1, vm2  }
0x1ac: {  	v49 =	vsel vm9, $0x8, v44;
	v12 =	vadd.s32 v33, v13;
	v13 =	vadd.s32 v35, v34  }
0x1ad: {  	vm5 =	vlt.u32 v1, $0x4;
	v1 =	vor.u32 v9, v10;
	v2 =	vadd.s32 v3, v2  }
0x1ae: {  	v3 =	vsel vm3, $0x1, v44;
	vm1 =	vmand vm3, vm1;
	v13 =	vadd.s32 v15, v13  }
0x1af: {  	v15 =	vsel vm11, $0x1, v44;
	vm6 =	vlt.u32 v12, $0x4;
	vm0 =	vlt.u32 v1, $0x4  }
0x1b0: {  	vm10 =	veq.s32 v2, $0x0;
	v1 =	vor.u32 v11, v1;
	v13 =	vadd.s32 v36, v13  }
0x1b1: {  	vm10 =	vmand vm3, vm10;
	vm11 =	vlt.u32 v1, $0x4;
	v1 =	vadd.s32 v3, v2  }
0x1b2: {  	v3 =	vsel vm4, $0x1, v44;
	v50 =	vsel vm6, $0x1, v44;
	v13 =	vadd.s32 v15, v13  }
0x1b3: {  	v2 =	vsel vm11, $0x10, v44;
	vm12 =	veq.s32 v1, $0x0;
	vm13 =	veq.s32 v1, $0x1  }
0x1b4: {  	vm14 =	veq.s32 v1, $0x2;
	vm15 =	veq.s32 v1, $0x3;
	v1 =	vadd.s32 v3, v1  }
0x1b5: {  	v4 =	vsel vm10, $0x10, v49;
	v13 =	vadd.s32 v38, v13;
	vm11 =	vmand vm4, vm12  }
0x1b6: {  	vm2 =	vmand vm4, vm13;
	vm3 =	vmand vm4, vm14;
	vm12 =	veq.s32 v1, $0x1  }
0x1b7: {  	v12 =	vadd.s32 v39, v13;
	v2 =	vsel vm3, $0x18, v2;
	vm3 =	vmand vm4, vm15  }
0x1b8: {  	vm4 =	veq.s32 v1, $0x0;
	v4 =	vsel vm11, $0x18, v4;
	vm8 =	vlt.u32 v12, $0x4  }
0x1b9: {  	v3 =	vsel vm3, $0x18, v44;
	vm13 =	vmand vm7, vm4;
	vm3 =	vmand vm7, vm12  }
0x1ba: {  	vm4 =	veq.s32 v1, $0x2;
	vm12 =	veq.s32 v1, $0x3;
	v1 =	vadd.s32 v47, v1  }
0x1bb: {  	vm4 =	vmand vm7, vm4;
	vm7 =	vmand vm7, vm12;
	vm12 =	veq.s32 v1, $0x0  }
0x1bc: {  	v5 =	vadd.s32 v50, v1;
	v51 =	vsel vm8, $0x1, v44;
	v4 =	vsel vm13, $0x20, v4  }
0x1bd: {  	v2 =	vsel vm4, $0x20, v2;
	v3 =	vsel vm7, $0x20, v3;
	vm7 =	vmand vm6, vm12  }
0x1be: {  	vm4 =	veq.s32 v1, $0x1;
	vm12 =	veq.s32 v1, $0x2;
	vm14 =	veq.s32 v5, $0x0  }
0x1bf: {  	v6 =	vadd.s32 v51, v5;
	vm12 =	vmand vm6, vm12;
	vm9 =	vmand vm8, vm14  }
0x1c0: {  	vm15 =	veq.s32 v6, $0x0;
	v4 =	vsel vm7, $0x28, v4;
	v2 =	vsel vm12, $0x28, v2  }
0x1c1: {  	vm12 =	veq.s32 v1, $0x3;
	vm10 =	vmand vm5, vm15;
	v1 =	vsel vm9, $0x30, v4  }
0x1c2: {  	v1 =	vsel vm10, $0x38, v1  }
0x1c3: {  	v52 =	vadd.s32 v0, v1  }
0x1c4: {  	v62 =	vsel vm0, $0x8, v44;
	v55 =	vadd.s32 v37, v1  }
0x1c5: {  	v9 =	vsel vm1, $0x10, v62;
	v59 =	vadd.s32 v48, v1  }
0x1c6: {  	vm13 =	veq.s32 v5, $0x1;
	vm4 =	vmand vm6, vm4;
	v60 =	vadd.s32 v53, v1  }
0x1c7: {  	vm14 =	veq.s32 v5, $0x2;
	vm15 =	veq.s32 v5, $0x3;
	v63 =	vadd.s32 v54, v1  }
0x1c8: {  	vm7 =	vmand vm8, vm14;
	vm6 =	vmand vm6, vm12;
	v32 =	vadd.s32 v58, v1;
	v4 =	vld.idx.msk [tilespmem:v52+s8+$0x0], $0xffff  }
0x1c9: {  	v3 =	vsel vm6, $0x28, v3;
	vm6 =	vmand vm8, vm13;
	v33 =	vadd.s32 v40, v1;
	v5 =	vld.idx.msk [tilespmem:v55+s8+$0x0], $0xffff  }
0x1ca: {  	vm8 =	vmand vm8, vm15;
	vm15 =	veq.s32 v6, $0x3;
	v35 =	vadd.s32 v61, v1;
	v7 =	vld.idx.msk [tilespmem:v59+s8+$0x0], $0xffff  }
0x1cb: {  	v9 =	vsel vm2, $0x18, v9;
	v3 =	vsel vm8, $0x30, v3;
	vm2 =	vmand vm5, vm15;
	v8 =	vld.idx.msk [tilespmem:v60+s8+$0x0], $0xffff  }
0x1cc: {  	v34 =	vsel vm3, $0x20, v9;
	vm14 =	veq.s32 v6, $0x2;
	v25 =	vsel vm2, $0x38, v3;
	v3 =	vld.idx.msk [tilespmem:v63+s8+$0x0], $0xffff  }
0x1cd: {  	v2 =	vsel vm7, $0x30, v2;
	vm12 =	veq.s32 v6, $0x1;
	vm1 =	vmand vm5, vm14;
	v11 =	vld.idx.msk [tilespmem:v32+s8+$0x0], $0xffff  }
0x1ce: {  	vm13 =	vmand vm5, vm12;
	v6 =	vsel vm4, $0x28, v34;
	v28 =	vsel vm1, $0x38, v2;
	v12 =	vld.idx.msk [tilespmem:v33+s8+$0x0], $0xffff  }
0x1cf: {  	v36 =	vadd.s32 $0x1, v1;
	v38 =	vadd.s32 $0x2, v1;
	v39 =	vadd.s32 $0x3, v1;
	v9 =	vld.idx.msk [tilespmem:v35+s8+$0x0], $0xffff  }
0x1d0: {  	v41 =	vadd.s32 $0x4, v1;
	v15 =	vadd.s32 $0x5, v1;
	v2 =	vsel vm6, $0x30, v6  }
0x1d1: {  	v16 =	vadd.s32 $0x6, v1;
	v17 =	vadd.s32 $0x7, v1;
	v2 =	vsel vm13, $0x38, v2  }
0x1d2: {  	v21 =	vadd.s32 v53, v2;
	v26 =	vadd.s32 v54, v2;
	v27 =	vadd.s32 v58, v2  }
0x1d3: {  	v29 =	vadd.s32 v40, v2;
	v31 =	vadd.s32 v61, v2;
	vm7 =	vge.f32 v4, v5  }
0x1d4: {  	vm8 =	vge.f32 v7, v8;
	vm9 =	vge.f32 v3, v11;
	vm10 =	vge.f32 v12, v9  }
0x1d5: {  	v18 =	vsel vm7, v4, v5;
	v4 =	vsel vm7, v5, v4;
	v42 =	vsel vm7, v1, v36  }
0x1d6: {  	v1 =	vsel vm7, v36, v1;
	v43 =	vsel vm8, v7, v8;
	v7 =	vsel vm8, v8, v7  }
0x1d7: {  	v45 =	vsel vm8, v38, v39;
	v10 =	vsel vm8, v39, v38;
	v46 =	vsel vm9, v3, v11  }
0x1d8: {  	v3 =	vsel vm9, v11, v3;
	v47 =	vsel vm9, v41, v15;
	v14 =	vsel vm9, v15, v41  }
0x1d9: {  	v15 =	vsel vm10, v12, v9;
	v9 =	vsel vm10, v9, v12;
	v49 =	vsel vm10, v16, v17  }
0x1da: {  	v16 =	vsel vm10, v17, v16;
	v38 =	vadd.s32 v0, v2;
	vm11 =	vge.f32 v18, v43  }
0x1db: {  	vm12 =	vge.f32 v4, v7;
	vm13 =	vge.f32 v46, v15;
	vm14 =	vge.f32 v3, v9  }
0x1dc: {  	v17 =	vsel vm11, v18, v43;
	v6 =	vsel vm11, v43, v18;
	v18 =	vsel vm11, v42, v45  }
0x1dd: {  	v5 =	vsel vm11, v45, v42;
	v50 =	vsel vm12, v4, v7;
	v4 =	vsel vm12, v7, v4  }
0x1de: {  	v51 =	vsel vm12, v1, v10;
	v1 =	vsel vm12, v10, v1;
	v52 =	vsel vm13, v46, v15  }
0x1df: {  	v13 =	vsel vm13, v15, v46;
	v15 =	vsel vm13, v47, v49;
	v11 =	vsel vm13, v49, v47  }
0x1e0: {  	v55 =	vsel vm14, v3, v9;
	v3 =	vsel vm14, v9, v3;
	v59 =	vsel vm14, v14, v16;
	v43 =	vld.idx.msk [tilespmem:v26+s8+$0x0], $0xffff  }
0x1e1: {  	v14 =	vsel vm14, v16, v14;
	v46 =	vld.idx.msk [tilespmem:v27+s8+$0x0], $0xffff;
	v47 =	vadd.s32 $0x2, v2;
	v49 =	vadd.s32 $0x3, v2  }
0x1e2: {  	v26 =	vadd.s32 $0x4, v2;
	v27 =	vld.idx.msk [tilespmem:v29+s8+$0x0], $0xffff;
	v29 =	vadd.s32 $0x5, v2;
	vm15 =	vgt.f32 v50, v6  }
0x1e3: {  	vm6 =	veq.f32 v50, v6;
	vm7 =	vlt.u32 v51, v5;
	vm8 =	veq.f32 v55, v13  }
0x1e4: {  	vm9 =	vlt.u32 v59, v11;
	vm10 =	vgt.f32 v55, v13;
	vm11 =	vgt.f32 v17, v52  }
0x1e5: {  	vm12 =	veq.f32 v17, v52;
	vm13 =	vlt.u32 v18, v15;
	vm1 =	vmand vm6, vm7  }
0x1e6: {  	vm2 =	vmand vm8, vm9;
	vm9 =	veq.f32 v4, v3;
	vm0 =	vmor vm15, vm1  }
0x1e7: {  	vm1 =	vmor vm10, vm2;
	vm10 =	vlt.u32 v1, v14;
	v16 =	vsel vm0, v50, v6  }
0x1e8: {  	v6 =	vsel vm0, v6, v50;
	v60 =	vsel vm0, v51, v5;
	v5 =	vsel vm0, v5, v51  }
0x1e9: {  	v62 =	vsel vm1, v55, v13;
	v13 =	vsel vm1, v13, v55;
	v19 =	vsel vm1, v59, v11  }
0x1ea: {  	v9 =	vsel vm1, v11, v59;
	vm1 =	vmand vm12, vm13;
	v50 =	vadd.s32 $0x6, v2  }
0x1eb: {  	vm14 =	veq.f32 v16, v62;
	vm15 =	vlt.u32 v60, v19;
	vm0 =	vmor vm11, vm1  }
0x1ec: {  	vm5 =	vgt.f32 v16, v62;
	vm6 =	vgt.f32 v6, v13;
	vm7 =	veq.f32 v6, v13  }
0x1ed: {  	vm8 =	vlt.u32 v5, v9;
	vm11 =	vgt.f32 v4, v3;
	vm2 =	vmand vm14, vm15  }
0x1ee: {  	v12 =	vsel vm0, v17, v52;
	v63 =	vsel vm0, v18, v15;
	vm1 =	vmor vm5, vm2  }
0x1ef: {  	v15 =	vsel vm0, v15, v18;
	v18 =	vsel vm1, v16, v62;
	v7 =	vsel vm1, v62, v16  }
0x1f0: {  	v20 =	vsel vm1, v60, v19;
	v8 =	vsel vm1, v19, v60;
	vm1 =	vmand vm7, vm8  }
0x1f1: {  	v17 =	vsel vm0, v52, v17;
	vm2 =	vmand vm9, vm10;
	vm0 =	vmor vm6, vm1  }
0x1f2: {  	vm1 =	vmor vm11, vm2;
	v16 =	vsel vm0, v6, v13;
	v6 =	vsel vm0, v13, v6  }
0x1f3: {  	v32 =	vsel vm0, v5, v9;
	v5 =	vsel vm0, v9, v5;
	v33 =	vsel vm1, v4, v3  }
0x1f4: {  	v23 =	vsel vm1, v3, v4;
	v3 =	vsel vm1, v1, v14;
	v1 =	vsel vm1, v14, v1  }
0x1f5: {  	vm12 =	vgt.f32 v16, v17;
	vm13 =	veq.f32 v16, v17;
	vm14 =	vlt.u32 v32, v15  }
0x1f6: {  	vm15 =	veq.f32 v33, v7;
	vm6 =	vlt.u32 v3, v8;
	vm1 =	vmand vm13, vm14  }
0x1f7: {  	vm7 =	vgt.f32 v33, v7;
	vm2 =	vmand vm15, vm6;
	vm0 =	vmor vm12, vm1  }
0x1f8: {  	v51 =	vadd.s32 $0x7, v2;
	[tilespmem:$0x1FC30] =	vst v1;
	vm1 =	vmor vm7, vm2;
	v1 =	vsel vm0, v16, v17  }
0x1f9: {  	v34 =	vsel vm0, v17, v16;
	v35 =	vsel vm0, v32, v15;
	v15 =	vsel vm0, v15, v32  }
0x1fa: {  	v19 =	vsel vm1, v33, v7;
	v7 =	vsel vm1, v7, v33;
	v36 =	vsel vm1, v3, v8  }
0x1fb: {  	v31 =	vld.idx.msk [tilespmem:v31+s8+$0x0], $0xffff;
	v3 =	vsel vm1, v8, v3;
	vm8 =	veq.f32 v18, v1;
	vm9 =	vlt.u32 v20, v35  }
0x1fc: {  	vm10 =	vgt.f32 v18, v1;
	vm11 =	veq.f32 v19, v34;
	vm12 =	vlt.u32 v36, v15  }
0x1fd: {  	vm13 =	vgt.f32 v19, v34;
	vm14 =	veq.f32 v7, v6;
	vm15 =	vlt.u32 v3, v5  }
0x1fe: {  	vm6 =	vgt.f32 v7, v6;
	vm0 =	vmand vm8, vm9;
	vm1 =	vmand vm11, vm12  }
0x1ff: {  	vm9 =	vge.f32 v43, v46;
	vm0 =	vmor vm10, vm0;
	vm1 =	vmor vm13, vm1  }
0x200: {  	v59 =	vsel vm9, v43, v46;
	v60 =	vsel vm9, v26, v29;
	vm10 =	vge.f32 v27, v31  }
0x201: {  	v26 =	vsel vm9, v29, v26;
	v16 =	vsel vm0, v18, v1;
	v13 =	vsel vm0, v1, v18  }
0x202: {  	v1 =	vadd.s32 v37, v2;
	v18 =	vadd.s32 v48, v2;
	v39 =	vsel vm0, v20, v35  }
0x203: {  	v41 =	vsel vm0, v35, v20;
	v14 =	vsel vm1, v19, v34;
	vm0 =	vmand vm14, vm15  }
0x204: {  	v42 =	vld.idx.msk [tilespmem:v21+s8+$0x0], $0xffff;
	v22 =	vsel vm1, v34, v19;
	v9 =	vsel vm1, v15, v36;
	v29 =	vsel vm10, v27, v31  }
0x205: {  	v8 =	vld.idx.msk [tilespmem:v38+s8+$0x0], $0xffff;
	v27 =	vsel vm10, v31, v27;
	v31 =	vsel vm10, v50, v51;
	vm0 =	vmor vm6, vm0  }
0x206: {  	v32 =	vsel vm10, v51, v50;
	[tilespmem:$0x1FC00] =	vst v9;
	vm13 =	vge.f32 v59, v29;
	v19 =	vsel vm0, v7, v6  }
0x207: {  	v45 =	vsel vm0, v3, v5;
	v3 =	vsel vm0, v5, v3;
	v5 =	vsel vm9, v46, v43;
	v1 =	vld.idx.msk [tilespmem:v1+s8+$0x0], $0xffff  }
0x208: {  	v38 =	vsel vm13, v59, v29;
	v9 =	vsel vm13, v29, v59;
	v29 =	vsel vm13, v60, v31;
	v30 =	vld.idx.msk [tilespmem:v18+s8+$0x0], $0xffff  }
0x209: {  	v59 =	vadd.s32 v54, v28;
	[tilespmem:$0x1FC20] =	vst v3;
	v3 =	vadd.s32 $0x1, v2;
	vm14 =	vge.f32 v5, v27  }
0x20a: {  	v18 =	vsel vm1, v36, v15;
	v15 =	vsel vm0, v6, v7;
	v6 =	vsel vm13, v31, v60  }
0x20b: {  	v31 =	vsel vm14, v5, v27;
	v5 =	vsel vm14, v27, v5;
	v27 =	vsel vm14, v26, v32  }
0x20c: {  	v26 =	vsel vm14, v32, v26;
	v60 =	vadd.s32 v40, v28;
	vm9 =	veq.f32 v31, v9  }
0x20d: {  	vm10 =	vlt.u32 v27, v6;
	vm7 =	vge.f32 v8, v1;
	vm8 =	vge.f32 v30, v42  }
0x20e: {  	v52 =	vsel vm7, v8, v1;
	v1 =	vsel vm7, v1, v8;
	v55 =	vsel vm7, v2, v3  }
0x20f: {  	v2 =	vsel vm7, v3, v2;
	v3 =	vsel vm8, v30, v42;
	v4 =	vsel vm8, v42, v30  }
0x210: {  	v30 =	vsel vm8, v47, v49;
	v7 =	vsel vm8, v49, v47;
	vm11 =	vge.f32 v52, v3  }
0x211: {  	vm12 =	vge.f32 v1, v4;
	v62 =	vsel vm11, v52, v3;
	v3 =	vsel vm11, v3, v52  }
0x212: {  	[tilespmem:$0x1FBD0] =	vst v63;
	v63 =	vsel vm11, v55, v30;
	v8 =	vsel vm11, v30, v55;
	v30 =	vsel vm12, v1, v4  }
0x213: {  	v1 =	vsel vm12, v4, v1;
	v36 =	vsel vm12, v2, v7;
	v2 =	vsel vm12, v7, v2  }
0x214: {  	vm11 =	vgt.f32 v31, v9;
	v52 =	vadd.s32 v37, v28;
	v55 =	vadd.s32 v53, v28  }
0x215: {  	vm15 =	veq.f32 v30, v3;
	vm6 =	vlt.u32 v36, v8;
	vm7 =	vgt.f32 v30, v3  }
0x216: {  	vm13 =	veq.f32 v62, v38;
	vm14 =	vlt.u32 v63, v29;
	vm1 =	vmand vm15, vm6  }
0x217: {  	vm15 =	vgt.f32 v62, v38;
	vm8 =	vmor vm7, vm1;
	vm1 =	vmand vm9, vm10  }
0x218: {  	[tilespmem:$0x1FBE0] =	vst v39;
	v39 =	vsel vm8, v30, v3;
	v3 =	vsel vm8, v3, v30;
	v30 =	vsel vm8, v36, v8  }
0x219: {  	v4 =	vsel vm8, v8, v36;
	vm12 =	vmor vm11, vm1;
	vm1 =	vmand vm13, vm14  }
0x21a: {  	[tilespmem:$0x1FBF0] =	vst v41;
	v41 =	vsel vm12, v31, v9;
	v31 =	vsel vm12, v9, v31;
	v42 =	vsel vm12, v27, v6  }
0x21b: {  	v6 =	vsel vm12, v6, v27;
	vm6 =	vmor vm15, vm1;
	vm15 =	veq.f32 v1, v5  }
0x21c: {  	v9 =	vor.u32 $0x2, v28;
	v17 =	vsel vm6, v62, v38;
	vm7 =	veq.f32 v39, v41  }
0x21d: {  	vm8 =	vlt.u32 v30, v42;
	v7 =	vsel vm6, v38, v62;
	vm9 =	vgt.f32 v39, v41  }
0x21e: {  	v24 =	vsel vm6, v63, v29;
	v29 =	vsel vm6, v29, v63;
	vm11 =	veq.f32 v3, v31  }
0x21f: {  	vm12 =	vlt.u32 v4, v6;
	vm13 =	vgt.f32 v3, v31;
	vm1 =	vmand vm7, vm8  }
0x220: {  	vm6 =	vlt.u32 v2, v26;
	v62 =	vadd.s32 v61, v28;
	vm10 =	vmor vm9, vm1  }
0x221: {  	vm7 =	vgt.f32 v1, v5;
	vm1 =	vmand vm11, vm12;
	v43 =	vsel vm10, v39, v41  }
0x222: {  	[tilespmem:$0x1FC10] =	vst v45;
	v8 =	vsel vm10, v41, v39;
	v45 =	vsel vm10, v30, v42;
	v30 =	vsel vm10, v42, v30  }
0x223: {  	vm14 =	vmor vm13, vm1;
	vm1 =	vmand vm15, vm6;
	v41 =	vor.u32 $0x6, v28  }
0x224: {  	v42 =	vld.idx.msk [tilespmem:v52+s8+$0x0], $0xffff;
	v52 =	vor.u32 $0x7, v28;
	v46 =	vsel vm14, v3, v31;
	v3 =	vsel vm14, v31, v3  }
0x225: {  	v31 =	vsel vm14, v4, v6;
	v4 =	vsel vm14, v6, v4;
	vm8 =	vmor vm7, vm1  }
0x226: {  	v47 =	vsel vm8, v1, v5;
	vm9 =	veq.f32 v46, v7;
	vm10 =	vlt.u32 v31, v29  }
0x227: {  	v36 =	vsel vm8, v5, v1;
	vm11 =	vgt.f32 v46, v7;
	v1 =	vsel vm8, v2, v26  }
0x228: {  	v11 =	vsel vm8, v26, v2;
	vm1 =	vmand vm9, vm10;
	vm13 =	veq.f32 v47, v8  }
0x229: {  	vm14 =	vlt.u32 v1, v30;
	vm15 =	vgt.f32 v47, v8;
	vm12 =	vmor vm11, vm1  }
0x22a: {  	vm1 =	vmand vm13, vm14;
	v2 =	vsel vm12, v46, v7;
	v49 =	vsel vm12, v7, v46  }
0x22b: {  	v50 =	vsel vm12, v31, v29;
	v26 =	vsel vm12, v29, v31;
	vm6 =	vmor vm15, vm1  }
0x22c: {  	v31 =	vadd.s32 v0, v28;
	v29 =	vsel vm6, v47, v8;
	vm7 =	veq.f32 v43, v2  }
0x22d: {  	vm8 =	vlt.u32 v45, v50;
	v6 =	vsel vm6, v8, v47;
	vm9 =	vgt.f32 v43, v2  }
0x22e: {  	v51 =	vsel vm6, v1, v30;
	v1 =	vsel vm6, v30, v1;
	vm1 =	vmand vm7, vm8  }
0x22f: {  	vm10 =	veq.f32 v29, v49;
	vm11 =	vlt.u32 v51, v26;
	vm1 =	vmor vm9, vm1  }
0x230: {  	v63 =	vld.idx.msk [tilespmem:v55+s8+$0x0], $0xffff;
	v30 =	vsel vm1, v43, v2;
	v34 =	vsel vm1, v2, v43;
	v2 =	vadd.s32 v48, v28  }
0x231: {  	vm12 =	vgt.f32 v29, v49;
	vm0 =	vmand vm10, vm11;
	v7 =	vld.idx.msk [tilespmem:v31+s8+$0x0], $0xffff;
	v31 =	vadd.s32 v58, v28  }
0x232: {  	v8 =	vld.idx.msk [tilespmem:v59+s8+$0x0], $0xffff;
	vm13 =	veq.f32 v6, v3;
	vm14 =	vlt.u32 v1, v4;
	vm0 =	vmor vm12, vm0  }
0x233: {  	vm15 =	vgt.f32 v6, v3;
	v38 =	vsel vm0, v51, v26;
	v10 =	vsel vm0, v26, v51;
	v26 =	vld.idx.msk [tilespmem:v60+s8+$0x0], $0xffff  }
0x234: {  	v32 =	vsel vm1, v45, v50;
	v35 =	vsel vm1, v50, v45;
	vm1 =	vmand vm13, vm14;
	v51 =	vld.idx.msk [tilespmem:v62+s8+$0x0], $0xffff  }
0x235: {  	v20 =	vmovc v57;
	v50 =	vor.u32 $0x3, v28;
	v39 =	vsel vm0, v29, v49;
	vm1 =	vmor vm15, vm1;
	v2 =	vld.idx.msk [tilespmem:v2+s8+$0x0], $0xffff  }
0x236: {  	v40 =	vsel vm0, v49, v29;
	v49 =	vsel vm1, v1, v4;
	v57 =	vsel vm1, v4, v1;
	v1 =	vld.idx.msk [tilespmem:v31+s8+$0x0], $0xffff  }
0x237: {  	v21 =	vmovc v56;
	v29 =	vor.u32 $0x4, v28;
	v55 =	vsel vm1, v6, v3;
	v56 =	vsel vm1, v3, v6  }
0x238: {  	v3 =	vor.u32 $0x1, v28;
	v31 =	vor.u32 $0x5, v28;
	vm5 =	vge.f32 v7, v42  }
0x239: {  	vm8 =	vge.f32 v26, v51;
	v59 =	vsel vm5, v7, v42;
	v7 =	vsel vm5, v42, v7  }
0x23a: {  	v60 =	vsel vm5, v28, v3;
	v3 =	vsel vm5, v3, v28;
	vm6 =	vge.f32 v2, v63  }
0x23b: {  	v28 =	vsel vm6, v2, v63;
	v2 =	vsel vm6, v63, v2;
	vm7 =	vge.f32 v8, v1  }
0x23c: {  	v62 =	vsel vm6, v9, v50;
	v4 =	vsel vm6, v50, v9;
	v63 =	vsel vm7, v8, v1  }
0x23d: {  	v1 =	vsel vm7, v1, v8;
	v50 =	vsel vm7, v29, v31;
	v29 =	vsel vm7, v31, v29  }
0x23e: {  	v31 =	vsel vm8, v26, v51;
	v26 =	vsel vm8, v51, v26;
	v51 =	vsel vm8, v41, v52  }
0x23f: {  	v41 =	vsel vm8, v52, v41;
	vm9 =	vgt.f32 v59, v28;
	vm10 =	veq.f32 v59, v28  }
0x240: {  	vm11 =	vlt.u32 v60, v62;
	vm12 =	veq.f32 v7, v2;
	vm13 =	vlt.u32 v3, v4  }
0x241: {  	vm14 =	vgt.f32 v7, v2;
	vm1 =	vmand vm10, vm11;
	vm2 =	vmand vm12, vm13  }
0x242: {  	vm15 =	vgt.f32 v63, v31;
	vm4 =	veq.f32 v63, v31;
	vm5 =	vlt.u32 v50, v51  }
0x243: {  	vm6 =	veq.f32 v1, v26;
	vm7 =	vlt.u32 v29, v41;
	vm8 =	vgt.f32 v1, v26  }
0x244: {  	vm0 =	vmor vm9, vm1;
	vm1 =	vmor vm14, vm2;
	vm2 =	vmand vm6, vm7  }
0x245: {  	v43 =	vsel vm0, v59, v28;
	v28 =	vsel vm0, v28, v59;
	v45 =	vsel vm0, v60, v62  }
0x246: {  	v5 =	vsel vm0, v62, v60;
	v52 =	vsel vm1, v7, v2;
	v2 =	vsel vm1, v2, v7  }
0x247: {  	v59 =	vsel vm1, v3, v4;
	v3 =	vsel vm1, v4, v3;
	vm1 =	vmand vm4, vm5  }
0x248: {  	vm0 =	vmor vm15, vm1;
	vm1 =	vmor vm8, vm2;
	vm9 =	vgt.f32 v52, v28  }
0x249: {  	vm10 =	veq.f32 v52, v28;
	vm11 =	vlt.u32 v59, v5;
	v60 =	vsel vm0, v63, v31  }
0x24a: {  	v6 =	vsel vm0, v31, v63;
	v62 =	vsel vm0, v50, v51;
	v8 =	vsel vm0, v51, v50  }
0x24b: {  	v31 =	vsel vm1, v1, v26;
	v1 =	vsel vm1, v26, v1;
	v26 =	vsel vm1, v29, v41  }
0x24c: {  	v29 =	vsel vm1, v41, v29;
	vm1 =	vmand vm10, vm11;
	vm12 =	veq.f32 v31, v6  }
0x24d: {  	vm13 =	vlt.u32 v26, v8;
	vm0 =	vmor vm9, vm1;
	vm14 =	vgt.f32 v31, v6  }
0x24e: {  	vm15 =	vgt.f32 v43, v60;
	vm4 =	veq.f32 v43, v60;
	vm5 =	vlt.u32 v45, v62  }
0x24f: {  	vm2 =	vmand vm12, vm13;
	v63 =	vsel vm0, v52, v28;
	v28 =	vsel vm0, v28, v52  }
0x250: {  	v33 =	vsel vm0, v59, v5;
	v5 =	vsel vm0, v5, v59;
	vm12 =	veq.f32 v2, v1  }
0x251: {  	vm13 =	vlt.u32 v3, v29;
	vm1 =	vmor vm14, vm2;
	vm14 =	vgt.f32 v2, v1  }
0x252: {  	v50 =	vsel vm1, v31, v6;
	v6 =	vsel vm1, v6, v31;
	v51 =	vsel vm1, v26, v8  }
0x253: {  	v8 =	vsel vm1, v8, v26;
	vm1 =	vmand vm4, vm5;
	vm6 =	veq.f32 v63, v50  }
0x254: {  	vm7 =	vlt.u32 v33, v51;
	vm0 =	vmor vm15, vm1;
	vm8 =	vgt.f32 v63, v50  }
0x255: {  	vm9 =	vgt.f32 v28, v6;
	vm10 =	veq.f32 v28, v6;
	vm11 =	vlt.u32 v5, v8  }
0x256: {  	vm2 =	vmand vm6, vm7;
	v31 =	vsel vm0, v43, v60;
	v4 =	vsel vm0, v60, v43  }
0x257: {  	v52 =	vsel vm0, v45, v62;
	v26 =	vsel vm0, v62, v45;
	vm1 =	vmor vm8, vm2  }
0x258: {  	vm2 =	vmand vm12, vm13;
	v43 =	vsel vm1, v63, v50;
	v7 =	vsel vm1, v50, v63  }
0x259: {  	v45 =	vsel vm1, v33, v51;
	v59 =	vsel vm1, v51, v33;
	vm1 =	vmand vm10, vm11  }
0x25a: {  	vm0 =	vmor vm9, vm1;
	vm1 =	vmor vm14, vm2  }
0x25b: {  	v60 =	vsel vm0, v28, v6;
	v6 =	vsel vm0, v6, v28;
	v62 =	vsel vm0, v5, v8  }
0x25c: {  	v5 =	vsel vm0, v8, v5;
	v63 =	vsel vm1, v2, v1;
	v28 =	vsel vm1, v1, v2  }
0x25d: {  	v1 =	vsel vm1, v3, v29;
	v2 =	vsel vm1, v29, v3;
	v29 =	vmovc v58;
	v58 =	vadd.s32 v58, v25  }
0x25e: {  	vm15 =	vgt.f32 v60, v4;
	vm6 =	veq.f32 v60, v4;
	vm7 =	vlt.u32 v62, v26  }
0x25f: {  	vm8 =	veq.f32 v63, v7;
	vm9 =	vlt.u32 v1, v59;
	vm1 =	vmand vm6, vm7  }
0x260: {  	vm10 =	vgt.f32 v63, v7;
	vm2 =	vmand vm8, vm9;
	vm0 =	vmor vm15, vm1  }
0x261: {  	[tilespmem:$0x1FC50] =	vst v2;
	vm1 =	vmor vm10, vm2;
	v2 =	vsel vm0, v60, v4;
	v3 =	vsel vm0, v4, v60  }
0x262: {  	v33 =	vsel vm0, v62, v26;
	v26 =	vsel vm0, v26, v62;
	v42 =	vsel vm1, v63, v7  }
0x263: {  	v7 =	vsel vm1, v7, v63;
	v60 =	vadd.s32 v0, v25;
	v50 =	vsel vm1, v1, v59  }
0x264: {  	v62 =	vadd.s32 v37, v25;
	v1 =	vsel vm1, v59, v1;
	v63 =	vadd.s32 v48, v25  }
0x265: {  	vm11 =	veq.f32 v43, v2;
	vm12 =	vlt.u32 v45, v33;
	vm13 =	vgt.f32 v43, v2  }
0x266: {  	vm14 =	veq.f32 v42, v3;
	vm15 =	vlt.u32 v50, v26;
	vm6 =	vgt.f32 v42, v3  }
0x267: {  	v0 =	vld [tilespmem:$0x1FD90];
	vm8 =	veq.f32 v7, v6;
	vm9 =	vlt.u32 v1, v5;
	vm0 =	vmand vm11, vm12  }
0x268: {  	vm10 =	vgt.f32 v7, v6;
	vm1 =	vmand vm14, vm15;
	vm0 =	vmor vm13, vm0  }
0x269: {  	v47 =	vsel vm0, v43, v2;
	v41 =	vsel vm0, v2, v43;
	v2 =	vadd.s32 v53, v25  }
0x26a: {  	[tilespmem:$0x1FC40] =	vst v52;
	vm7 =	vmor vm6, vm1;
	vm1 =	vmand vm8, vm9;
	v43 =	vadd.s32 v54, v25;
	v8 =	vld.idx.msk [tilespmem:v60+s8+$0x0], $0xffff  }
0x26b: {  	v52 =	vsel vm0, v45, v33;
	v48 =	vsel vm0, v33, v45;
	v33 =	vadd.s32 v61, v25;
	v4 =	vld.idx.msk [tilespmem:v62+s8+$0x0], $0xffff  }
0x26c: {  	v54 =	vsel vm7, v42, v3;
	vm1 =	vmor vm10, vm1;
	v59 =	vadd.s32 v0, v25;
	v60 =	vld.idx.msk [tilespmem:v63+s8+$0x0], $0xffff  }
0x26d: {  	v46 =	vsel vm7, v3, v42;
	v51 =	vsel vm1, v7, v6;
	v42 =	vsel vm1, v6, v7;
	v6 =	vld.idx.msk [tilespmem:v58+s8+$0x0], $0xffff  }
0x26e: {  	v2 =	vld.idx.msk [tilespmem:v2+s8+$0x0], $0xffff  }
0x26f: {  	v53 =	vsel vm7, v50, v26;
	v3 =	vld.idx.msk [tilespmem:v43+s8+$0x0], $0xffff  }
0x270: {  	v50 =	vsel vm7, v26, v50;
	v26 =	vor.u32 $0x3, v25;
	v45 =	vsel vm1, v1, v5  }
0x271: {  	v7 =	vor.u32 $0x2, v25;
	v58 =	vor.u32 $0x4, v25;
	v43 =	vsel vm1, v5, v1;
	v5 =	vld.idx.msk [tilespmem:v59+s8+$0x0], $0xffff  }
0x272: {  	v62 =	vor.u32 $0x6, v25;
	v1 =	vor.u32 $0x1, v25;
	v59 =	vld.idx.msk [tilespmem:v33+s8+$0x0], $0xffff;
	vm11 =	vge.f32 v8, v4  }
0x273: {  	v33 =	vor.u32 $0x5, v25;
	v63 =	vsel vm11, v8, v4;
	vm12 =	vge.f32 v60, v2  }
0x274: {  	v4 =	vsel vm11, v4, v8;
	vm13 =	vge.f32 v3, v6;
	v8 =	vsel vm12, v60, v2  }
0x275: {  	v2 =	vsel vm12, v2, v60;
	v60 =	vsel vm12, v7, v26;
	v7 =	vsel vm12, v26, v7  }
0x276: {  	v26 =	vsel vm13, v3, v6;
	v3 =	vsel vm13, v6, v3;
	v6 =	vsel vm13, v58, v33  }
0x277: {  	vm14 =	vge.f32 v5, v59;
	v58 =	vsel vm13, v33, v58;
	v33 =	vsel vm11, v25, v1  }
0x278: {  	v9 =	vmovc v61;
	v1 =	vsel vm11, v1, v25;
	v25 =	vor.u32 $0x7, v25;
	v61 =	vsel vm14, v5, v59  }
0x279: {  	v5 =	vsel vm14, v59, v5;
	vm15 =	veq.f32 v63, v8;
	vm4 =	vlt.u32 v33, v60  }
0x27a: {  	v0 =	vsel vm14, v62, v25;
	v25 =	vsel vm14, v25, v62;
	vm5 =	vgt.f32 v63, v8  }
0x27b: {  	vm6 =	veq.f32 v4, v2;
	vm7 =	vlt.u32 v1, v7;
	vm8 =	vgt.f32 v4, v2  }
0x27c: {  	vm0 =	vmand vm15, vm4;
	vm1 =	vmand vm6, vm7;
	vm9 =	veq.f32 v26, v61  }
0x27d: {  	vm10 =	vlt.u32 v6, v0;
	vm11 =	vgt.f32 v26, v61;
	vm12 =	veq.f32 v3, v5  }
0x27e: {  	vm13 =	vlt.u32 v58, v25;
	vm14 =	vgt.f32 v3, v5;
	vm0 =	vmor vm5, vm0  }
0x27f: {  	vm1 =	vmor vm8, vm1;
	v62 =	vsel vm0, v63, v8;
	v8 =	vsel vm0, v8, v63  }
0x280: {  	v63 =	vsel vm0, v33, v60;
	v59 =	vsel vm0, v60, v33;
	v60 =	vsel vm1, v4, v2  }
0x281: {  	v2 =	vsel vm1, v2, v4;
	v4 =	vsel vm1, v1, v7;
	vm0 =	vmand vm9, vm10  }
0x282: {  	v1 =	vsel vm1, v7, v1;
	vm1 =	vmand vm12, vm13;
	vm0 =	vmor vm11, vm0  }
0x283: {  	vm1 =	vmor vm14, vm1;
	vm15 =	veq.f32 v60, v8;
	vm4 =	vlt.u32 v4, v59  }
0x284: {  	vm5 =	vgt.f32 v60, v8;
	v7 =	vsel vm0, v26, v61;
	v26 =	vsel vm0, v61, v26  }
0x285: {  	v61 =	vsel vm0, v6, v0;
	v0 =	vsel vm0, v0, v6;
	v6 =	vsel vm1, v3, v5  }
0x286: {  	v3 =	vsel vm1, v5, v3;
	v5 =	vsel vm1, v58, v25;
	vm0 =	vmand vm15, vm4  }
0x287: {  	v58 =	vsel vm1, v25, v58;
	vm0 =	vmor vm5, vm0;
	vm6 =	veq.f32 v6, v26  }
0x288: {  	vm7 =	vlt.u32 v5, v0;
	vm8 =	vgt.f32 v6, v26;
	vm9 =	veq.f32 v62, v7  }
0x289: {  	vm10 =	vlt.u32 v63, v61;
	vm11 =	vgt.f32 v62, v7;
	vm1 =	vmand vm6, vm7  }
0x28a: {  	v33 =	vmovc v37;
	v37 =	vsel vm0, v60, v8;
	v8 =	vsel vm0, v8, v60;
	v60 =	vsel vm0, v4, v59  }
0x28b: {  	v4 =	vsel vm0, v59, v4;
	vm0 =	vmand vm9, vm10;
	vm6 =	veq.f32 v2, v3  }
0x28c: {  	vm7 =	vlt.u32 v1, v58;
	vm1 =	vmor vm8, vm1;
	vm0 =	vmor vm11, vm0  }
0x28d: {  	vm8 =	vgt.f32 v2, v3;
	v59 =	vsel vm1, v6, v26;
	v6 =	vsel vm1, v26, v6  }
0x28e: {  	v26 =	vsel vm1, v5, v0;
	v5 =	vsel vm1, v0, v5;
	v25 =	vsel vm0, v62, v7  }
0x28f: {  	v7 =	vsel vm0, v7, v62;
	v27 =	vsel vm0, v63, v61;
	v61 =	vsel vm0, v61, v63  }
0x290: {  	vm12 =	veq.f32 v37, v59;
	vm13 =	vlt.u32 v60, v26;
	vm14 =	vgt.f32 v37, v59  }
0x291: {  	vm15 =	veq.f32 v8, v6;
	vm4 =	vlt.u32 v4, v5;
	vm1 =	vmand vm12, vm13  }
0x292: {  	vm5 =	vgt.f32 v8, v6;
	vm0 =	vmand vm15, vm4;
	vm1 =	vmor vm14, vm1  }
0x293: {  	vm0 =	vmor vm5, vm0;
	v63 =	vsel vm1, v37, v59;
	v37 =	vsel vm1, v59, v37  }
0x294: {  	v0 =	vsel vm1, v60, v26;
	v59 =	vsel vm1, v26, v60;
	vm1 =	vmand vm6, vm7  }
0x295: {  	v60 =	vsel vm0, v8, v6;
	v8 =	vsel vm0, v6, v8;
	v6 =	vsel vm0, v4, v5  }
0x296: {  	v26 =	vsel vm0, v5, v4;
	vm1 =	vmor vm8, vm1;
	vm9 =	veq.f32 v60, v7  }
0x297: {  	vm10 =	vlt.u32 v6, v61;
	vm11 =	vgt.f32 v60, v7;
	v4 =	vsel vm1, v2, v3  }
0x298: {  	v62 =	vsel vm1, v3, v2;
	v2 =	vsel vm1, v1, v58;
	v58 =	vsel vm1, v58, v1  }
0x299: {  	vm0 =	vmand vm9, vm10;
	vm12 =	veq.f32 v4, v37;
	vm13 =	vlt.u32 v2, v59  }
0x29a: {  	vm0 =	vmor vm11, vm0;
	vm14 =	vgt.f32 v4, v37;
	vm1 =	vmand vm12, vm13  }
0x29b: {  	v1 =	vsel vm0, v60, v7;
	v5 =	vsel vm0, v7, v60;
	v3 =	vsel vm0, v6, v61  }
0x29c: {  	v7 =	vsel vm0, v61, v6;
	vm1 =	vmor vm14, vm1;
	vm15 =	veq.f32 v63, v1  }
0x29d: {  	vm4 =	vlt.u32 v0, v3;
	vm5 =	vgt.f32 v63, v1;
	v6 =	vsel vm1, v4, v37  }
0x29e: {  	v37 =	vsel vm1, v37, v4;
	v61 =	vsel vm1, v2, v59;
	vm0 =	vmand vm15, vm4  }
0x29f: {  	v2 =	vsel vm1, v59, v2;
	vm0 =	vmor vm5, vm0;
	vm6 =	veq.f32 v6, v5  }
0x2a0: {  	vm7 =	vlt.u32 v61, v7;
	vm8 =	vgt.f32 v6, v5;
	vm9 =	veq.f32 v37, v8  }
0x2a1: {  	vm10 =	vlt.u32 v2, v26;
	vm11 =	vgt.f32 v37, v8;
	vm1 =	vmand vm6, vm7  }
0x2a2: {  	v59 =	vsel vm0, v63, v1;
	v63 =	vsel vm0, v1, v63;
	v60 =	vsel vm0, v0, v3  }
0x2a3: {  	v0 =	vsel vm0, v3, v0;
	vm0 =	vmand vm9, vm10;
	vm1 =	vmor vm8, vm1  }
0x2a4: {  	vm0 =	vmor vm11, vm0;
	v3 =	vsel vm1, v6, v5;
	v6 =	vsel vm1, v5, v6  }
0x2a5: {  	v4 =	vsel vm1, v61, v7;
	v5 =	vsel vm1, v7, v61;
	v61 =	vmovc v9;
	v9 =	vld [tilespmem:$0x1FBD0];
	v7 =	vsel vm0, v37, v8  }
0x2a6: {  	v1 =	vsel vm0, v8, v37;
	v8 =	vsel vm0, v2, v26;
	v2 =	vsel vm0, v26, v2;
	v26 =	vld [tilespmem:$0x1FBE0]  }
0x2a7: {  	v37 =	vld [tilespmem:$0x1FBF0];
	_ =	sdelay $0x1  }
0x2a8: {  	vm12 =	veq.f32 v12, v36;
	vm14 =	vgt.f32 v12, v36;
	vm15 =	vgt.f32 v16, v56  }
0x2a9: {  	vm4 =	veq.f32 v16, v56;
	vm6 =	veq.f32 v13, v55;
	vm13 =	vlt.u32 v9, v11  }
0x2aa: {  	vm11 =	veq.f32 v14, v40;
	vm5 =	vlt.u32 v26, v57;
	vm1 =	vmand vm12, vm13  }
0x2ab: {  	vm7 =	vlt.u32 v37, v49;
	vm12 =	vlt.u32 v18, v10;
	vm1 =	vmor vm14, vm1  }
0x2ac: {  	v12 =	vsel vm1, v12, v36;
	v11 =	vsel vm1, v9, v11;
	vm1 =	vmand vm4, vm5  }
0x2ad: {  	vm0 =	vmor vm15, vm1;
	vm1 =	vmand vm11, vm12;
	vm15 =	vgt.f32 v14, v40  }
0x2ae: {  	vm8 =	vmand vm6, vm7;
	v26 =	vsel vm0, v26, v57;
	v57 =	vmovc v20;
	v20 =	vld [tilespmem:$0x1FC00];
	vm7 =	vmor vm15, vm1  }
0x2af: {  	v14 =	vsel vm7, v14, v40;
	v40 =	vld [tilespmem:$0x1FC20]  }
0x2b0: {  	vm9 =	vgt.f32 v13, v55;
	vm13 =	veq.f32 v22, v39;
	vm6 =	vgt.f32 v22, v39  }
0x2b1: {  	vm10 =	vmor vm9, vm8;
	vm9 =	vgt.f32 v19, v34;
	v16 =	vsel vm0, v16, v56;
	v56 =	vmovc v21;
	v21 =	vld [tilespmem:$0x1FC10]  }
0x2b2: {  	v13 =	vsel vm10, v13, v55;
	v36 =	vsel vm10, v37, v49;
	vm10 =	veq.f32 v19, v34  }
0x2b3: {  	vm4 =	veq.f32 v41, v7;
	vm12 =	veq.f32 v15, v30;
	vm14 =	vlt.u32 v20, v38  }
0x2b4: {  	vm15 =	vgt.f32 v15, v30;
	vm2 =	vmand vm13, vm14;
	vm13 =	vlt.u32 v40, v32  }
0x2b5: {  	v10 =	vsel vm7, v18, v10;
	vm7 =	veq.f32 v23, v17;
	vm14 =	vmand vm12, vm13  }
0x2b6: {  	vm11 =	vlt.u32 v21, v35;
	vm8 =	vmor vm6, vm2;
	vm5 =	vmor vm15, vm14  }
0x2b7: {  	vm2 =	vmand vm10, vm11;
	vm6 =	vgt.f32 v23, v17;
	v15 =	vsel vm5, v15, v30;
	v30 =	vld [tilespmem:$0x1FC30]  }
0x2b8: {  	v22 =	vsel vm8, v22, v39;
	vm0 =	vmor vm9, vm2;
	v18 =	vsel vm8, v20, v38  }
0x2b9: {  	v19 =	vsel vm0, v19, v34;
	v21 =	vsel vm0, v21, v35;
	v20 =	vsel vm5, v40, v32  }
0x2ba: {  	vm9 =	veq.f32 v12, v22;
	vm10 =	vlt.u32 v11, v18;
	vm12 =	vgt.f32 v12, v22  }
0x2bb: {  	vm5 =	vlt.u32 v48, v8;
	vm11 =	vmand vm9, vm10;
	vm14 =	veq.f32 v16, v19  }
0x2bc: {  	vm15 =	vlt.u32 v26, v21;
	vm9 =	vlt.u32 v36, v20;
	vm8 =	vlt.u32 v30, v24  }
0x2bd: {  	vm10 =	vgt.f32 v13, v15;
	vm13 =	vmor vm12, vm11;
	vm1 =	vmand vm7, vm8  }
0x2be: {  	vm8 =	veq.f32 v13, v15;
	vm0 =	vmor vm6, vm1;
	vm6 =	vgt.f32 v16, v19  }
0x2bf: {  	vm1 =	vmand vm14, vm15;
	v37 =	vsel vm0, v23, v17;
	v17 =	vsel vm0, v30, v24  }
0x2c0: {  	v23 =	vsel vm13, v12, v22;
	v12 =	vsel vm13, v22, v12;
	v22 =	vsel vm13, v11, v18  }
0x2c1: {  	v11 =	vsel vm13, v18, v11;
	vm7 =	vmor vm6, vm1;
	vm1 =	vmand vm8, vm9  }
0x2c2: {  	v18 =	vsel vm7, v16, v19;
	v16 =	vsel vm7, v19, v16;
	v19 =	vsel vm7, v26, v21  }
0x2c3: {  	v21 =	vsel vm7, v21, v26;
	vm11 =	vmor vm10, vm1;
	vm12 =	veq.f32 v14, v37  }
0x2c4: {  	vm13 =	vlt.u32 v10, v17;
	vm14 =	vgt.f32 v14, v37;
	v24 =	vsel vm11, v13, v15  }
0x2c5: {  	v13 =	vsel vm11, v15, v13;
	vm1 =	vmand vm12, vm13;
	v15 =	vsel vm11, v36, v20  }
0x2c6: {  	v20 =	vsel vm11, v20, v36;
	vm15 =	vmor vm14, vm1;
	vm6 =	veq.f32 v23, v24  }
0x2c7: {  	vm7 =	vlt.u32 v22, v15;
	vm8 =	vgt.f32 v23, v24;
	vm14 =	veq.f32 v12, v13  }
0x2c8: {  	v26 =	vsel vm15, v14, v37;
	v9 =	vsel vm15, v37, v14;
	vm1 =	vmand vm6, vm7  }
0x2c9: {  	v38 =	vsel vm15, v10, v17;
	v10 =	vsel vm15, v17, v10;
	vm15 =	vlt.u32 v11, v20  }
0x2ca: {  	vm6 =	vgt.f32 v12, v13;
	vm9 =	vmor vm8, vm1;
	vm10 =	veq.f32 v18, v26  }
0x2cb: {  	vm11 =	vlt.u32 v19, v38;
	vm12 =	vgt.f32 v18, v26;
	vm8 =	veq.f32 v16, v9  }
0x2cc: {  	v17 =	vsel vm9, v23, v24;
	v30 =	vsel vm9, v24, v23;
	vm1 =	vmand vm10, vm11  }
0x2cd: {  	v32 =	vsel vm9, v22, v15;
	v15 =	vsel vm9, v15, v22;
	vm9 =	vlt.u32 v21, v10  }
0x2ce: {  	vm10 =	vgt.f32 v16, v9;
	vm13 =	vmor vm12, vm1;
	vm1 =	vmand vm14, vm15  }
0x2cf: {  	v23 =	vsel vm13, v18, v26;
	v18 =	vsel vm13, v26, v18;
	v26 =	vsel vm13, v19, v38  }
0x2d0: {  	v14 =	vsel vm13, v38, v19;
	vm7 =	vmor vm6, vm1;
	vm1 =	vmand vm8, vm9  }
0x2d1: {  	v34 =	vsel vm7, v12, v13;
	v35 =	vsel vm7, v13, v12;
	v36 =	vsel vm7, v11, v20  }
0x2d2: {  	v11 =	vsel vm7, v20, v11;
	vm11 =	vmor vm10, vm1;
	vm12 =	veq.f32 v17, v23  }
0x2d3: {  	vm13 =	vlt.u32 v32, v26;
	vm14 =	vgt.f32 v17, v23;
	vm6 =	veq.f32 v30, v18  }
0x2d4: {  	vm7 =	vlt.u32 v15, v14;
	vm8 =	vgt.f32 v30, v18;
	v37 =	vsel vm11, v16, v9  }
0x2d5: {  	v16 =	vsel vm11, v9, v16;
	vm1 =	vmand vm12, vm13;
	v9 =	vsel vm11, v21, v10  }
0x2d6: {  	v40 =	vsel vm11, v10, v21;
	vm15 =	vmor vm14, vm1;
	vm1 =	vmand vm6, vm7  }
0x2d7: {  	vm10 =	veq.f32 v34, v37;
	vm11 =	vlt.u32 v36, v9;
	vm12 =	vgt.f32 v34, v37  }
0x2d8: {  	vm14 =	veq.f32 v35, v16;
	vm6 =	vgt.f32 v35, v16;
	v22 =	vsel vm15, v17, v23  }
0x2d9: {  	v23 =	vsel vm15, v23, v17;
	v24 =	vsel vm15, v32, v26;
	v19 =	vsel vm15, v26, v32  }
0x2da: {  	vm9 =	vmor vm8, vm1;
	vm1 =	vmand vm10, vm11;
	vm15 =	vlt.u32 v11, v40  }
0x2db: {  	vm8 =	veq.f32 v31, v62;
	vm10 =	vgt.f32 v31, v62;
	vm11 =	veq.f32 v47, v1  }
0x2dc: {  	v17 =	vsel vm9, v30, v18;
	v20 =	vsel vm9, v18, v30;
	v21 =	vsel vm9, v15, v14  }
0x2dd: {  	v12 =	vsel vm9, v14, v15;
	vm13 =	vmor vm12, vm1;
	vm1 =	vmand vm14, vm15  }
0x2de: {  	vm12 =	vlt.u32 v52, v2;
	vm15 =	vgt.f32 v41, v7;
	v13 =	vsel vm13, v34, v37  }
0x2df: {  	v14 =	vsel vm13, v37, v34;
	v18 =	vsel vm13, v36, v9;
	v15 =	vsel vm13, v9, v36  }
0x2e0: {  	v30 =	vld [tilespmem:$0x1FC40];
	vm7 =	vmor vm6, vm1;
	vm2 =	vmand vm11, vm12;
	vm13 =	vgt.f32 v47, v1  }
0x2e1: {  	vm6 =	veq.f32 v54, v6;
	vm11 =	veq.f32 v46, v3;
	vm12 =	vlt.u32 v50, v4  }
0x2e2: {  	v9 =	vsel vm7, v35, v16;
	v10 =	vsel vm7, v16, v35;
	v16 =	vsel vm7, v11, v40  }
0x2e3: {  	v11 =	vsel vm7, v40, v11;
	vm14 =	vmor vm13, vm2;
	vm13 =	veq.f32 v51, v63  }
0x2e4: {  	v1 =	vsel vm14, v47, v1;
	v2 =	vsel vm14, v52, v2;
	vm14 =	vlt.u32 v45, v0  }
0x2e5: {  	vm7 =	vlt.u32 v53, v5;
	vm2 =	vmand vm13, vm14;
	vm9 =	vlt.u32 v30, v58  }
0x2e6: {  	vm13 =	vlt.u32 v43, v60;
	vm14 =	veq.f32 v28, v25;
	vm1 =	vmand vm8, vm9  }
0x2e7: {  	vm8 =	vmand vm6, vm7;
	vm9 =	vgt.f32 v54, v6;
	vm7 =	vgt.f32 v28, v25  }
0x2e8: {  	vm1 =	vmor vm10, vm1;
	vm10 =	vmor vm9, vm8;
	vm8 =	vgt.f32 v51, v63  }
0x2e9: {  	v26 =	vsel vm1, v31, v62;
	v30 =	vsel vm1, v30, v58;
	vm1 =	vmand vm4, vm5  }
0x2ea: {  	v6 =	vsel vm10, v54, v6;
	v5 =	vsel vm10, v53, v5;
	vm10 =	vmor vm8, vm2  }
0x2eb: {  	vm0 =	vmor vm15, vm1;
	vm1 =	vmand vm11, vm12;
	vm15 =	vgt.f32 v46, v3  }
0x2ec: {  	v31 =	vsel vm10, v51, v63;
	vm11 =	vgt.f32 v42, v59;
	vm12 =	veq.f32 v42, v59  }
0x2ed: {  	v58 =	vmovc v29;
	v29 =	vld [tilespmem:$0x1FC50];
	v0 =	vsel vm10, v45, v0;
	v7 =	vsel vm0, v41, v7;
	v8 =	vsel vm0, v48, v8  }
0x2ee: {  	vm9 =	vmor vm15, vm1;
	vm2 =	vmand vm12, vm13;
	vm12 =	veq.f32 v1, v31  }
0x2ef: {  	vm13 =	vlt.u32 v2, v0;
	v3 =	vsel vm9, v46, v3;
	vm0 =	vmor vm11, vm2  }
0x2f0: {  	v4 =	vsel vm9, v50, v4;
	vm2 =	vmand vm12, vm13;
	v32 =	vsel vm0, v42, v59  }
0x2f1: {  	v37 =	vmovc v33;
	v33 =	vsel vm0, v43, v60;
	vm10 =	veq.f32 v26, v3;
	vm11 =	vlt.u32 v30, v4  }
0x2f2: {  	vm9 =	vgt.f32 v26, v3;
	vm15 =	vlt.u32 v29, v27;
	vm1 =	vmand vm10, vm11  }
0x2f3: {  	vm4 =	veq.f32 v7, v32;
	vm5 =	vlt.u32 v8, v33;
	vm6 =	vmand vm14, vm15  }
0x2f4: {  	vm0 =	vmor vm9, vm1;
	vm14 =	vgt.f32 v1, v31;
	vm8 =	vmor vm7, vm6  }
0x2f5: {  	vm15 =	vgt.f32 v7, v32;
	vm1 =	vmor vm14, vm2;
	v25 =	vsel vm8, v28, v25  }
0x2f6: {  	v27 =	vsel vm8, v29, v27;
	v28 =	vsel vm0, v26, v3;
	v3 =	vsel vm0, v3, v26  }
0x2f7: {  	v26 =	vsel vm0, v30, v4;
	v4 =	vsel vm0, v4, v30;
	v29 =	vsel vm1, v1, v31  }
0x2f8: {  	v1 =	vsel vm1, v31, v1;
	v30 =	vsel vm1, v2, v0;
	v0 =	vsel vm1, v0, v2  }
0x2f9: {  	vm1 =	vmand vm4, vm5;
	vm6 =	veq.f32 v6, v25;
	vm7 =	vlt.u32 v5, v27  }
0x2fa: {  	vm0 =	vmor vm15, vm1;
	vm8 =	vgt.f32 v6, v25;
	vm2 =	vmand vm6, vm7  }
0x2fb: {  	v2 =	vsel vm0, v7, v32;
	v7 =	vsel vm0, v32, v7;
	v31 =	vsel vm0, v8, v33  }
0x2fc: {  	v8 =	vsel vm0, v33, v8;
	vm1 =	vmor vm8, vm2;
	vm9 =	vgt.f32 v28, v2  }
0x2fd: {  	vm10 =	veq.f32 v28, v2;
	vm11 =	vlt.u32 v26, v31;
	vm15 =	vgt.f32 v3, v7  }
0x2fe: {  	vm4 =	veq.f32 v3, v7;
	vm5 =	vlt.u32 v4, v8;
	v32 =	vsel vm1, v6, v25  }
0x2ff: {  	v6 =	vsel vm1, v25, v6;
	v25 =	vsel vm1, v5, v27;
	v5 =	vsel vm1, v27, v5  }
0x300: {  	vm1 =	vmand vm10, vm11;
	vm12 =	veq.f32 v29, v32;
	vm13 =	vlt.u32 v30, v25  }
0x301: {  	vm0 =	vmor vm9, vm1;
	vm14 =	vgt.f32 v29, v32;
	vm6 =	veq.f32 v1, v6  }
0x302: {  	vm7 =	vlt.u32 v0, v5;
	vm2 =	vmand vm12, vm13;
	v27 =	vsel vm0, v28, v2  }
0x303: {  	v2 =	vsel vm0, v2, v28;
	v28 =	vsel vm0, v26, v31;
	vm1 =	vmor vm14, vm2  }
0x304: {  	v26 =	vsel vm0, v31, v26;
	v31 =	vsel vm1, v29, v32;
	v29 =	vsel vm1, v32, v29  }
0x305: {  	v32 =	vsel vm1, v30, v25;
	v25 =	vsel vm1, v25, v30;
	vm1 =	vmand vm4, vm5  }
0x306: {  	vm8 =	vgt.f32 v1, v6;
	vm2 =	vmand vm6, vm7;
	vm0 =	vmor vm15, vm1  }
0x307: {  	vm1 =	vmor vm8, vm2;
	vm9 =	vgt.f32 v27, v31;
	vm10 =	veq.f32 v27, v31  }
0x308: {  	vm11 =	vlt.u32 v28, v32;
	vm12 =	veq.f32 v2, v29;
	vm13 =	vlt.u32 v26, v25  }
0x309: {  	v30 =	vsel vm0, v3, v7;
	v3 =	vsel vm0, v7, v3;
	v7 =	vsel vm0, v4, v8  }
0x30a: {  	v4 =	vsel vm0, v8, v4;
	v8 =	vsel vm1, v1, v6;
	v1 =	vsel vm1, v6, v1  }
0x30b: {  	v6 =	vsel vm1, v0, v5;
	v0 =	vsel vm1, v5, v0;
	vm1 =	vmand vm10, vm11  }
0x30c: {  	vm14 =	vgt.f32 v2, v29;
	vm2 =	vmand vm12, vm13;
	vm0 =	vmor vm9, vm1  }
0x30d: {  	vm1 =	vmor vm14, vm2;
	vm15 =	vgt.f32 v30, v8;
	vm4 =	veq.f32 v30, v8  }
0x30e: {  	vm5 =	vlt.u32 v7, v6;
	vm6 =	veq.f32 v3, v1;
	vm7 =	vlt.u32 v4, v0  }
0x30f: {  	v5 =	vsel vm0, v27, v31;
	v27 =	vsel vm0, v31, v27;
	v31 =	vsel vm0, v28, v32  }
0x310: {  	v28 =	vsel vm0, v32, v28;
	v32 =	vsel vm1, v2, v29;
	v2 =	vsel vm1, v29, v2  }
0x311: {  	v29 =	vsel vm1, v26, v25;
	v25 =	vsel vm1, v25, v26;
	vm1 =	vmand vm4, vm5  }
0x312: {  	vm8 =	vgt.f32 v3, v1;
	vm2 =	vmand vm6, vm7;
	vm0 =	vmor vm15, vm1  }
0x313: {  	vm1 =	vmor vm8, vm2;
	vm6 =	veq.f32 v9, v27;
	vm7 =	vlt.u32 v16, v28  }
0x314: {  	v26 =	vsel vm0, v30, v8;
	v8 =	vsel vm0, v8, v30;
	v30 =	vsel vm0, v7, v6  }
0x315: {  	v6 =	vsel vm0, v6, v7;
	v7 =	vsel vm1, v3, v1;
	v1 =	vsel vm1, v1, v3  }
0x316: {  	v3 =	vsel vm1, v4, v0;
	v0 =	vsel vm1, v0, v4;
	vm9 =	vgt.f32 v22, v1  }
0x317: {  	vm10 =	veq.f32 v22, v1;
	vm11 =	vlt.u32 v24, v0;
	vm12 =	veq.f32 v23, v7  }
0x318: {  	vm13 =	vlt.u32 v19, v3;
	vm14 =	vgt.f32 v23, v7;
	vm8 =	vgt.f32 v17, v8  }
0x319: {  	vm1 =	vmand vm10, vm11;
	vm2 =	vmand vm12, vm13;
	vm10 =	vlt.u32 v21, v6  }
0x31a: {  	vm11 =	veq.f32 v20, v26;
	vm12 =	vlt.u32 v12, v30;
	vm13 =	vgt.f32 v20, v26  }
0x31b: {  	vm0 =	vmor vm9, vm1;
	vm15 =	vmor vm14, vm2;
	vm9 =	veq.f32 v17, v8  }
0x31c: {  	vm4 =	vmand vm11, vm12;
	vm11 =	veq.f32 v14, v32;
	vm12 =	vlt.u32 v15, v29  }
0x31d: {  	vm1 =	vmand vm6, vm7;
	v4 =	vsel vm0, v22, v1;
	v0 =	vsel vm0, v24, v0  }
0x31e: {  	v7 =	vsel vm15, v23, v7;
	vm2 =	vmand vm9, vm10;
	v3 =	vsel vm15, v19, v3  }
0x31f: {  	vm15 =	vmor vm13, vm4;
	vm9 =	veq.f32 v13, v2;
	vm10 =	vlt.u32 v18, v25  }
0x320: {  	vm13 =	vgt.f32 v14, v32;
	vm3 =	vmand vm11, vm12;
	vm14 =	vmor vm8, vm2  }
0x321: {  	vm8 =	vgt.f32 v13, v2;
	vm2 =	vmand vm9, vm10;
	v12 =	vsel vm15, v12, v30  }
0x322: {  	vm9 =	vlt.u32 v11, v31;
	vm10 =	vgt.f32 v10, v5;
	v8 =	vsel vm14, v17, v8  }
0x323: {  	v6 =	vsel vm14, v21, v6;
	v17 =	vsel vm15, v20, v26;
	vm0 =	vmor vm8, vm2  }
0x324: {  	vm14 =	vmor vm13, vm3;
	vm15 =	vgt.f32 v9, v27;
	vm8 =	veq.f32 v10, v5  }
0x325: {  	v13 =	vsel vm0, v13, v2;
	v18 =	vsel vm0, v18, v25;
	v14 =	vsel vm14, v14, v32  }
0x326: {  	v15 =	vsel vm14, v15, v29;
	vm0 =	vmor vm15, vm1;
	vm2 =	vmand vm8, vm9  }
0x327: {  	v9 =	vsel vm0, v9, v27;
	v16 =	vsel vm0, v16, v28;
	vm11 =	vmor vm10, vm2  }
0x328: {  	vm12 =	vgt.f32 v4, v13;
	vm13 =	veq.f32 v4, v13;
	vm14 =	vlt.u32 v0, v18  }
0x329: {  	vm15 =	veq.f32 v7, v14;
	vm9 =	vlt.u32 v3, v15;
	vm10 =	vgt.f32 v7, v14  }
0x32a: {  	v5 =	vsel vm11, v10, v5;
	vm2 =	vmand vm13, vm14;
	vm4 =	vmand vm15, vm9  }
0x32b: {  	v10 =	vsel vm11, v11, v31;
	vm11 =	vgt.f32 v8, v9;
	vm13 =	vlt.u32 v6, v16  }
0x32c: {  	vm3 =	vmor vm12, vm2;
	vm2 =	vmor vm10, vm4;
	vm12 =	veq.f32 v8, v9  }
0x32d: {  	vm14 =	veq.f32 v17, v5;
	vm15 =	vlt.u32 v12, v10;
	vm9 =	vgt.f32 v17, v5  }
0x32e: {  	v11 =	vsel vm3, v4, v13;
	v19 =	vsel vm3, v0, v18;
	vm1 =	vmand vm12, vm13  }
0x32f: {  	v20 =	vsel vm2, v7, v14;
	vm10 =	vmand vm14, vm15;
	vm4 =	vmor vm11, vm1  }
0x330: {  	v21 =	vsel vm2, v3, v15;
	vm5 =	vmor vm9, vm10;
	v22 =	vsel vm4, v8, v9  }
0x331: {  	v23 =	vsel vm4, v6, v16;
	v24 =	vsel vm5, v17, v5;
	v25 =	vsel vm5, v12, v10  }
0x332: {  	vm11 =	vgt.f32 v11, v22;
	vm12 =	veq.f32 v11, v22;
	vm13 =	vlt.u32 v19, v23  }
0x333: {  	vm14 =	veq.f32 v20, v24;
	vm15 =	vlt.u32 v21, v25;
	vm1 =	vmand vm12, vm13  }
0x334: {  	vm9 =	vgt.f32 v20, v24;
	vm6 =	vmand vm14, vm15;
	vm1 =	vmor vm11, vm1  }
0x335: {  	vm6 =	vmor vm9, vm6;
	v26 =	vsel vm1, v11, v22  }
0x336: {  	v1 =	vsel vm1, v19, v23;
	v27 =	vsel vm6, v20, v24;
	v2 =	vsel vm6, v21, v25  }
0x337: {  	vm10 =	veq.f32 v26, v27;
	vm11 =	vlt.u32 v1, v2  }
0x338: {  	vm12 =	vgt.f32 v26, v27;
	vm0 =	vmand vm10, vm11  }
0x339: {  	vm0 =	vmor vm12, vm0  }
0x33a: {  	v28 =	vsel vm0, v26, v27  }
0x33b: {  	v28 =	vsub.f32 $0.0e+00, v28;
	_ =	sdelay $0x1  }
0x33c: {  	v28 =	vmul.f32 $1.442695020e+00, v28;
	_ =	sdelay $0x1  }
0x33d: {  	(erf) = vpow2.f32 v28;
	_ =	sdelay $0x7  }
0x33e: {  	v26 =	vsel vm0, v27, v26  }
0x33f: {  	v26 =	vsub.f32 $0.0e+00, v26;
	v27 =	vpop (erf)  }
0x340: {  	v27 =	vadd.f32 $1.000000000e+00, v27  }
0x341: {  	v26 =	vmul.f32 $1.442695020e+00, v26  }
0x342: {  	(erf) = vrcp.f32 v27  }
0x343: {  	(erf) = vpow2.f32 v26;
	_ =	sdelay $0x2  }
0x344: {  	v11 =	vsel vm1, v22, v11  }
0x345: {  	v19 =	vsel vm1, v23, v19;
	v20 =	vsel vm6, v24, v20;
	v21 =	vsel vm6, v25, v21  }
0x346: {  	vm13 =	veq.f32 v11, v20;
	vm6 =	vlt.u32 v19, v21  }
0x347: {  	vm14 =	vgt.f32 v11, v20;
	vm1 =	vmand vm13, vm6  }
0x348: {  	vm1 =	vmor vm14, vm1  }
0x349: {  	v22 =	vsel vm1, v11, v20;
	v23 =	vpop (erf)  }
0x34a: {  	v22 =	vsub.f32 $0.0e+00, v22;
	v24 =	vpop (erf)  }
0x34b: {  	v24 =	vadd.f32 $1.000000000e+00, v24  }
0x34c: {  	v22 =	vmul.f32 $1.442695020e+00, v22  }
0x34d: {  	(erf) = vrcp.f32 v24  }
0x34e: {  	(erf) = vpow2.f32 v22;
	_ =	sdelay $0x7  }
0x34f: {  	v4 =	vsel vm3, v13, v4;
	v11 =	vsel vm1, v20, v11;
	v13 =	vpop (erf)  }
0x350: {  	v0 =	vsel vm3, v18, v0;
	v7 =	vsel vm2, v14, v7;
	v11 =	vsub.f32 $0.0e+00, v11;
	v14 =	vpop (erf)  }
0x351: {  	v3 =	vsel vm2, v15, v3;
	v8 =	vsel vm4, v9, v8;
	v14 =	vadd.f32 $1.000000000e+00, v14  }
0x352: {  	v6 =	vsel vm4, v16, v6;
	v5 =	vsel vm5, v5, v17;
	v11 =	vmul.f32 $1.442695020e+00, v11  }
0x353: {  	v10 =	vsel vm5, v10, v12;
	vm8 =	veq.f32 v4, v8;
	(erf) = vrcp.f32 v14  }
0x354: {  	vm4 =	vlt.u32 v0, v6;
	vm5 =	vlt.u32 v3, v10;
	(erf) = vpow2.f32 v11  }
0x355: {  	vm15 =	vgt.f32 v4, v8;
	vm3 =	vmand vm8, vm4;
	vm9 =	veq.f32 v7, v5  }
0x356: {  	vm3 =	vmor vm15, vm3;
	vm4 =	vmand vm9, vm5;
	vm10 =	vgt.f32 v7, v5  }
0x357: {  	v9 =	vsel vm3, v4, v8;
	vm4 =	vmor vm10, vm4  }
0x358: {  	v12 =	vsel vm4, v7, v5;
	v14 =	vsel vm4, v3, v10;
	v11 =	vsel vm3, v0, v6  }
0x359: {  	vm11 =	veq.f32 v9, v12;
	vm12 =	vlt.u32 v11, v14  }
0x35a: {  	vm13 =	vgt.f32 v9, v12;
	vm2 =	vmand vm11, vm12  }
0x35b: {  	vm2 =	vmor vm13, vm2  }
0x35c: {  	v15 =	vsel vm2, v9, v12;
	v16 =	vpop (erf)  }
0x35d: {  	v15 =	vsub.f32 $0.0e+00, v15;
	v17 =	vpop (erf)  }
0x35e: {  	v17 =	vadd.f32 $1.000000000e+00, v17  }
0x35f: {  	v15 =	vmul.f32 $1.442695020e+00, v15  }
0x360: {  	(erf) = vrcp.f32 v17  }
0x361: {  	(erf) = vpow2.f32 v15;
	_ =	sdelay $0x7  }
0x362: {  	v9 =	vsel vm2, v12, v9;
	v12 =	vpop (erf)  }
0x363: {  	v9 =	vsub.f32 $0.0e+00, v9;
	v15 =	vpop (erf)  }
0x364: {  	v15 =	vadd.f32 $1.000000000e+00, v15  }
0x365: {  	v9 =	vmul.f32 $1.442695020e+00, v9  }
0x366: {  	(erf) = vrcp.f32 v15  }
0x367: {  	(erf) = vpow2.f32 v9;
	_ =	sdelay $0x2  }
0x368: {  	v4 =	vsel vm3, v8, v4  }
0x369: {  	v5 =	vsel vm4, v5, v7;
	v3 =	vsel vm4, v10, v3;
	v0 =	vsel vm3, v6, v0  }
0x36a: {  	vm14 =	veq.f32 v4, v5;
	vm4 =	vlt.u32 v0, v3  }
0x36b: {  	vm15 =	vgt.f32 v4, v5;
	vm3 =	vmand vm14, vm4  }
0x36c: {  	vm3 =	vmor vm15, vm3  }
0x36d: {  	v6 =	vsel vm3, v4, v5;
	v7 =	vpop (erf)  }
0x36e: {  	v6 =	vsub.f32 $0.0e+00, v6;
	v8 =	vpop (erf)  }
0x36f: {  	v8 =	vadd.f32 $1.000000000e+00, v8  }
0x370: {  	v6 =	vmul.f32 $1.442695020e+00, v6  }
0x371: {  	(erf) = vrcp.f32 v8  }
0x372: {  	(erf) = vpow2.f32 v6;
	_ =	sdelay $0x7  }
0x373: {  	v4 =	vsel vm3, v5, v4;
	v5 =	vpop (erf)  }
0x374: {  	v4 =	vsub.f32 $0.0e+00, v4;
	v6 =	vpop (erf)  }
0x375: {  	v6 =	vadd.f32 $1.000000000e+00, v6  }
0x376: {  	v4 =	vmul.f32 $1.442695020e+00, v4  }
0x377: {  	(erf) = vrcp.f32 v6  }
0x378: {  	(erf) = vpow2.f32 v4;
	_ =	sdelay $0x7  }
0x379: {  	v4 =	vpop (erf)  }
0x37a: {  	v10 =	vpop (erf)  }
0x37b: {  	v6 =	vadd.f32 $1.000000000e+00, v10;
	_ =	sdelay $0x1  }
0x37c: {  	(erf) = vrcp.f32 v6;
	_ =	sdelay $0x3  }
0x37d: {  	v55 =	vld [tilespmem:$0x1FFB0]  }
0x37e: {  	v49 =	vld [tilespmem:$0x1FF70]  }
0x37f: {  	v39 =	vld [tilespmem:$0x1FF00]  }
0x380: {  	v38 =	vld [tilespmem:$0x1FEF0]  }
0x381: {  	v34 =	vld [tilespmem:$0x1FEC0]  }
0x382: {  	v36 =	vld [tilespmem:$0x1FEE0];
	v9 =	vadd.f32 v12, v16;
	v8 =	vadd.f32 v13, v23;
	v6 =	vpop (erf)  }
0x383: {  	v35 =	vld [tilespmem:$0x1FED0];
	v10 =	vadd.f32 v5, v7;
	v15 =	vadd.f32 v6, v4  }
0x384: {  	v40 =	vld [tilespmem:$0x1FD90]  }
0x385: {  	v47 =	vld [tilespmem:$0x1FF60];
	v8 =	vadd.f32 v9, v8;
	v9 =	vadd.f32 v15, v10  }
0x386: {  	v52 =	vld [tilespmem:$0x1FFA0]  }
0x387: {  	v62 =	vld [tilespmem:$0x1FFE0];
	v8 =	vadd.f32 v9, v8  }
0x388: {  	v54 =	vld [tilespmem:$0x1FD80]  }
0x389: {  	v53 =	vld [tilespmem:$0x1FD70];
	v8 =	vadd.f32 $9.999999680e-21, v8  }
0x38a: {  	v63 =	vld [tilespmem:$0x1FFF0]  }
0x38b: {  	v51 =	vld [tilespmem:$0x1FF90];
	(erf) = vrcp.f32 v8  }
0x38c: {  	v45 =	vld [tilespmem:$0x1FF40]  }
0x38d: {  	v41 =	vld [tilespmem:$0x1FF10]  }
0x38e: {  	v48 =	vld [tilespmem:$0x1FD60]  }
0x38f: {  	v46 =	vld [tilespmem:$0x1FF50];
	v20 =	vlaneseq.u32  }
0x390: {  	v50 =	vld [tilespmem:$0x1FF80];
	v9 =	vmul.u32 $0x8, v20  }
0x391: {  	v59 =	vld [tilespmem:$0x1FFC0];
	v8 =	vmov s13  }
0x392: {  	v42 =	vld [tilespmem:$0x1FF20];
	v8 =	vshll.u32 v8, $0x3  }
0x393: {  	v60 =	vld [tilespmem:$0x1FFD0];
	v8 =	vor.u32 v9, v8  }
0x394: {  	v43 =	vld [tilespmem:$0x1FF30];
	v9 =	vpop (erf)  }
0x395: {  	v33 =	vld [tilespmem:$0x1FEB0];
	v10 =	vor.u32 $0x1, v8;
	v9 =	vmul.f32 $2.500000000e+00, v9  }
0x396: {  	v30 =	vld [tilespmem:$0x1FE80]  }
0x397: {  	v32 =	vld [tilespmem:$0x1FEA0];
	v15 =	vsel vm0, v1, v2;
	v18 =	vor.u32 $0x2, v8;
	v17 =	vmul.f32 v9, v23  }
0x398: {  	v29 =	vld [tilespmem:$0x1FE70];
	[tilespmem:v8+s9+$0x0] =	vst.idx.msk $0xffff, v15  }
0x399: {  	v31 =	vld [tilespmem:$0x1FE90];
	v1 =	vsel vm0, v2, v1;
	v2 =	vmul.f32 v9, v13;
	v13 =	vor.u32 $0x3, v8;
	[tilespmem:v8+s10+$0x0] =	vst.idx.msk $0xffff, v17  }
0x39a: {  	v25 =	vld [tilespmem:$0x1FE30];
	[tilespmem:v10+s9+$0x0] =	vst.idx.msk $0xffff, v1  }
0x39b: {  	v28 =	vld [tilespmem:$0x1FE60];
	v1 =	vsel vm1, v19, v21;
	[tilespmem:v10+s10+$0x0] =	vst.idx.msk $0xffff, v2;
	v2 =	vmul.f32 v9, v16;
	v10 =	vor.u32 $0x4, v8  }
0x39c: {  	v27 =	vld [tilespmem:$0x1FE50];
	[tilespmem:v18+s9+$0x0] =	vst.idx.msk $0xffff, v1  }
0x39d: {  	v26 =	vld [tilespmem:$0x1FE40];
	v1 =	vsel vm1, v21, v19;
	[tilespmem:v18+s10+$0x0] =	vst.idx.msk $0xffff, v2;
	v2 =	vmul.f32 v9, v12;
	v12 =	vor.u32 $0x5, v8  }
0x39e: {  	v24 =	vld [tilespmem:$0x1FE20];
	[tilespmem:v13+s9+$0x0] =	vst.idx.msk $0xffff, v1  }
0x39f: {  	v22 =	vld [tilespmem:$0x1FE00];
	v1 =	vsel vm2, v11, v14;
	[tilespmem:v13+s10+$0x0] =	vst.idx.msk $0xffff, v2;
	v2 =	vmul.f32 v9, v7;
	v13 =	vor.u32 $0x6, v8  }
0x3a0: {  	v20 =	vld [tilespmem:$0x1FDE0];
	[tilespmem:v10+s9+$0x0] =	vst.idx.msk $0xffff, v1  }
0x3a1: {  	v23 =	vld [tilespmem:$0x1FE10];
	v1 =	vsel vm2, v14, v11;
	v14 =	vor.u32 $0x7, v8;
	[tilespmem:v10+s10+$0x0] =	vst.idx.msk $0xffff, v2;
	v2 =	vmul.f32 v9, v5  }
0x3a2: {  	p0 =	sne.s32 s13, $0x3F0;
	v17 =	vld [tilespmem:$0x1FDB0];
	[tilespmem:v12+s9+$0x0] =	vst.idx.msk $0xffff, v1  }
.Ltmp0:
0x3a3: {  	v16 =	vld [tilespmem:$0x1FDA0];
	v1 =	vsel vm3, v0, v3;
	[tilespmem:v12+s10+$0x0] =	vst.idx.msk $0xffff, v2;
	v2 =	vmul.f32 v9, v4;
	(pc) =	sbr.rel @p0 .LBB2_2-.Ltmp0, $4  }
0x3a4: {  	v21 =	vld [tilespmem:$0x1FDF0];
	[tilespmem:v13+s9+$0x0] =	vst.idx.msk $0xffff, v1  }
0x3a5: {  	v19 =	vld [tilespmem:$0x1FDD0];
	v0 =	vsel vm3, v3, v0;
	v1 =	vmul.f32 v9, v6;
	[tilespmem:v13+s10+$0x0] =	vst.idx.msk $0xffff, v2  }
0x3a6: {  	v18 =	vld [tilespmem:$0x1FDC0];
	[tilespmem:v14+s9+$0x0] =	vst.idx.msk $0xffff, v0  }
0x3a7: {  	s12 =	sadd.s32 $0x400, s12;
	s13 =	sadd.s32 $0x10, s13;
	v0 =	vld [tilespmem:$0x1FD50];
	[tilespmem:v14+s10+$0x0] =	vst.idx.msk $0xffff, v1  }
0x3a8: {  	[hbm4b:s4+s2] =	stream.linear.scatter [tilespmem:s9], [sflag:$0x1], $0x2000, $0x38;
	[tilespmem:$0x14480] =	vst v63  }
0x3a9: {  	s11 =	sadd.s32 $0x1, s11;
	_ =	swait.ge [sflag:s7], $0x2000  }
0x3aa: {  	p0 =	sne.s32 s11, s6;
	[sflag:s7] =	ssyncset.done $0x0  }
.Ltmp1:
0x3ab: {  	[sflag:s7] =	ssyncadd.s32 $0xFFFFE000;
	(pc) =	sbr.rel @p0 .LBB2_1-.Ltmp1, $4  }
0x3ac: {  	[hbm4b:s5+s2] =	stream.linear.scatter [tilespmem:s10], [sflag:$0x1], $0x2000, $0x38;
	[tilespmem:$0x14480] =	vst v63  }
0x3ad: {  	_ =	swait.ge [sflag:s7], $0x2000  }
0x3ae: {  	[sflag:s7] =	ssyncset.done $0x0  }
0x3af: {  	[sflag:s7] =	ssyncadd.s32 $0xFFFFE000  }
0x3b0: {  	_ =	sfence.sel $0x180000  }
0x3b1: {  	[bflag:$0x0] =	sbarrier.arrive $0xFFFF  }
0x3b2: {  	p0 =	sne.s32 s1, $0x0;
	_ =	strace $0x90000047  }
0x3b3: {  	s0 =	sadd.s32 @!p0 $0x100000, s0;
	[bflag:$0x2] =	sbarrier.arrive $0xFFFF  }
0x3b4: {  	[sflag:s0] =	ssyncadd.tile.s32 @!p0 $0x1;
	_ =	shalt  }
.Lfunc_end2:
_tile_overlayer_lowered:
.L_overlay_start_2:
0x3b5: {  	(tag) =	ssettag $0x2  }
0x3b6: {  	s0 =	rddreg [dreg:$0x0];
	s2 =	stileid.u32  }
0x3b7: {  	s1 =	rddreg [dreg:$0x1];
	p0 =	sne.s32 s2, $0x0  }
0x3b8: {  	s3 =	rddreg [dreg:$0x2];
	[bflag:$0x3] =	sbarrier.arrive $0xFFFF;
	s2 =	simm.s32 @!p0 $0x1C01  }
0x3b9: {  	[timem:s3], [sflag:s2] =	dma.local @!p0 [hbm:s0], s1  }
0x3ba: {  	s0 =	simm.s32 @!p0 $0x1  }
0x3bb: {  	_ =	swait.ge @!p0 [sflag:s0], s1  }
0x3bc: {  	s1 =	ssub.s32 @!p0 $0x0, s1;
	[sflag:s0] =	ssyncset.done @!p0 $0x0  }
0x3bd: {  	[sflag:s0] =	ssyncadd.s32 @!p0 s1  }
0x3be: {  	[bflag:$0x3] =	sbarrier.arrive $0xFFFF  }
0x3bf: {  	_ =	shalt  }

</sc_bundles>
